<compile_context>
chip_gen: v7x
topology: tpu7x:2x2x1
jax: 0.10.2.dev20260603
libtpu: 0.0.44.dev20260713+nightly
codegen_flags: <defaults>
</compile_context>

<pallas_src>
import jax
import jax.numpy as jnp
from jax import lax
from jax.experimental import pallas as pl
from jax.experimental.pallas import tpu as pltpu
from jax.experimental.pallas import tpu_sc as plsc

D_DIM = 1024
CHUNK_ROWS = 16
CHUNK_W = CHUNK_ROWS * D_DIM
N_WORKERS = 32
UNROLL = 8
NBUF = 4


def _sc_body(x_hbm, e_hbm, o_hbm, *refs):
    ev = list(refs[0:2])
    xv = list(refs[2:6])
    esem = list(refs[6:8])
    xisem = list(refs[8:12])
    xosem = list(refs[12:16])

    wid = lax.axis_index("s") * 2 + lax.axis_index("c")
    rows = 4096 // N_WORKERS
    nch = rows // CHUNK_ROWS
    nsteps = nch * 4
    base_s = wid * rows

    def e_desc(k):
        s0 = base_s + k * CHUNK_ROWS
        return pltpu.make_async_copy(
            e_hbm.at[pl.ds(s0 * D_DIM, CHUNK_W)], ev[k % 2], esem[k % 2])

    def x_off(t):
        k, b = divmod(t, 4)
        s0 = base_s + k * CHUNK_ROWS
        return (b * 4096 + s0) * D_DIM

    def xin_desc(t):
        return pltpu.make_async_copy(
            x_hbm.at[pl.ds(x_off(t), CHUNK_W)], xv[t % NBUF], xisem[t % NBUF])

    def xout_desc(t):
        return pltpu.make_async_copy(
            xv[t % NBUF], o_hbm.at[pl.ds(x_off(t), CHUNK_W)], xosem[t % NBUF])

    e_desc(0).start()
    e_desc(1).start()
    xin_desc(0).start()
    xin_desc(1).start()

    for t in range(nsteps):
        k, b = divmod(t, 4)
        p = t % NBUF
        if b == 0:
            e_desc(k).wait()
        xin_desc(t).wait()
        xb, eb = xv[p], ev[k % 2]

        @plsc.parallel_loop(0, CHUNK_W, step=16, unroll=UNROLL)
        def add_body(i, xb=xb, eb=eb):
            sl = pl.ds(i, 16)
            xb[sl] = xb[sl] + eb[sl]
        xout_desc(t).start()
        if b == 3 and k + 2 < nch:
            e_desc(k + 2).start()
        if t + 2 < nsteps:
            if t - 2 >= 0:
                xout_desc(t - 2).wait()
            xin_desc(t + 2).start()

    xout_desc(nsteps - 2).wait()
    xout_desc(nsteps - 1).wait()


def kernel(x, embed_weight):
    B, S, D = x.shape
    xf = x.reshape(-1)
    ef = embed_weight.reshape(-1)
    mesh = plsc.VectorSubcoreMesh(core_axis_name="c", subcore_axis_name="s")
    scratch = (
        [pltpu.VMEM((CHUNK_W,), jnp.float32)] * 2
        + [pltpu.VMEM((CHUNK_W,), jnp.float32)] * 4
        + [pltpu.SemaphoreType.DMA] * 10
    )
    f = pl.kernel(
        _sc_body,
        out_type=jax.ShapeDtypeStruct((B * S * D,), jnp.float32),
        mesh=mesh,
        scratch_types=scratch,
    )
    return f(xf, ef).reshape(B, S, D)

# --- scband reference (transcript-rebuilt; emitter-appended) ---
"""Pipeline reference for scband-positional-encoding-learn-2250562863680 (READ-ONLY COPY).

The authoritative reference and input builder live on the scoring server;
editing this copy changes nothing except your own understanding.
"""

import jax, jax.numpy as jnp
import numpy as np

D_MODEL = 1024
MAX_LEN = 8192

def setup_inputs(seed: int = 0) -> dict:
    key = jax.random.key(seed)
    k1, k2 = jax.random.split(key)
    x = jax.random.normal(k1, (4, 4096, D_MODEL), dtype=jnp.float32)
    # nn.init.uniform_ -> U[0, 1)
    embed_weight = jax.random.uniform(k2, (MAX_LEN, D_MODEL), dtype=jnp.float32)
    return {"x": x, "embed_weight": embed_weight}

def reference(x, embed_weight):
    B, S, D = x.shape
    r = jnp.arange(S)
    embed = jnp.take(embed_weight, r, axis=0)  # [S, D]
    # embed.repeat(B, 1, 1) -> broadcast over batch
    return x + jnp.broadcast_to(embed[None, :, :], (B, S, D))

if __name__ == "__main__":
    import jax
    _d = setup_inputs()
    print(jax.jit(kernel)(*tuple(_d.values())))

</pallas_src>

<mosaic_0001>
#map = affine_map<(d0, d1) -> (0)>
module attributes {stable_mosaic.version = 14 : i64} {
  func.func @_sc_body(%arg0: i32, %arg1: i32, %arg2: memref<16777216xf32, #tpu.memory_space<hbm>>, %arg3: memref<8388608xf32, #tpu.memory_space<hbm>>, %arg4: memref<16777216xf32, #tpu.memory_space<hbm>>, %arg5: memref<16384xf32, #tpu.memory_space<vmem>>, %arg6: memref<16384xf32, #tpu.memory_space<vmem>>, %arg7: memref<16384xf32, #tpu.memory_space<vmem>>, %arg8: memref<16384xf32, #tpu.memory_space<vmem>>, %arg9: memref<16384xf32, #tpu.memory_space<vmem>>, %arg10: memref<16384xf32, #tpu.memory_space<vmem>>, %arg11: memref<!tpu.dma_semaphore, #tpu.memory_space<semaphore_mem>>, %arg12: memref<!tpu.dma_semaphore, #tpu.memory_space<semaphore_mem>>, %arg13: memref<!tpu.dma_semaphore, #tpu.memory_space<semaphore_mem>>, %arg14: memref<!tpu.dma_semaphore, #tpu.memory_space<semaphore_mem>>, %arg15: memref<!tpu.dma_semaphore, #tpu.memory_space<semaphore_mem>>, %arg16: memref<!tpu.dma_semaphore, #tpu.memory_space<semaphore_mem>>, %arg17: memref<!tpu.dma_semaphore, #tpu.memory_space<semaphore_mem>>, %arg18: memref<!tpu.dma_semaphore, #tpu.memory_space<semaphore_mem>>, %arg19: memref<!tpu.dma_semaphore, #tpu.memory_space<semaphore_mem>>, %arg20: memref<!tpu.dma_semaphore, #tpu.memory_space<semaphore_mem>>) attributes {dimension_semantics = [#tpu.dimension_semantics<core_parallel>, #tpu.dimension_semantics<subcore_parallel>], iteration_bounds = array<i64: 2, 16>, scalar_prefetch = 0 : i64, scratch_operands = 16 : i64, tpu.core_type = #tpu.core_type<sc_vector_subcore>, window_params = [{transform_indices = #map}, {transform_indices = #map}, {transform_indices = #map}]} {
    %mul3A = arith.constant 2 : i32
    %mul3A_0 = arith.muli %arg1, %mul3A : i32
    %add3A = arith.addi %mul3A_0, %arg0 : i32
    %mul3A_1 = arith.constant 128 : i32
    %mul3A_2 = arith.muli %add3A, %mul3A_1 : i32
    %add3A_3 = arith.constant 0 : i32
    %add3A_4 = arith.addi %mul3A_2, %add3A_3 : i32
    %mul3A_5 = arith.constant 1024 : i32
    %mul3A_6 = arith.muli %add3A_4, %mul3A_5 : i32
    %dma_start3A = tpu.memref_slice %arg3[%mul3A_6] : memref<8388608xf32, #tpu.memory_space<hbm>> -> memref<16384xf32, #tpu.memory_space<hbm>>
    %dma_start3A_7 = tpu.memref_slice %arg3[%mul3A_6] : memref<8388608xf32, #tpu.memory_space<hbm>> -> memref<16384xf32, #tpu.memory_space<hbm>>
    tpu.enqueue_dma source(%dma_start3A_7 : memref<16384xf32, #tpu.memory_space<hbm>>) target(%arg5 : memref<16384xf32, #tpu.memory_space<vmem>>) target_semaphore(%arg11 : memref<!tpu.dma_semaphore, #tpu.memory_space<semaphore_mem>>)
    %add3A_8 = arith.constant 16 : i32
    %add3A_9 = arith.addi %mul3A_2, %add3A_8 : i32
    %mul3A_10 = arith.constant 1024 : i32
    %mul3A_11 = arith.muli %add3A_9, %mul3A_10 : i32
    %dma_start3A_12 = tpu.memref_slice %arg3[%mul3A_11] : memref<8388608xf32, #tpu.memory_space<hbm>> -> memref<16384xf32, #tpu.memory_space<hbm>>
    %dma_start3A_13 = tpu.memref_slice %arg3[%mul3A_11] : memref<8388608xf32, #tpu.memory_space<hbm>> -> memref<16384xf32, #tpu.memory_space<hbm>>
    tpu.enqueue_dma source(%dma_start3A_13 : memref<16384xf32, #tpu.memory_space<hbm>>) target(%arg6 : memref<16384xf32, #tpu.memory_space<vmem>>) target_semaphore(%arg12 : memref<!tpu.dma_semaphore, #tpu.memory_space<semaphore_mem>>)
    %add3A_14 = arith.constant 0 : i32
    %add3A_15 = arith.addi %mul3A_2, %add3A_14 : i32
    %add3A_16 = arith.constant 0 : i32
    %add3A_17 = arith.addi %add3A_16, %add3A_15 : i32
    %mul3A_18 = arith.constant 1024 : i32
    %mul3A_19 = arith.muli %add3A_17, %mul3A_18 : i32
    %dma_start3A_20 = tpu.memref_slice %arg2[%mul3A_19] : memref<16777216xf32, #tpu.memory_space<hbm>> -> memref<16384xf32, #tpu.memory_space<hbm>>
    %dma_start3A_21 = tpu.memref_slice %arg2[%mul3A_19] : memref<16777216xf32, #tpu.memory_space<hbm>> -> memref<16384xf32, #tpu.memory_space<hbm>>
    tpu.enqueue_dma source(%dma_start3A_21 : memref<16384xf32, #tpu.memory_space<hbm>>) target(%arg7 : memref<16384xf32, #tpu.memory_space<vmem>>) target_semaphore(%arg13 : memref<!tpu.dma_semaphore, #tpu.memory_space<semaphore_mem>>)
    %add3A_22 = arith.constant 0 : i32
    %add3A_23 = arith.addi %mul3A_2, %add3A_22 : i32
    %add3A_24 = arith.constant 4096 : i32
    %add3A_25 = arith.addi %add3A_24, %add3A_23 : i32
    %mul3A_26 = arith.constant 1024 : i32
    %mul3A_27 = arith.muli %add3A_25, %mul3A_26 : i32
    %dma_start3A_28 = tpu.memref_slice %arg2[%mul3A_27] : memref<16777216xf32, #tpu.memory_space<hbm>> -> memref<16384xf32, #tpu.memory_space<hbm>>
    %dma_start3A_29 = tpu.memref_slice %arg2[%mul3A_27] : memref<16777216xf32, #tpu.memory_space<hbm>> -> memref<16384xf32, #tpu.memory_space<hbm>>
    tpu.enqueue_dma source(%dma_start3A_29 : memref<16384xf32, #tpu.memory_space<hbm>>) target(%arg8 : memref<16384xf32, #tpu.memory_space<vmem>>) target_semaphore(%arg14 : memref<!tpu.dma_semaphore, #tpu.memory_space<semaphore_mem>>)
    %add3A_30 = arith.constant 0 : i32
    %add3A_31 = arith.addi %mul3A_2, %add3A_30 : i32
    %mul3A_32 = arith.constant 1024 : i32
    %mul3A_33 = arith.muli %add3A_31, %mul3A_32 : i32
    %dma_wait3A = tpu.memref_slice %arg3[%mul3A_33] : memref<8388608xf32, #tpu.memory_space<hbm>> -> memref<16384xf32, #tpu.memory_space<hbm>>
    %dma_wait3A_34 = tpu.memref_slice %arg3[%mul3A_33] : memref<8388608xf32, #tpu.memory_space<hbm>> -> memref<16384xf32, #tpu.memory_space<hbm>>
    tpu.wait_dma2 semaphore(%arg11 : memref<!tpu.dma_semaphore, #tpu.memory_space<semaphore_mem>>) src(%dma_wait3A_34 : memref<16384xf32, #tpu.memory_space<hbm>>) dst(%arg5 : memref<16384xf32, #tpu.memory_space<vmem>>)
    %add3A_35 = arith.constant 0 : i32
    %add3A_36 = arith.addi %mul3A_2, %add3A_35 : i32
    %add3A_37 = arith.constant 0 : i32
    %add3A_38 = arith.addi %add3A_37, %add3A_36 : i32
    %mul3A_39 = arith.constant 1024 : i32
    %mul3A_40 = arith.muli %add3A_38, %mul3A_39 : i32
    %dma_wait3A_41 = tpu.memref_slice %arg2[%mul3A_40] : memref<16777216xf32, #tpu.memory_space<hbm>> -> memref<16384xf32, #tpu.memory_space<hbm>>
    %dma_wait3A_42 = tpu.memref_slice %arg2[%mul3A_40] : memref<16777216xf32, #tpu.memory_space<hbm>> -> memref<16384xf32, #tpu.memory_space<hbm>>
    tpu.wait_dma2 semaphore(%arg13 : memref<!tpu.dma_semaphore, #tpu.memory_space<semaphore_mem>>) src(%dma_wait3A_42 : memref<16384xf32, #tpu.memory_space<hbm>>) dst(%arg7 : memref<16384xf32, #tpu.memory_space<vmem>>)
    %parallel_loop3A = arith.constant 0 : i32
    %parallel_loop3A_43 = arith.constant 16384 : i32
    %parallel_loop3A_44 = arith.constant 16 : i32
    scf.for %parallel_loop3A_1200 = %parallel_loop3A to %parallel_loop3A_43 step %parallel_loop3A_44  : i32 {
      %parallel_loop3A_1201 = arith.index_cast %parallel_loop3A_1200 : i32 to index
      %parallel_loop3A_1202 = tpu.vector_load %arg7[%parallel_loop3A_1201] {strides = array<i32>} : memref<16384xf32, #tpu.memory_space<vmem>>, vector<16xf32>,
      %parallel_loop3A_1203 = vector.shape_cast %parallel_loop3A_1202 : vector<16xf32> to vector<16xf32>
      %parallel_loop3A_1204 = arith.index_cast %parallel_loop3A_1200 : i32 to index
      %parallel_loop3A_1205 = tpu.vector_load %arg5[%parallel_loop3A_1204] {strides = array<i32>} : memref<16384xf32, #tpu.memory_space<vmem>>, vector<16xf32>,
      %parallel_loop3A_1206 = vector.shape_cast %parallel_loop3A_1205 : vector<16xf32> to vector<16xf32>
      %parallel_loop3A_1207 = arith.addf %parallel_loop3A_1203, %parallel_loop3A_1206 : vector<16xf32>
      %parallel_loop3A_1208 = arith.index_cast %parallel_loop3A_1200 : i32 to index
      %parallel_loop3A_1209 = tpu.vector_load %arg7[%parallel_loop3A_1208] {strides = array<i32>} : memref<16384xf32, #tpu.memory_space<vmem>>, vector<16xf32>,
      %parallel_loop3A_1210 = vector.shape_cast %parallel_loop3A_1209 : vector<16xf32> to vector<16xf32>
      %parallel_loop3A_1211 = vector.shape_cast %parallel_loop3A_1207 : vector<16xf32> to vector<16xf32>
      tpu.vector_store %arg7[%parallel_loop3A_1208], %parallel_loop3A_1211 {strides = array<i32>} : memref<16384xf32, #tpu.memory_space<vmem>>, vector<16xf32>,
    } {sc.loop_unroll_factor = 8 : i64, sc.parallel_access}
    %add3A_45 = arith.constant 0 : i32
    %add3A_46 = arith.addi %mul3A_2, %add3A_45 : i32
    %add3A_47 = arith.constant 0 : i32
    %add3A_48 = arith.addi %add3A_47, %add3A_46 : i32
    %mul3A_49 = arith.constant 1024 : i32
    %mul3A_50 = arith.muli %add3A_48, %mul3A_49 : i32
    %dma_start3A_51 = tpu.memref_slice %arg4[%mul3A_50] : memref<16777216xf32, #tpu.memory_space<hbm>> -> memref<16384xf32, #tpu.memory_space<hbm>>
    %dma_start3A_52 = tpu.memref_slice %arg4[%mul3A_50] : memref<16777216xf32, #tpu.memory_space<hbm>> -> memref<16384xf32, #tpu.memory_space<hbm>>
    tpu.enqueue_dma source(%arg7 : memref<16384xf32, #tpu.memory_space<vmem>>) target(%dma_start3A_52 : memref<16384xf32, #tpu.memory_space<hbm>>) target_semaphore(%arg17 : memref<!tpu.dma_semaphore, #tpu.memory_space<semaphore_mem>>)
    %add3A_53 = arith.constant 0 : i32
    %add3A_54 = arith.addi %mul3A_2, %add3A_53 : i32
    %add3A_55 = arith.constant 8192 : i32
    %add3A_56 = arith.addi %add3A_55, %add3A_54 : i32
    %mul3A_57 = arith.constant 1024 : i32
    %mul3A_58 = arith.muli %add3A_56, %mul3A_57 : i32
    %dma_start3A_59 = tpu.memref_slice %arg2[%mul3A_58] : memref<16777216xf32, #tpu.memory_space<hbm>> -> memref<16384xf32, #tpu.memory_space<hbm>>
    %dma_start3A_60 = tpu.memref_slice %arg2[%mul3A_58] : memref<16777216xf32, #tpu.memory_space<hbm>> -> memref<16384xf32, #tpu.memory_space<hbm>>
    tpu.enqueue_dma source(%dma_start3A_60 : memref<16384xf32, #tpu.memory_space<hbm>>) target(%arg9 : memref<16384xf32, #tpu.memory_space<vmem>>) target_semaphore(%arg15 : memref<!tpu.dma_semaphore, #tpu.memory_space<semaphore_mem>>)
    %add3A_61 = arith.constant 0 : i32
    %add3A_62 = arith.addi %mul3A_2, %add3A_61 : i32
    %add3A_63 = arith.constant 4096 : i32
    %add3A_64 = arith.addi %add3A_63, %add3A_62 : i32
    %mul3A_65 = arith.constant 1024 : i32
    %mul3A_66 = arith.muli %add3A_64, %mul3A_65 : i32
    %dma_wait3A_67 = tpu.memref_slice %arg2[%mul3A_66] : memref<16777216xf32, #tpu.memory_space<hbm>> -> memref<16384xf32, #tpu.memory_space<hbm>>
    %dma_wait3A_68 = tpu.memref_slice %arg2[%mul3A_66] : memref<16777216xf32, #tpu.memory_space<hbm>> -> memref<16384xf32, #tpu.memory_space<hbm>>
    tpu.wait_dma2 semaphore(%arg14 : memref<!tpu.dma_semaphore, #tpu.memory_space<semaphore_mem>>) src(%dma_wait3A_68 : memref<16384xf32, #tpu.memory_space<hbm>>) dst(%arg8 : memref<16384xf32, #tpu.memory_space<vmem>>)
    %parallel_loop3A_69 = arith.constant 0 : i32
    %parallel_loop3A_70 = arith.constant 16384 : i32
    %parallel_loop3A_71 = arith.constant 16 : i32
    scf.for %parallel_loop3A_1200 = %parallel_loop3A_69 to %parallel_loop3A_70 step %parallel_loop3A_71  : i32 {
      %parallel_loop3A_1201 = arith.index_cast %parallel_loop3A_1200 : i32 to index
      %parallel_loop3A_1202 = tpu.vector_load %arg8[%parallel_loop3A_1201] {strides = array<i32>} : memref<16384xf32, #tpu.memory_space<vmem>>, vector<16xf32>,
      %parallel_loop3A_1203 = vector.shape_cast %parallel_loop3A_1202 : vector<16xf32> to vector<16xf32>
      %parallel_loop3A_1204 = arith.index_cast %parallel_loop3A_1200 : i32 to index
      %parallel_loop3A_1205 = tpu.vector_load %arg5[%parallel_loop3A_1204] {strides = array<i32>} : memref<16384xf32, #tpu.memory_space<vmem>>, vector<16xf32>,
      %parallel_loop3A_1206 = vector.shape_cast %parallel_loop3A_1205 : vector<16xf32> to vector<16xf32>
      %parallel_loop3A_1207 = arith.addf %parallel_loop3A_1203, %parallel_loop3A_1206 : vector<16xf32>
      %parallel_loop3A_1208 = arith.index_cast %parallel_loop3A_1200 : i32 to index
      %parallel_loop3A_1209 = tpu.vector_load %arg8[%parallel_loop3A_1208] {strides = array<i32>} : memref<16384xf32, #tpu.memory_space<vmem>>, vector<16xf32>,
      %parallel_loop3A_1210 = vector.shape_cast %parallel_loop3A_1209 : vector<16xf32> to vector<16xf32>
      %parallel_loop3A_1211 = vector.shape_cast %parallel_loop3A_1207 : vector<16xf32> to vector<16xf32>
      tpu.vector_store %arg8[%parallel_loop3A_1208], %parallel_loop3A_1211 {strides = array<i32>} : memref<16384xf32, #tpu.memory_space<vmem>>, vector<16xf32>,
    } {sc.loop_unroll_factor = 8 : i64, sc.parallel_access}
    %add3A_72 = arith.constant 0 : i32
    %add3A_73 = arith.addi %mul3A_2, %add3A_72 : i32
    %add3A_74 = arith.constant 4096 : i32
    %add3A_75 = arith.addi %add3A_74, %add3A_73 : i32
    %mul3A_76 = arith.constant 1024 : i32
    %mul3A_77 = arith.muli %add3A_75, %mul3A_76 : i32
    %dma_start3A_78 = tpu.memref_slice %arg4[%mul3A_77] : memref<16777216xf32, #tpu.memory_space<hbm>> -> memref<16384xf32, #tpu.memory_space<hbm>>
    %dma_start3A_79 = tpu.memref_slice %arg4[%mul3A_77] : memref<16777216xf32, #tpu.memory_space<hbm>> -> memref<16384xf32, #tpu.memory_space<hbm>>
    tpu.enqueue_dma source(%arg8 : memref<16384xf32, #tpu.memory_space<vmem>>) target(%dma_start3A_79 : memref<16384xf32, #tpu.memory_space<hbm>>) target_semaphore(%arg18 : memref<!tpu.dma_semaphore, #tpu.memory_space<semaphore_mem>>)
    %add3A_80 = arith.constant 0 : i32
    %add3A_81 = arith.addi %mul3A_2, %add3A_80 : i32
    %add3A_82 = arith.constant 12288 : i32
    %add3A_83 = arith.addi %add3A_82, %add3A_81 : i32
    %mul3A_84 = arith.constant 1024 : i32
    %mul3A_85 = arith.muli %add3A_83, %mul3A_84 : i32
    %dma_start3A_86 = tpu.memref_slice %arg2[%mul3A_85] : memref<16777216xf32, #tpu.memory_space<hbm>> -> memref<16384xf32, #tpu.memory_space<hbm>>
    %dma_start3A_87 = tpu.memref_slice %arg2[%mul3A_85] : memref<16777216xf32, #tpu.memory_space<hbm>> -> memref<16384xf32, #tpu.memory_space<hbm>>
    tpu.enqueue_dma source(%dma_start3A_87 : memref<16384xf32, #tpu.memory_space<hbm>>) target(%arg10 : memref<16384xf32, #tpu.memory_space<vmem>>) target_semaphore(%arg16 : memref<!tpu.dma_semaphore, #tpu.memory_space<semaphore_mem>>)
    %add3A_88 = arith.constant 0 : i32
    %add3A_89 = arith.addi %mul3A_2, %add3A_88 : i32
    %add3A_90 = arith.constant 8192 : i32
    %add3A_91 = arith.addi %add3A_90, %add3A_89 : i32
    %mul3A_92 = arith.constant 1024 : i32
    %mul3A_93 = arith.muli %add3A_91, %mul3A_92 : i32
    %dma_wait3A_94 = tpu.memref_slice %arg2[%mul3A_93] : memref<16777216xf32, #tpu.memory_space<hbm>> -> memref<16384xf32, #tpu.memory_space<hbm>>
    %dma_wait3A_95 = tpu.memref_slice %arg2[%mul3A_93] : memref<16777216xf32, #tpu.memory_space<hbm>> -> memref<16384xf32, #tpu.memory_space<hbm>>
    tpu.wait_dma2 semaphore(%arg15 : memref<!tpu.dma_semaphore, #tpu.memory_space<semaphore_mem>>) src(%dma_wait3A_95 : memref<16384xf32, #tpu.memory_space<hbm>>) dst(%arg9 : memref<16384xf32, #tpu.memory_space<vmem>>)
    %parallel_loop3A_96 = arith.constant 0 : i32
    %parallel_loop3A_97 = arith.constant 16384 : i32
    %parallel_loop3A_98 = arith.constant 16 : i32
    scf.for %parallel_loop3A_1200 = %parallel_loop3A_96 to %parallel_loop3A_97 step %parallel_loop3A_98  : i32 {
      %parallel_loop3A_1201 = arith.index_cast %parallel_loop3A_1200 : i32 to index
      %parallel_loop3A_1202 = tpu.vector_load %arg9[%parallel_loop3A_1201] {strides = array<i32>} : memref<16384xf32, #tpu.memory_space<vmem>>, vector<16xf32>,
      %parallel_loop3A_1203 = vector.shape_cast %parallel_loop3A_1202 : vector<16xf32> to vector<16xf32>
      %parallel_loop3A_1204 = arith.index_cast %parallel_loop3A_1200 : i32 to index
      %parallel_loop3A_1205 = tpu.vector_load %arg5[%parallel_loop3A_1204] {strides = array<i32>} : memref<16384xf32, #tpu.memory_space<vmem>>, vector<16xf32>,
      %parallel_loop3A_1206 = vector.shape_cast %parallel_loop3A_1205 : vector<16xf32> to vector<16xf32>
      %parallel_loop3A_1207 = arith.addf %parallel_loop3A_1203, %parallel_loop3A_1206 : vector<16xf32>
      %parallel_loop3A_1208 = arith.index_cast %parallel_loop3A_1200 : i32 to index
      %parallel_loop3A_1209 = tpu.vector_load %arg9[%parallel_loop3A_1208] {strides = array<i32>} : memref<16384xf32, #tpu.memory_space<vmem>>, vector<16xf32>,
      %parallel_loop3A_1210 = vector.shape_cast %parallel_loop3A_1209 : vector<16xf32> to vector<16xf32>
      %parallel_loop3A_1211 = vector.shape_cast %parallel_loop3A_1207 : vector<16xf32> to vector<16xf32>
      tpu.vector_store %arg9[%parallel_loop3A_1208], %parallel_loop3A_1211 {strides = array<i32>} : memref<16384xf32, #tpu.memory_space<vmem>>, vector<16xf32>,
    } {sc.loop_unroll_factor = 8 : i64, sc.parallel_access}
    %add3A_99 = arith.constant 0 : i32
    %add3A_100 = arith.addi %mul3A_2, %add3A_99 : i32
    %add3A_101 = arith.constant 8192 : i32
    %add3A_102 = arith.addi %add3A_101, %add3A_100 : i32
    %mul3A_103 = arith.constant 1024 : i32
    %mul3A_104 = arith.muli %add3A_102, %mul3A_103 : i32
    %dma_start3A_105 = tpu.memref_slice %arg4[%mul3A_104] : memref<16777216xf32, #tpu.memory_space<hbm>> -> memref<16384xf32, #tpu.memory_space<hbm>>
    %dma_start3A_106 = tpu.memref_slice %arg4[%mul3A_104] : memref<16777216xf32, #tpu.memory_space<hbm>> -> memref<16384xf32, #tpu.memory_space<hbm>>
    tpu.enqueue_dma source(%arg9 : memref<16384xf32, #tpu.memory_space<vmem>>) target(%dma_start3A_106 : memref<16384xf32, #tpu.memory_space<hbm>>) target_semaphore(%arg19 : memref<!tpu.dma_semaphore, #tpu.memory_space<semaphore_mem>>)
    %add3A_107 = arith.constant 0 : i32
    %add3A_108 = arith.addi %mul3A_2, %add3A_107 : i32
    %add3A_109 = arith.constant 0 : i32
    %add3A_110 = arith.addi %add3A_109, %add3A_108 : i32
    %mul3A_111 = arith.constant 1024 : i32
    %mul3A_112 = arith.muli %add3A_110, %mul3A_111 : i32
    %dma_wait3A_113 = tpu.memref_slice %arg4[%mul3A_112] : memref<16777216xf32, #tpu.memory_space<hbm>> -> memref<16384xf32, #tpu.memory_space<hbm>>
    %dma_wait3A_114 = tpu.memref_slice %arg4[%mul3A_112] : memref<16777216xf32, #tpu.memory_space<hbm>> -> memref<16384xf32, #tpu.memory_space<hbm>>
    tpu.wait_dma2 semaphore(%arg17 : memref<!tpu.dma_semaphore, #tpu.memory_space<semaphore_mem>>) src(%arg7 : memref<16384xf32, #tpu.memory_space<vmem>>) dst(%dma_wait3A_114 : memref<16384xf32, #tpu.memory_space<hbm>>)
    %add3A_115 = arith.constant 16 : i32
    %add3A_116 = arith.addi %mul3A_2, %add3A_115 : i32
    %add3A_117 = arith.constant 0 : i32
    %add3A_118 = arith.addi %add3A_117, %add3A_116 : i32
    %mul3A_119 = arith.constant 1024 : i32
    %mul3A_120 = arith.muli %add3A_118, %mul3A_119 : i32
    %dma_start3A_121 = tpu.memref_slice %arg2[%mul3A_120] : memref<16777216xf32, #tpu.memory_space<hbm>> -> memref<16384xf32, #tpu.memory_space<hbm>>
    %dma_start3A_122 = tpu.memref_slice %arg2[%mul3A_120] : memref<16777216xf32, #tpu.memory_space<hbm>> -> memref<16384xf32, #tpu.memory_space<hbm>>
    tpu.enqueue_dma source(%dma_start3A_122 : memref<16384xf32, #tpu.memory_space<hbm>>) target(%arg7 : memref<16384xf32, #tpu.memory_space<vmem>>) target_semaphore(%arg13 : memref<!tpu.dma_semaphore, #tpu.memory_space<semaphore_mem>>)
    %add3A_123 = arith.constant 0 : i32
    %add3A_124 = arith.addi %mul3A_2, %add3A_123 : i32
    %add3A_125 = arith.constant 12288 : i32
    %add3A_126 = arith.addi %add3A_125, %add3A_124 : i32
    %mul3A_127 = arith.constant 1024 : i32
    %mul3A_128 = arith.muli %add3A_126, %mul3A_127 : i32
    %dma_wait3A_129 = tpu.memref_slice %arg2[%mul3A_128] : memref<16777216xf32, #tpu.memory_space<hbm>> -> memref<16384xf32, #tpu.memory_space<hbm>>
    %dma_wait3A_130 = tpu.memref_slice %arg2[%mul3A_128] : memref<16777216xf32, #tpu.memory_space<hbm>> -> memref<16384xf32, #tpu.memory_space<hbm>>
    tpu.wait_dma2 semaphore(%arg16 : memref<!tpu.dma_semaphore, #tpu.memory_space<semaphore_mem>>) src(%dma_wait3A_130 : memref<16384xf32, #tpu.memory_space<hbm>>) dst(%arg10 : memref<16384xf32, #tpu.memory_space<vmem>>)
    %parallel_loop3A_131 = arith.constant 0 : i32
    %parallel_loop3A_132 = arith.constant 16384 : i32
    %parallel_loop3A_133 = arith.constant 16 : i32
    scf.for %parallel_loop3A_1200 = %parallel_loop3A_131 to %parallel_loop3A_132 step %parallel_loop3A_133  : i32 {
      %parallel_loop3A_1201 = arith.index_cast %parallel_loop3A_1200 : i32 to index
      %parallel_loop3A_1202 = tpu.vector_load %arg10[%parallel_loop3A_1201] {strides = array<i32>} : memref<16384xf32, #tpu.memory_space<vmem>>, vector<16xf32>,
      %parallel_loop3A_1203 = vector.shape_cast %parallel_loop3A_1202 : vector<16xf32> to vector<16xf32>
      %parallel_loop3A_1204 = arith.index_cast %parallel_loop3A_1200 : i32 to index
      %parallel_loop3A_1205 = tpu.vector_load %arg5[%parallel_loop3A_1204] {strides = array<i32>} : memref<16384xf32, #tpu.memory_space<vmem>>, vector<16xf32>,
      %parallel_loop3A_1206 = vector.shape_cast %parallel_loop3A_1205 : vector<16xf32> to vector<16xf32>
      %parallel_loop3A_1207 = arith.addf %parallel_loop3A_1203, %parallel_loop3A_1206 : vector<16xf32>
      %parallel_loop3A_1208 = arith.index_cast %parallel_loop3A_1200 : i32 to index
      %parallel_loop3A_1209 = tpu.vector_load %arg10[%parallel_loop3A_1208] {strides = array<i32>} : memref<16384xf32, #tpu.memory_space<vmem>>, vector<16xf32>,
      %parallel_loop3A_1210 = vector.shape_cast %parallel_loop3A_1209 : vector<16xf32> to vector<16xf32>
      %parallel_loop3A_1211 = vector.shape_cast %parallel_loop3A_1207 : vector<16xf32> to vector<16xf32>
      tpu.vector_store %arg10[%parallel_loop3A_1208], %parallel_loop3A_1211 {strides = array<i32>} : memref<16384xf32, #tpu.memory_space<vmem>>, vector<16xf32>,
    } {sc.loop_unroll_factor = 8 : i64, sc.parallel_access}
    %add3A_134 = arith.constant 0 : i32
    %add3A_135 = arith.addi %mul3A_2, %add3A_134 : i32
    %add3A_136 = arith.constant 12288 : i32
    %add3A_137 = arith.addi %add3A_136, %add3A_135 : i32
    %mul3A_138 = arith.constant 1024 : i32
    %mul3A_139 = arith.muli %add3A_137, %mul3A_138 : i32
    %dma_start3A_140 = tpu.memref_slice %arg4[%mul3A_139] : memref<16777216xf32, #tpu.memory_space<hbm>> -> memref<16384xf32, #tpu.memory_space<hbm>>
    %dma_start3A_141 = tpu.memref_slice %arg4[%mul3A_139] : memref<16777216xf32, #tpu.memory_space<hbm>> -> memref<16384xf32, #tpu.memory_space<hbm>>
    tpu.enqueue_dma source(%arg10 : memref<16384xf32, #tpu.memory_space<vmem>>) target(%dma_start3A_141 : memref<16384xf32, #tpu.memory_space<hbm>>) target_semaphore(%arg20 : memref<!tpu.dma_semaphore, #tpu.memory_space<semaphore_mem>>)
    %add3A_142 = arith.constant 32 : i32
    %add3A_143 = arith.addi %mul3A_2, %add3A_142 : i32
    %mul3A_144 = arith.constant 1024 : i32
    %mul3A_145 = arith.muli %add3A_143, %mul3A_144 : i32
    %dma_start3A_146 = tpu.memref_slice %arg3[%mul3A_145] : memref<8388608xf32, #tpu.memory_space<hbm>> -> memref<16384xf32, #tpu.memory_space<hbm>>
    %dma_start3A_147 = tpu.memref_slice %arg3[%mul3A_145] : memref<8388608xf32, #tpu.memory_space<hbm>> -> memref<16384xf32, #tpu.memory_space<hbm>>
    tpu.enqueue_dma source(%dma_start3A_147 : memref<16384xf32, #tpu.memory_space<hbm>>) target(%arg5 : memref<16384xf32, #tpu.memory_space<vmem>>) target_semaphore(%arg11 : memref<!tpu.dma_semaphore, #tpu.memory_space<semaphore_mem>>)
    %add3A_148 = arith.constant 0 : i32
    %add3A_149 = arith.addi %mul3A_2, %add3A_148 : i32
    %add3A_150 = arith.constant 4096 : i32
    %add3A_151 = arith.addi %add3A_150, %add3A_149 : i32
    %mul3A_152 = arith.constant 1024 : i32
    %mul3A_153 = arith.muli %add3A_151, %mul3A_152 : i32
    %dma_wait3A_154 = tpu.memref_slice %arg4[%mul3A_153] : memref<16777216xf32, #tpu.memory_space<hbm>> -> memref<16384xf32, #tpu.memory_space<hbm>>
    %dma_wait3A_155 = tpu.memref_slice %arg4[%mul3A_153] : memref<16777216xf32, #tpu.memory_space<hbm>> -> memref<16384xf32, #tpu.memory_space<hbm>>
    tpu.wait_dma2 semaphore(%arg18 : memref<!tpu.dma_semaphore, #tpu.memory_space<semaphore_mem>>) src(%arg8 : memref<16384xf32, #tpu.memory_space<vmem>>) dst(%dma_wait3A_155 : memref<16384xf32, #tpu.memory_space<hbm>>)
    %add3A_156 = arith.constant 16 : i32
    %add3A_157 = arith.addi %mul3A_2, %add3A_156 : i32
    %add3A_158 = arith.constant 4096 : i32
    %add3A_159 = arith.addi %add3A_158, %add3A_157 : i32
    %mul3A_160 = arith.constant 1024 : i32
    %mul3A_161 = arith.muli %add3A_159, %mul3A_160 : i32
    %dma_start3A_162 = tpu.memref_slice %arg2[%mul3A_161] : memref<16777216xf32, #tpu.memory_space<hbm>> -> memref<16384xf32, #tpu.memory_space<hbm>>
    %dma_start3A_163 = tpu.memref_slice %arg2[%mul3A_161] : memref<16777216xf32, #tpu.memory_space<hbm>> -> memref<16384xf32, #tpu.memory_space<hbm>>
    tpu.enqueue_dma source(%dma_start3A_163 : memref<16384xf32, #tpu.memory_space<hbm>>) target(%arg8 : memref<16384xf32, #tpu.memory_space<vmem>>) target_semaphore(%arg14 : memref<!tpu.dma_semaphore, #tpu.memory_space<semaphore_mem>>)
    %add3A_164 = arith.constant 16 : i32
    %add3A_165 = arith.addi %mul3A_2, %add3A_164 : i32
    %mul3A_166 = arith.constant 1024 : i32
    %mul3A_167 = arith.muli %add3A_165, %mul3A_166 : i32
    %dma_wait3A_168 = tpu.memref_slice %arg3[%mul3A_167] : memref<8388608xf32, #tpu.memory_space<hbm>> -> memref<16384xf32, #tpu.memory_space<hbm>>
    %dma_wait3A_169 = tpu.memref_slice %arg3[%mul3A_167] : memref<8388608xf32, #tpu.memory_space<hbm>> -> memref<16384xf32, #tpu.memory_space<hbm>>
    tpu.wait_dma2 semaphore(%arg12 : memref<!tpu.dma_semaphore, #tpu.memory_space<semaphore_mem>>) src(%dma_wait3A_169 : memref<16384xf32, #tpu.memory_space<hbm>>) dst(%arg6 : memref<16384xf32, #tpu.memory_space<vmem>>)
    %add3A_170 = arith.constant 16 : i32
    %add3A_171 = arith.addi %mul3A_2, %add3A_170 : i32
    %add3A_172 = arith.constant 0 : i32
    %add3A_173 = arith.addi %add3A_172, %add3A_171 : i32
    %mul3A_174 = arith.constant 1024 : i32
    %mul3A_175 = arith.muli %add3A_173, %mul3A_174 : i32
    %dma_wait3A_176 = tpu.memref_slice %arg2[%mul3A_175] : memref<16777216xf32, #tpu.memory_space<hbm>> -> memref<16384xf32, #tpu.memory_space<hbm>>
    %dma_wait3A_177 = tpu.memref_slice %arg2[%mul3A_175] : memref<16777216xf32, #tpu.memory_space<hbm>> -> memref<16384xf32, #tpu.memory_space<hbm>>
    tpu.wait_dma2 semaphore(%arg13 : memref<!tpu.dma_semaphore, #tpu.memory_space<semaphore_mem>>) src(%dma_wait3A_177 : memref<16384xf32, #tpu.memory_space<hbm>>) dst(%arg7 : memref<16384xf32, #tpu.memory_space<vmem>>)
    %parallel_loop3A_178 = arith.constant 0 : i32
    %parallel_loop3A_179 = arith.constant 16384 : i32
    %parallel_loop3A_180 = arith.constant 16 : i32
    scf.for %parallel_loop3A_1200 = %parallel_loop3A_178 to %parallel_loop3A_179 step %parallel_loop3A_180  : i32 {
      %parallel_loop3A_1201 = arith.index_cast %parallel_loop3A_1200 : i32 to index
      %parallel_loop3A_1202 = tpu.vector_load %arg7[%parallel_loop3A_1201] {strides = array<i32>} : memref<16384xf32, #tpu.memory_space<vmem>>, vector<16xf32>,
      %parallel_loop3A_1203 = vector.shape_cast %parallel_loop3A_1202 : vector<16xf32> to vector<16xf32>
      %parallel_loop3A_1204 = arith.index_cast %parallel_loop3A_1200 : i32 to index
      %parallel_loop3A_1205 = tpu.vector_load %arg6[%parallel_loop3A_1204] {strides = array<i32>} : memref<16384xf32, #tpu.memory_space<vmem>>, vector<16xf32>,
      %parallel_loop3A_1206 = vector.shape_cast %parallel_loop3A_1205 : vector<16xf32> to vector<16xf32>
      %parallel_loop3A_1207 = arith.addf %parallel_loop3A_1203, %parallel_loop3A_1206 : vector<16xf32>
      %parallel_loop3A_1208 = arith.index_cast %parallel_loop3A_1200 : i32 to index
      %parallel_loop3A_1209 = tpu.vector_load %arg7[%parallel_loop3A_1208] {strides = array<i32>} : memref<16384xf32, #tpu.memory_space<vmem>>, vector<16xf32>,
      %parallel_loop3A_1210 = vector.shape_cast %parallel_loop3A_1209 : vector<16xf32> to vector<16xf32>
      %parallel_loop3A_1211 = vector.shape_cast %parallel_loop3A_1207 : vector<16xf32> to vector<16xf32>
      tpu.vector_store %arg7[%parallel_loop3A_1208], %parallel_loop3A_1211 {strides = array<i32>} : memref<16384xf32, #tpu.memory_space<vmem>>, vector<16xf32>,
    } {sc.loop_unroll_factor = 8 : i64, sc.parallel_access}
    %add3A_181 = arith.constant 16 : i32
    %add3A_182 = arith.addi %mul3A_2, %add3A_181 : i32
    %add3A_183 = arith.constant 0 : i32
    %add3A_184 = arith.addi %add3A_183, %add3A_182 : i32
    %mul3A_185 = arith.constant 1024 : i32
    %mul3A_186 = arith.muli %add3A_184, %mul3A_185 : i32
    %dma_start3A_187 = tpu.memref_slice %arg4[%mul3A_186] : memref<16777216xf32, #tpu.memory_space<hbm>> -> memref<16384xf32, #tpu.memory_space<hbm>>
    %dma_start3A_188 = tpu.memref_slice %arg4[%mul3A_186] : memref<16777216xf32, #tpu.memory_space<hbm>> -> memref<16384xf32, #tpu.memory_space<hbm>>
    tpu.enqueue_dma source(%arg7 : memref<16384xf32, #tpu.memory_space<vmem>>) target(%dma_start3A_188 : memref<16384xf32, #tpu.memory_space<hbm>>) target_semaphore(%arg17 : memref<!tpu.dma_semaphore, #tpu.memory_space<semaphore_mem>>)
    %add3A_189 = arith.constant 0 : i32
    %add3A_190 = arith.addi %mul3A_2, %add3A_189 : i32
    %add3A_191 = arith.constant 8192 : i32
    %add3A_192 = arith.addi %add3A_191, %add3A_190 : i32
    %mul3A_193 = arith.constant 1024 : i32
    %mul3A_194 = arith.muli %add3A_192, %mul3A_193 : i32
    %dma_wait3A_195 = tpu.memref_slice %arg4[%mul3A_194] : memref<16777216xf32, #tpu.memory_space<hbm>> -> memref<16384xf32, #tpu.memory_space<hbm>>
    %dma_wait3A_196 = tpu.memref_slice %arg4[%mul3A_194] : memref<16777216xf32, #tpu.memory_space<hbm>> -> memref<16384xf32, #tpu.memory_space<hbm>>
    tpu.wait_dma2 semaphore(%arg19 : memref<!tpu.dma_semaphore, #tpu.memory_space<semaphore_mem>>) src(%arg9 : memref<16384xf32, #tpu.memory_space<vmem>>) dst(%dma_wait3A_196 : memref<16384xf32, #tpu.memory_space<hbm>>)
    %add3A_197 = arith.constant 16 : i32
    %add3A_198 = arith.addi %mul3A_2, %add3A_197 : i32
    %add3A_199 = arith.constant 8192 : i32
    %add3A_200 = arith.addi %add3A_199, %add3A_198 : i32
    %mul3A_201 = arith.constant 1024 : i32
    %mul3A_202 = arith.muli %add3A_200, %mul3A_201 : i32
    %dma_start3A_203 = tpu.memref_slice %arg2[%mul3A_202] : memref<16777216xf32, #tpu.memory_space<hbm>> -> memref<16384xf32, #tpu.memory_space<hbm>>
    %dma_start3A_204 = tpu.memref_slice %arg2[%mul3A_202] : memref<16777216xf32, #tpu.memory_space<hbm>> -> memref<16384xf32, #tpu.memory_space<hbm>>
    tpu.enqueue_dma source(%dma_start3A_204 : memref<16384xf32, #tpu.memory_space<hbm>>) target(%arg9 : memref<16384xf32, #tpu.memory_space<vmem>>) target_semaphore(%arg15 : memref<!tpu.dma_semaphore, #tpu.memory_space<semaphore_mem>>)
    %add3A_205 = arith.constant 16 : i32
    %add3A_206 = arith.addi %mul3A_2, %add3A_205 : i32
    %add3A_207 = arith.constant 4096 : i32
    %add3A_208 = arith.addi %add3A_207, %add3A_206 : i32
    %mul3A_209 = arith.constant 1024 : i32
    %mul3A_210 = arith.muli %add3A_208, %mul3A_209 : i32
    %dma_wait3A_211 = tpu.memref_slice %arg2[%mul3A_210] : memref<16777216xf32, #tpu.memory_space<hbm>> -> memref<16384xf32, #tpu.memory_space<hbm>>
    %dma_wait3A_212 = tpu.memref_slice %arg2[%mul3A_210] : memref<16777216xf32, #tpu.memory_space<hbm>> -> memref<16384xf32, #tpu.memory_space<hbm>>
    tpu.wait_dma2 semaphore(%arg14 : memref<!tpu.dma_semaphore, #tpu.memory_space<semaphore_mem>>) src(%dma_wait3A_212 : memref<16384xf32, #tpu.memory_space<hbm>>) dst(%arg8 : memref<16384xf32, #tpu.memory_space<vmem>>)
    %parallel_loop3A_213 = arith.constant 0 : i32
    %parallel_loop3A_214 = arith.constant 16384 : i32
    %parallel_loop3A_215 = arith.constant 16 : i32
    scf.for %parallel_loop3A_1200 = %parallel_loop3A_213 to %parallel_loop3A_214 step %parallel_loop3A_215  : i32 {
      %parallel_loop3A_1201 = arith.index_cast %parallel_loop3A_1200 : i32 to index
      %parallel_loop3A_1202 = tpu.vector_load %arg8[%parallel_loop3A_1201] {strides = array<i32>} : memref<16384xf32, #tpu.memory_space<vmem>>, vector<16xf32>,
      %parallel_loop3A_1203 = vector.shape_cast %parallel_loop3A_1202 : vector<16xf32> to vector<16xf32>
      %parallel_loop3A_1204 = arith.index_cast %parallel_loop3A_1200 : i32 to index
      %parallel_loop3A_1205 = tpu.vector_load %arg6[%parallel_loop3A_1204] {strides = array<i32>} : memref<16384xf32, #tpu.memory_space<vmem>>, vector<16xf32>,
      %parallel_loop3A_1206 = vector.shape_cast %parallel_loop3A_1205 : vector<16xf32> to vector<16xf32>
      %parallel_loop3A_1207 = arith.addf %parallel_loop3A_1203, %parallel_loop3A_1206 : vector<16xf32>
      %parallel_loop3A_1208 = arith.index_cast %parallel_loop3A_1200 : i32 to index
      %parallel_loop3A_1209 = tpu.vector_load %arg8[%parallel_loop3A_1208] {strides = array<i32>} : memref<16384xf32, #tpu.memory_space<vmem>>, vector<16xf32>,
      %parallel_loop3A_1210 = vector.shape_cast %parallel_loop3A_1209 : vector<16xf32> to vector<16xf32>
      %parallel_loop3A_1211 = vector.shape_cast %parallel_loop3A_1207 : vector<16xf32> to vector<16xf32>
      tpu.vector_store %arg8[%parallel_loop3A_1208], %parallel_loop3A_1211 {strides = array<i32>} : memref<16384xf32, #tpu.memory_space<vmem>>, vector<16xf32>,
    } {sc.loop_unroll_factor = 8 : i64, sc.parallel_access}
    %add3A_216 = arith.constant 16 : i32
    %add3A_217 = arith.addi %mul3A_2, %add3A_216 : i32
    %add3A_218 = arith.constant 4096 : i32
    %add3A_219 = arith.addi %add3A_218, %add3A_217 : i32
    %mul3A_220 = arith.constant 1024 : i32
    %mul3A_221 = arith.muli %add3A_219, %mul3A_220 : i32
    %dma_start3A_222 = tpu.memref_slice %arg4[%mul3A_221] : memref<16777216xf32, #tpu.memory_space<hbm>> -> memref<16384xf32, #tpu.memory_space<hbm>>
    %dma_start3A_223 = tpu.memref_slice %arg4[%mul3A_221] : memref<16777216xf32, #tpu.memory_space<hbm>> -> memref<16384xf32, #tpu.memory_space<hbm>>
    tpu.enqueue_dma source(%arg8 : memref<16384xf32, #tpu.memory_space<vmem>>) target(%dma_start3A_223 : memref<16384xf32, #tpu.memory_space<hbm>>) target_semaphore(%arg18 : memref<!tpu.dma_semaphore, #tpu.memory_space<semaphore_mem>>)
    %add3A_224 = arith.constant 0 : i32
    %add3A_225 = arith.addi %mul3A_2, %add3A_224 : i32
    %add3A_226 = arith.constant 12288 : i32
    %add3A_227 = arith.addi %add3A_226, %add3A_225 : i32
    %mul3A_228 = arith.constant 1024 : i32
    %mul3A_229 = arith.muli %add3A_227, %mul3A_228 : i32
    %dma_wait3A_230 = tpu.memref_slice %arg4[%mul3A_229] : memref<16777216xf32, #tpu.memory_space<hbm>> -> memref<16384xf32, #tpu.memory_space<hbm>>
    %dma_wait3A_231 = tpu.memref_slice %arg4[%mul3A_229] : memref<16777216xf32, #tpu.memory_space<hbm>> -> memref<16384xf32, #tpu.memory_space<hbm>>
    tpu.wait_dma2 semaphore(%arg20 : memref<!tpu.dma_semaphore, #tpu.memory_space<semaphore_mem>>) src(%arg10 : memref<16384xf32, #tpu.memory_space<vmem>>) dst(%dma_wait3A_231 : memref<16384xf32, #tpu.memory_space<hbm>>)
    %add3A_232 = arith.constant 16 : i32
    %add3A_233 = arith.addi %mul3A_2, %add3A_232 : i32
    %add3A_234 = arith.constant 12288 : i32
    %add3A_235 = arith.addi %add3A_234, %add3A_233 : i32
    %mul3A_236 = arith.constant 1024 : i32
    %mul3A_237 = arith.muli %add3A_235, %mul3A_236 : i32
    %dma_start3A_238 = tpu.memref_slice %arg2[%mul3A_237] : memref<16777216xf32, #tpu.memory_space<hbm>> -> memref<16384xf32, #tpu.memory_space<hbm>>
    %dma_start3A_239 = tpu.memref_slice %arg2[%mul3A_237] : memref<16777216xf32, #tpu.memory_space<hbm>> -> memref<16384xf32, #tpu.memory_space<hbm>>
    tpu.enqueue_dma source(%dma_start3A_239 : memref<16384xf32, #tpu.memory_space<hbm>>) target(%arg10 : memref<16384xf32, #tpu.memory_space<vmem>>) target_semaphore(%arg16 : memref<!tpu.dma_semaphore, #tpu.memory_space<semaphore_mem>>)
    %add3A_240 = arith.constant 16 : i32
    %add3A_241 = arith.addi %mul3A_2, %add3A_240 : i32
    %add3A_242 = arith.constant 8192 : i32
    %add3A_243 = arith.addi %add3A_242, %add3A_241 : i32
    %mul3A_244 = arith.constant 1024 : i32
    %mul3A_245 = arith.muli %add3A_243, %mul3A_244 : i32
    %dma_wait3A_246 = tpu.memref_slice %arg2[%mul3A_245] : memref<16777216xf32, #tpu.memory_space<hbm>> -> memref<16384xf32, #tpu.memory_space<hbm>>
    %dma_wait3A_247 = tpu.memref_slice %arg2[%mul3A_245] : memref<16777216xf32, #tpu.memory_space<hbm>> -> memref<16384xf32, #tpu.memory_space<hbm>>
    tpu.wait_dma2 semaphore(%arg15 : memref<!tpu.dma_semaphore, #tpu.memory_space<semaphore_mem>>) src(%dma_wait3A_247 : memref<16384xf32, #tpu.memory_space<hbm>>) dst(%arg9 : memref<16384xf32, #tpu.memory_space<vmem>>)
    %parallel_loop3A_248 = arith.constant 0 : i32
    %parallel_loop3A_249 = arith.constant 16384 : i32
    %parallel_loop3A_250 = arith.constant 16 : i32
    scf.for %parallel_loop3A_1200 = %parallel_loop3A_248 to %parallel_loop3A_249 step %parallel_loop3A_250  : i32 {
      %parallel_loop3A_1201 = arith.index_cast %parallel_loop3A_1200 : i32 to index
      %parallel_loop3A_1202 = tpu.vector_load %arg9[%parallel_loop3A_1201] {strides = array<i32>} : memref<16384xf32, #tpu.memory_space<vmem>>, vector<16xf32>,
      %parallel_loop3A_1203 = vector.shape_cast %parallel_loop3A_1202 : vector<16xf32> to vector<16xf32>
      %parallel_loop3A_1204 = arith.index_cast %parallel_loop3A_1200 : i32 to index
      %parallel_loop3A_1205 = tpu.vector_load %arg6[%parallel_loop3A_1204] {strides = array<i32>} : memref<16384xf32, #tpu.memory_space<vmem>>, vector<16xf32>,
      %parallel_loop3A_1206 = vector.shape_cast %parallel_loop3A_1205 : vector<16xf32> to vector<16xf32>
      %parallel_loop3A_1207 = arith.addf %parallel_loop3A_1203, %parallel_loop3A_1206 : vector<16xf32>
      %parallel_loop3A_1208 = arith.index_cast %parallel_loop3A_1200 : i32 to index
      %parallel_loop3A_1209 = tpu.vector_load %arg9[%parallel_loop3A_1208] {strides = array<i32>} : memref<16384xf32, #tpu.memory_space<vmem>>, vector<16xf32>,
      %parallel_loop3A_1210 = vector.shape_cast %parallel_loop3A_1209 : vector<16xf32> to vector<16xf32>
      %parallel_loop3A_1211 = vector.shape_cast %parallel_loop3A_1207 : vector<16xf32> to vector<16xf32>
      tpu.vector_store %arg9[%parallel_loop3A_1208], %parallel_loop3A_1211 {strides = array<i32>} : memref<16384xf32, #tpu.memory_space<vmem>>, vector<16xf32>,
    } {sc.loop_unroll_factor = 8 : i64, sc.parallel_access}
    %add3A_251 = arith.constant 16 : i32
    %add3A_252 = arith.addi %mul3A_2, %add3A_251 : i32
    %add3A_253 = arith.constant 8192 : i32
    %add3A_254 = arith.addi %add3A_253, %add3A_252 : i32
    %mul3A_255 = arith.constant 1024 : i32
    %mul3A_256 = arith.muli %add3A_254, %mul3A_255 : i32
    %dma_start3A_257 = tpu.memref_slice %arg4[%mul3A_256] : memref<16777216xf32, #tpu.memory_space<hbm>> -> memref<16384xf32, #tpu.memory_space<hbm>>
    %dma_start3A_258 = tpu.memref_slice %arg4[%mul3A_256] : memref<16777216xf32, #tpu.memory_space<hbm>> -> memref<16384xf32, #tpu.memory_space<hbm>>
    tpu.enqueue_dma source(%arg9 : memref<16384xf32, #tpu.memory_space<vmem>>) target(%dma_start3A_258 : memref<16384xf32, #tpu.memory_space<hbm>>) target_semaphore(%arg19 : memref<!tpu.dma_semaphore, #tpu.memory_space<semaphore_mem>>)
    %add3A_259 = arith.constant 16 : i32
    %add3A_260 = arith.addi %mul3A_2, %add3A_259 : i32
    %add3A_261 = arith.constant 0 : i32
    %add3A_262 = arith.addi %add3A_261, %add3A_260 : i32
    %mul3A_263 = arith.constant 1024 : i32
    %mul3A_264 = arith.muli %add3A_262, %mul3A_263 : i32
    %dma_wait3A_265 = tpu.memref_slice %arg4[%mul3A_264] : memref<16777216xf32, #tpu.memory_space<hbm>> -> memref<16384xf32, #tpu.memory_space<hbm>>
    %dma_wait3A_266 = tpu.memref_slice %arg4[%mul3A_264] : memref<16777216xf32, #tpu.memory_space<hbm>> -> memref<16384xf32, #tpu.memory_space<hbm>>
    tpu.wait_dma2 semaphore(%arg17 : memref<!tpu.dma_semaphore, #tpu.memory_space<semaphore_mem>>) src(%arg7 : memref<16384xf32, #tpu.memory_space<vmem>>) dst(%dma_wait3A_266 : memref<16384xf32, #tpu.memory_space<hbm>>)
    %add3A_267 = arith.constant 32 : i32
    %add3A_268 = arith.addi %mul3A_2, %add3A_267 : i32
    %add3A_269 = arith.constant 0 : i32
    %add3A_270 = arith.addi %add3A_269, %add3A_268 : i32
    %mul3A_271 = arith.constant 1024 : i32
    %mul3A_272 = arith.muli %add3A_270, %mul3A_271 : i32
    %dma_start3A_273 = tpu.memref_slice %arg2[%mul3A_272] : memref<16777216xf32, #tpu.memory_space<hbm>> -> memref<16384xf32, #tpu.memory_space<hbm>>
    %dma_start3A_274 = tpu.memref_slice %arg2[%mul3A_272] : memref<16777216xf32, #tpu.memory_space<hbm>> -> memref<16384xf32, #tpu.memory_space<hbm>>
    tpu.enqueue_dma source(%dma_start3A_274 : memref<16384xf32, #tpu.memory_space<hbm>>) target(%arg7 : memref<16384xf32, #tpu.memory_space<vmem>>) target_semaphore(%arg13 : memref<!tpu.dma_semaphore, #tpu.memory_space<semaphore_mem>>)
    %add3A_275 = arith.constant 16 : i32
    %add3A_276 = arith.addi %mul3A_2, %add3A_275 : i32
    %add3A_277 = arith.constant 12288 : i32
    %add3A_278 = arith.addi %add3A_277, %add3A_276 : i32
    %mul3A_279 = arith.constant 1024 : i32
    %mul3A_280 = arith.muli %add3A_278, %mul3A_279 : i32
    %dma_wait3A_281 = tpu.memref_slice %arg2[%mul3A_280] : memref<16777216xf32, #tpu.memory_space<hbm>> -> memref<16384xf32, #tpu.memory_space<hbm>>
    %dma_wait3A_282 = tpu.memref_slice %arg2[%mul3A_280] : memref<16777216xf32, #tpu.memory_space<hbm>> -> memref<16384xf32, #tpu.memory_space<hbm>>
    tpu.wait_dma2 semaphore(%arg16 : memref<!tpu.dma_semaphore, #tpu.memory_space<semaphore_mem>>) src(%dma_wait3A_282 : memref<16384xf32, #tpu.memory_space<hbm>>) dst(%arg10 : memref<16384xf32, #tpu.memory_space<vmem>>)
    %parallel_loop3A_283 = arith.constant 0 : i32
    %parallel_loop3A_284 = arith.constant 16384 : i32
    %parallel_loop3A_285 = arith.constant 16 : i32
    scf.for %parallel_loop3A_1200 = %parallel_loop3A_283 to %parallel_loop3A_284 step %parallel_loop3A_285  : i32 {
      %parallel_loop3A_1201 = arith.index_cast %parallel_loop3A_1200 : i32 to index
      %parallel_loop3A_1202 = tpu.vector_load %arg10[%parallel_loop3A_1201] {strides = array<i32>} : memref<16384xf32, #tpu.memory_space<vmem>>, vector<16xf32>,
      %parallel_loop3A_1203 = vector.shape_cast %parallel_loop3A_1202 : vector<16xf32> to vector<16xf32>
      %parallel_loop3A_1204 = arith.index_cast %parallel_loop3A_1200 : i32 to index
      %parallel_loop3A_1205 = tpu.vector_load %arg6[%parallel_loop3A_1204] {strides = array<i32>} : memref<16384xf32, #tpu.memory_space<vmem>>, vector<16xf32>,
      %parallel_loop3A_1206 = vector.shape_cast %parallel_loop3A_1205 : vector<16xf32> to vector<16xf32>
      %parallel_loop3A_1207 = arith.addf %parallel_loop3A_1203, %parallel_loop3A_1206 : vector<16xf32>
      %parallel_loop3A_1208 = arith.index_cast %parallel_loop3A_1200 : i32 to index
      %parallel_loop3A_1209 = tpu.vector_load %arg10[%parallel_loop3A_1208] {strides = array<i32>} : memref<16384xf32, #tpu.memory_space<vmem>>, vector<16xf32>,
      %parallel_loop3A_1210 = vector.shape_cast %parallel_loop3A_1209 : vector<16xf32> to vector<16xf32>
      %parallel_loop3A_1211 = vector.shape_cast %parallel_loop3A_1207 : vector<16xf32> to vector<16xf32>
      tpu.vector_store %arg10[%parallel_loop3A_1208], %parallel_loop3A_1211 {strides = array<i32>} : memref<16384xf32, #tpu.memory_space<vmem>>, vector<16xf32>,
    } {sc.loop_unroll_factor = 8 : i64, sc.parallel_access}
    %add3A_286 = arith.constant 16 : i32
    %add3A_287 = arith.addi %mul3A_2, %add3A_286 : i32
    %add3A_288 = arith.constant 12288 : i32
    %add3A_289 = arith.addi %add3A_288, %add3A_287 : i32
    %mul3A_290 = arith.constant 1024 : i32
    %mul3A_291 = arith.muli %add3A_289, %mul3A_290 : i32
    %dma_start3A_292 = tpu.memref_slice %arg4[%mul3A_291] : memref<16777216xf32, #tpu.memory_space<hbm>> -> memref<16384xf32, #tpu.memory_space<hbm>>
    %dma_start3A_293 = tpu.memref_slice %arg4[%mul3A_291] : memref<16777216xf32, #tpu.memory_space<hbm>> -> memref<16384xf32, #tpu.memory_space<hbm>>
    tpu.enqueue_dma source(%arg10 : memref<16384xf32, #tpu.memory_space<vmem>>) target(%dma_start3A_293 : memref<16384xf32, #tpu.memory_space<hbm>>) target_semaphore(%arg20 : memref<!tpu.dma_semaphore, #tpu.memory_space<semaphore_mem>>)
    %add3A_294 = arith.constant 48 : i32
    %add3A_295 = arith.addi %mul3A_2, %add3A_294 : i32
    %mul3A_296 = arith.constant 1024 : i32
    %mul3A_297 = arith.muli %add3A_295, %mul3A_296 : i32
    %dma_start3A_298 = tpu.memref_slice %arg3[%mul3A_297] : memref<8388608xf32, #tpu.memory_space<hbm>> -> memref<16384xf32, #tpu.memory_space<hbm>>
    %dma_start3A_299 = tpu.memref_slice %arg3[%mul3A_297] : memref<8388608xf32, #tpu.memory_space<hbm>> -> memref<16384xf32, #tpu.memory_space<hbm>>
    tpu.enqueue_dma source(%dma_start3A_299 : memref<16384xf32, #tpu.memory_space<hbm>>) target(%arg6 : memref<16384xf32, #tpu.memory_space<vmem>>) target_semaphore(%arg12 : memref<!tpu.dma_semaphore, #tpu.memory_space<semaphore_mem>>)
    %add3A_300 = arith.constant 16 : i32
    %add3A_301 = arith.addi %mul3A_2, %add3A_300 : i32
    %add3A_302 = arith.constant 4096 : i32
    %add3A_303 = arith.addi %add3A_302, %add3A_301 : i32
    %mul3A_304 = arith.constant 1024 : i32
    %mul3A_305 = arith.muli %add3A_303, %mul3A_304 : i32
    %dma_wait3A_306 = tpu.memref_slice %arg4[%mul3A_305] : memref<16777216xf32, #tpu.memory_space<hbm>> -> memref<16384xf32, #tpu.memory_space<hbm>>
    %dma_wait3A_307 = tpu.memref_slice %arg4[%mul3A_305] : memref<16777216xf32, #tpu.memory_space<hbm>> -> memref<16384xf32, #tpu.memory_space<hbm>>
    tpu.wait_dma2 semaphore(%arg18 : memref<!tpu.dma_semaphore, #tpu.memory_space<semaphore_mem>>) src(%arg8 : memref<16384xf32, #tpu.memory_space<vmem>>) dst(%dma_wait3A_307 : memref<16384xf32, #tpu.memory_space<hbm>>)
    %add3A_308 = arith.constant 32 : i32
    %add3A_309 = arith.addi %mul3A_2, %add3A_308 : i32
    %add3A_310 = arith.constant 4096 : i32
    %add3A_311 = arith.addi %add3A_310, %add3A_309 : i32
    %mul3A_312 = arith.constant 1024 : i32
    %mul3A_313 = arith.muli %add3A_311, %mul3A_312 : i32
    %dma_start3A_314 = tpu.memref_slice %arg2[%mul3A_313] : memref<16777216xf32, #tpu.memory_space<hbm>> -> memref<16384xf32, #tpu.memory_space<hbm>>
    %dma_start3A_315 = tpu.memref_slice %arg2[%mul3A_313] : memref<16777216xf32, #tpu.memory_space<hbm>> -> memref<16384xf32, #tpu.memory_space<hbm>>
    tpu.enqueue_dma source(%dma_start3A_315 : memref<16384xf32, #tpu.memory_space<hbm>>) target(%arg8 : memref<16384xf32, #tpu.memory_space<vmem>>) target_semaphore(%arg14 : memref<!tpu.dma_semaphore, #tpu.memory_space<semaphore_mem>>)
    %add3A_316 = arith.constant 32 : i32
    %add3A_317 = arith.addi %mul3A_2, %add3A_316 : i32
    %mul3A_318 = arith.constant 1024 : i32
    %mul3A_319 = arith.muli %add3A_317, %mul3A_318 : i32
    %dma_wait3A_320 = tpu.memref_slice %arg3[%mul3A_319] : memref<8388608xf32, #tpu.memory_space<hbm>> -> memref<16384xf32, #tpu.memory_space<hbm>>
    %dma_wait3A_321 = tpu.memref_slice %arg3[%mul3A_319] : memref<8388608xf32, #tpu.memory_space<hbm>> -> memref<16384xf32, #tpu.memory_space<hbm>>
    tpu.wait_dma2 semaphore(%arg11 : memref<!tpu.dma_semaphore, #tpu.memory_space<semaphore_mem>>) src(%dma_wait3A_321 : memref<16384xf32, #tpu.memory_space<hbm>>) dst(%arg5 : memref<16384xf32, #tpu.memory_space<vmem>>)
    %add3A_322 = arith.constant 32 : i32
    %add3A_323 = arith.addi %mul3A_2, %add3A_322 : i32
    %add3A_324 = arith.constant 0 : i32
    %add3A_325 = arith.addi %add3A_324, %add3A_323 : i32
    %mul3A_326 = arith.constant 1024 : i32
    %mul3A_327 = arith.muli %add3A_325, %mul3A_326 : i32
    %dma_wait3A_328 = tpu.memref_slice %arg2[%mul3A_327] : memref<16777216xf32, #tpu.memory_space<hbm>> -> memref<16384xf32, #tpu.memory_space<hbm>>
    %dma_wait3A_329 = tpu.memref_slice %arg2[%mul3A_327] : memref<16777216xf32, #tpu.memory_space<hbm>> -> memref<16384xf32, #tpu.memory_space<hbm>>
    tpu.wait_dma2 semaphore(%arg13 : memref<!tpu.dma_semaphore, #tpu.memory_space<semaphore_mem>>) src(%dma_wait3A_329 : memref<16384xf32, #tpu.memory_space<hbm>>) dst(%arg7 : memref<16384xf32, #tpu.memory_space<vmem>>)
    %parallel_loop3A_330 = arith.constant 0 : i32
    %parallel_loop3A_331 = arith.constant 16384 : i32
    %parallel_loop3A_332 = arith.constant 16 : i32
    scf.for %parallel_loop3A_1200 = %parallel_loop3A_330 to %parallel_loop3A_331 step %parallel_loop3A_332  : i32 {
      %parallel_loop3A_1201 = arith.index_cast %parallel_loop3A_1200 : i32 to index
      %parallel_loop3A_1202 = tpu.vector_load %arg7[%parallel_loop3A_1201] {strides = array<i32>} : memref<16384xf32, #tpu.memory_space<vmem>>, vector<16xf32>,
      %parallel_loop3A_1203 = vector.shape_cast %parallel_loop3A_1202 : vector<16xf32> to vector<16xf32>
      %parallel_loop3A_1204 = arith.index_cast %parallel_loop3A_1200 : i32 to index
      %parallel_loop3A_1205 = tpu.vector_load %arg5[%parallel_loop3A_1204] {strides = array<i32>} : memref<16384xf32, #tpu.memory_space<vmem>>, vector<16xf32>,
      %parallel_loop3A_1206 = vector.shape_cast %parallel_loop3A_1205 : vector<16xf32> to vector<16xf32>
      %parallel_loop3A_1207 = arith.addf %parallel_loop3A_1203, %parallel_loop3A_1206 : vector<16xf32>
      %parallel_loop3A_1208 = arith.index_cast %parallel_loop3A_1200 : i32 to index
      %parallel_loop3A_1209 = tpu.vector_load %arg7[%parallel_loop3A_1208] {strides = array<i32>} : memref<16384xf32, #tpu.memory_space<vmem>>, vector<16xf32>,
      %parallel_loop3A_1210 = vector.shape_cast %parallel_loop3A_1209 : vector<16xf32> to vector<16xf32>
      %parallel_loop3A_1211 = vector.shape_cast %parallel_loop3A_1207 : vector<16xf32> to vector<16xf32>
      tpu.vector_store %arg7[%parallel_loop3A_1208], %parallel_loop3A_1211 {strides = array<i32>} : memref<16384xf32, #tpu.memory_space<vmem>>, vector<16xf32>,
    } {sc.loop_unroll_factor = 8 : i64, sc.parallel_access}
    %add3A_333 = arith.constant 32 : i32
    %add3A_334 = arith.addi %mul3A_2, %add3A_333 : i32
    %add3A_335 = arith.constant 0 : i32
    %add3A_336 = arith.addi %add3A_335, %add3A_334 : i32
    %mul3A_337 = arith.constant 1024 : i32
    %mul3A_338 = arith.muli %add3A_336, %mul3A_337 : i32
    %dma_start3A_339 = tpu.memref_slice %arg4[%mul3A_338] : memref<16777216xf32, #tpu.memory_space<hbm>> -> memref<16384xf32, #tpu.memory_space<hbm>>
    %dma_start3A_340 = tpu.memref_slice %arg4[%mul3A_338] : memref<16777216xf32, #tpu.memory_space<hbm>> -> memref<16384xf32, #tpu.memory_space<hbm>>
    tpu.enqueue_dma source(%arg7 : memref<16384xf32, #tpu.memory_space<vmem>>) target(%dma_start3A_340 : memref<16384xf32, #tpu.memory_space<hbm>>) target_semaphore(%arg17 : memref<!tpu.dma_semaphore, #tpu.memory_space<semaphore_mem>>)
    %add3A_341 = arith.constant 16 : i32
    %add3A_342 = arith.addi %mul3A_2, %add3A_341 : i32
    %add3A_343 = arith.constant 8192 : i32
    %add3A_344 = arith.addi %add3A_343, %add3A_342 : i32
    %mul3A_345 = arith.constant 1024 : i32
    %mul3A_346 = arith.muli %add3A_344, %mul3A_345 : i32
    %dma_wait3A_347 = tpu.memref_slice %arg4[%mul3A_346] : memref<16777216xf32, #tpu.memory_space<hbm>> -> memref<16384xf32, #tpu.memory_space<hbm>>
    %dma_wait3A_348 = tpu.memref_slice %arg4[%mul3A_346] : memref<16777216xf32, #tpu.memory_space<hbm>> -> memref<16384xf32, #tpu.memory_space<hbm>>
    tpu.wait_dma2 semaphore(%arg19 : memref<!tpu.dma_semaphore, #tpu.memory_space<semaphore_mem>>) src(%arg9 : memref<16384xf32, #tpu.memory_space<vmem>>) dst(%dma_wait3A_348 : memref<16384xf32, #tpu.memory_space<hbm>>)
    %add3A_349 = arith.constant 32 : i32
    %add3A_350 = arith.addi %mul3A_2, %add3A_349 : i32
    %add3A_351 = arith.constant 8192 : i32
    %add3A_352 = arith.addi %add3A_351, %add3A_350 : i32
    %mul3A_353 = arith.constant 1024 : i32
    %mul3A_354 = arith.muli %add3A_352, %mul3A_353 : i32
    %dma_start3A_355 = tpu.memref_slice %arg2[%mul3A_354] : memref<16777216xf32, #tpu.memory_space<hbm>> -> memref<16384xf32, #tpu.memory_space<hbm>>
    %dma_start3A_356 = tpu.memref_slice %arg2[%mul3A_354] : memref<16777216xf32, #tpu.memory_space<hbm>> -> memref<16384xf32, #tpu.memory_space<hbm>>
    tpu.enqueue_dma source(%dma_start3A_356 : memref<16384xf32, #tpu.memory_space<hbm>>) target(%arg9 : memref<16384xf32, #tpu.memory_space<vmem>>) target_semaphore(%arg15 : memref<!tpu.dma_semaphore, #tpu.memory_space<semaphore_mem>>)
    %add3A_357 = arith.constant 32 : i32
    %add3A_358 = arith.addi %mul3A_2, %add3A_357 : i32
    %add3A_359 = arith.constant 4096 : i32
    %add3A_360 = arith.addi %add3A_359, %add3A_358 : i32
    %mul3A_361 = arith.constant 1024 : i32
    %mul3A_362 = arith.muli %add3A_360, %mul3A_361 : i32
    %dma_wait3A_363 = tpu.memref_slice %arg2[%mul3A_362] : memref<16777216xf32, #tpu.memory_space<hbm>> -> memref<16384xf32, #tpu.memory_space<hbm>>
    %dma_wait3A_364 = tpu.memref_slice %arg2[%mul3A_362] : memref<16777216xf32, #tpu.memory_space<hbm>> -> memref<16384xf32, #tpu.memory_space<hbm>>
    tpu.wait_dma2 semaphore(%arg14 : memref<!tpu.dma_semaphore, #tpu.memory_space<semaphore_mem>>) src(%dma_wait3A_364 : memref<16384xf32, #tpu.memory_space<hbm>>) dst(%arg8 : memref<16384xf32, #tpu.memory_space<vmem>>)
    %parallel_loop3A_365 = arith.constant 0 : i32
    %parallel_loop3A_366 = arith.constant 16384 : i32
    %parallel_loop3A_367 = arith.constant 16 : i32
    scf.for %parallel_loop3A_1200 = %parallel_loop3A_365 to %parallel_loop3A_366 step %parallel_loop3A_367  : i32 {
      %parallel_loop3A_1201 = arith.index_cast %parallel_loop3A_1200 : i32 to index
      %parallel_loop3A_1202 = tpu.vector_load %arg8[%parallel_loop3A_1201] {strides = array<i32>} : memref<16384xf32, #tpu.memory_space<vmem>>, vector<16xf32>,
      %parallel_loop3A_1203 = vector.shape_cast %parallel_loop3A_1202 : vector<16xf32> to vector<16xf32>
      %parallel_loop3A_1204 = arith.index_cast %parallel_loop3A_1200 : i32 to index
      %parallel_loop3A_1205 = tpu.vector_load %arg5[%parallel_loop3A_1204] {strides = array<i32>} : memref<16384xf32, #tpu.memory_space<vmem>>, vector<16xf32>,
      %parallel_loop3A_1206 = vector.shape_cast %parallel_loop3A_1205 : vector<16xf32> to vector<16xf32>
      %parallel_loop3A_1207 = arith.addf %parallel_loop3A_1203, %parallel_loop3A_1206 : vector<16xf32>
      %parallel_loop3A_1208 = arith.index_cast %parallel_loop3A_1200 : i32 to index
      %parallel_loop3A_1209 = tpu.vector_load %arg8[%parallel_loop3A_1208] {strides = array<i32>} : memref<16384xf32, #tpu.memory_space<vmem>>, vector<16xf32>,
      %parallel_loop3A_1210 = vector.shape_cast %parallel_loop3A_1209 : vector<16xf32> to vector<16xf32>
      %parallel_loop3A_1211 = vector.shape_cast %parallel_loop3A_1207 : vector<16xf32> to vector<16xf32>
      tpu.vector_store %arg8[%parallel_loop3A_1208], %parallel_loop3A_1211 {strides = array<i32>} : memref<16384xf32, #tpu.memory_space<vmem>>, vector<16xf32>,
    } {sc.loop_unroll_factor = 8 : i64, sc.parallel_access}
    %add3A_368 = arith.constant 32 : i32
    %add3A_369 = arith.addi %mul3A_2, %add3A_368 : i32
    %add3A_370 = arith.constant 4096 : i32
    %add3A_371 = arith.addi %add3A_370, %add3A_369 : i32
    %mul3A_372 = arith.constant 1024 : i32
    %mul3A_373 = arith.muli %add3A_371, %mul3A_372 : i32
    %dma_start3A_374 = tpu.memref_slice %arg4[%mul3A_373] : memref<16777216xf32, #tpu.memory_space<hbm>> -> memref<16384xf32, #tpu.memory_space<hbm>>
    %dma_start3A_375 = tpu.memref_slice %arg4[%mul3A_373] : memref<16777216xf32, #tpu.memory_space<hbm>> -> memref<16384xf32, #tpu.memory_space<hbm>>
    tpu.enqueue_dma source(%arg8 : memref<16384xf32, #tpu.memory_space<vmem>>) target(%dma_start3A_375 : memref<16384xf32, #tpu.memory_space<hbm>>) target_semaphore(%arg18 : memref<!tpu.dma_semaphore, #tpu.memory_space<semaphore_mem>>)
    %add3A_376 = arith.constant 16 : i32
    %add3A_377 = arith.addi %mul3A_2, %add3A_376 : i32
    %add3A_378 = arith.constant 12288 : i32
    %add3A_379 = arith.addi %add3A_378, %add3A_377 : i32
    %mul3A_380 = arith.constant 1024 : i32
    %mul3A_381 = arith.muli %add3A_379, %mul3A_380 : i32
    %dma_wait3A_382 = tpu.memref_slice %arg4[%mul3A_381] : memref<16777216xf32, #tpu.memory_space<hbm>> -> memref<16384xf32, #tpu.memory_space<hbm>>
    %dma_wait3A_383 = tpu.memref_slice %arg4[%mul3A_381] : memref<16777216xf32, #tpu.memory_space<hbm>> -> memref<16384xf32, #tpu.memory_space<hbm>>
    tpu.wait_dma2 semaphore(%arg20 : memref<!tpu.dma_semaphore, #tpu.memory_space<semaphore_mem>>) src(%arg10 : memref<16384xf32, #tpu.memory_space<vmem>>) dst(%dma_wait3A_383 : memref<16384xf32, #tpu.memory_space<hbm>>)
    %add3A_384 = arith.constant 32 : i32
    %add3A_385 = arith.addi %mul3A_2, %add3A_384 : i32
    %add3A_386 = arith.constant 12288 : i32
    %add3A_387 = arith.addi %add3A_386, %add3A_385 : i32
    %mul3A_388 = arith.constant 1024 : i32
    %mul3A_389 = arith.muli %add3A_387, %mul3A_388 : i32
    %dma_start3A_390 = tpu.memref_slice %arg2[%mul3A_389] : memref<16777216xf32, #tpu.memory_space<hbm>> -> memref<16384xf32, #tpu.memory_space<hbm>>
    %dma_start3A_391 = tpu.memref_slice %arg2[%mul3A_389] : memref<16777216xf32, #tpu.memory_space<hbm>> -> memref<16384xf32, #tpu.memory_space<hbm>>
    tpu.enqueue_dma source(%dma_start3A_391 : memref<16384xf32, #tpu.memory_space<hbm>>) target(%arg10 : memref<16384xf32, #tpu.memory_space<vmem>>) target_semaphore(%arg16 : memref<!tpu.dma_semaphore, #tpu.memory_space<semaphore_mem>>)
    %add3A_392 = arith.constant 32 : i32
    %add3A_393 = arith.addi %mul3A_2, %add3A_392 : i32
    %add3A_394 = arith.constant 8192 : i32
    %add3A_395 = arith.addi %add3A_394, %add3A_393 : i32
    %mul3A_396 = arith.constant 1024 : i32
    %mul3A_397 = arith.muli %add3A_395, %mul3A_396 : i32
    %dma_wait3A_398 = tpu.memref_slice %arg2[%mul3A_397] : memref<16777216xf32, #tpu.memory_space<hbm>> -> memref<16384xf32, #tpu.memory_space<hbm>>
    %dma_wait3A_399 = tpu.memref_slice %arg2[%mul3A_397] : memref<16777216xf32, #tpu.memory_space<hbm>> -> memref<16384xf32, #tpu.memory_space<hbm>>
    tpu.wait_dma2 semaphore(%arg15 : memref<!tpu.dma_semaphore, #tpu.memory_space<semaphore_mem>>) src(%dma_wait3A_399 : memref<16384xf32, #tpu.memory_space<hbm>>) dst(%arg9 : memref<16384xf32, #tpu.memory_space<vmem>>)
    %parallel_loop3A_400 = arith.constant 0 : i32
    %parallel_loop3A_401 = arith.constant 16384 : i32
    %parallel_loop3A_402 = arith.constant 16 : i32
    scf.for %parallel_loop3A_1200 = %parallel_loop3A_400 to %parallel_loop3A_401 step %parallel_loop3A_402  : i32 {
      %parallel_loop3A_1201 = arith.index_cast %parallel_loop3A_1200 : i32 to index
      %parallel_loop3A_1202 = tpu.vector_load %arg9[%parallel_loop3A_1201] {strides = array<i32>} : memref<16384xf32, #tpu.memory_space<vmem>>, vector<16xf32>,
      %parallel_loop3A_1203 = vector.shape_cast %parallel_loop3A_1202 : vector<16xf32> to vector<16xf32>
      %parallel_loop3A_1204 = arith.index_cast %parallel_loop3A_1200 : i32 to index
      %parallel_loop3A_1205 = tpu.vector_load %arg5[%parallel_loop3A_1204] {strides = array<i32>} : memref<16384xf32, #tpu.memory_space<vmem>>, vector<16xf32>,
      %parallel_loop3A_1206 = vector.shape_cast %parallel_loop3A_1205 : vector<16xf32> to vector<16xf32>
      %parallel_loop3A_1207 = arith.addf %parallel_loop3A_1203, %parallel_loop3A_1206 : vector<16xf32>
      %parallel_loop3A_1208 = arith.index_cast %parallel_loop3A_1200 : i32 to index
      %parallel_loop3A_1209 = tpu.vector_load %arg9[%parallel_loop3A_1208] {strides = array<i32>} : memref<16384xf32, #tpu.memory_space<vmem>>, vector<16xf32>,
      %parallel_loop3A_1210 = vector.shape_cast %parallel_loop3A_1209 : vector<16xf32> to vector<16xf32>
      %parallel_loop3A_1211 = vector.shape_cast %parallel_loop3A_1207 : vector<16xf32> to vector<16xf32>
      tpu.vector_store %arg9[%parallel_loop3A_1208], %parallel_loop3A_1211 {strides = array<i32>} : memref<16384xf32, #tpu.memory_space<vmem>>, vector<16xf32>,
    } {sc.loop_unroll_factor = 8 : i64, sc.parallel_access}
    %add3A_403 = arith.constant 32 : i32
    %add3A_404 = arith.addi %mul3A_2, %add3A_403 : i32
    %add3A_405 = arith.constant 8192 : i32
    %add3A_406 = arith.addi %add3A_405, %add3A_404 : i32
    %mul3A_407 = arith.constant 1024 : i32
    %mul3A_408 = arith.muli %add3A_406, %mul3A_407 : i32
    %dma_start3A_409 = tpu.memref_slice %arg4[%mul3A_408] : memref<16777216xf32, #tpu.memory_space<hbm>> -> memref<16384xf32, #tpu.memory_space<hbm>>
    %dma_start3A_410 = tpu.memref_slice %arg4[%mul3A_408] : memref<16777216xf32, #tpu.memory_space<hbm>> -> memref<16384xf32, #tpu.memory_space<hbm>>
    tpu.enqueue_dma source(%arg9 : memref<16384xf32, #tpu.memory_space<vmem>>) target(%dma_start3A_410 : memref<16384xf32, #tpu.memory_space<hbm>>) target_semaphore(%arg19 : memref<!tpu.dma_semaphore, #tpu.memory_space<semaphore_mem>>)
    %add3A_411 = arith.constant 32 : i32
    %add3A_412 = arith.addi %mul3A_2, %add3A_411 : i32
    %add3A_413 = arith.constant 0 : i32
    %add3A_414 = arith.addi %add3A_413, %add3A_412 : i32
    %mul3A_415 = arith.constant 1024 : i32
    %mul3A_416 = arith.muli %add3A_414, %mul3A_415 : i32
    %dma_wait3A_417 = tpu.memref_slice %arg4[%mul3A_416] : memref<16777216xf32, #tpu.memory_space<hbm>> -> memref<16384xf32, #tpu.memory_space<hbm>>
    %dma_wait3A_418 = tpu.memref_slice %arg4[%mul3A_416] : memref<16777216xf32, #tpu.memory_space<hbm>> -> memref<16384xf32, #tpu.memory_space<hbm>>
    tpu.wait_dma2 semaphore(%arg17 : memref<!tpu.dma_semaphore, #tpu.memory_space<semaphore_mem>>) src(%arg7 : memref<16384xf32, #tpu.memory_space<vmem>>) dst(%dma_wait3A_418 : memref<16384xf32, #tpu.memory_space<hbm>>)
    %add3A_419 = arith.constant 48 : i32
    %add3A_420 = arith.addi %mul3A_2, %add3A_419 : i32
    %add3A_421 = arith.constant 0 : i32
    %add3A_422 = arith.addi %add3A_421, %add3A_420 : i32
    %mul3A_423 = arith.constant 1024 : i32
    %mul3A_424 = arith.muli %add3A_422, %mul3A_423 : i32
    %dma_start3A_425 = tpu.memref_slice %arg2[%mul3A_424] : memref<16777216xf32, #tpu.memory_space<hbm>> -> memref<16384xf32, #tpu.memory_space<hbm>>
    %dma_start3A_426 = tpu.memref_slice %arg2[%mul3A_424] : memref<16777216xf32, #tpu.memory_space<hbm>> -> memref<16384xf32, #tpu.memory_space<hbm>>
    tpu.enqueue_dma source(%dma_start3A_426 : memref<16384xf32, #tpu.memory_space<hbm>>) target(%arg7 : memref<16384xf32, #tpu.memory_space<vmem>>) target_semaphore(%arg13 : memref<!tpu.dma_semaphore, #tpu.memory_space<semaphore_mem>>)
    %add3A_427 = arith.constant 32 : i32
    %add3A_428 = arith.addi %mul3A_2, %add3A_427 : i32
    %add3A_429 = arith.constant 12288 : i32
    %add3A_430 = arith.addi %add3A_429, %add3A_428 : i32
    %mul3A_431 = arith.constant 1024 : i32
    %mul3A_432 = arith.muli %add3A_430, %mul3A_431 : i32
    %dma_wait3A_433 = tpu.memref_slice %arg2[%mul3A_432] : memref<16777216xf32, #tpu.memory_space<hbm>> -> memref<16384xf32, #tpu.memory_space<hbm>>
    %dma_wait3A_434 = tpu.memref_slice %arg2[%mul3A_432] : memref<16777216xf32, #tpu.memory_space<hbm>> -> memref<16384xf32, #tpu.memory_space<hbm>>
    tpu.wait_dma2 semaphore(%arg16 : memref<!tpu.dma_semaphore, #tpu.memory_space<semaphore_mem>>) src(%dma_wait3A_434 : memref<16384xf32, #tpu.memory_space<hbm>>) dst(%arg10 : memref<16384xf32, #tpu.memory_space<vmem>>)
    %parallel_loop3A_435 = arith.constant 0 : i32
    %parallel_loop3A_436 = arith.constant 16384 : i32
    %parallel_loop3A_437 = arith.constant 16 : i32
    scf.for %parallel_loop3A_1200 = %parallel_loop3A_435 to %parallel_loop3A_436 step %parallel_loop3A_437  : i32 {
      %parallel_loop3A_1201 = arith.index_cast %parallel_loop3A_1200 : i32 to index
      %parallel_loop3A_1202 = tpu.vector_load %arg10[%parallel_loop3A_1201] {strides = array<i32>} : memref<16384xf32, #tpu.memory_space<vmem>>, vector<16xf32>,
      %parallel_loop3A_1203 = vector.shape_cast %parallel_loop3A_1202 : vector<16xf32> to vector<16xf32>
      %parallel_loop3A_1204 = arith.index_cast %parallel_loop3A_1200 : i32 to index
      %parallel_loop3A_1205 = tpu.vector_load %arg5[%parallel_loop3A_1204] {strides = array<i32>} : memref<16384xf32, #tpu.memory_space<vmem>>, vector<16xf32>,
      %parallel_loop3A_1206 = vector.shape_cast %parallel_loop3A_1205 : vector<16xf32> to vector<16xf32>
      %parallel_loop3A_1207 = arith.addf %parallel_loop3A_1203, %parallel_loop3A_1206 : vector<16xf32>
      %parallel_loop3A_1208 = arith.index_cast %parallel_loop3A_1200 : i32 to index
      %parallel_loop3A_1209 = tpu.vector_load %arg10[%parallel_loop3A_1208] {strides = array<i32>} : memref<16384xf32, #tpu.memory_space<vmem>>, vector<16xf32>,
      %parallel_loop3A_1210 = vector.shape_cast %parallel_loop3A_1209 : vector<16xf32> to vector<16xf32>
      %parallel_loop3A_1211 = vector.shape_cast %parallel_loop3A_1207 : vector<16xf32> to vector<16xf32>
      tpu.vector_store %arg10[%parallel_loop3A_1208], %parallel_loop3A_1211 {strides = array<i32>} : memref<16384xf32, #tpu.memory_space<vmem>>, vector<16xf32>,
    } {sc.loop_unroll_factor = 8 : i64, sc.parallel_access}
    %add3A_438 = arith.constant 32 : i32
    %add3A_439 = arith.addi %mul3A_2, %add3A_438 : i32
    %add3A_440 = arith.constant 12288 : i32
    %add3A_441 = arith.addi %add3A_440, %add3A_439 : i32
    %mul3A_442 = arith.constant 1024 : i32
    %mul3A_443 = arith.muli %add3A_441, %mul3A_442 : i32
    %dma_start3A_444 = tpu.memref_slice %arg4[%mul3A_443] : memref<16777216xf32, #tpu.memory_space<hbm>> -> memref<16384xf32, #tpu.memory_space<hbm>>
    %dma_start3A_445 = tpu.memref_slice %arg4[%mul3A_443] : memref<16777216xf32, #tpu.memory_space<hbm>> -> memref<16384xf32, #tpu.memory_space<hbm>>
    tpu.enqueue_dma source(%arg10 : memref<16384xf32, #tpu.memory_space<vmem>>) target(%dma_start3A_445 : memref<16384xf32, #tpu.memory_space<hbm>>) target_semaphore(%arg20 : memref<!tpu.dma_semaphore, #tpu.memory_space<semaphore_mem>>)
    %add3A_446 = arith.constant 64 : i32
    %add3A_447 = arith.addi %mul3A_2, %add3A_446 : i32
    %mul3A_448 = arith.constant 1024 : i32
    %mul3A_449 = arith.muli %add3A_447, %mul3A_448 : i32
    %dma_start3A_450 = tpu.memref_slice %arg3[%mul3A_449] : memref<8388608xf32, #tpu.memory_space<hbm>> -> memref<16384xf32, #tpu.memory_space<hbm>>
    %dma_start3A_451 = tpu.memref_slice %arg3[%mul3A_449] : memref<8388608xf32, #tpu.memory_space<hbm>> -> memref<16384xf32, #tpu.memory_space<hbm>>
    tpu.enqueue_dma source(%dma_start3A_451 : memref<16384xf32, #tpu.memory_space<hbm>>) target(%arg5 : memref<16384xf32, #tpu.memory_space<vmem>>) target_semaphore(%arg11 : memref<!tpu.dma_semaphore, #tpu.memory_space<semaphore_mem>>)
    %add3A_452 = arith.constant 32 : i32
    %add3A_453 = arith.addi %mul3A_2, %add3A_452 : i32
    %add3A_454 = arith.constant 4096 : i32
    %add3A_455 = arith.addi %add3A_454, %add3A_453 : i32
    %mul3A_456 = arith.constant 1024 : i32
    %mul3A_457 = arith.muli %add3A_455, %mul3A_456 : i32
    %dma_wait3A_458 = tpu.memref_slice %arg4[%mul3A_457] : memref<16777216xf32, #tpu.memory_space<hbm>> -> memref<16384xf32, #tpu.memory_space<hbm>>
    %dma_wait3A_459 = tpu.memref_slice %arg4[%mul3A_457] : memref<16777216xf32, #tpu.memory_space<hbm>> -> memref<16384xf32, #tpu.memory_space<hbm>>
    tpu.wait_dma2 semaphore(%arg18 : memref<!tpu.dma_semaphore, #tpu.memory_space<semaphore_mem>>) src(%arg8 : memref<16384xf32, #tpu.memory_space<vmem>>) dst(%dma_wait3A_459 : memref<16384xf32, #tpu.memory_space<hbm>>)
    %add3A_460 = arith.constant 48 : i32
    %add3A_461 = arith.addi %mul3A_2, %add3A_460 : i32
    %add3A_462 = arith.constant 4096 : i32
    %add3A_463 = arith.addi %add3A_462, %add3A_461 : i32
    %mul3A_464 = arith.constant 1024 : i32
    %mul3A_465 = arith.muli %add3A_463, %mul3A_464 : i32
    %dma_start3A_466 = tpu.memref_slice %arg2[%mul3A_465] : memref<16777216xf32, #tpu.memory_space<hbm>> -> memref<16384xf32, #tpu.memory_space<hbm>>
    %dma_start3A_467 = tpu.memref_slice %arg2[%mul3A_465] : memref<16777216xf32, #tpu.memory_space<hbm>> -> memref<16384xf32, #tpu.memory_space<hbm>>
    tpu.enqueue_dma source(%dma_start3A_467 : memref<16384xf32, #tpu.memory_space<hbm>>) target(%arg8 : memref<16384xf32, #tpu.memory_space<vmem>>) target_semaphore(%arg14 : memref<!tpu.dma_semaphore, #tpu.memory_space<semaphore_mem>>)
    %add3A_468 = arith.constant 48 : i32
    %add3A_469 = arith.addi %mul3A_2, %add3A_468 : i32
    %mul3A_470 = arith.constant 1024 : i32
    %mul3A_471 = arith.muli %add3A_469, %mul3A_470 : i32
    %dma_wait3A_472 = tpu.memref_slice %arg3[%mul3A_471] : memref<8388608xf32, #tpu.memory_space<hbm>> -> memref<16384xf32, #tpu.memory_space<hbm>>
    %dma_wait3A_473 = tpu.memref_slice %arg3[%mul3A_471] : memref<8388608xf32, #tpu.memory_space<hbm>> -> memref<16384xf32, #tpu.memory_space<hbm>>
    tpu.wait_dma2 semaphore(%arg12 : memref<!tpu.dma_semaphore, #tpu.memory_space<semaphore_mem>>) src(%dma_wait3A_473 : memref<16384xf32, #tpu.memory_space<hbm>>) dst(%arg6 : memref<16384xf32, #tpu.memory_space<vmem>>)
    %add3A_474 = arith.constant 48 : i32
    %add3A_475 = arith.addi %mul3A_2, %add3A_474 : i32
    %add3A_476 = arith.constant 0 : i32
    %add3A_477 = arith.addi %add3A_476, %add3A_475 : i32
    %mul3A_478 = arith.constant 1024 : i32
    %mul3A_479 = arith.muli %add3A_477, %mul3A_478 : i32
    %dma_wait3A_480 = tpu.memref_slice %arg2[%mul3A_479] : memref<16777216xf32, #tpu.memory_space<hbm>> -> memref<16384xf32, #tpu.memory_space<hbm>>
    %dma_wait3A_481 = tpu.memref_slice %arg2[%mul3A_479] : memref<16777216xf32, #tpu.memory_space<hbm>> -> memref<16384xf32, #tpu.memory_space<hbm>>
    tpu.wait_dma2 semaphore(%arg13 : memref<!tpu.dma_semaphore, #tpu.memory_space<semaphore_mem>>) src(%dma_wait3A_481 : memref<16384xf32, #tpu.memory_space<hbm>>) dst(%arg7 : memref<16384xf32, #tpu.memory_space<vmem>>)
    %parallel_loop3A_482 = arith.constant 0 : i32
    %parallel_loop3A_483 = arith.constant 16384 : i32
    %parallel_loop3A_484 = arith.constant 16 : i32
    scf.for %parallel_loop3A_1200 = %parallel_loop3A_482 to %parallel_loop3A_483 step %parallel_loop3A_484  : i32 {
      %parallel_loop3A_1201 = arith.index_cast %parallel_loop3A_1200 : i32 to index
      %parallel_loop3A_1202 = tpu.vector_load %arg7[%parallel_loop3A_1201] {strides = array<i32>} : memref<16384xf32, #tpu.memory_space<vmem>>, vector<16xf32>,
      %parallel_loop3A_1203 = vector.shape_cast %parallel_loop3A_1202 : vector<16xf32> to vector<16xf32>
      %parallel_loop3A_1204 = arith.index_cast %parallel_loop3A_1200 : i32 to index
      %parallel_loop3A_1205 = tpu.vector_load %arg6[%parallel_loop3A_1204] {strides = array<i32>} : memref<16384xf32, #tpu.memory_space<vmem>>, vector<16xf32>,
      %parallel_loop3A_1206 = vector.shape_cast %parallel_loop3A_1205 : vector<16xf32> to vector<16xf32>
      %parallel_loop3A_1207 = arith.addf %parallel_loop3A_1203, %parallel_loop3A_1206 : vector<16xf32>
      %parallel_loop3A_1208 = arith.index_cast %parallel_loop3A_1200 : i32 to index
      %parallel_loop3A_1209 = tpu.vector_load %arg7[%parallel_loop3A_1208] {strides = array<i32>} : memref<16384xf32, #tpu.memory_space<vmem>>, vector<16xf32>,
      %parallel_loop3A_1210 = vector.shape_cast %parallel_loop3A_1209 : vector<16xf32> to vector<16xf32>
      %parallel_loop3A_1211 = vector.shape_cast %parallel_loop3A_1207 : vector<16xf32> to vector<16xf32>
      tpu.vector_store %arg7[%parallel_loop3A_1208], %parallel_loop3A_1211 {strides = array<i32>} : memref<16384xf32, #tpu.memory_space<vmem>>, vector<16xf32>,
    } {sc.loop_unroll_factor = 8 : i64, sc.parallel_access}
    %add3A_485 = arith.constant 48 : i32
    %add3A_486 = arith.addi %mul3A_2, %add3A_485 : i32
    %add3A_487 = arith.constant 0 : i32
    %add3A_488 = arith.addi %add3A_487, %add3A_486 : i32
    %mul3A_489 = arith.constant 1024 : i32
    %mul3A_490 = arith.muli %add3A_488, %mul3A_489 : i32
    %dma_start3A_491 = tpu.memref_slice %arg4[%mul3A_490] : memref<16777216xf32, #tpu.memory_space<hbm>> -> memref<16384xf32, #tpu.memory_space<hbm>>
    %dma_start3A_492 = tpu.memref_slice %arg4[%mul3A_490] : memref<16777216xf32, #tpu.memory_space<hbm>> -> memref<16384xf32, #tpu.memory_space<hbm>>
    tpu.enqueue_dma source(%arg7 : memref<16384xf32, #tpu.memory_space<vmem>>) target(%dma_start3A_492 : memref<16384xf32, #tpu.memory_space<hbm>>) target_semaphore(%arg17 : memref<!tpu.dma_semaphore, #tpu.memory_space<semaphore_mem>>)
    %add3A_493 = arith.constant 32 : i32
    %add3A_494 = arith.addi %mul3A_2, %add3A_493 : i32
    %add3A_495 = arith.constant 8192 : i32
    %add3A_496 = arith.addi %add3A_495, %add3A_494 : i32
    %mul3A_497 = arith.constant 1024 : i32
    %mul3A_498 = arith.muli %add3A_496, %mul3A_497 : i32
    %dma_wait3A_499 = tpu.memref_slice %arg4[%mul3A_498] : memref<16777216xf32, #tpu.memory_space<hbm>> -> memref<16384xf32, #tpu.memory_space<hbm>>
    %dma_wait3A_500 = tpu.memref_slice %arg4[%mul3A_498] : memref<16777216xf32, #tpu.memory_space<hbm>> -> memref<16384xf32, #tpu.memory_space<hbm>>
    tpu.wait_dma2 semaphore(%arg19 : memref<!tpu.dma_semaphore, #tpu.memory_space<semaphore_mem>>) src(%arg9 : memref<16384xf32, #tpu.memory_space<vmem>>) dst(%dma_wait3A_500 : memref<16384xf32, #tpu.memory_space<hbm>>)
    %add3A_501 = arith.constant 48 : i32
    %add3A_502 = arith.addi %mul3A_2, %add3A_501 : i32
    %add3A_503 = arith.constant 8192 : i32
    %add3A_504 = arith.addi %add3A_503, %add3A_502 : i32
    %mul3A_505 = arith.constant 1024 : i32
    %mul3A_506 = arith.muli %add3A_504, %mul3A_505 : i32
    %dma_start3A_507 = tpu.memref_slice %arg2[%mul3A_506] : memref<16777216xf32, #tpu.memory_space<hbm>> -> memref<16384xf32, #tpu.memory_space<hbm>>
    %dma_start3A_508 = tpu.memref_slice %arg2[%mul3A_506] : memref<16777216xf32, #tpu.memory_space<hbm>> -> memref<16384xf32, #tpu.memory_space<hbm>>
    tpu.enqueue_dma source(%dma_start3A_508 : memref<16384xf32, #tpu.memory_space<hbm>>) target(%arg9 : memref<16384xf32, #tpu.memory_space<vmem>>) target_semaphore(%arg15 : memref<!tpu.dma_semaphore, #tpu.memory_space<semaphore_mem>>)
    %add3A_509 = arith.constant 48 : i32
    %add3A_510 = arith.addi %mul3A_2, %add3A_509 : i32
    %add3A_511 = arith.constant 4096 : i32
    %add3A_512 = arith.addi %add3A_511, %add3A_510 : i32
    %mul3A_513 = arith.constant 1024 : i32
    %mul3A_514 = arith.muli %add3A_512, %mul3A_513 : i32
    %dma_wait3A_515 = tpu.memref_slice %arg2[%mul3A_514] : memref<16777216xf32, #tpu.memory_space<hbm>> -> memref<16384xf32, #tpu.memory_space<hbm>>
    %dma_wait3A_516 = tpu.memref_slice %arg2[%mul3A_514] : memref<16777216xf32, #tpu.memory_space<hbm>> -> memref<16384xf32, #tpu.memory_space<hbm>>
    tpu.wait_dma2 semaphore(%arg14 : memref<!tpu.dma_semaphore, #tpu.memory_space<semaphore_mem>>) src(%dma_wait3A_516 : memref<16384xf32, #tpu.memory_space<hbm>>) dst(%arg8 : memref<16384xf32, #tpu.memory_space<vmem>>)
    %parallel_loop3A_517 = arith.constant 0 : i32
    %parallel_loop3A_518 = arith.constant 16384 : i32
    %parallel_loop3A_519 = arith.constant 16 : i32
    scf.for %parallel_loop3A_1200 = %parallel_loop3A_517 to %parallel_loop3A_518 step %parallel_loop3A_519  : i32 {
      %parallel_loop3A_1201 = arith.index_cast %parallel_loop3A_1200 : i32 to index
      %parallel_loop3A_1202 = tpu.vector_load %arg8[%parallel_loop3A_1201] {strides = array<i32>} : memref<16384xf32, #tpu.memory_space<vmem>>, vector<16xf32>,
      %parallel_loop3A_1203 = vector.shape_cast %parallel_loop3A_1202 : vector<16xf32> to vector<16xf32>
      %parallel_loop3A_1204 = arith.index_cast %parallel_loop3A_1200 : i32 to index
      %parallel_loop3A_1205 = tpu.vector_load %arg6[%parallel_loop3A_1204] {strides = array<i32>} : memref<16384xf32, #tpu.memory_space<vmem>>, vector<16xf32>,
      %parallel_loop3A_1206 = vector.shape_cast %parallel_loop3A_1205 : vector<16xf32> to vector<16xf32>
      %parallel_loop3A_1207 = arith.addf %parallel_loop3A_1203, %parallel_loop3A_1206 : vector<16xf32>
      %parallel_loop3A_1208 = arith.index_cast %parallel_loop3A_1200 : i32 to index
      %parallel_loop3A_1209 = tpu.vector_load %arg8[%parallel_loop3A_1208] {strides = array<i32>} : memref<16384xf32, #tpu.memory_space<vmem>>, vector<16xf32>,
      %parallel_loop3A_1210 = vector.shape_cast %parallel_loop3A_1209 : vector<16xf32> to vector<16xf32>
      %parallel_loop3A_1211 = vector.shape_cast %parallel_loop3A_1207 : vector<16xf32> to vector<16xf32>
      tpu.vector_store %arg8[%parallel_loop3A_1208], %parallel_loop3A_1211 {strides = array<i32>} : memref<16384xf32, #tpu.memory_space<vmem>>, vector<16xf32>,
    } {sc.loop_unroll_factor = 8 : i64, sc.parallel_access}
    %add3A_520 = arith.constant 48 : i32
    %add3A_521 = arith.addi %mul3A_2, %add3A_520 : i32
    %add3A_522 = arith.constant 4096 : i32
    %add3A_523 = arith.addi %add3A_522, %add3A_521 : i32
    %mul3A_524 = arith.constant 1024 : i32
    %mul3A_525 = arith.muli %add3A_523, %mul3A_524 : i32
    %dma_start3A_526 = tpu.memref_slice %arg4[%mul3A_525] : memref<16777216xf32, #tpu.memory_space<hbm>> -> memref<16384xf32, #tpu.memory_space<hbm>>
    %dma_start3A_527 = tpu.memref_slice %arg4[%mul3A_525] : memref<16777216xf32, #tpu.memory_space<hbm>> -> memref<16384xf32, #tpu.memory_space<hbm>>
    tpu.enqueue_dma source(%arg8 : memref<16384xf32, #tpu.memory_space<vmem>>) target(%dma_start3A_527 : memref<16384xf32, #tpu.memory_space<hbm>>) target_semaphore(%arg18 : memref<!tpu.dma_semaphore, #tpu.memory_space<semaphore_mem>>)
    %add3A_528 = arith.constant 32 : i32
    %add3A_529 = arith.addi %mul3A_2, %add3A_528 : i32
    %add3A_530 = arith.constant 12288 : i32
    %add3A_531 = arith.addi %add3A_530, %add3A_529 : i32
    %mul3A_532 = arith.constant 1024 : i32
    %mul3A_533 = arith.muli %add3A_531, %mul3A_532 : i32
    %dma_wait3A_534 = tpu.memref_slice %arg4[%mul3A_533] : memref<16777216xf32, #tpu.memory_space<hbm>> -> memref<16384xf32, #tpu.memory_space<hbm>>
    %dma_wait3A_535 = tpu.memref_slice %arg4[%mul3A_533] : memref<16777216xf32, #tpu.memory_space<hbm>> -> memref<16384xf32, #tpu.memory_space<hbm>>
    tpu.wait_dma2 semaphore(%arg20 : memref<!tpu.dma_semaphore, #tpu.memory_space<semaphore_mem>>) src(%arg10 : memref<16384xf32, #tpu.memory_space<vmem>>) dst(%dma_wait3A_535 : memref<16384xf32, #tpu.memory_space<hbm>>)
    %add3A_536 = arith.constant 48 : i32
    %add3A_537 = arith.addi %mul3A_2, %add3A_536 : i32
    %add3A_538 = arith.constant 12288 : i32
    %add3A_539 = arith.addi %add3A_538, %add3A_537 : i32
    %mul3A_540 = arith.constant 1024 : i32
    %mul3A_541 = arith.muli %add3A_539, %mul3A_540 : i32
    %dma_start3A_542 = tpu.memref_slice %arg2[%mul3A_541] : memref<16777216xf32, #tpu.memory_space<hbm>> -> memref<16384xf32, #tpu.memory_space<hbm>>
    %dma_start3A_543 = tpu.memref_slice %arg2[%mul3A_541] : memref<16777216xf32, #tpu.memory_space<hbm>> -> memref<16384xf32, #tpu.memory_space<hbm>>
    tpu.enqueue_dma source(%dma_start3A_543 : memref<16384xf32, #tpu.memory_space<hbm>>) target(%arg10 : memref<16384xf32, #tpu.memory_space<vmem>>) target_semaphore(%arg16 : memref<!tpu.dma_semaphore, #tpu.memory_space<semaphore_mem>>)
    %add3A_544 = arith.constant 48 : i32
    %add3A_545 = arith.addi %mul3A_2, %add3A_544 : i32
    %add3A_546 = arith.constant 8192 : i32
    %add3A_547 = arith.addi %add3A_546, %add3A_545 : i32
    %mul3A_548 = arith.constant 1024 : i32
    %mul3A_549 = arith.muli %add3A_547, %mul3A_548 : i32
    %dma_wait3A_550 = tpu.memref_slice %arg2[%mul3A_549] : memref<16777216xf32, #tpu.memory_space<hbm>> -> memref<16384xf32, #tpu.memory_space<hbm>>
    %dma_wait3A_551 = tpu.memref_slice %arg2[%mul3A_549] : memref<16777216xf32, #tpu.memory_space<hbm>> -> memref<16384xf32, #tpu.memory_space<hbm>>
    tpu.wait_dma2 semaphore(%arg15 : memref<!tpu.dma_semaphore, #tpu.memory_space<semaphore_mem>>) src(%dma_wait3A_551 : memref<16384xf32, #tpu.memory_space<hbm>>) dst(%arg9 : memref<16384xf32, #tpu.memory_space<vmem>>)
    %parallel_loop3A_552 = arith.constant 0 : i32
    %parallel_loop3A_553 = arith.constant 16384 : i32
    %parallel_loop3A_554 = arith.constant 16 : i32
    scf.for %parallel_loop3A_1200 = %parallel_loop3A_552 to %parallel_loop3A_553 step %parallel_loop3A_554  : i32 {
      %parallel_loop3A_1201 = arith.index_cast %parallel_loop3A_1200 : i32 to index
      %parallel_loop3A_1202 = tpu.vector_load %arg9[%parallel_loop3A_1201] {strides = array<i32>} : memref<16384xf32, #tpu.memory_space<vmem>>, vector<16xf32>,
      %parallel_loop3A_1203 = vector.shape_cast %parallel_loop3A_1202 : vector<16xf32> to vector<16xf32>
      %parallel_loop3A_1204 = arith.index_cast %parallel_loop3A_1200 : i32 to index
      %parallel_loop3A_1205 = tpu.vector_load %arg6[%parallel_loop3A_1204] {strides = array<i32>} : memref<16384xf32, #tpu.memory_space<vmem>>, vector<16xf32>,
      %parallel_loop3A_1206 = vector.shape_cast %parallel_loop3A_1205 : vector<16xf32> to vector<16xf32>
      %parallel_loop3A_1207 = arith.addf %parallel_loop3A_1203, %parallel_loop3A_1206 : vector<16xf32>
      %parallel_loop3A_1208 = arith.index_cast %parallel_loop3A_1200 : i32 to index
      %parallel_loop3A_1209 = tpu.vector_load %arg9[%parallel_loop3A_1208] {strides = array<i32>} : memref<16384xf32, #tpu.memory_space<vmem>>, vector<16xf32>,
      %parallel_loop3A_1210 = vector.shape_cast %parallel_loop3A_1209 : vector<16xf32> to vector<16xf32>
      %parallel_loop3A_1211 = vector.shape_cast %parallel_loop3A_1207 : vector<16xf32> to vector<16xf32>
      tpu.vector_store %arg9[%parallel_loop3A_1208], %parallel_loop3A_1211 {strides = array<i32>} : memref<16384xf32, #tpu.memory_space<vmem>>, vector<16xf32>,
    } {sc.loop_unroll_factor = 8 : i64, sc.parallel_access}
    %add3A_555 = arith.constant 48 : i32
    %add3A_556 = arith.addi %mul3A_2, %add3A_555 : i32
    %add3A_557 = arith.constant 8192 : i32
    %add3A_558 = arith.addi %add3A_557, %add3A_556 : i32
    %mul3A_559 = arith.constant 1024 : i32
    %mul3A_560 = arith.muli %add3A_558, %mul3A_559 : i32
    %dma_start3A_561 = tpu.memref_slice %arg4[%mul3A_560] : memref<16777216xf32, #tpu.memory_space<hbm>> -> memref<16384xf32, #tpu.memory_space<hbm>>
    %dma_start3A_562 = tpu.memref_slice %arg4[%mul3A_560] : memref<16777216xf32, #tpu.memory_space<hbm>> -> memref<16384xf32, #tpu.memory_space<hbm>>
    tpu.enqueue_dma source(%arg9 : memref<16384xf32, #tpu.memory_space<vmem>>) target(%dma_start3A_562 : memref<16384xf32, #tpu.memory_space<hbm>>) target_semaphore(%arg19 : memref<!tpu.dma_semaphore, #tpu.memory_space<semaphore_mem>>)
    %add3A_563 = arith.constant 48 : i32
    %add3A_564 = arith.addi %mul3A_2, %add3A_563 : i32
    %add3A_565 = arith.constant 0 : i32
    %add3A_566 = arith.addi %add3A_565, %add3A_564 : i32
    %mul3A_567 = arith.constant 1024 : i32
    %mul3A_568 = arith.muli %add3A_566, %mul3A_567 : i32
    %dma_wait3A_569 = tpu.memref_slice %arg4[%mul3A_568] : memref<16777216xf32, #tpu.memory_space<hbm>> -> memref<16384xf32, #tpu.memory_space<hbm>>
    %dma_wait3A_570 = tpu.memref_slice %arg4[%mul3A_568] : memref<16777216xf32, #tpu.memory_space<hbm>> -> memref<16384xf32, #tpu.memory_space<hbm>>
    tpu.wait_dma2 semaphore(%arg17 : memref<!tpu.dma_semaphore, #tpu.memory_space<semaphore_mem>>) src(%arg7 : memref<16384xf32, #tpu.memory_space<vmem>>) dst(%dma_wait3A_570 : memref<16384xf32, #tpu.memory_space<hbm>>)
    %add3A_571 = arith.constant 64 : i32
    %add3A_572 = arith.addi %mul3A_2, %add3A_571 : i32
    %add3A_573 = arith.constant 0 : i32
    %add3A_574 = arith.addi %add3A_573, %add3A_572 : i32
    %mul3A_575 = arith.constant 1024 : i32
    %mul3A_576 = arith.muli %add3A_574, %mul3A_575 : i32
    %dma_start3A_577 = tpu.memref_slice %arg2[%mul3A_576] : memref<16777216xf32, #tpu.memory_space<hbm>> -> memref<16384xf32, #tpu.memory_space<hbm>>
    %dma_start3A_578 = tpu.memref_slice %arg2[%mul3A_576] : memref<16777216xf32, #tpu.memory_space<hbm>> -> memref<16384xf32, #tpu.memory_space<hbm>>
    tpu.enqueue_dma source(%dma_start3A_578 : memref<16384xf32, #tpu.memory_space<hbm>>) target(%arg7 : memref<16384xf32, #tpu.memory_space<vmem>>) target_semaphore(%arg13 : memref<!tpu.dma_semaphore, #tpu.memory_space<semaphore_mem>>)
    %add3A_579 = arith.constant 48 : i32
    %add3A_580 = arith.addi %mul3A_2, %add3A_579 : i32
    %add3A_581 = arith.constant 12288 : i32
    %add3A_582 = arith.addi %add3A_581, %add3A_580 : i32
    %mul3A_583 = arith.constant 1024 : i32
    %mul3A_584 = arith.muli %add3A_582, %mul3A_583 : i32
    %dma_wait3A_585 = tpu.memref_slice %arg2[%mul3A_584] : memref<16777216xf32, #tpu.memory_space<hbm>> -> memref<16384xf32, #tpu.memory_space<hbm>>
    %dma_wait3A_586 = tpu.memref_slice %arg2[%mul3A_584] : memref<16777216xf32, #tpu.memory_space<hbm>> -> memref<16384xf32, #tpu.memory_space<hbm>>
    tpu.wait_dma2 semaphore(%arg16 : memref<!tpu.dma_semaphore, #tpu.memory_space<semaphore_mem>>) src(%dma_wait3A_586 : memref<16384xf32, #tpu.memory_space<hbm>>) dst(%arg10 : memref<16384xf32, #tpu.memory_space<vmem>>)
    %parallel_loop3A_587 = arith.constant 0 : i32
    %parallel_loop3A_588 = arith.constant 16384 : i32
    %parallel_loop3A_589 = arith.constant 16 : i32
    scf.for %parallel_loop3A_1200 = %parallel_loop3A_587 to %parallel_loop3A_588 step %parallel_loop3A_589  : i32 {
      %parallel_loop3A_1201 = arith.index_cast %parallel_loop3A_1200 : i32 to index
      %parallel_loop3A_1202 = tpu.vector_load %arg10[%parallel_loop3A_1201] {strides = array<i32>} : memref<16384xf32, #tpu.memory_space<vmem>>, vector<16xf32>,
      %parallel_loop3A_1203 = vector.shape_cast %parallel_loop3A_1202 : vector<16xf32> to vector<16xf32>
      %parallel_loop3A_1204 = arith.index_cast %parallel_loop3A_1200 : i32 to index
      %parallel_loop3A_1205 = tpu.vector_load %arg6[%parallel_loop3A_1204] {strides = array<i32>} : memref<16384xf32, #tpu.memory_space<vmem>>, vector<16xf32>,
      %parallel_loop3A_1206 = vector.shape_cast %parallel_loop3A_1205 : vector<16xf32> to vector<16xf32>
      %parallel_loop3A_1207 = arith.addf %parallel_loop3A_1203, %parallel_loop3A_1206 : vector<16xf32>
      %parallel_loop3A_1208 = arith.index_cast %parallel_loop3A_1200 : i32 to index
      %parallel_loop3A_1209 = tpu.vector_load %arg10[%parallel_loop3A_1208] {strides = array<i32>} : memref<16384xf32, #tpu.memory_space<vmem>>, vector<16xf32>,
      %parallel_loop3A_1210 = vector.shape_cast %parallel_loop3A_1209 : vector<16xf32> to vector<16xf32>
      %parallel_loop3A_1211 = vector.shape_cast %parallel_loop3A_1207 : vector<16xf32> to vector<16xf32>
      tpu.vector_store %arg10[%parallel_loop3A_1208], %parallel_loop3A_1211 {strides = array<i32>} : memref<16384xf32, #tpu.memory_space<vmem>>, vector<16xf32>,
    } {sc.loop_unroll_factor = 8 : i64, sc.parallel_access}
    %add3A_590 = arith.constant 48 : i32
    %add3A_591 = arith.addi %mul3A_2, %add3A_590 : i32
    %add3A_592 = arith.constant 12288 : i32
    %add3A_593 = arith.addi %add3A_592, %add3A_591 : i32
    %mul3A_594 = arith.constant 1024 : i32
    %mul3A_595 = arith.muli %add3A_593, %mul3A_594 : i32
    %dma_start3A_596 = tpu.memref_slice %arg4[%mul3A_595] : memref<16777216xf32, #tpu.memory_space<hbm>> -> memref<16384xf32, #tpu.memory_space<hbm>>
    %dma_start3A_597 = tpu.memref_slice %arg4[%mul3A_595] : memref<16777216xf32, #tpu.memory_space<hbm>> -> memref<16384xf32, #tpu.memory_space<hbm>>
    tpu.enqueue_dma source(%arg10 : memref<16384xf32, #tpu.memory_space<vmem>>) target(%dma_start3A_597 : memref<16384xf32, #tpu.memory_space<hbm>>) target_semaphore(%arg20 : memref<!tpu.dma_semaphore, #tpu.memory_space<semaphore_mem>>)
    %add3A_598 = arith.constant 80 : i32
    %add3A_599 = arith.addi %mul3A_2, %add3A_598 : i32
    %mul3A_600 = arith.constant 1024 : i32
    %mul3A_601 = arith.muli %add3A_599, %mul3A_600 : i32
    %dma_start3A_602 = tpu.memref_slice %arg3[%mul3A_601] : memref<8388608xf32, #tpu.memory_space<hbm>> -> memref<16384xf32, #tpu.memory_space<hbm>>
    %dma_start3A_603 = tpu.memref_slice %arg3[%mul3A_601] : memref<8388608xf32, #tpu.memory_space<hbm>> -> memref<16384xf32, #tpu.memory_space<hbm>>
    tpu.enqueue_dma source(%dma_start3A_603 : memref<16384xf32, #tpu.memory_space<hbm>>) target(%arg6 : memref<16384xf32, #tpu.memory_space<vmem>>) target_semaphore(%arg12 : memref<!tpu.dma_semaphore, #tpu.memory_space<semaphore_mem>>)
    %add3A_604 = arith.constant 48 : i32
    %add3A_605 = arith.addi %mul3A_2, %add3A_604 : i32
    %add3A_606 = arith.constant 4096 : i32
    %add3A_607 = arith.addi %add3A_606, %add3A_605 : i32
    %mul3A_608 = arith.constant 1024 : i32
    %mul3A_609 = arith.muli %add3A_607, %mul3A_608 : i32
    %dma_wait3A_610 = tpu.memref_slice %arg4[%mul3A_609] : memref<16777216xf32, #tpu.memory_space<hbm>> -> memref<16384xf32, #tpu.memory_space<hbm>>
    %dma_wait3A_611 = tpu.memref_slice %arg4[%mul3A_609] : memref<16777216xf32, #tpu.memory_space<hbm>> -> memref<16384xf32, #tpu.memory_space<hbm>>
    tpu.wait_dma2 semaphore(%arg18 : memref<!tpu.dma_semaphore, #tpu.memory_space<semaphore_mem>>) src(%arg8 : memref<16384xf32, #tpu.memory_space<vmem>>) dst(%dma_wait3A_611 : memref<16384xf32, #tpu.memory_space<hbm>>)
    %add3A_612 = arith.constant 64 : i32
    %add3A_613 = arith.addi %mul3A_2, %add3A_612 : i32
    %add3A_614 = arith.constant 4096 : i32
    %add3A_615 = arith.addi %add3A_614, %add3A_613 : i32
    %mul3A_616 = arith.constant 1024 : i32
    %mul3A_617 = arith.muli %add3A_615, %mul3A_616 : i32
    %dma_start3A_618 = tpu.memref_slice %arg2[%mul3A_617] : memref<16777216xf32, #tpu.memory_space<hbm>> -> memref<16384xf32, #tpu.memory_space<hbm>>
    %dma_start3A_619 = tpu.memref_slice %arg2[%mul3A_617] : memref<16777216xf32, #tpu.memory_space<hbm>> -> memref<16384xf32, #tpu.memory_space<hbm>>
    tpu.enqueue_dma source(%dma_start3A_619 : memref<16384xf32, #tpu.memory_space<hbm>>) target(%arg8 : memref<16384xf32, #tpu.memory_space<vmem>>) target_semaphore(%arg14 : memref<!tpu.dma_semaphore, #tpu.memory_space<semaphore_mem>>)
    %add3A_620 = arith.constant 64 : i32
    %add3A_621 = arith.addi %mul3A_2, %add3A_620 : i32
    %mul3A_622 = arith.constant 1024 : i32
    %mul3A_623 = arith.muli %add3A_621, %mul3A_622 : i32
    %dma_wait3A_624 = tpu.memref_slice %arg3[%mul3A_623] : memref<8388608xf32, #tpu.memory_space<hbm>> -> memref<16384xf32, #tpu.memory_space<hbm>>
    %dma_wait3A_625 = tpu.memref_slice %arg3[%mul3A_623] : memref<8388608xf32, #tpu.memory_space<hbm>> -> memref<16384xf32, #tpu.memory_space<hbm>>
    tpu.wait_dma2 semaphore(%arg11 : memref<!tpu.dma_semaphore, #tpu.memory_space<semaphore_mem>>) src(%dma_wait3A_625 : memref<16384xf32, #tpu.memory_space<hbm>>) dst(%arg5 : memref<16384xf32, #tpu.memory_space<vmem>>)
    %add3A_626 = arith.constant 64 : i32
    %add3A_627 = arith.addi %mul3A_2, %add3A_626 : i32
    %add3A_628 = arith.constant 0 : i32
    %add3A_629 = arith.addi %add3A_628, %add3A_627 : i32
    %mul3A_630 = arith.constant 1024 : i32
    %mul3A_631 = arith.muli %add3A_629, %mul3A_630 : i32
    %dma_wait3A_632 = tpu.memref_slice %arg2[%mul3A_631] : memref<16777216xf32, #tpu.memory_space<hbm>> -> memref<16384xf32, #tpu.memory_space<hbm>>
    %dma_wait3A_633 = tpu.memref_slice %arg2[%mul3A_631] : memref<16777216xf32, #tpu.memory_space<hbm>> -> memref<16384xf32, #tpu.memory_space<hbm>>
    tpu.wait_dma2 semaphore(%arg13 : memref<!tpu.dma_semaphore, #tpu.memory_space<semaphore_mem>>) src(%dma_wait3A_633 : memref<16384xf32, #tpu.memory_space<hbm>>) dst(%arg7 : memref<16384xf32, #tpu.memory_space<vmem>>)
    %parallel_loop3A_634 = arith.constant 0 : i32
    %parallel_loop3A_635 = arith.constant 16384 : i32
    %parallel_loop3A_636 = arith.constant 16 : i32
    scf.for %parallel_loop3A_1200 = %parallel_loop3A_634 to %parallel_loop3A_635 step %parallel_loop3A_636  : i32 {
      %parallel_loop3A_1201 = arith.index_cast %parallel_loop3A_1200 : i32 to index
      %parallel_loop3A_1202 = tpu.vector_load %arg7[%parallel_loop3A_1201] {strides = array<i32>} : memref<16384xf32, #tpu.memory_space<vmem>>, vector<16xf32>,
      %parallel_loop3A_1203 = vector.shape_cast %parallel_loop3A_1202 : vector<16xf32> to vector<16xf32>
      %parallel_loop3A_1204 = arith.index_cast %parallel_loop3A_1200 : i32 to index
      %parallel_loop3A_1205 = tpu.vector_load %arg5[%parallel_loop3A_1204] {strides = array<i32>} : memref<16384xf32, #tpu.memory_space<vmem>>, vector<16xf32>,
      %parallel_loop3A_1206 = vector.shape_cast %parallel_loop3A_1205 : vector<16xf32> to vector<16xf32>
      %parallel_loop3A_1207 = arith.addf %parallel_loop3A_1203, %parallel_loop3A_1206 : vector<16xf32>
      %parallel_loop3A_1208 = arith.index_cast %parallel_loop3A_1200 : i32 to index
      %parallel_loop3A_1209 = tpu.vector_load %arg7[%parallel_loop3A_1208] {strides = array<i32>} : memref<16384xf32, #tpu.memory_space<vmem>>, vector<16xf32>,
      %parallel_loop3A_1210 = vector.shape_cast %parallel_loop3A_1209 : vector<16xf32> to vector<16xf32>
      %parallel_loop3A_1211 = vector.shape_cast %parallel_loop3A_1207 : vector<16xf32> to vector<16xf32>
      tpu.vector_store %arg7[%parallel_loop3A_1208], %parallel_loop3A_1211 {strides = array<i32>} : memref<16384xf32, #tpu.memory_space<vmem>>, vector<16xf32>,
    } {sc.loop_unroll_factor = 8 : i64, sc.parallel_access}
    %add3A_637 = arith.constant 64 : i32
    %add3A_638 = arith.addi %mul3A_2, %add3A_637 : i32
    %add3A_639 = arith.constant 0 : i32
    %add3A_640 = arith.addi %add3A_639, %add3A_638 : i32
    %mul3A_641 = arith.constant 1024 : i32
    %mul3A_642 = arith.muli %add3A_640, %mul3A_641 : i32
    %dma_start3A_643 = tpu.memref_slice %arg4[%mul3A_642] : memref<16777216xf32, #tpu.memory_space<hbm>> -> memref<16384xf32, #tpu.memory_space<hbm>>
    %dma_start3A_644 = tpu.memref_slice %arg4[%mul3A_642] : memref<16777216xf32, #tpu.memory_space<hbm>> -> memref<16384xf32, #tpu.memory_space<hbm>>
    tpu.enqueue_dma source(%arg7 : memref<16384xf32, #tpu.memory_space<vmem>>) target(%dma_start3A_644 : memref<16384xf32, #tpu.memory_space<hbm>>) target_semaphore(%arg17 : memref<!tpu.dma_semaphore, #tpu.memory_space<semaphore_mem>>)
    %add3A_645 = arith.constant 48 : i32
    %add3A_646 = arith.addi %mul3A_2, %add3A_645 : i32
    %add3A_647 = arith.constant 8192 : i32
    %add3A_648 = arith.addi %add3A_647, %add3A_646 : i32
    %mul3A_649 = arith.constant 1024 : i32
    %mul3A_650 = arith.muli %add3A_648, %mul3A_649 : i32
    %dma_wait3A_651 = tpu.memref_slice %arg4[%mul3A_650] : memref<16777216xf32, #tpu.memory_space<hbm>> -> memref<16384xf32, #tpu.memory_space<hbm>>
    %dma_wait3A_652 = tpu.memref_slice %arg4[%mul3A_650] : memref<16777216xf32, #tpu.memory_space<hbm>> -> memref<16384xf32, #tpu.memory_space<hbm>>
    tpu.wait_dma2 semaphore(%arg19 : memref<!tpu.dma_semaphore, #tpu.memory_space<semaphore_mem>>) src(%arg9 : memref<16384xf32, #tpu.memory_space<vmem>>) dst(%dma_wait3A_652 : memref<16384xf32, #tpu.memory_space<hbm>>)
    %add3A_653 = arith.constant 64 : i32
    %add3A_654 = arith.addi %mul3A_2, %add3A_653 : i32
    %add3A_655 = arith.constant 8192 : i32
    %add3A_656 = arith.addi %add3A_655, %add3A_654 : i32
    %mul3A_657 = arith.constant 1024 : i32
    %mul3A_658 = arith.muli %add3A_656, %mul3A_657 : i32
    %dma_start3A_659 = tpu.memref_slice %arg2[%mul3A_658] : memref<16777216xf32, #tpu.memory_space<hbm>> -> memref<16384xf32, #tpu.memory_space<hbm>>
    %dma_start3A_660 = tpu.memref_slice %arg2[%mul3A_658] : memref<16777216xf32, #tpu.memory_space<hbm>> -> memref<16384xf32, #tpu.memory_space<hbm>>
    tpu.enqueue_dma source(%dma_start3A_660 : memref<16384xf32, #tpu.memory_space<hbm>>) target(%arg9 : memref<16384xf32, #tpu.memory_space<vmem>>) target_semaphore(%arg15 : memref<!tpu.dma_semaphore, #tpu.memory_space<semaphore_mem>>)
    %add3A_661 = arith.constant 64 : i32
    %add3A_662 = arith.addi %mul3A_2, %add3A_661 : i32
    %add3A_663 = arith.constant 4096 : i32
    %add3A_664 = arith.addi %add3A_663, %add3A_662 : i32
    %mul3A_665 = arith.constant 1024 : i32
    %mul3A_666 = arith.muli %add3A_664, %mul3A_665 : i32
    %dma_wait3A_667 = tpu.memref_slice %arg2[%mul3A_666] : memref<16777216xf32, #tpu.memory_space<hbm>> -> memref<16384xf32, #tpu.memory_space<hbm>>
    %dma_wait3A_668 = tpu.memref_slice %arg2[%mul3A_666] : memref<16777216xf32, #tpu.memory_space<hbm>> -> memref<16384xf32, #tpu.memory_space<hbm>>
    tpu.wait_dma2 semaphore(%arg14 : memref<!tpu.dma_semaphore, #tpu.memory_space<semaphore_mem>>) src(%dma_wait3A_668 : memref<16384xf32, #tpu.memory_space<hbm>>) dst(%arg8 : memref<16384xf32, #tpu.memory_space<vmem>>)
    %parallel_loop3A_669 = arith.constant 0 : i32
    %parallel_loop3A_670 = arith.constant 16384 : i32
    %parallel_loop3A_671 = arith.constant 16 : i32
    scf.for %parallel_loop3A_1200 = %parallel_loop3A_669 to %parallel_loop3A_670 step %parallel_loop3A_671  : i32 {
      %parallel_loop3A_1201 = arith.index_cast %parallel_loop3A_1200 : i32 to index
      %parallel_loop3A_1202 = tpu.vector_load %arg8[%parallel_loop3A_1201] {strides = array<i32>} : memref<16384xf32, #tpu.memory_space<vmem>>, vector<16xf32>,
      %parallel_loop3A_1203 = vector.shape_cast %parallel_loop3A_1202 : vector<16xf32> to vector<16xf32>
      %parallel_loop3A_1204 = arith.index_cast %parallel_loop3A_1200 : i32 to index
      %parallel_loop3A_1205 = tpu.vector_load %arg5[%parallel_loop3A_1204] {strides = array<i32>} : memref<16384xf32, #tpu.memory_space<vmem>>, vector<16xf32>,
      %parallel_loop3A_1206 = vector.shape_cast %parallel_loop3A_1205 : vector<16xf32> to vector<16xf32>
      %parallel_loop3A_1207 = arith.addf %parallel_loop3A_1203, %parallel_loop3A_1206 : vector<16xf32>
      %parallel_loop3A_1208 = arith.index_cast %parallel_loop3A_1200 : i32 to index
      %parallel_loop3A_1209 = tpu.vector_load %arg8[%parallel_loop3A_1208] {strides = array<i32>} : memref<16384xf32, #tpu.memory_space<vmem>>, vector<16xf32>,
      %parallel_loop3A_1210 = vector.shape_cast %parallel_loop3A_1209 : vector<16xf32> to vector<16xf32>
      %parallel_loop3A_1211 = vector.shape_cast %parallel_loop3A_1207 : vector<16xf32> to vector<16xf32>
      tpu.vector_store %arg8[%parallel_loop3A_1208], %parallel_loop3A_1211 {strides = array<i32>} : memref<16384xf32, #tpu.memory_space<vmem>>, vector<16xf32>,
    } {sc.loop_unroll_factor = 8 : i64, sc.parallel_access}
    %add3A_672 = arith.constant 64 : i32
    %add3A_673 = arith.addi %mul3A_2, %add3A_672 : i32
    %add3A_674 = arith.constant 4096 : i32
    %add3A_675 = arith.addi %add3A_674, %add3A_673 : i32
    %mul3A_676 = arith.constant 1024 : i32
    %mul3A_677 = arith.muli %add3A_675, %mul3A_676 : i32
    %dma_start3A_678 = tpu.memref_slice %arg4[%mul3A_677] : memref<16777216xf32, #tpu.memory_space<hbm>> -> memref<16384xf32, #tpu.memory_space<hbm>>
    %dma_start3A_679 = tpu.memref_slice %arg4[%mul3A_677] : memref<16777216xf32, #tpu.memory_space<hbm>> -> memref<16384xf32, #tpu.memory_space<hbm>>
    tpu.enqueue_dma source(%arg8 : memref<16384xf32, #tpu.memory_space<vmem>>) target(%dma_start3A_679 : memref<16384xf32, #tpu.memory_space<hbm>>) target_semaphore(%arg18 : memref<!tpu.dma_semaphore, #tpu.memory_space<semaphore_mem>>)
    %add3A_680 = arith.constant 48 : i32
    %add3A_681 = arith.addi %mul3A_2, %add3A_680 : i32
    %add3A_682 = arith.constant 12288 : i32
    %add3A_683 = arith.addi %add3A_682, %add3A_681 : i32
    %mul3A_684 = arith.constant 1024 : i32
    %mul3A_685 = arith.muli %add3A_683, %mul3A_684 : i32
    %dma_wait3A_686 = tpu.memref_slice %arg4[%mul3A_685] : memref<16777216xf32, #tpu.memory_space<hbm>> -> memref<16384xf32, #tpu.memory_space<hbm>>
    %dma_wait3A_687 = tpu.memref_slice %arg4[%mul3A_685] : memref<16777216xf32, #tpu.memory_space<hbm>> -> memref<16384xf32, #tpu.memory_space<hbm>>
    tpu.wait_dma2 semaphore(%arg20 : memref<!tpu.dma_semaphore, #tpu.memory_space<semaphore_mem>>) src(%arg10 : memref<16384xf32, #tpu.memory_space<vmem>>) dst(%dma_wait3A_687 : memref<16384xf32, #tpu.memory_space<hbm>>)
    %add3A_688 = arith.constant 64 : i32
    %add3A_689 = arith.addi %mul3A_2, %add3A_688 : i32
    %add3A_690 = arith.constant 12288 : i32
    %add3A_691 = arith.addi %add3A_690, %add3A_689 : i32
    %mul3A_692 = arith.constant 1024 : i32
    %mul3A_693 = arith.muli %add3A_691, %mul3A_692 : i32
    %dma_start3A_694 = tpu.memref_slice %arg2[%mul3A_693] : memref<16777216xf32, #tpu.memory_space<hbm>> -> memref<16384xf32, #tpu.memory_space<hbm>>
    %dma_start3A_695 = tpu.memref_slice %arg2[%mul3A_693] : memref<16777216xf32, #tpu.memory_space<hbm>> -> memref<16384xf32, #tpu.memory_space<hbm>>
    tpu.enqueue_dma source(%dma_start3A_695 : memref<16384xf32, #tpu.memory_space<hbm>>) target(%arg10 : memref<16384xf32, #tpu.memory_space<vmem>>) target_semaphore(%arg16 : memref<!tpu.dma_semaphore, #tpu.memory_space<semaphore_mem>>)
    %add3A_696 = arith.constant 64 : i32
    %add3A_697 = arith.addi %mul3A_2, %add3A_696 : i32
    %add3A_698 = arith.constant 8192 : i32
    %add3A_699 = arith.addi %add3A_698, %add3A_697 : i32
    %mul3A_700 = arith.constant 1024 : i32
    %mul3A_701 = arith.muli %add3A_699, %mul3A_700 : i32
    %dma_wait3A_702 = tpu.memref_slice %arg2[%mul3A_701] : memref<16777216xf32, #tpu.memory_space<hbm>> -> memref<16384xf32, #tpu.memory_space<hbm>>
    %dma_wait3A_703 = tpu.memref_slice %arg2[%mul3A_701] : memref<16777216xf32, #tpu.memory_space<hbm>> -> memref<16384xf32, #tpu.memory_space<hbm>>
    tpu.wait_dma2 semaphore(%arg15 : memref<!tpu.dma_semaphore, #tpu.memory_space<semaphore_mem>>) src(%dma_wait3A_703 : memref<16384xf32, #tpu.memory_space<hbm>>) dst(%arg9 : memref<16384xf32, #tpu.memory_space<vmem>>)
    %parallel_loop3A_704 = arith.constant 0 : i32
    %parallel_loop3A_705 = arith.constant 16384 : i32
    %parallel_loop3A_706 = arith.constant 16 : i32
    scf.for %parallel_loop3A_1200 = %parallel_loop3A_704 to %parallel_loop3A_705 step %parallel_loop3A_706  : i32 {
      %parallel_loop3A_1201 = arith.index_cast %parallel_loop3A_1200 : i32 to index
      %parallel_loop3A_1202 = tpu.vector_load %arg9[%parallel_loop3A_1201] {strides = array<i32>} : memref<16384xf32, #tpu.memory_space<vmem>>, vector<16xf32>,
      %parallel_loop3A_1203 = vector.shape_cast %parallel_loop3A_1202 : vector<16xf32> to vector<16xf32>
      %parallel_loop3A_1204 = arith.index_cast %parallel_loop3A_1200 : i32 to index
      %parallel_loop3A_1205 = tpu.vector_load %arg5[%parallel_loop3A_1204] {strides = array<i32>} : memref<16384xf32, #tpu.memory_space<vmem>>, vector<16xf32>,
      %parallel_loop3A_1206 = vector.shape_cast %parallel_loop3A_1205 : vector<16xf32> to vector<16xf32>
      %parallel_loop3A_1207 = arith.addf %parallel_loop3A_1203, %parallel_loop3A_1206 : vector<16xf32>
      %parallel_loop3A_1208 = arith.index_cast %parallel_loop3A_1200 : i32 to index
      %parallel_loop3A_1209 = tpu.vector_load %arg9[%parallel_loop3A_1208] {strides = array<i32>} : memref<16384xf32, #tpu.memory_space<vmem>>, vector<16xf32>,
      %parallel_loop3A_1210 = vector.shape_cast %parallel_loop3A_1209 : vector<16xf32> to vector<16xf32>
      %parallel_loop3A_1211 = vector.shape_cast %parallel_loop3A_1207 : vector<16xf32> to vector<16xf32>
      tpu.vector_store %arg9[%parallel_loop3A_1208], %parallel_loop3A_1211 {strides = array<i32>} : memref<16384xf32, #tpu.memory_space<vmem>>, vector<16xf32>,
    } {sc.loop_unroll_factor = 8 : i64, sc.parallel_access}
    %add3A_707 = arith.constant 64 : i32
    %add3A_708 = arith.addi %mul3A_2, %add3A_707 : i32
    %add3A_709 = arith.constant 8192 : i32
    %add3A_710 = arith.addi %add3A_709, %add3A_708 : i32
    %mul3A_711 = arith.constant 1024 : i32
    %mul3A_712 = arith.muli %add3A_710, %mul3A_711 : i32
    %dma_start3A_713 = tpu.memref_slice %arg4[%mul3A_712] : memref<16777216xf32, #tpu.memory_space<hbm>> -> memref<16384xf32, #tpu.memory_space<hbm>>
    %dma_start3A_714 = tpu.memref_slice %arg4[%mul3A_712] : memref<16777216xf32, #tpu.memory_space<hbm>> -> memref<16384xf32, #tpu.memory_space<hbm>>
    tpu.enqueue_dma source(%arg9 : memref<16384xf32, #tpu.memory_space<vmem>>) target(%dma_start3A_714 : memref<16384xf32, #tpu.memory_space<hbm>>) target_semaphore(%arg19 : memref<!tpu.dma_semaphore, #tpu.memory_space<semaphore_mem>>)
    %add3A_715 = arith.constant 64 : i32
    %add3A_716 = arith.addi %mul3A_2, %add3A_715 : i32
    %add3A_717 = arith.constant 0 : i32
    %add3A_718 = arith.addi %add3A_717, %add3A_716 : i32
    %mul3A_719 = arith.constant 1024 : i32
    %mul3A_720 = arith.muli %add3A_718, %mul3A_719 : i32
    %dma_wait3A_721 = tpu.memref_slice %arg4[%mul3A_720] : memref<16777216xf32, #tpu.memory_space<hbm>> -> memref<16384xf32, #tpu.memory_space<hbm>>
    %dma_wait3A_722 = tpu.memref_slice %arg4[%mul3A_720] : memref<16777216xf32, #tpu.memory_space<hbm>> -> memref<16384xf32, #tpu.memory_space<hbm>>
    tpu.wait_dma2 semaphore(%arg17 : memref<!tpu.dma_semaphore, #tpu.memory_space<semaphore_mem>>) src(%arg7 : memref<16384xf32, #tpu.memory_space<vmem>>) dst(%dma_wait3A_722 : memref<16384xf32, #tpu.memory_space<hbm>>)
    %add3A_723 = arith.constant 80 : i32
    %add3A_724 = arith.addi %mul3A_2, %add3A_723 : i32
    %add3A_725 = arith.constant 0 : i32
    %add3A_726 = arith.addi %add3A_725, %add3A_724 : i32
    %mul3A_727 = arith.constant 1024 : i32
    %mul3A_728 = arith.muli %add3A_726, %mul3A_727 : i32
    %dma_start3A_729 = tpu.memref_slice %arg2[%mul3A_728] : memref<16777216xf32, #tpu.memory_space<hbm>> -> memref<16384xf32, #tpu.memory_space<hbm>>
    %dma_start3A_730 = tpu.memref_slice %arg2[%mul3A_728] : memref<16777216xf32, #tpu.memory_space<hbm>> -> memref<16384xf32, #tpu.memory_space<hbm>>
    tpu.enqueue_dma source(%dma_start3A_730 : memref<16384xf32, #tpu.memory_space<hbm>>) target(%arg7 : memref<16384xf32, #tpu.memory_space<vmem>>) target_semaphore(%arg13 : memref<!tpu.dma_semaphore, #tpu.memory_space<semaphore_mem>>)
    %add3A_731 = arith.constant 64 : i32
    %add3A_732 = arith.addi %mul3A_2, %add3A_731 : i32
    %add3A_733 = arith.constant 12288 : i32
    %add3A_734 = arith.addi %add3A_733, %add3A_732 : i32
    %mul3A_735 = arith.constant 1024 : i32
    %mul3A_736 = arith.muli %add3A_734, %mul3A_735 : i32
    %dma_wait3A_737 = tpu.memref_slice %arg2[%mul3A_736] : memref<16777216xf32, #tpu.memory_space<hbm>> -> memref<16384xf32, #tpu.memory_space<hbm>>
    %dma_wait3A_738 = tpu.memref_slice %arg2[%mul3A_736] : memref<16777216xf32, #tpu.memory_space<hbm>> -> memref<16384xf32, #tpu.memory_space<hbm>>
    tpu.wait_dma2 semaphore(%arg16 : memref<!tpu.dma_semaphore, #tpu.memory_space<semaphore_mem>>) src(%dma_wait3A_738 : memref<16384xf32, #tpu.memory_space<hbm>>) dst(%arg10 : memref<16384xf32, #tpu.memory_space<vmem>>)
    %parallel_loop3A_739 = arith.constant 0 : i32
    %parallel_loop3A_740 = arith.constant 16384 : i32
    %parallel_loop3A_741 = arith.constant 16 : i32
    scf.for %parallel_loop3A_1200 = %parallel_loop3A_739 to %parallel_loop3A_740 step %parallel_loop3A_741  : i32 {
      %parallel_loop3A_1201 = arith.index_cast %parallel_loop3A_1200 : i32 to index
      %parallel_loop3A_1202 = tpu.vector_load %arg10[%parallel_loop3A_1201] {strides = array<i32>} : memref<16384xf32, #tpu.memory_space<vmem>>, vector<16xf32>,
      %parallel_loop3A_1203 = vector.shape_cast %parallel_loop3A_1202 : vector<16xf32> to vector<16xf32>
      %parallel_loop3A_1204 = arith.index_cast %parallel_loop3A_1200 : i32 to index
      %parallel_loop3A_1205 = tpu.vector_load %arg5[%parallel_loop3A_1204] {strides = array<i32>} : memref<16384xf32, #tpu.memory_space<vmem>>, vector<16xf32>,
      %parallel_loop3A_1206 = vector.shape_cast %parallel_loop3A_1205 : vector<16xf32> to vector<16xf32>
      %parallel_loop3A_1207 = arith.addf %parallel_loop3A_1203, %parallel_loop3A_1206 : vector<16xf32>
      %parallel_loop3A_1208 = arith.index_cast %parallel_loop3A_1200 : i32 to index
      %parallel_loop3A_1209 = tpu.vector_load %arg10[%parallel_loop3A_1208] {strides = array<i32>} : memref<16384xf32, #tpu.memory_space<vmem>>, vector<16xf32>,
      %parallel_loop3A_1210 = vector.shape_cast %parallel_loop3A_1209 : vector<16xf32> to vector<16xf32>
      %parallel_loop3A_1211 = vector.shape_cast %parallel_loop3A_1207 : vector<16xf32> to vector<16xf32>
      tpu.vector_store %arg10[%parallel_loop3A_1208], %parallel_loop3A_1211 {strides = array<i32>} : memref<16384xf32, #tpu.memory_space<vmem>>, vector<16xf32>,
    } {sc.loop_unroll_factor = 8 : i64, sc.parallel_access}
    %add3A_742 = arith.constant 64 : i32
    %add3A_743 = arith.addi %mul3A_2, %add3A_742 : i32
    %add3A_744 = arith.constant 12288 : i32
    %add3A_745 = arith.addi %add3A_744, %add3A_743 : i32
    %mul3A_746 = arith.constant 1024 : i32
    %mul3A_747 = arith.muli %add3A_745, %mul3A_746 : i32
    %dma_start3A_748 = tpu.memref_slice %arg4[%mul3A_747] : memref<16777216xf32, #tpu.memory_space<hbm>> -> memref<16384xf32, #tpu.memory_space<hbm>>
    %dma_start3A_749 = tpu.memref_slice %arg4[%mul3A_747] : memref<16777216xf32, #tpu.memory_space<hbm>> -> memref<16384xf32, #tpu.memory_space<hbm>>
    tpu.enqueue_dma source(%arg10 : memref<16384xf32, #tpu.memory_space<vmem>>) target(%dma_start3A_749 : memref<16384xf32, #tpu.memory_space<hbm>>) target_semaphore(%arg20 : memref<!tpu.dma_semaphore, #tpu.memory_space<semaphore_mem>>)
    %add3A_750 = arith.constant 96 : i32
    %add3A_751 = arith.addi %mul3A_2, %add3A_750 : i32
    %mul3A_752 = arith.constant 1024 : i32
    %mul3A_753 = arith.muli %add3A_751, %mul3A_752 : i32
    %dma_start3A_754 = tpu.memref_slice %arg3[%mul3A_753] : memref<8388608xf32, #tpu.memory_space<hbm>> -> memref<16384xf32, #tpu.memory_space<hbm>>
    %dma_start3A_755 = tpu.memref_slice %arg3[%mul3A_753] : memref<8388608xf32, #tpu.memory_space<hbm>> -> memref<16384xf32, #tpu.memory_space<hbm>>
    tpu.enqueue_dma source(%dma_start3A_755 : memref<16384xf32, #tpu.memory_space<hbm>>) target(%arg5 : memref<16384xf32, #tpu.memory_space<vmem>>) target_semaphore(%arg11 : memref<!tpu.dma_semaphore, #tpu.memory_space<semaphore_mem>>)
    %add3A_756 = arith.constant 64 : i32
    %add3A_757 = arith.addi %mul3A_2, %add3A_756 : i32
    %add3A_758 = arith.constant 4096 : i32
    %add3A_759 = arith.addi %add3A_758, %add3A_757 : i32
    %mul3A_760 = arith.constant 1024 : i32
    %mul3A_761 = arith.muli %add3A_759, %mul3A_760 : i32
    %dma_wait3A_762 = tpu.memref_slice %arg4[%mul3A_761] : memref<16777216xf32, #tpu.memory_space<hbm>> -> memref<16384xf32, #tpu.memory_space<hbm>>
    %dma_wait3A_763 = tpu.memref_slice %arg4[%mul3A_761] : memref<16777216xf32, #tpu.memory_space<hbm>> -> memref<16384xf32, #tpu.memory_space<hbm>>
    tpu.wait_dma2 semaphore(%arg18 : memref<!tpu.dma_semaphore, #tpu.memory_space<semaphore_mem>>) src(%arg8 : memref<16384xf32, #tpu.memory_space<vmem>>) dst(%dma_wait3A_763 : memref<16384xf32, #tpu.memory_space<hbm>>)
    %add3A_764 = arith.constant 80 : i32
    %add3A_765 = arith.addi %mul3A_2, %add3A_764 : i32
    %add3A_766 = arith.constant 4096 : i32
    %add3A_767 = arith.addi %add3A_766, %add3A_765 : i32
    %mul3A_768 = arith.constant 1024 : i32
    %mul3A_769 = arith.muli %add3A_767, %mul3A_768 : i32
    %dma_start3A_770 = tpu.memref_slice %arg2[%mul3A_769] : memref<16777216xf32, #tpu.memory_space<hbm>> -> memref<16384xf32, #tpu.memory_space<hbm>>
    %dma_start3A_771 = tpu.memref_slice %arg2[%mul3A_769] : memref<16777216xf32, #tpu.memory_space<hbm>> -> memref<16384xf32, #tpu.memory_space<hbm>>
    tpu.enqueue_dma source(%dma_start3A_771 : memref<16384xf32, #tpu.memory_space<hbm>>) target(%arg8 : memref<16384xf32, #tpu.memory_space<vmem>>) target_semaphore(%arg14 : memref<!tpu.dma_semaphore, #tpu.memory_space<semaphore_mem>>)
    %add3A_772 = arith.constant 80 : i32
    %add3A_773 = arith.addi %mul3A_2, %add3A_772 : i32
    %mul3A_774 = arith.constant 1024 : i32
    %mul3A_775 = arith.muli %add3A_773, %mul3A_774 : i32
    %dma_wait3A_776 = tpu.memref_slice %arg3[%mul3A_775] : memref<8388608xf32, #tpu.memory_space<hbm>> -> memref<16384xf32, #tpu.memory_space<hbm>>
    %dma_wait3A_777 = tpu.memref_slice %arg3[%mul3A_775] : memref<8388608xf32, #tpu.memory_space<hbm>> -> memref<16384xf32, #tpu.memory_space<hbm>>
    tpu.wait_dma2 semaphore(%arg12 : memref<!tpu.dma_semaphore, #tpu.memory_space<semaphore_mem>>) src(%dma_wait3A_777 : memref<16384xf32, #tpu.memory_space<hbm>>) dst(%arg6 : memref<16384xf32, #tpu.memory_space<vmem>>)
    %add3A_778 = arith.constant 80 : i32
    %add3A_779 = arith.addi %mul3A_2, %add3A_778 : i32
    %add3A_780 = arith.constant 0 : i32
    %add3A_781 = arith.addi %add3A_780, %add3A_779 : i32
    %mul3A_782 = arith.constant 1024 : i32
    %mul3A_783 = arith.muli %add3A_781, %mul3A_782 : i32
    %dma_wait3A_784 = tpu.memref_slice %arg2[%mul3A_783] : memref<16777216xf32, #tpu.memory_space<hbm>> -> memref<16384xf32, #tpu.memory_space<hbm>>
    %dma_wait3A_785 = tpu.memref_slice %arg2[%mul3A_783] : memref<16777216xf32, #tpu.memory_space<hbm>> -> memref<16384xf32, #tpu.memory_space<hbm>>
    tpu.wait_dma2 semaphore(%arg13 : memref<!tpu.dma_semaphore, #tpu.memory_space<semaphore_mem>>) src(%dma_wait3A_785 : memref<16384xf32, #tpu.memory_space<hbm>>) dst(%arg7 : memref<16384xf32, #tpu.memory_space<vmem>>)
    %parallel_loop3A_786 = arith.constant 0 : i32
    %parallel_loop3A_787 = arith.constant 16384 : i32
    %parallel_loop3A_788 = arith.constant 16 : i32
    scf.for %parallel_loop3A_1200 = %parallel_loop3A_786 to %parallel_loop3A_787 step %parallel_loop3A_788  : i32 {
      %parallel_loop3A_1201 = arith.index_cast %parallel_loop3A_1200 : i32 to index
      %parallel_loop3A_1202 = tpu.vector_load %arg7[%parallel_loop3A_1201] {strides = array<i32>} : memref<16384xf32, #tpu.memory_space<vmem>>, vector<16xf32>,
      %parallel_loop3A_1203 = vector.shape_cast %parallel_loop3A_1202 : vector<16xf32> to vector<16xf32>
      %parallel_loop3A_1204 = arith.index_cast %parallel_loop3A_1200 : i32 to index
      %parallel_loop3A_1205 = tpu.vector_load %arg6[%parallel_loop3A_1204] {strides = array<i32>} : memref<16384xf32, #tpu.memory_space<vmem>>, vector<16xf32>,
      %parallel_loop3A_1206 = vector.shape_cast %parallel_loop3A_1205 : vector<16xf32> to vector<16xf32>
      %parallel_loop3A_1207 = arith.addf %parallel_loop3A_1203, %parallel_loop3A_1206 : vector<16xf32>
      %parallel_loop3A_1208 = arith.index_cast %parallel_loop3A_1200 : i32 to index
      %parallel_loop3A_1209 = tpu.vector_load %arg7[%parallel_loop3A_1208] {strides = array<i32>} : memref<16384xf32, #tpu.memory_space<vmem>>, vector<16xf32>,
      %parallel_loop3A_1210 = vector.shape_cast %parallel_loop3A_1209 : vector<16xf32> to vector<16xf32>
      %parallel_loop3A_1211 = vector.shape_cast %parallel_loop3A_1207 : vector<16xf32> to vector<16xf32>
      tpu.vector_store %arg7[%parallel_loop3A_1208], %parallel_loop3A_1211 {strides = array<i32>} : memref<16384xf32, #tpu.memory_space<vmem>>, vector<16xf32>,
    } {sc.loop_unroll_factor = 8 : i64, sc.parallel_access}
    %add3A_789 = arith.constant 80 : i32
    %add3A_790 = arith.addi %mul3A_2, %add3A_789 : i32
    %add3A_791 = arith.constant 0 : i32
    %add3A_792 = arith.addi %add3A_791, %add3A_790 : i32
    %mul3A_793 = arith.constant 1024 : i32
    %mul3A_794 = arith.muli %add3A_792, %mul3A_793 : i32
    %dma_start3A_795 = tpu.memref_slice %arg4[%mul3A_794] : memref<16777216xf32, #tpu.memory_space<hbm>> -> memref<16384xf32, #tpu.memory_space<hbm>>
    %dma_start3A_796 = tpu.memref_slice %arg4[%mul3A_794] : memref<16777216xf32, #tpu.memory_space<hbm>> -> memref<16384xf32, #tpu.memory_space<hbm>>
    tpu.enqueue_dma source(%arg7 : memref<16384xf32, #tpu.memory_space<vmem>>) target(%dma_start3A_796 : memref<16384xf32, #tpu.memory_space<hbm>>) target_semaphore(%arg17 : memref<!tpu.dma_semaphore, #tpu.memory_space<semaphore_mem>>)
    %add3A_797 = arith.constant 64 : i32
    %add3A_798 = arith.addi %mul3A_2, %add3A_797 : i32
    %add3A_799 = arith.constant 8192 : i32
    %add3A_800 = arith.addi %add3A_799, %add3A_798 : i32
    %mul3A_801 = arith.constant 1024 : i32
    %mul3A_802 = arith.muli %add3A_800, %mul3A_801 : i32
    %dma_wait3A_803 = tpu.memref_slice %arg4[%mul3A_802] : memref<16777216xf32, #tpu.memory_space<hbm>> -> memref<16384xf32, #tpu.memory_space<hbm>>
    %dma_wait3A_804 = tpu.memref_slice %arg4[%mul3A_802] : memref<16777216xf32, #tpu.memory_space<hbm>> -> memref<16384xf32, #tpu.memory_space<hbm>>
    tpu.wait_dma2 semaphore(%arg19 : memref<!tpu.dma_semaphore, #tpu.memory_space<semaphore_mem>>) src(%arg9 : memref<16384xf32, #tpu.memory_space<vmem>>) dst(%dma_wait3A_804 : memref<16384xf32, #tpu.memory_space<hbm>>)
    %add3A_805 = arith.constant 80 : i32
    %add3A_806 = arith.addi %mul3A_2, %add3A_805 : i32
    %add3A_807 = arith.constant 8192 : i32
    %add3A_808 = arith.addi %add3A_807, %add3A_806 : i32
    %mul3A_809 = arith.constant 1024 : i32
    %mul3A_810 = arith.muli %add3A_808, %mul3A_809 : i32
    %dma_start3A_811 = tpu.memref_slice %arg2[%mul3A_810] : memref<16777216xf32, #tpu.memory_space<hbm>> -> memref<16384xf32, #tpu.memory_space<hbm>>
    %dma_start3A_812 = tpu.memref_slice %arg2[%mul3A_810] : memref<16777216xf32, #tpu.memory_space<hbm>> -> memref<16384xf32, #tpu.memory_space<hbm>>
    tpu.enqueue_dma source(%dma_start3A_812 : memref<16384xf32, #tpu.memory_space<hbm>>) target(%arg9 : memref<16384xf32, #tpu.memory_space<vmem>>) target_semaphore(%arg15 : memref<!tpu.dma_semaphore, #tpu.memory_space<semaphore_mem>>)
    %add3A_813 = arith.constant 80 : i32
    %add3A_814 = arith.addi %mul3A_2, %add3A_813 : i32
    %add3A_815 = arith.constant 4096 : i32
    %add3A_816 = arith.addi %add3A_815, %add3A_814 : i32
    %mul3A_817 = arith.constant 1024 : i32
    %mul3A_818 = arith.muli %add3A_816, %mul3A_817 : i32
    %dma_wait3A_819 = tpu.memref_slice %arg2[%mul3A_818] : memref<16777216xf32, #tpu.memory_space<hbm>> -> memref<16384xf32, #tpu.memory_space<hbm>>
    %dma_wait3A_820 = tpu.memref_slice %arg2[%mul3A_818] : memref<16777216xf32, #tpu.memory_space<hbm>> -> memref<16384xf32, #tpu.memory_space<hbm>>
    tpu.wait_dma2 semaphore(%arg14 : memref<!tpu.dma_semaphore, #tpu.memory_space<semaphore_mem>>) src(%dma_wait3A_820 : memref<16384xf32, #tpu.memory_space<hbm>>) dst(%arg8 : memref<16384xf32, #tpu.memory_space<vmem>>)
    %parallel_loop3A_821 = arith.constant 0 : i32
    %parallel_loop3A_822 = arith.constant 16384 : i32
    %parallel_loop3A_823 = arith.constant 16 : i32
    scf.for %parallel_loop3A_1200 = %parallel_loop3A_821 to %parallel_loop3A_822 step %parallel_loop3A_823  : i32 {
      %parallel_loop3A_1201 = arith.index_cast %parallel_loop3A_1200 : i32 to index
      %parallel_loop3A_1202 = tpu.vector_load %arg8[%parallel_loop3A_1201] {strides = array<i32>} : memref<16384xf32, #tpu.memory_space<vmem>>, vector<16xf32>,
      %parallel_loop3A_1203 = vector.shape_cast %parallel_loop3A_1202 : vector<16xf32> to vector<16xf32>
      %parallel_loop3A_1204 = arith.index_cast %parallel_loop3A_1200 : i32 to index
      %parallel_loop3A_1205 = tpu.vector_load %arg6[%parallel_loop3A_1204] {strides = array<i32>} : memref<16384xf32, #tpu.memory_space<vmem>>, vector<16xf32>,
      %parallel_loop3A_1206 = vector.shape_cast %parallel_loop3A_1205 : vector<16xf32> to vector<16xf32>
      %parallel_loop3A_1207 = arith.addf %parallel_loop3A_1203, %parallel_loop3A_1206 : vector<16xf32>
      %parallel_loop3A_1208 = arith.index_cast %parallel_loop3A_1200 : i32 to index
      %parallel_loop3A_1209 = tpu.vector_load %arg8[%parallel_loop3A_1208] {strides = array<i32>} : memref<16384xf32, #tpu.memory_space<vmem>>, vector<16xf32>,
      %parallel_loop3A_1210 = vector.shape_cast %parallel_loop3A_1209 : vector<16xf32> to vector<16xf32>
      %parallel_loop3A_1211 = vector.shape_cast %parallel_loop3A_1207 : vector<16xf32> to vector<16xf32>
      tpu.vector_store %arg8[%parallel_loop3A_1208], %parallel_loop3A_1211 {strides = array<i32>} : memref<16384xf32, #tpu.memory_space<vmem>>, vector<16xf32>,
    } {sc.loop_unroll_factor = 8 : i64, sc.parallel_access}
    %add3A_824 = arith.constant 80 : i32
    %add3A_825 = arith.addi %mul3A_2, %add3A_824 : i32
    %add3A_826 = arith.constant 4096 : i32
    %add3A_827 = arith.addi %add3A_826, %add3A_825 : i32
    %mul3A_828 = arith.constant 1024 : i32
    %mul3A_829 = arith.muli %add3A_827, %mul3A_828 : i32
    %dma_start3A_830 = tpu.memref_slice %arg4[%mul3A_829] : memref<16777216xf32, #tpu.memory_space<hbm>> -> memref<16384xf32, #tpu.memory_space<hbm>>
    %dma_start3A_831 = tpu.memref_slice %arg4[%mul3A_829] : memref<16777216xf32, #tpu.memory_space<hbm>> -> memref<16384xf32, #tpu.memory_space<hbm>>
    tpu.enqueue_dma source(%arg8 : memref<16384xf32, #tpu.memory_space<vmem>>) target(%dma_start3A_831 : memref<16384xf32, #tpu.memory_space<hbm>>) target_semaphore(%arg18 : memref<!tpu.dma_semaphore, #tpu.memory_space<semaphore_mem>>)
    %add3A_832 = arith.constant 64 : i32
    %add3A_833 = arith.addi %mul3A_2, %add3A_832 : i32
    %add3A_834 = arith.constant 12288 : i32
    %add3A_835 = arith.addi %add3A_834, %add3A_833 : i32
    %mul3A_836 = arith.constant 1024 : i32
    %mul3A_837 = arith.muli %add3A_835, %mul3A_836 : i32
    %dma_wait3A_838 = tpu.memref_slice %arg4[%mul3A_837] : memref<16777216xf32, #tpu.memory_space<hbm>> -> memref<16384xf32, #tpu.memory_space<hbm>>
    %dma_wait3A_839 = tpu.memref_slice %arg4[%mul3A_837] : memref<16777216xf32, #tpu.memory_space<hbm>> -> memref<16384xf32, #tpu.memory_space<hbm>>
    tpu.wait_dma2 semaphore(%arg20 : memref<!tpu.dma_semaphore, #tpu.memory_space<semaphore_mem>>) src(%arg10 : memref<16384xf32, #tpu.memory_space<vmem>>) dst(%dma_wait3A_839 : memref<16384xf32, #tpu.memory_space<hbm>>)
    %add3A_840 = arith.constant 80 : i32
    %add3A_841 = arith.addi %mul3A_2, %add3A_840 : i32
    %add3A_842 = arith.constant 12288 : i32
    %add3A_843 = arith.addi %add3A_842, %add3A_841 : i32
    %mul3A_844 = arith.constant 1024 : i32
    %mul3A_845 = arith.muli %add3A_843, %mul3A_844 : i32
    %dma_start3A_846 = tpu.memref_slice %arg2[%mul3A_845] : memref<16777216xf32, #tpu.memory_space<hbm>> -> memref<16384xf32, #tpu.memory_space<hbm>>
    %dma_start3A_847 = tpu.memref_slice %arg2[%mul3A_845] : memref<16777216xf32, #tpu.memory_space<hbm>> -> memref<16384xf32, #tpu.memory_space<hbm>>
    tpu.enqueue_dma source(%dma_start3A_847 : memref<16384xf32, #tpu.memory_space<hbm>>) target(%arg10 : memref<16384xf32, #tpu.memory_space<vmem>>) target_semaphore(%arg16 : memref<!tpu.dma_semaphore, #tpu.memory_space<semaphore_mem>>)
    %add3A_848 = arith.constant 80 : i32
    %add3A_849 = arith.addi %mul3A_2, %add3A_848 : i32
    %add3A_850 = arith.constant 8192 : i32
    %add3A_851 = arith.addi %add3A_850, %add3A_849 : i32
    %mul3A_852 = arith.constant 1024 : i32
    %mul3A_853 = arith.muli %add3A_851, %mul3A_852 : i32
    %dma_wait3A_854 = tpu.memref_slice %arg2[%mul3A_853] : memref<16777216xf32, #tpu.memory_space<hbm>> -> memref<16384xf32, #tpu.memory_space<hbm>>
    %dma_wait3A_855 = tpu.memref_slice %arg2[%mul3A_853] : memref<16777216xf32, #tpu.memory_space<hbm>> -> memref<16384xf32, #tpu.memory_space<hbm>>
    tpu.wait_dma2 semaphore(%arg15 : memref<!tpu.dma_semaphore, #tpu.memory_space<semaphore_mem>>) src(%dma_wait3A_855 : memref<16384xf32, #tpu.memory_space<hbm>>) dst(%arg9 : memref<16384xf32, #tpu.memory_space<vmem>>)
    %parallel_loop3A_856 = arith.constant 0 : i32
    %parallel_loop3A_857 = arith.constant 16384 : i32
    %parallel_loop3A_858 = arith.constant 16 : i32
    scf.for %parallel_loop3A_1200 = %parallel_loop3A_856 to %parallel_loop3A_857 step %parallel_loop3A_858  : i32 {
      %parallel_loop3A_1201 = arith.index_cast %parallel_loop3A_1200 : i32 to index
      %parallel_loop3A_1202 = tpu.vector_load %arg9[%parallel_loop3A_1201] {strides = array<i32>} : memref<16384xf32, #tpu.memory_space<vmem>>, vector<16xf32>,
      %parallel_loop3A_1203 = vector.shape_cast %parallel_loop3A_1202 : vector<16xf32> to vector<16xf32>
      %parallel_loop3A_1204 = arith.index_cast %parallel_loop3A_1200 : i32 to index
      %parallel_loop3A_1205 = tpu.vector_load %arg6[%parallel_loop3A_1204] {strides = array<i32>} : memref<16384xf32, #tpu.memory_space<vmem>>, vector<16xf32>,
      %parallel_loop3A_1206 = vector.shape_cast %parallel_loop3A_1205 : vector<16xf32> to vector<16xf32>
      %parallel_loop3A_1207 = arith.addf %parallel_loop3A_1203, %parallel_loop3A_1206 : vector<16xf32>
      %parallel_loop3A_1208 = arith.index_cast %parallel_loop3A_1200 : i32 to index
      %parallel_loop3A_1209 = tpu.vector_load %arg9[%parallel_loop3A_1208] {strides = array<i32>} : memref<16384xf32, #tpu.memory_space<vmem>>, vector<16xf32>,
      %parallel_loop3A_1210 = vector.shape_cast %parallel_loop3A_1209 : vector<16xf32> to vector<16xf32>
      %parallel_loop3A_1211 = vector.shape_cast %parallel_loop3A_1207 : vector<16xf32> to vector<16xf32>
      tpu.vector_store %arg9[%parallel_loop3A_1208], %parallel_loop3A_1211 {strides = array<i32>} : memref<16384xf32, #tpu.memory_space<vmem>>, vector<16xf32>,
    } {sc.loop_unroll_factor = 8 : i64, sc.parallel_access}
    %add3A_859 = arith.constant 80 : i32
    %add3A_860 = arith.addi %mul3A_2, %add3A_859 : i32
    %add3A_861 = arith.constant 8192 : i32
    %add3A_862 = arith.addi %add3A_861, %add3A_860 : i32
    %mul3A_863 = arith.constant 1024 : i32
    %mul3A_864 = arith.muli %add3A_862, %mul3A_863 : i32
    %dma_start3A_865 = tpu.memref_slice %arg4[%mul3A_864] : memref<16777216xf32, #tpu.memory_space<hbm>> -> memref<16384xf32, #tpu.memory_space<hbm>>
    %dma_start3A_866 = tpu.memref_slice %arg4[%mul3A_864] : memref<16777216xf32, #tpu.memory_space<hbm>> -> memref<16384xf32, #tpu.memory_space<hbm>>
    tpu.enqueue_dma source(%arg9 : memref<16384xf32, #tpu.memory_space<vmem>>) target(%dma_start3A_866 : memref<16384xf32, #tpu.memory_space<hbm>>) target_semaphore(%arg19 : memref<!tpu.dma_semaphore, #tpu.memory_space<semaphore_mem>>)
    %add3A_867 = arith.constant 80 : i32
    %add3A_868 = arith.addi %mul3A_2, %add3A_867 : i32
    %add3A_869 = arith.constant 0 : i32
    %add3A_870 = arith.addi %add3A_869, %add3A_868 : i32
    %mul3A_871 = arith.constant 1024 : i32
    %mul3A_872 = arith.muli %add3A_870, %mul3A_871 : i32
    %dma_wait3A_873 = tpu.memref_slice %arg4[%mul3A_872] : memref<16777216xf32, #tpu.memory_space<hbm>> -> memref<16384xf32, #tpu.memory_space<hbm>>
    %dma_wait3A_874 = tpu.memref_slice %arg4[%mul3A_872] : memref<16777216xf32, #tpu.memory_space<hbm>> -> memref<16384xf32, #tpu.memory_space<hbm>>
    tpu.wait_dma2 semaphore(%arg17 : memref<!tpu.dma_semaphore, #tpu.memory_space<semaphore_mem>>) src(%arg7 : memref<16384xf32, #tpu.memory_space<vmem>>) dst(%dma_wait3A_874 : memref<16384xf32, #tpu.memory_space<hbm>>)
    %add3A_875 = arith.constant 96 : i32
    %add3A_876 = arith.addi %mul3A_2, %add3A_875 : i32
    %add3A_877 = arith.constant 0 : i32
    %add3A_878 = arith.addi %add3A_877, %add3A_876 : i32
    %mul3A_879 = arith.constant 1024 : i32
    %mul3A_880 = arith.muli %add3A_878, %mul3A_879 : i32
    %dma_start3A_881 = tpu.memref_slice %arg2[%mul3A_880] : memref<16777216xf32, #tpu.memory_space<hbm>> -> memref<16384xf32, #tpu.memory_space<hbm>>
    %dma_start3A_882 = tpu.memref_slice %arg2[%mul3A_880] : memref<16777216xf32, #tpu.memory_space<hbm>> -> memref<16384xf32, #tpu.memory_space<hbm>>
    tpu.enqueue_dma source(%dma_start3A_882 : memref<16384xf32, #tpu.memory_space<hbm>>) target(%arg7 : memref<16384xf32, #tpu.memory_space<vmem>>) target_semaphore(%arg13 : memref<!tpu.dma_semaphore, #tpu.memory_space<semaphore_mem>>)
    %add3A_883 = arith.constant 80 : i32
    %add3A_884 = arith.addi %mul3A_2, %add3A_883 : i32
    %add3A_885 = arith.constant 12288 : i32
    %add3A_886 = arith.addi %add3A_885, %add3A_884 : i32
    %mul3A_887 = arith.constant 1024 : i32
    %mul3A_888 = arith.muli %add3A_886, %mul3A_887 : i32
    %dma_wait3A_889 = tpu.memref_slice %arg2[%mul3A_888] : memref<16777216xf32, #tpu.memory_space<hbm>> -> memref<16384xf32, #tpu.memory_space<hbm>>
    %dma_wait3A_890 = tpu.memref_slice %arg2[%mul3A_888] : memref<16777216xf32, #tpu.memory_space<hbm>> -> memref<16384xf32, #tpu.memory_space<hbm>>
    tpu.wait_dma2 semaphore(%arg16 : memref<!tpu.dma_semaphore, #tpu.memory_space<semaphore_mem>>) src(%dma_wait3A_890 : memref<16384xf32, #tpu.memory_space<hbm>>) dst(%arg10 : memref<16384xf32, #tpu.memory_space<vmem>>)
    %parallel_loop3A_891 = arith.constant 0 : i32
    %parallel_loop3A_892 = arith.constant 16384 : i32
    %parallel_loop3A_893 = arith.constant 16 : i32
    scf.for %parallel_loop3A_1200 = %parallel_loop3A_891 to %parallel_loop3A_892 step %parallel_loop3A_893  : i32 {
      %parallel_loop3A_1201 = arith.index_cast %parallel_loop3A_1200 : i32 to index
      %parallel_loop3A_1202 = tpu.vector_load %arg10[%parallel_loop3A_1201] {strides = array<i32>} : memref<16384xf32, #tpu.memory_space<vmem>>, vector<16xf32>,
      %parallel_loop3A_1203 = vector.shape_cast %parallel_loop3A_1202 : vector<16xf32> to vector<16xf32>
      %parallel_loop3A_1204 = arith.index_cast %parallel_loop3A_1200 : i32 to index
      %parallel_loop3A_1205 = tpu.vector_load %arg6[%parallel_loop3A_1204] {strides = array<i32>} : memref<16384xf32, #tpu.memory_space<vmem>>, vector<16xf32>,
      %parallel_loop3A_1206 = vector.shape_cast %parallel_loop3A_1205 : vector<16xf32> to vector<16xf32>
      %parallel_loop3A_1207 = arith.addf %parallel_loop3A_1203, %parallel_loop3A_1206 : vector<16xf32>
      %parallel_loop3A_1208 = arith.index_cast %parallel_loop3A_1200 : i32 to index
      %parallel_loop3A_1209 = tpu.vector_load %arg10[%parallel_loop3A_1208] {strides = array<i32>} : memref<16384xf32, #tpu.memory_space<vmem>>, vector<16xf32>,
      %parallel_loop3A_1210 = vector.shape_cast %parallel_loop3A_1209 : vector<16xf32> to vector<16xf32>
      %parallel_loop3A_1211 = vector.shape_cast %parallel_loop3A_1207 : vector<16xf32> to vector<16xf32>
      tpu.vector_store %arg10[%parallel_loop3A_1208], %parallel_loop3A_1211 {strides = array<i32>} : memref<16384xf32, #tpu.memory_space<vmem>>, vector<16xf32>,
    } {sc.loop_unroll_factor = 8 : i64, sc.parallel_access}
    %add3A_894 = arith.constant 80 : i32
    %add3A_895 = arith.addi %mul3A_2, %add3A_894 : i32
    %add3A_896 = arith.constant 12288 : i32
    %add3A_897 = arith.addi %add3A_896, %add3A_895 : i32
    %mul3A_898 = arith.constant 1024 : i32
    %mul3A_899 = arith.muli %add3A_897, %mul3A_898 : i32
    %dma_start3A_900 = tpu.memref_slice %arg4[%mul3A_899] : memref<16777216xf32, #tpu.memory_space<hbm>> -> memref<16384xf32, #tpu.memory_space<hbm>>
    %dma_start3A_901 = tpu.memref_slice %arg4[%mul3A_899] : memref<16777216xf32, #tpu.memory_space<hbm>> -> memref<16384xf32, #tpu.memory_space<hbm>>
    tpu.enqueue_dma source(%arg10 : memref<16384xf32, #tpu.memory_space<vmem>>) target(%dma_start3A_901 : memref<16384xf32, #tpu.memory_space<hbm>>) target_semaphore(%arg20 : memref<!tpu.dma_semaphore, #tpu.memory_space<semaphore_mem>>)
    %add3A_902 = arith.constant 112 : i32
    %add3A_903 = arith.addi %mul3A_2, %add3A_902 : i32
    %mul3A_904 = arith.constant 1024 : i32
    %mul3A_905 = arith.muli %add3A_903, %mul3A_904 : i32
    %dma_start3A_906 = tpu.memref_slice %arg3[%mul3A_905] : memref<8388608xf32, #tpu.memory_space<hbm>> -> memref<16384xf32, #tpu.memory_space<hbm>>
    %dma_start3A_907 = tpu.memref_slice %arg3[%mul3A_905] : memref<8388608xf32, #tpu.memory_space<hbm>> -> memref<16384xf32, #tpu.memory_space<hbm>>
    tpu.enqueue_dma source(%dma_start3A_907 : memref<16384xf32, #tpu.memory_space<hbm>>) target(%arg6 : memref<16384xf32, #tpu.memory_space<vmem>>) target_semaphore(%arg12 : memref<!tpu.dma_semaphore, #tpu.memory_space<semaphore_mem>>)
    %add3A_908 = arith.constant 80 : i32
    %add3A_909 = arith.addi %mul3A_2, %add3A_908 : i32
    %add3A_910 = arith.constant 4096 : i32
    %add3A_911 = arith.addi %add3A_910, %add3A_909 : i32
    %mul3A_912 = arith.constant 1024 : i32
    %mul3A_913 = arith.muli %add3A_911, %mul3A_912 : i32
    %dma_wait3A_914 = tpu.memref_slice %arg4[%mul3A_913] : memref<16777216xf32, #tpu.memory_space<hbm>> -> memref<16384xf32, #tpu.memory_space<hbm>>
    %dma_wait3A_915 = tpu.memref_slice %arg4[%mul3A_913] : memref<16777216xf32, #tpu.memory_space<hbm>> -> memref<16384xf32, #tpu.memory_space<hbm>>
    tpu.wait_dma2 semaphore(%arg18 : memref<!tpu.dma_semaphore, #tpu.memory_space<semaphore_mem>>) src(%arg8 : memref<16384xf32, #tpu.memory_space<vmem>>) dst(%dma_wait3A_915 : memref<16384xf32, #tpu.memory_space<hbm>>)
    %add3A_916 = arith.constant 96 : i32
    %add3A_917 = arith.addi %mul3A_2, %add3A_916 : i32
    %add3A_918 = arith.constant 4096 : i32
    %add3A_919 = arith.addi %add3A_918, %add3A_917 : i32
    %mul3A_920 = arith.constant 1024 : i32
    %mul3A_921 = arith.muli %add3A_919, %mul3A_920 : i32
    %dma_start3A_922 = tpu.memref_slice %arg2[%mul3A_921] : memref<16777216xf32, #tpu.memory_space<hbm>> -> memref<16384xf32, #tpu.memory_space<hbm>>
    %dma_start3A_923 = tpu.memref_slice %arg2[%mul3A_921] : memref<16777216xf32, #tpu.memory_space<hbm>> -> memref<16384xf32, #tpu.memory_space<hbm>>
    tpu.enqueue_dma source(%dma_start3A_923 : memref<16384xf32, #tpu.memory_space<hbm>>) target(%arg8 : memref<16384xf32, #tpu.memory_space<vmem>>) target_semaphore(%arg14 : memref<!tpu.dma_semaphore, #tpu.memory_space<semaphore_mem>>)
    %add3A_924 = arith.constant 96 : i32
    %add3A_925 = arith.addi %mul3A_2, %add3A_924 : i32
    %mul3A_926 = arith.constant 1024 : i32
    %mul3A_927 = arith.muli %add3A_925, %mul3A_926 : i32
    %dma_wait3A_928 = tpu.memref_slice %arg3[%mul3A_927] : memref<8388608xf32, #tpu.memory_space<hbm>> -> memref<16384xf32, #tpu.memory_space<hbm>>
    %dma_wait3A_929 = tpu.memref_slice %arg3[%mul3A_927] : memref<8388608xf32, #tpu.memory_space<hbm>> -> memref<16384xf32, #tpu.memory_space<hbm>>
    tpu.wait_dma2 semaphore(%arg11 : memref<!tpu.dma_semaphore, #tpu.memory_space<semaphore_mem>>) src(%dma_wait3A_929 : memref<16384xf32, #tpu.memory_space<hbm>>) dst(%arg5 : memref<16384xf32, #tpu.memory_space<vmem>>)
    %add3A_930 = arith.constant 96 : i32
    %add3A_931 = arith.addi %mul3A_2, %add3A_930 : i32
    %add3A_932 = arith.constant 0 : i32
    %add3A_933 = arith.addi %add3A_932, %add3A_931 : i32
    %mul3A_934 = arith.constant 1024 : i32
    %mul3A_935 = arith.muli %add3A_933, %mul3A_934 : i32
    %dma_wait3A_936 = tpu.memref_slice %arg2[%mul3A_935] : memref<16777216xf32, #tpu.memory_space<hbm>> -> memref<16384xf32, #tpu.memory_space<hbm>>
    %dma_wait3A_937 = tpu.memref_slice %arg2[%mul3A_935] : memref<16777216xf32, #tpu.memory_space<hbm>> -> memref<16384xf32, #tpu.memory_space<hbm>>
    tpu.wait_dma2 semaphore(%arg13 : memref<!tpu.dma_semaphore, #tpu.memory_space<semaphore_mem>>) src(%dma_wait3A_937 : memref<16384xf32, #tpu.memory_space<hbm>>) dst(%arg7 : memref<16384xf32, #tpu.memory_space<vmem>>)
    %parallel_loop3A_938 = arith.constant 0 : i32
    %parallel_loop3A_939 = arith.constant 16384 : i32
    %parallel_loop3A_940 = arith.constant 16 : i32
    scf.for %parallel_loop3A_1200 = %parallel_loop3A_938 to %parallel_loop3A_939 step %parallel_loop3A_940  : i32 {
      %parallel_loop3A_1201 = arith.index_cast %parallel_loop3A_1200 : i32 to index
      %parallel_loop3A_1202 = tpu.vector_load %arg7[%parallel_loop3A_1201] {strides = array<i32>} : memref<16384xf32, #tpu.memory_space<vmem>>, vector<16xf32>,
      %parallel_loop3A_1203 = vector.shape_cast %parallel_loop3A_1202 : vector<16xf32> to vector<16xf32>
      %parallel_loop3A_1204 = arith.index_cast %parallel_loop3A_1200 : i32 to index
      %parallel_loop3A_1205 = tpu.vector_load %arg5[%parallel_loop3A_1204] {strides = array<i32>} : memref<16384xf32, #tpu.memory_space<vmem>>, vector<16xf32>,
      %parallel_loop3A_1206 = vector.shape_cast %parallel_loop3A_1205 : vector<16xf32> to vector<16xf32>
      %parallel_loop3A_1207 = arith.addf %parallel_loop3A_1203, %parallel_loop3A_1206 : vector<16xf32>
      %parallel_loop3A_1208 = arith.index_cast %parallel_loop3A_1200 : i32 to index
      %parallel_loop3A_1209 = tpu.vector_load %arg7[%parallel_loop3A_1208] {strides = array<i32>} : memref<16384xf32, #tpu.memory_space<vmem>>, vector<16xf32>,
      %parallel_loop3A_1210 = vector.shape_cast %parallel_loop3A_1209 : vector<16xf32> to vector<16xf32>
      %parallel_loop3A_1211 = vector.shape_cast %parallel_loop3A_1207 : vector<16xf32> to vector<16xf32>
      tpu.vector_store %arg7[%parallel_loop3A_1208], %parallel_loop3A_1211 {strides = array<i32>} : memref<16384xf32, #tpu.memory_space<vmem>>, vector<16xf32>,
    } {sc.loop_unroll_factor = 8 : i64, sc.parallel_access}
    %add3A_941 = arith.constant 96 : i32
    %add3A_942 = arith.addi %mul3A_2, %add3A_941 : i32
    %add3A_943 = arith.constant 0 : i32
    %add3A_944 = arith.addi %add3A_943, %add3A_942 : i32
    %mul3A_945 = arith.constant 1024 : i32
    %mul3A_946 = arith.muli %add3A_944, %mul3A_945 : i32
    %dma_start3A_947 = tpu.memref_slice %arg4[%mul3A_946] : memref<16777216xf32, #tpu.memory_space<hbm>> -> memref<16384xf32, #tpu.memory_space<hbm>>
    %dma_start3A_948 = tpu.memref_slice %arg4[%mul3A_946] : memref<16777216xf32, #tpu.memory_space<hbm>> -> memref<16384xf32, #tpu.memory_space<hbm>>
    tpu.enqueue_dma source(%arg7 : memref<16384xf32, #tpu.memory_space<vmem>>) target(%dma_start3A_948 : memref<16384xf32, #tpu.memory_space<hbm>>) target_semaphore(%arg17 : memref<!tpu.dma_semaphore, #tpu.memory_space<semaphore_mem>>)
    %add3A_949 = arith.constant 80 : i32
    %add3A_950 = arith.addi %mul3A_2, %add3A_949 : i32
    %add3A_951 = arith.constant 8192 : i32
    %add3A_952 = arith.addi %add3A_951, %add3A_950 : i32
    %mul3A_953 = arith.constant 1024 : i32
    %mul3A_954 = arith.muli %add3A_952, %mul3A_953 : i32
    %dma_wait3A_955 = tpu.memref_slice %arg4[%mul3A_954] : memref<16777216xf32, #tpu.memory_space<hbm>> -> memref<16384xf32, #tpu.memory_space<hbm>>
    %dma_wait3A_956 = tpu.memref_slice %arg4[%mul3A_954] : memref<16777216xf32, #tpu.memory_space<hbm>> -> memref<16384xf32, #tpu.memory_space<hbm>>
    tpu.wait_dma2 semaphore(%arg19 : memref<!tpu.dma_semaphore, #tpu.memory_space<semaphore_mem>>) src(%arg9 : memref<16384xf32, #tpu.memory_space<vmem>>) dst(%dma_wait3A_956 : memref<16384xf32, #tpu.memory_space<hbm>>)
    %add3A_957 = arith.constant 96 : i32
    %add3A_958 = arith.addi %mul3A_2, %add3A_957 : i32
    %add3A_959 = arith.constant 8192 : i32
    %add3A_960 = arith.addi %add3A_959, %add3A_958 : i32
    %mul3A_961 = arith.constant 1024 : i32
    %mul3A_962 = arith.muli %add3A_960, %mul3A_961 : i32
    %dma_start3A_963 = tpu.memref_slice %arg2[%mul3A_962] : memref<16777216xf32, #tpu.memory_space<hbm>> -> memref<16384xf32, #tpu.memory_space<hbm>>
    %dma_start3A_964 = tpu.memref_slice %arg2[%mul3A_962] : memref<16777216xf32, #tpu.memory_space<hbm>> -> memref<16384xf32, #tpu.memory_space<hbm>>
    tpu.enqueue_dma source(%dma_start3A_964 : memref<16384xf32, #tpu.memory_space<hbm>>) target(%arg9 : memref<16384xf32, #tpu.memory_space<vmem>>) target_semaphore(%arg15 : memref<!tpu.dma_semaphore, #tpu.memory_space<semaphore_mem>>)
    %add3A_965 = arith.constant 96 : i32
    %add3A_966 = arith.addi %mul3A_2, %add3A_965 : i32
    %add3A_967 = arith.constant 4096 : i32
    %add3A_968 = arith.addi %add3A_967, %add3A_966 : i32
    %mul3A_969 = arith.constant 1024 : i32
    %mul3A_970 = arith.muli %add3A_968, %mul3A_969 : i32
    %dma_wait3A_971 = tpu.memref_slice %arg2[%mul3A_970] : memref<16777216xf32, #tpu.memory_space<hbm>> -> memref<16384xf32, #tpu.memory_space<hbm>>
    %dma_wait3A_972 = tpu.memref_slice %arg2[%mul3A_970] : memref<16777216xf32, #tpu.memory_space<hbm>> -> memref<16384xf32, #tpu.memory_space<hbm>>
    tpu.wait_dma2 semaphore(%arg14 : memref<!tpu.dma_semaphore, #tpu.memory_space<semaphore_mem>>) src(%dma_wait3A_972 : memref<16384xf32, #tpu.memory_space<hbm>>) dst(%arg8 : memref<16384xf32, #tpu.memory_space<vmem>>)
    %parallel_loop3A_973 = arith.constant 0 : i32
    %parallel_loop3A_974 = arith.constant 16384 : i32
    %parallel_loop3A_975 = arith.constant 16 : i32
    scf.for %parallel_loop3A_1200 = %parallel_loop3A_973 to %parallel_loop3A_974 step %parallel_loop3A_975  : i32 {
      %parallel_loop3A_1201 = arith.index_cast %parallel_loop3A_1200 : i32 to index
      %parallel_loop3A_1202 = tpu.vector_load %arg8[%parallel_loop3A_1201] {strides = array<i32>} : memref<16384xf32, #tpu.memory_space<vmem>>, vector<16xf32>,
      %parallel_loop3A_1203 = vector.shape_cast %parallel_loop3A_1202 : vector<16xf32> to vector<16xf32>
      %parallel_loop3A_1204 = arith.index_cast %parallel_loop3A_1200 : i32 to index
      %parallel_loop3A_1205 = tpu.vector_load %arg5[%parallel_loop3A_1204] {strides = array<i32>} : memref<16384xf32, #tpu.memory_space<vmem>>, vector<16xf32>,
      %parallel_loop3A_1206 = vector.shape_cast %parallel_loop3A_1205 : vector<16xf32> to vector<16xf32>
      %parallel_loop3A_1207 = arith.addf %parallel_loop3A_1203, %parallel_loop3A_1206 : vector<16xf32>
      %parallel_loop3A_1208 = arith.index_cast %parallel_loop3A_1200 : i32 to index
      %parallel_loop3A_1209 = tpu.vector_load %arg8[%parallel_loop3A_1208] {strides = array<i32>} : memref<16384xf32, #tpu.memory_space<vmem>>, vector<16xf32>,
      %parallel_loop3A_1210 = vector.shape_cast %parallel_loop3A_1209 : vector<16xf32> to vector<16xf32>
      %parallel_loop3A_1211 = vector.shape_cast %parallel_loop3A_1207 : vector<16xf32> to vector<16xf32>
      tpu.vector_store %arg8[%parallel_loop3A_1208], %parallel_loop3A_1211 {strides = array<i32>} : memref<16384xf32, #tpu.memory_space<vmem>>, vector<16xf32>,
    } {sc.loop_unroll_factor = 8 : i64, sc.parallel_access}
    %add3A_976 = arith.constant 96 : i32
    %add3A_977 = arith.addi %mul3A_2, %add3A_976 : i32
    %add3A_978 = arith.constant 4096 : i32
    %add3A_979 = arith.addi %add3A_978, %add3A_977 : i32
    %mul3A_980 = arith.constant 1024 : i32
    %mul3A_981 = arith.muli %add3A_979, %mul3A_980 : i32
    %dma_start3A_982 = tpu.memref_slice %arg4[%mul3A_981] : memref<16777216xf32, #tpu.memory_space<hbm>> -> memref<16384xf32, #tpu.memory_space<hbm>>
    %dma_start3A_983 = tpu.memref_slice %arg4[%mul3A_981] : memref<16777216xf32, #tpu.memory_space<hbm>> -> memref<16384xf32, #tpu.memory_space<hbm>>
    tpu.enqueue_dma source(%arg8 : memref<16384xf32, #tpu.memory_space<vmem>>) target(%dma_start3A_983 : memref<16384xf32, #tpu.memory_space<hbm>>) target_semaphore(%arg18 : memref<!tpu.dma_semaphore, #tpu.memory_space<semaphore_mem>>)
    %add3A_984 = arith.constant 80 : i32
    %add3A_985 = arith.addi %mul3A_2, %add3A_984 : i32
    %add3A_986 = arith.constant 12288 : i32
    %add3A_987 = arith.addi %add3A_986, %add3A_985 : i32
    %mul3A_988 = arith.constant 1024 : i32
    %mul3A_989 = arith.muli %add3A_987, %mul3A_988 : i32
    %dma_wait3A_990 = tpu.memref_slice %arg4[%mul3A_989] : memref<16777216xf32, #tpu.memory_space<hbm>> -> memref<16384xf32, #tpu.memory_space<hbm>>
    %dma_wait3A_991 = tpu.memref_slice %arg4[%mul3A_989] : memref<16777216xf32, #tpu.memory_space<hbm>> -> memref<16384xf32, #tpu.memory_space<hbm>>
    tpu.wait_dma2 semaphore(%arg20 : memref<!tpu.dma_semaphore, #tpu.memory_space<semaphore_mem>>) src(%arg10 : memref<16384xf32, #tpu.memory_space<vmem>>) dst(%dma_wait3A_991 : memref<16384xf32, #tpu.memory_space<hbm>>)
    %add3A_992 = arith.constant 96 : i32
    %add3A_993 = arith.addi %mul3A_2, %add3A_992 : i32
    %add3A_994 = arith.constant 12288 : i32
    %add3A_995 = arith.addi %add3A_994, %add3A_993 : i32
    %mul3A_996 = arith.constant 1024 : i32
    %mul3A_997 = arith.muli %add3A_995, %mul3A_996 : i32
    %dma_start3A_998 = tpu.memref_slice %arg2[%mul3A_997] : memref<16777216xf32, #tpu.memory_space<hbm>> -> memref<16384xf32, #tpu.memory_space<hbm>>
    %dma_start3A_999 = tpu.memref_slice %arg2[%mul3A_997] : memref<16777216xf32, #tpu.memory_space<hbm>> -> memref<16384xf32, #tpu.memory_space<hbm>>
    tpu.enqueue_dma source(%dma_start3A_999 : memref<16384xf32, #tpu.memory_space<hbm>>) target(%arg10 : memref<16384xf32, #tpu.memory_space<vmem>>) target_semaphore(%arg16 : memref<!tpu.dma_semaphore, #tpu.memory_space<semaphore_mem>>)
    %add3A_1000 = arith.constant 96 : i32
    %add3A_1001 = arith.addi %mul3A_2, %add3A_1000 : i32
    %add3A_1002 = arith.constant 8192 : i32
    %add3A_1003 = arith.addi %add3A_1002, %add3A_1001 : i32
    %mul3A_1004 = arith.constant 1024 : i32
    %mul3A_1005 = arith.muli %add3A_1003, %mul3A_1004 : i32
    %dma_wait3A_1006 = tpu.memref_slice %arg2[%mul3A_1005] : memref<16777216xf32, #tpu.memory_space<hbm>> -> memref<16384xf32, #tpu.memory_space<hbm>>
    %dma_wait3A_1007 = tpu.memref_slice %arg2[%mul3A_1005] : memref<16777216xf32, #tpu.memory_space<hbm>> -> memref<16384xf32, #tpu.memory_space<hbm>>
    tpu.wait_dma2 semaphore(%arg15 : memref<!tpu.dma_semaphore, #tpu.memory_space<semaphore_mem>>) src(%dma_wait3A_1007 : memref<16384xf32, #tpu.memory_space<hbm>>) dst(%arg9 : memref<16384xf32, #tpu.memory_space<vmem>>)
    %parallel_loop3A_1008 = arith.constant 0 : i32
    %parallel_loop3A_1009 = arith.constant 16384 : i32
    %parallel_loop3A_1010 = arith.constant 16 : i32
    scf.for %parallel_loop3A_1200 = %parallel_loop3A_1008 to %parallel_loop3A_1009 step %parallel_loop3A_1010  : i32 {
      %parallel_loop3A_1201 = arith.index_cast %parallel_loop3A_1200 : i32 to index
      %parallel_loop3A_1202 = tpu.vector_load %arg9[%parallel_loop3A_1201] {strides = array<i32>} : memref<16384xf32, #tpu.memory_space<vmem>>, vector<16xf32>,
      %parallel_loop3A_1203 = vector.shape_cast %parallel_loop3A_1202 : vector<16xf32> to vector<16xf32>
      %parallel_loop3A_1204 = arith.index_cast %parallel_loop3A_1200 : i32 to index
      %parallel_loop3A_1205 = tpu.vector_load %arg5[%parallel_loop3A_1204] {strides = array<i32>} : memref<16384xf32, #tpu.memory_space<vmem>>, vector<16xf32>,
      %parallel_loop3A_1206 = vector.shape_cast %parallel_loop3A_1205 : vector<16xf32> to vector<16xf32>
      %parallel_loop3A_1207 = arith.addf %parallel_loop3A_1203, %parallel_loop3A_1206 : vector<16xf32>
      %parallel_loop3A_1208 = arith.index_cast %parallel_loop3A_1200 : i32 to index
      %parallel_loop3A_1209 = tpu.vector_load %arg9[%parallel_loop3A_1208] {strides = array<i32>} : memref<16384xf32, #tpu.memory_space<vmem>>, vector<16xf32>,
      %parallel_loop3A_1210 = vector.shape_cast %parallel_loop3A_1209 : vector<16xf32> to vector<16xf32>
      %parallel_loop3A_1211 = vector.shape_cast %parallel_loop3A_1207 : vector<16xf32> to vector<16xf32>
      tpu.vector_store %arg9[%parallel_loop3A_1208], %parallel_loop3A_1211 {strides = array<i32>} : memref<16384xf32, #tpu.memory_space<vmem>>, vector<16xf32>,
    } {sc.loop_unroll_factor = 8 : i64, sc.parallel_access}
    %add3A_1011 = arith.constant 96 : i32
    %add3A_1012 = arith.addi %mul3A_2, %add3A_1011 : i32
    %add3A_1013 = arith.constant 8192 : i32
    %add3A_1014 = arith.addi %add3A_1013, %add3A_1012 : i32
    %mul3A_1015 = arith.constant 1024 : i32
    %mul3A_1016 = arith.muli %add3A_1014, %mul3A_1015 : i32
    %dma_start3A_1017 = tpu.memref_slice %arg4[%mul3A_1016] : memref<16777216xf32, #tpu.memory_space<hbm>> -> memref<16384xf32, #tpu.memory_space<hbm>>
    %dma_start3A_1018 = tpu.memref_slice %arg4[%mul3A_1016] : memref<16777216xf32, #tpu.memory_space<hbm>> -> memref<16384xf32, #tpu.memory_space<hbm>>
    tpu.enqueue_dma source(%arg9 : memref<16384xf32, #tpu.memory_space<vmem>>) target(%dma_start3A_1018 : memref<16384xf32, #tpu.memory_space<hbm>>) target_semaphore(%arg19 : memref<!tpu.dma_semaphore, #tpu.memory_space<semaphore_mem>>)
    %add3A_1019 = arith.constant 96 : i32
    %add3A_1020 = arith.addi %mul3A_2, %add3A_1019 : i32
    %add3A_1021 = arith.constant 0 : i32
    %add3A_1022 = arith.addi %add3A_1021, %add3A_1020 : i32
    %mul3A_1023 = arith.constant 1024 : i32
    %mul3A_1024 = arith.muli %add3A_1022, %mul3A_1023 : i32
    %dma_wait3A_1025 = tpu.memref_slice %arg4[%mul3A_1024] : memref<16777216xf32, #tpu.memory_space<hbm>> -> memref<16384xf32, #tpu.memory_space<hbm>>
    %dma_wait3A_1026 = tpu.memref_slice %arg4[%mul3A_1024] : memref<16777216xf32, #tpu.memory_space<hbm>> -> memref<16384xf32, #tpu.memory_space<hbm>>
    tpu.wait_dma2 semaphore(%arg17 : memref<!tpu.dma_semaphore, #tpu.memory_space<semaphore_mem>>) src(%arg7 : memref<16384xf32, #tpu.memory_space<vmem>>) dst(%dma_wait3A_1026 : memref<16384xf32, #tpu.memory_space<hbm>>)
    %add3A_1027 = arith.constant 112 : i32
    %add3A_1028 = arith.addi %mul3A_2, %add3A_1027 : i32
    %add3A_1029 = arith.constant 0 : i32
    %add3A_1030 = arith.addi %add3A_1029, %add3A_1028 : i32
    %mul3A_1031 = arith.constant 1024 : i32
    %mul3A_1032 = arith.muli %add3A_1030, %mul3A_1031 : i32
    %dma_start3A_1033 = tpu.memref_slice %arg2[%mul3A_1032] : memref<16777216xf32, #tpu.memory_space<hbm>> -> memref<16384xf32, #tpu.memory_space<hbm>>
    %dma_start3A_1034 = tpu.memref_slice %arg2[%mul3A_1032] : memref<16777216xf32, #tpu.memory_space<hbm>> -> memref<16384xf32, #tpu.memory_space<hbm>>
    tpu.enqueue_dma source(%dma_start3A_1034 : memref<16384xf32, #tpu.memory_space<hbm>>) target(%arg7 : memref<16384xf32, #tpu.memory_space<vmem>>) target_semaphore(%arg13 : memref<!tpu.dma_semaphore, #tpu.memory_space<semaphore_mem>>)
    %add3A_1035 = arith.constant 96 : i32
    %add3A_1036 = arith.addi %mul3A_2, %add3A_1035 : i32
    %add3A_1037 = arith.constant 12288 : i32
    %add3A_1038 = arith.addi %add3A_1037, %add3A_1036 : i32
    %mul3A_1039 = arith.constant 1024 : i32
    %mul3A_1040 = arith.muli %add3A_1038, %mul3A_1039 : i32
    %dma_wait3A_1041 = tpu.memref_slice %arg2[%mul3A_1040] : memref<16777216xf32, #tpu.memory_space<hbm>> -> memref<16384xf32, #tpu.memory_space<hbm>>
    %dma_wait3A_1042 = tpu.memref_slice %arg2[%mul3A_1040] : memref<16777216xf32, #tpu.memory_space<hbm>> -> memref<16384xf32, #tpu.memory_space<hbm>>
    tpu.wait_dma2 semaphore(%arg16 : memref<!tpu.dma_semaphore, #tpu.memory_space<semaphore_mem>>) src(%dma_wait3A_1042 : memref<16384xf32, #tpu.memory_space<hbm>>) dst(%arg10 : memref<16384xf32, #tpu.memory_space<vmem>>)
    %parallel_loop3A_1043 = arith.constant 0 : i32
    %parallel_loop3A_1044 = arith.constant 16384 : i32
    %parallel_loop3A_1045 = arith.constant 16 : i32
    scf.for %parallel_loop3A_1200 = %parallel_loop3A_1043 to %parallel_loop3A_1044 step %parallel_loop3A_1045  : i32 {
      %parallel_loop3A_1201 = arith.index_cast %parallel_loop3A_1200 : i32 to index
      %parallel_loop3A_1202 = tpu.vector_load %arg10[%parallel_loop3A_1201] {strides = array<i32>} : memref<16384xf32, #tpu.memory_space<vmem>>, vector<16xf32>,
      %parallel_loop3A_1203 = vector.shape_cast %parallel_loop3A_1202 : vector<16xf32> to vector<16xf32>
      %parallel_loop3A_1204 = arith.index_cast %parallel_loop3A_1200 : i32 to index
      %parallel_loop3A_1205 = tpu.vector_load %arg5[%parallel_loop3A_1204] {strides = array<i32>} : memref<16384xf32, #tpu.memory_space<vmem>>, vector<16xf32>,
      %parallel_loop3A_1206 = vector.shape_cast %parallel_loop3A_1205 : vector<16xf32> to vector<16xf32>
      %parallel_loop3A_1207 = arith.addf %parallel_loop3A_1203, %parallel_loop3A_1206 : vector<16xf32>
      %parallel_loop3A_1208 = arith.index_cast %parallel_loop3A_1200 : i32 to index
      %parallel_loop3A_1209 = tpu.vector_load %arg10[%parallel_loop3A_1208] {strides = array<i32>} : memref<16384xf32, #tpu.memory_space<vmem>>, vector<16xf32>,
      %parallel_loop3A_1210 = vector.shape_cast %parallel_loop3A_1209 : vector<16xf32> to vector<16xf32>
      %parallel_loop3A_1211 = vector.shape_cast %parallel_loop3A_1207 : vector<16xf32> to vector<16xf32>
      tpu.vector_store %arg10[%parallel_loop3A_1208], %parallel_loop3A_1211 {strides = array<i32>} : memref<16384xf32, #tpu.memory_space<vmem>>, vector<16xf32>,
    } {sc.loop_unroll_factor = 8 : i64, sc.parallel_access}
    %add3A_1046 = arith.constant 96 : i32
    %add3A_1047 = arith.addi %mul3A_2, %add3A_1046 : i32
    %add3A_1048 = arith.constant 12288 : i32
    %add3A_1049 = arith.addi %add3A_1048, %add3A_1047 : i32
    %mul3A_1050 = arith.constant 1024 : i32
    %mul3A_1051 = arith.muli %add3A_1049, %mul3A_1050 : i32
    %dma_start3A_1052 = tpu.memref_slice %arg4[%mul3A_1051] : memref<16777216xf32, #tpu.memory_space<hbm>> -> memref<16384xf32, #tpu.memory_space<hbm>>
    %dma_start3A_1053 = tpu.memref_slice %arg4[%mul3A_1051] : memref<16777216xf32, #tpu.memory_space<hbm>> -> memref<16384xf32, #tpu.memory_space<hbm>>
    tpu.enqueue_dma source(%arg10 : memref<16384xf32, #tpu.memory_space<vmem>>) target(%dma_start3A_1053 : memref<16384xf32, #tpu.memory_space<hbm>>) target_semaphore(%arg20 : memref<!tpu.dma_semaphore, #tpu.memory_space<semaphore_mem>>)
    %add3A_1054 = arith.constant 96 : i32
    %add3A_1055 = arith.addi %mul3A_2, %add3A_1054 : i32
    %add3A_1056 = arith.constant 4096 : i32
    %add3A_1057 = arith.addi %add3A_1056, %add3A_1055 : i32
    %mul3A_1058 = arith.constant 1024 : i32
    %mul3A_1059 = arith.muli %add3A_1057, %mul3A_1058 : i32
    %dma_wait3A_1060 = tpu.memref_slice %arg4[%mul3A_1059] : memref<16777216xf32, #tpu.memory_space<hbm>> -> memref<16384xf32, #tpu.memory_space<hbm>>
    %dma_wait3A_1061 = tpu.memref_slice %arg4[%mul3A_1059] : memref<16777216xf32, #tpu.memory_space<hbm>> -> memref<16384xf32, #tpu.memory_space<hbm>>
    tpu.wait_dma2 semaphore(%arg18 : memref<!tpu.dma_semaphore, #tpu.memory_space<semaphore_mem>>) src(%arg8 : memref<16384xf32, #tpu.memory_space<vmem>>) dst(%dma_wait3A_1061 : memref<16384xf32, #tpu.memory_space<hbm>>)
    %add3A_1062 = arith.constant 112 : i32
    %add3A_1063 = arith.addi %mul3A_2, %add3A_1062 : i32
    %add3A_1064 = arith.constant 4096 : i32
    %add3A_1065 = arith.addi %add3A_1064, %add3A_1063 : i32
    %mul3A_1066 = arith.constant 1024 : i32
    %mul3A_1067 = arith.muli %add3A_1065, %mul3A_1066 : i32
    %dma_start3A_1068 = tpu.memref_slice %arg2[%mul3A_1067] : memref<16777216xf32, #tpu.memory_space<hbm>> -> memref<16384xf32, #tpu.memory_space<hbm>>
    %dma_start3A_1069 = tpu.memref_slice %arg2[%mul3A_1067] : memref<16777216xf32, #tpu.memory_space<hbm>> -> memref<16384xf32, #tpu.memory_space<hbm>>
    tpu.enqueue_dma source(%dma_start3A_1069 : memref<16384xf32, #tpu.memory_space<hbm>>) target(%arg8 : memref<16384xf32, #tpu.memory_space<vmem>>) target_semaphore(%arg14 : memref<!tpu.dma_semaphore, #tpu.memory_space<semaphore_mem>>)
    %add3A_1070 = arith.constant 112 : i32
    %add3A_1071 = arith.addi %mul3A_2, %add3A_1070 : i32
    %mul3A_1072 = arith.constant 1024 : i32
    %mul3A_1073 = arith.muli %add3A_1071, %mul3A_1072 : i32
    %dma_wait3A_1074 = tpu.memref_slice %arg3[%mul3A_1073] : memref<8388608xf32, #tpu.memory_space<hbm>> -> memref<16384xf32, #tpu.memory_space<hbm>>
    %dma_wait3A_1075 = tpu.memref_slice %arg3[%mul3A_1073] : memref<8388608xf32, #tpu.memory_space<hbm>> -> memref<16384xf32, #tpu.memory_space<hbm>>
    tpu.wait_dma2 semaphore(%arg12 : memref<!tpu.dma_semaphore, #tpu.memory_space<semaphore_mem>>) src(%dma_wait3A_1075 : memref<16384xf32, #tpu.memory_space<hbm>>) dst(%arg6 : memref<16384xf32, #tpu.memory_space<vmem>>)
    %add3A_1076 = arith.constant 112 : i32
    %add3A_1077 = arith.addi %mul3A_2, %add3A_1076 : i32
    %add3A_1078 = arith.constant 0 : i32
    %add3A_1079 = arith.addi %add3A_1078, %add3A_1077 : i32
    %mul3A_1080 = arith.constant 1024 : i32
    %mul3A_1081 = arith.muli %add3A_1079, %mul3A_1080 : i32
    %dma_wait3A_1082 = tpu.memref_slice %arg2[%mul3A_1081] : memref<16777216xf32, #tpu.memory_space<hbm>> -> memref<16384xf32, #tpu.memory_space<hbm>>
    %dma_wait3A_1083 = tpu.memref_slice %arg2[%mul3A_1081] : memref<16777216xf32, #tpu.memory_space<hbm>> -> memref<16384xf32, #tpu.memory_space<hbm>>
    tpu.wait_dma2 semaphore(%arg13 : memref<!tpu.dma_semaphore, #tpu.memory_space<semaphore_mem>>) src(%dma_wait3A_1083 : memref<16384xf32, #tpu.memory_space<hbm>>) dst(%arg7 : memref<16384xf32, #tpu.memory_space<vmem>>)
    %parallel_loop3A_1084 = arith.constant 0 : i32
    %parallel_loop3A_1085 = arith.constant 16384 : i32
    %parallel_loop3A_1086 = arith.constant 16 : i32
    scf.for %parallel_loop3A_1200 = %parallel_loop3A_1084 to %parallel_loop3A_1085 step %parallel_loop3A_1086  : i32 {
      %parallel_loop3A_1201 = arith.index_cast %parallel_loop3A_1200 : i32 to index
      %parallel_loop3A_1202 = tpu.vector_load %arg7[%parallel_loop3A_1201] {strides = array<i32>} : memref<16384xf32, #tpu.memory_space<vmem>>, vector<16xf32>,
      %parallel_loop3A_1203 = vector.shape_cast %parallel_loop3A_1202 : vector<16xf32> to vector<16xf32>
      %parallel_loop3A_1204 = arith.index_cast %parallel_loop3A_1200 : i32 to index
      %parallel_loop3A_1205 = tpu.vector_load %arg6[%parallel_loop3A_1204] {strides = array<i32>} : memref<16384xf32, #tpu.memory_space<vmem>>, vector<16xf32>,
      %parallel_loop3A_1206 = vector.shape_cast %parallel_loop3A_1205 : vector<16xf32> to vector<16xf32>
      %parallel_loop3A_1207 = arith.addf %parallel_loop3A_1203, %parallel_loop3A_1206 : vector<16xf32>
      %parallel_loop3A_1208 = arith.index_cast %parallel_loop3A_1200 : i32 to index
      %parallel_loop3A_1209 = tpu.vector_load %arg7[%parallel_loop3A_1208] {strides = array<i32>} : memref<16384xf32, #tpu.memory_space<vmem>>, vector<16xf32>,
      %parallel_loop3A_1210 = vector.shape_cast %parallel_loop3A_1209 : vector<16xf32> to vector<16xf32>
      %parallel_loop3A_1211 = vector.shape_cast %parallel_loop3A_1207 : vector<16xf32> to vector<16xf32>
      tpu.vector_store %arg7[%parallel_loop3A_1208], %parallel_loop3A_1211 {strides = array<i32>} : memref<16384xf32, #tpu.memory_space<vmem>>, vector<16xf32>,
    } {sc.loop_unroll_factor = 8 : i64, sc.parallel_access}
    %add3A_1087 = arith.constant 112 : i32
    %add3A_1088 = arith.addi %mul3A_2, %add3A_1087 : i32
    %add3A_1089 = arith.constant 0 : i32
    %add3A_1090 = arith.addi %add3A_1089, %add3A_1088 : i32
    %mul3A_1091 = arith.constant 1024 : i32
    %mul3A_1092 = arith.muli %add3A_1090, %mul3A_1091 : i32
    %dma_start3A_1093 = tpu.memref_slice %arg4[%mul3A_1092] : memref<16777216xf32, #tpu.memory_space<hbm>> -> memref<16384xf32, #tpu.memory_space<hbm>>
    %dma_start3A_1094 = tpu.memref_slice %arg4[%mul3A_1092] : memref<16777216xf32, #tpu.memory_space<hbm>> -> memref<16384xf32, #tpu.memory_space<hbm>>
    tpu.enqueue_dma source(%arg7 : memref<16384xf32, #tpu.memory_space<vmem>>) target(%dma_start3A_1094 : memref<16384xf32, #tpu.memory_space<hbm>>) target_semaphore(%arg17 : memref<!tpu.dma_semaphore, #tpu.memory_space<semaphore_mem>>)
    %add3A_1095 = arith.constant 96 : i32
    %add3A_1096 = arith.addi %mul3A_2, %add3A_1095 : i32
    %add3A_1097 = arith.constant 8192 : i32
    %add3A_1098 = arith.addi %add3A_1097, %add3A_1096 : i32
    %mul3A_1099 = arith.constant 1024 : i32
    %mul3A_1100 = arith.muli %add3A_1098, %mul3A_1099 : i32
    %dma_wait3A_1101 = tpu.memref_slice %arg4[%mul3A_1100] : memref<16777216xf32, #tpu.memory_space<hbm>> -> memref<16384xf32, #tpu.memory_space<hbm>>
    %dma_wait3A_1102 = tpu.memref_slice %arg4[%mul3A_1100] : memref<16777216xf32, #tpu.memory_space<hbm>> -> memref<16384xf32, #tpu.memory_space<hbm>>
    tpu.wait_dma2 semaphore(%arg19 : memref<!tpu.dma_semaphore, #tpu.memory_space<semaphore_mem>>) src(%arg9 : memref<16384xf32, #tpu.memory_space<vmem>>) dst(%dma_wait3A_1102 : memref<16384xf32, #tpu.memory_space<hbm>>)
    %add3A_1103 = arith.constant 112 : i32
    %add3A_1104 = arith.addi %mul3A_2, %add3A_1103 : i32
    %add3A_1105 = arith.constant 8192 : i32
    %add3A_1106 = arith.addi %add3A_1105, %add3A_1104 : i32
    %mul3A_1107 = arith.constant 1024 : i32
    %mul3A_1108 = arith.muli %add3A_1106, %mul3A_1107 : i32
    %dma_start3A_1109 = tpu.memref_slice %arg2[%mul3A_1108] : memref<16777216xf32, #tpu.memory_space<hbm>> -> memref<16384xf32, #tpu.memory_space<hbm>>
    %dma_start3A_1110 = tpu.memref_slice %arg2[%mul3A_1108] : memref<16777216xf32, #tpu.memory_space<hbm>> -> memref<16384xf32, #tpu.memory_space<hbm>>
    tpu.enqueue_dma source(%dma_start3A_1110 : memref<16384xf32, #tpu.memory_space<hbm>>) target(%arg9 : memref<16384xf32, #tpu.memory_space<vmem>>) target_semaphore(%arg15 : memref<!tpu.dma_semaphore, #tpu.memory_space<semaphore_mem>>)
    %add3A_1111 = arith.constant 112 : i32
    %add3A_1112 = arith.addi %mul3A_2, %add3A_1111 : i32
    %add3A_1113 = arith.constant 4096 : i32
    %add3A_1114 = arith.addi %add3A_1113, %add3A_1112 : i32
    %mul3A_1115 = arith.constant 1024 : i32
    %mul3A_1116 = arith.muli %add3A_1114, %mul3A_1115 : i32
    %dma_wait3A_1117 = tpu.memref_slice %arg2[%mul3A_1116] : memref<16777216xf32, #tpu.memory_space<hbm>> -> memref<16384xf32, #tpu.memory_space<hbm>>
    %dma_wait3A_1118 = tpu.memref_slice %arg2[%mul3A_1116] : memref<16777216xf32, #tpu.memory_space<hbm>> -> memref<16384xf32, #tpu.memory_space<hbm>>
    tpu.wait_dma2 semaphore(%arg14 : memref<!tpu.dma_semaphore, #tpu.memory_space<semaphore_mem>>) src(%dma_wait3A_1118 : memref<16384xf32, #tpu.memory_space<hbm>>) dst(%arg8 : memref<16384xf32, #tpu.memory_space<vmem>>)
    %parallel_loop3A_1119 = arith.constant 0 : i32
    %parallel_loop3A_1120 = arith.constant 16384 : i32
    %parallel_loop3A_1121 = arith.constant 16 : i32
    scf.for %parallel_loop3A_1200 = %parallel_loop3A_1119 to %parallel_loop3A_1120 step %parallel_loop3A_1121  : i32 {
      %parallel_loop3A_1201 = arith.index_cast %parallel_loop3A_1200 : i32 to index
      %parallel_loop3A_1202 = tpu.vector_load %arg8[%parallel_loop3A_1201] {strides = array<i32>} : memref<16384xf32, #tpu.memory_space<vmem>>, vector<16xf32>,
      %parallel_loop3A_1203 = vector.shape_cast %parallel_loop3A_1202 : vector<16xf32> to vector<16xf32>
      %parallel_loop3A_1204 = arith.index_cast %parallel_loop3A_1200 : i32 to index
      %parallel_loop3A_1205 = tpu.vector_load %arg6[%parallel_loop3A_1204] {strides = array<i32>} : memref<16384xf32, #tpu.memory_space<vmem>>, vector<16xf32>,
      %parallel_loop3A_1206 = vector.shape_cast %parallel_loop3A_1205 : vector<16xf32> to vector<16xf32>
      %parallel_loop3A_1207 = arith.addf %parallel_loop3A_1203, %parallel_loop3A_1206 : vector<16xf32>
      %parallel_loop3A_1208 = arith.index_cast %parallel_loop3A_1200 : i32 to index
      %parallel_loop3A_1209 = tpu.vector_load %arg8[%parallel_loop3A_1208] {strides = array<i32>} : memref<16384xf32, #tpu.memory_space<vmem>>, vector<16xf32>,
      %parallel_loop3A_1210 = vector.shape_cast %parallel_loop3A_1209 : vector<16xf32> to vector<16xf32>
      %parallel_loop3A_1211 = vector.shape_cast %parallel_loop3A_1207 : vector<16xf32> to vector<16xf32>
      tpu.vector_store %arg8[%parallel_loop3A_1208], %parallel_loop3A_1211 {strides = array<i32>} : memref<16384xf32, #tpu.memory_space<vmem>>, vector<16xf32>,
    } {sc.loop_unroll_factor = 8 : i64, sc.parallel_access}
    %add3A_1122 = arith.constant 112 : i32
    %add3A_1123 = arith.addi %mul3A_2, %add3A_1122 : i32
    %add3A_1124 = arith.constant 4096 : i32
    %add3A_1125 = arith.addi %add3A_1124, %add3A_1123 : i32
    %mul3A_1126 = arith.constant 1024 : i32
    %mul3A_1127 = arith.muli %add3A_1125, %mul3A_1126 : i32
    %dma_start3A_1128 = tpu.memref_slice %arg4[%mul3A_1127] : memref<16777216xf32, #tpu.memory_space<hbm>> -> memref<16384xf32, #tpu.memory_space<hbm>>
    %dma_start3A_1129 = tpu.memref_slice %arg4[%mul3A_1127] : memref<16777216xf32, #tpu.memory_space<hbm>> -> memref<16384xf32, #tpu.memory_space<hbm>>
    tpu.enqueue_dma source(%arg8 : memref<16384xf32, #tpu.memory_space<vmem>>) target(%dma_start3A_1129 : memref<16384xf32, #tpu.memory_space<hbm>>) target_semaphore(%arg18 : memref<!tpu.dma_semaphore, #tpu.memory_space<semaphore_mem>>)
    %add3A_1130 = arith.constant 96 : i32
    %add3A_1131 = arith.addi %mul3A_2, %add3A_1130 : i32
    %add3A_1132 = arith.constant 12288 : i32
    %add3A_1133 = arith.addi %add3A_1132, %add3A_1131 : i32
    %mul3A_1134 = arith.constant 1024 : i32
    %mul3A_1135 = arith.muli %add3A_1133, %mul3A_1134 : i32
    %dma_wait3A_1136 = tpu.memref_slice %arg4[%mul3A_1135] : memref<16777216xf32, #tpu.memory_space<hbm>> -> memref<16384xf32, #tpu.memory_space<hbm>>
    %dma_wait3A_1137 = tpu.memref_slice %arg4[%mul3A_1135] : memref<16777216xf32, #tpu.memory_space<hbm>> -> memref<16384xf32, #tpu.memory_space<hbm>>
    tpu.wait_dma2 semaphore(%arg20 : memref<!tpu.dma_semaphore, #tpu.memory_space<semaphore_mem>>) src(%arg10 : memref<16384xf32, #tpu.memory_space<vmem>>) dst(%dma_wait3A_1137 : memref<16384xf32, #tpu.memory_space<hbm>>)
    %add3A_1138 = arith.constant 112 : i32
    %add3A_1139 = arith.addi %mul3A_2, %add3A_1138 : i32
    %add3A_1140 = arith.constant 12288 : i32
    %add3A_1141 = arith.addi %add3A_1140, %add3A_1139 : i32
    %mul3A_1142 = arith.constant 1024 : i32
    %mul3A_1143 = arith.muli %add3A_1141, %mul3A_1142 : i32
    %dma_start3A_1144 = tpu.memref_slice %arg2[%mul3A_1143] : memref<16777216xf32, #tpu.memory_space<hbm>> -> memref<16384xf32, #tpu.memory_space<hbm>>
    %dma_start3A_1145 = tpu.memref_slice %arg2[%mul3A_1143] : memref<16777216xf32, #tpu.memory_space<hbm>> -> memref<16384xf32, #tpu.memory_space<hbm>>
    tpu.enqueue_dma source(%dma_start3A_1145 : memref<16384xf32, #tpu.memory_space<hbm>>) target(%arg10 : memref<16384xf32, #tpu.memory_space<vmem>>) target_semaphore(%arg16 : memref<!tpu.dma_semaphore, #tpu.memory_space<semaphore_mem>>)
    %add3A_1146 = arith.constant 112 : i32
    %add3A_1147 = arith.addi %mul3A_2, %add3A_1146 : i32
    %add3A_1148 = arith.constant 8192 : i32
    %add3A_1149 = arith.addi %add3A_1148, %add3A_1147 : i32
    %mul3A_1150 = arith.constant 1024 : i32
    %mul3A_1151 = arith.muli %add3A_1149, %mul3A_1150 : i32
    %dma_wait3A_1152 = tpu.memref_slice %arg2[%mul3A_1151] : memref<16777216xf32, #tpu.memory_space<hbm>> -> memref<16384xf32, #tpu.memory_space<hbm>>
    %dma_wait3A_1153 = tpu.memref_slice %arg2[%mul3A_1151] : memref<16777216xf32, #tpu.memory_space<hbm>> -> memref<16384xf32, #tpu.memory_space<hbm>>
    tpu.wait_dma2 semaphore(%arg15 : memref<!tpu.dma_semaphore, #tpu.memory_space<semaphore_mem>>) src(%dma_wait3A_1153 : memref<16384xf32, #tpu.memory_space<hbm>>) dst(%arg9 : memref<16384xf32, #tpu.memory_space<vmem>>)
    %parallel_loop3A_1154 = arith.constant 0 : i32
    %parallel_loop3A_1155 = arith.constant 16384 : i32
    %parallel_loop3A_1156 = arith.constant 16 : i32
    scf.for %parallel_loop3A_1200 = %parallel_loop3A_1154 to %parallel_loop3A_1155 step %parallel_loop3A_1156  : i32 {
      %parallel_loop3A_1201 = arith.index_cast %parallel_loop3A_1200 : i32 to index
      %parallel_loop3A_1202 = tpu.vector_load %arg9[%parallel_loop3A_1201] {strides = array<i32>} : memref<16384xf32, #tpu.memory_space<vmem>>, vector<16xf32>,
      %parallel_loop3A_1203 = vector.shape_cast %parallel_loop3A_1202 : vector<16xf32> to vector<16xf32>
      %parallel_loop3A_1204 = arith.index_cast %parallel_loop3A_1200 : i32 to index
      %parallel_loop3A_1205 = tpu.vector_load %arg6[%parallel_loop3A_1204] {strides = array<i32>} : memref<16384xf32, #tpu.memory_space<vmem>>, vector<16xf32>,
      %parallel_loop3A_1206 = vector.shape_cast %parallel_loop3A_1205 : vector<16xf32> to vector<16xf32>
      %parallel_loop3A_1207 = arith.addf %parallel_loop3A_1203, %parallel_loop3A_1206 : vector<16xf32>
      %parallel_loop3A_1208 = arith.index_cast %parallel_loop3A_1200 : i32 to index
      %parallel_loop3A_1209 = tpu.vector_load %arg9[%parallel_loop3A_1208] {strides = array<i32>} : memref<16384xf32, #tpu.memory_space<vmem>>, vector<16xf32>,
      %parallel_loop3A_1210 = vector.shape_cast %parallel_loop3A_1209 : vector<16xf32> to vector<16xf32>
      %parallel_loop3A_1211 = vector.shape_cast %parallel_loop3A_1207 : vector<16xf32> to vector<16xf32>
      tpu.vector_store %arg9[%parallel_loop3A_1208], %parallel_loop3A_1211 {strides = array<i32>} : memref<16384xf32, #tpu.memory_space<vmem>>, vector<16xf32>,
    } {sc.loop_unroll_factor = 8 : i64, sc.parallel_access}
    %add3A_1157 = arith.constant 112 : i32
    %add3A_1158 = arith.addi %mul3A_2, %add3A_1157 : i32
    %add3A_1159 = arith.constant 8192 : i32
    %add3A_1160 = arith.addi %add3A_1159, %add3A_1158 : i32
    %mul3A_1161 = arith.constant 1024 : i32
    %mul3A_1162 = arith.muli %add3A_1160, %mul3A_1161 : i32
    %dma_start3A_1163 = tpu.memref_slice %arg4[%mul3A_1162] : memref<16777216xf32, #tpu.memory_space<hbm>> -> memref<16384xf32, #tpu.memory_space<hbm>>
    %dma_start3A_1164 = tpu.memref_slice %arg4[%mul3A_1162] : memref<16777216xf32, #tpu.memory_space<hbm>> -> memref<16384xf32, #tpu.memory_space<hbm>>
    tpu.enqueue_dma source(%arg9 : memref<16384xf32, #tpu.memory_space<vmem>>) target(%dma_start3A_1164 : memref<16384xf32, #tpu.memory_space<hbm>>) target_semaphore(%arg19 : memref<!tpu.dma_semaphore, #tpu.memory_space<semaphore_mem>>)
    %add3A_1165 = arith.constant 112 : i32
    %add3A_1166 = arith.addi %mul3A_2, %add3A_1165 : i32
    %add3A_1167 = arith.constant 12288 : i32
    %add3A_1168 = arith.addi %add3A_1167, %add3A_1166 : i32
    %mul3A_1169 = arith.constant 1024 : i32
    %mul3A_1170 = arith.muli %add3A_1168, %mul3A_1169 : i32
    %dma_wait3A_1171 = tpu.memref_slice %arg2[%mul3A_1170] : memref<16777216xf32, #tpu.memory_space<hbm>> -> memref<16384xf32, #tpu.memory_space<hbm>>
    %dma_wait3A_1172 = tpu.memref_slice %arg2[%mul3A_1170] : memref<16777216xf32, #tpu.memory_space<hbm>> -> memref<16384xf32, #tpu.memory_space<hbm>>
    tpu.wait_dma2 semaphore(%arg16 : memref<!tpu.dma_semaphore, #tpu.memory_space<semaphore_mem>>) src(%dma_wait3A_1172 : memref<16384xf32, #tpu.memory_space<hbm>>) dst(%arg10 : memref<16384xf32, #tpu.memory_space<vmem>>)
    %parallel_loop3A_1173 = arith.constant 0 : i32
    %parallel_loop3A_1174 = arith.constant 16384 : i32
    %parallel_loop3A_1175 = arith.constant 16 : i32
    scf.for %parallel_loop3A_1200 = %parallel_loop3A_1173 to %parallel_loop3A_1174 step %parallel_loop3A_1175  : i32 {
      %parallel_loop3A_1201 = arith.index_cast %parallel_loop3A_1200 : i32 to index
      %parallel_loop3A_1202 = tpu.vector_load %arg10[%parallel_loop3A_1201] {strides = array<i32>} : memref<16384xf32, #tpu.memory_space<vmem>>, vector<16xf32>,
      %parallel_loop3A_1203 = vector.shape_cast %parallel_loop3A_1202 : vector<16xf32> to vector<16xf32>
      %parallel_loop3A_1204 = arith.index_cast %parallel_loop3A_1200 : i32 to index
      %parallel_loop3A_1205 = tpu.vector_load %arg6[%parallel_loop3A_1204] {strides = array<i32>} : memref<16384xf32, #tpu.memory_space<vmem>>, vector<16xf32>,
      %parallel_loop3A_1206 = vector.shape_cast %parallel_loop3A_1205 : vector<16xf32> to vector<16xf32>
      %parallel_loop3A_1207 = arith.addf %parallel_loop3A_1203, %parallel_loop3A_1206 : vector<16xf32>
      %parallel_loop3A_1208 = arith.index_cast %parallel_loop3A_1200 : i32 to index
      %parallel_loop3A_1209 = tpu.vector_load %arg10[%parallel_loop3A_1208] {strides = array<i32>} : memref<16384xf32, #tpu.memory_space<vmem>>, vector<16xf32>,
      %parallel_loop3A_1210 = vector.shape_cast %parallel_loop3A_1209 : vector<16xf32> to vector<16xf32>
      %parallel_loop3A_1211 = vector.shape_cast %parallel_loop3A_1207 : vector<16xf32> to vector<16xf32>
      tpu.vector_store %arg10[%parallel_loop3A_1208], %parallel_loop3A_1211 {strides = array<i32>} : memref<16384xf32, #tpu.memory_space<vmem>>, vector<16xf32>,
    } {sc.loop_unroll_factor = 8 : i64, sc.parallel_access}
    %add3A_1176 = arith.constant 112 : i32
    %add3A_1177 = arith.addi %mul3A_2, %add3A_1176 : i32
    %add3A_1178 = arith.constant 12288 : i32
    %add3A_1179 = arith.addi %add3A_1178, %add3A_1177 : i32
    %mul3A_1180 = arith.constant 1024 : i32
    %mul3A_1181 = arith.muli %add3A_1179, %mul3A_1180 : i32
    %dma_start3A_1182 = tpu.memref_slice %arg4[%mul3A_1181] : memref<16777216xf32, #tpu.memory_space<hbm>> -> memref<16384xf32, #tpu.memory_space<hbm>>
    %dma_start3A_1183 = tpu.memref_slice %arg4[%mul3A_1181] : memref<16777216xf32, #tpu.memory_space<hbm>> -> memref<16384xf32, #tpu.memory_space<hbm>>
    tpu.enqueue_dma source(%arg10 : memref<16384xf32, #tpu.memory_space<vmem>>) target(%dma_start3A_1183 : memref<16384xf32, #tpu.memory_space<hbm>>) target_semaphore(%arg20 : memref<!tpu.dma_semaphore, #tpu.memory_space<semaphore_mem>>)
    %add3A_1184 = arith.constant 112 : i32
    %add3A_1185 = arith.addi %mul3A_2, %add3A_1184 : i32
    %add3A_1186 = arith.constant 8192 : i32
    %add3A_1187 = arith.addi %add3A_1186, %add3A_1185 : i32
    %mul3A_1188 = arith.constant 1024 : i32
    %mul3A_1189 = arith.muli %add3A_1187, %mul3A_1188 : i32
    %dma_wait3A_1190 = tpu.memref_slice %arg4[%mul3A_1189] : memref<16777216xf32, #tpu.memory_space<hbm>> -> memref<16384xf32, #tpu.memory_space<hbm>>
    %dma_wait3A_1191 = tpu.memref_slice %arg4[%mul3A_1189] : memref<16777216xf32, #tpu.memory_space<hbm>> -> memref<16384xf32, #tpu.memory_space<hbm>>
    tpu.wait_dma2 semaphore(%arg19 : memref<!tpu.dma_semaphore, #tpu.memory_space<semaphore_mem>>) src(%arg9 : memref<16384xf32, #tpu.memory_space<vmem>>) dst(%dma_wait3A_1191 : memref<16384xf32, #tpu.memory_space<hbm>>)
    %add3A_1192 = arith.constant 112 : i32
    %add3A_1193 = arith.addi %mul3A_2, %add3A_1192 : i32
    %add3A_1194 = arith.constant 12288 : i32
    %add3A_1195 = arith.addi %add3A_1194, %add3A_1193 : i32
    %mul3A_1196 = arith.constant 1024 : i32
    %mul3A_1197 = arith.muli %add3A_1195, %mul3A_1196 : i32
    %dma_wait3A_1198 = tpu.memref_slice %arg4[%mul3A_1197] : memref<16777216xf32, #tpu.memory_space<hbm>> -> memref<16384xf32, #tpu.memory_space<hbm>>
    %dma_wait3A_1199 = tpu.memref_slice %arg4[%mul3A_1197] : memref<16777216xf32, #tpu.memory_space<hbm>> -> memref<16384xf32, #tpu.memory_space<hbm>>
    tpu.wait_dma2 semaphore(%arg20 : memref<!tpu.dma_semaphore, #tpu.memory_space<semaphore_mem>>) src(%arg10 : memref<16384xf32, #tpu.memory_space<vmem>>) dst(%dma_wait3A_1199 : memref<16384xf32, #tpu.memory_space<hbm>>)
    return
  }
}

</mosaic_0001>

<sc_bundles>
// kernel: kernel.3.cloned.1.call-start
scs
__scs_entry_jumppad:
0x0: {  	(pc) =	sbr.rel $0x88, $3  }
0x1: {  	(tag) =	ssettag $0x0;
	lr =	simm.s32 $0x1  }
0x2: {  	[smem:$0x3F9F] =	sst lr;
	_ =	strace $0xD0000000  }
0x3: {  	_ = 	snop  }
0x4: {  	_ = 	snop  }
0x5: {  	_ = 	snop  }
0x6: {  	_ = 	snop  }
0x7: {  	_ = 	snop  }
__scs_overlays_trampoline_lowered:
0x8: {  	[smem:$0x3FAE] =	sst s0  }
0x9: {  	[smem:$0x3FAF] =	sst s1  }
0xa: {  	[smem:$0x3FB0] =	sst s2  }
0xb: {  	[smem:$0x3FB1] =	sst s3  }
0xc: {  	[smem:$0x3FB2] =	sst s4  }
0xd: {  	[smem:$0x3FB3] =	sst s5  }
0xe: {  	[smem:$0x3FB4] =	sst s6  }
0xf: {  	[smem:$0x3FB5] =	sst s7  }
0x10: {  	[smem:$0x3FB6] =	sst s8  }
0x11: {  	[smem:$0x3FB7] =	sst s9;
	s0 =	simm.s32 @!p0 $0x0  }
0x12: {  	s1 =	sld [smem:$0x3F9D];
	s0 =	simm.s32 @p0 $0x1  }
0x13: {  	[smem:$0x3FB8] =	sst s0;
	s0 =	simm.s32 @!p1 $0x0  }
0x14: {  	s2 =	sld [smem:$0x3F9C];
	s0 =	simm.s32 @p1 $0x1  }
0x15: {  	[smem:$0x3FB9] =	sst s0;
	s0 =	simm.s32 @!p2 $0x0  }
0x16: {  	s3 =	sld [smem:$0x3FDB];
	s0 =	simm.s32 @p2 $0x1  }
0x17: {  	s4 =	simm.s32 $0x1BF5;
	[smem:$0x3FBB] =	sst s0  }
0x18: {  	s0 =	sld [smem:$0x3F9E];
	_ =	swait.ge [sflag:s4], $0x0  }
0x19: {  	s7 =	sld [smem:$0x3F9F]  }
0x1a: {  	s8 =	sadd.s32 $0xFFFFE003, lr  }
0x1b: {  	s9 =	sadd.s32 $0xFFFFFEF7, lr;
	s5 =	simm.s32 $0xFFFFFFFF;
	p2 =	slt.u32 s8, $0xFFFFF086  }
0x1c: {  	p1 =	slt.u32 s9, $0xF7A;
	s5 =	simm.s32 @!p2 $0x0  }
0x1d: {  	s5 =	simm.s32 @p1 $0x1;
	p0 =	seq.s32 s7, s2  }
0x1e: {  	s7 =	smul.u32 @!p0 $0xF7A, s2;
	p2 =	seq.s32 @!p0 s5, $0x0  }
0x1f: {  	s9 =	smul.u32 $0xF7A, s1;
	s8 =	simm.s32 @!p0 $0x1BF5;
	p2 =	por !p2, p0  }
0x20: {  	[sflag:s8] =	ssyncset.s32 @!p0 $0xFFFFF086;
	s6 =	sadd.s32 @!p0 s3, s7;
	s7 =	simm.s32 @!p0 $0x108  }
0x21: {  	s3 =	sadd.s32 s3, s9;
	s6 =	sadd.s32 @!p0 $0x88, s6;
	s7 =	simm.s32 @p2 $0x1082  }
0x22: {  	[simem:s7], [sflag:s8] =	dma.local @!p0 [hbm:s6], $0xF7A  }
0x23: {  	s9 =	sor.u32 $0xD0000000, s2;
	s6 =	simm.s32 $0x108;
	_ =	swait.ge @!p0 [sflag:s8], $0x0  }
0x24: {  	s3 =	sadd.s32 $0x88, s3;
	s6 =	simm.s32 @!p1 $0x1082;
	[sflag:s4] =	ssyncset.s32 $0xFFFFF086  }
0x25: {  	[simem:s6], [sflag:s4] =	dma.local [hbm:s3], $0xF7A  }
0x26: {  	[smem:$0x3F9F] =	sst s1;
	(tag) =	ssettag s2;
	_ =	strace s9  }
0x27: {  	s1 =	sld [smem:$0x3FAF]  }
0x28: {  	s2 =	sld [smem:$0x3FB0]  }
0x29: {  	s4 =	sld [smem:$0x3FB2]  }
0x2a: {  	p0 =	seq.s32 s5, $0x0;
	s5 =	sld [smem:$0x3FB3]  }
0x2b: {  	s6 =	sld [smem:$0x3FB4]  }
0x2c: {  	s7 =	sld [smem:$0x3FB5]  }
0x2d: {  	s3 =	simm.s32 $0x108;
	s8 =	sld [smem:$0x3FB6]  }
0x2e: {  	s3 =	simm.s32 @!p0 $0x1082;
	s9 =	sld [smem:$0x3FB7]  }
0x2f: {  	lr =	sadd.s32 s0, s3;
	s0 =	sld [smem:$0x3FAE]  }
0x30: {  	s3 =	sld [smem:$0x3FB1]  }
0x31: {  	[smem:$0x3FBA] =	sst s10  }
0x32: {  	s10 =	sld [smem:$0x3FB8];
	_ =	sdelay $0x3  }
0x33: {  	p0 =	seq.s32 s10, $0x1;
	s10 =	sld [smem:$0x3FBA];
	_ =	sdelay $0x3  }
0x34: {  	[smem:$0x3FBA] =	sst s10  }
0x35: {  	s10 =	sld [smem:$0x3FB9];
	_ =	sdelay $0x3  }
0x36: {  	p1 =	seq.s32 s10, $0x1;
	s10 =	sld [smem:$0x3FBA];
	_ =	sdelay $0x3  }
0x37: {  	[smem:$0x3FBA] =	sst s10  }
0x38: {  	s10 =	sld [smem:$0x3FBB]  }
0x39: {  	_ = 	snop;
	(pc) =	sbr.ind lr, $3  }
0x3a: {  	_ = 	snop  }
0x3b: {  	_ = 	snop  }
0x3c: {  	p2 =	seq.s32 s10, $0x1;
	s10 =	sld [smem:$0x3FBA]  }
0x3d: {  	_ =	shalt  }
0x3e: {  	_ =	shalt  }
0x3f: {  	_ =	shalt  }
0x40: {  	_ =	shalt  }
0x41: {  	_ =	shalt  }
0x42: {  	_ =	shalt  }
0x43: {  	_ =	shalt  }
0x44: {  	_ =	shalt  }
0x45: {  	_ =	shalt  }
0x46: {  	_ =	shalt  }
0x47: {  	_ =	shalt  }
0x48: {  	_ =	shalt  }
0x49: {  	_ =	shalt  }
0x4a: {  	_ =	shalt  }
0x4b: {  	_ =	shalt  }
0x4c: {  	_ =	shalt  }
0x4d: {  	_ =	shalt  }
0x4e: {  	_ =	shalt  }
0x4f: {  	_ =	shalt  }
0x50: {  	_ =	shalt  }
0x51: {  	_ =	shalt  }
0x52: {  	_ =	shalt  }
0x53: {  	_ =	shalt  }
0x54: {  	_ =	shalt  }
0x55: {  	_ =	shalt  }
0x56: {  	_ =	shalt  }
0x57: {  	_ =	shalt  }
0x58: {  	_ =	shalt  }
0x59: {  	_ =	shalt  }
0x5a: {  	_ =	shalt  }
0x5b: {  	_ =	shalt  }
0x5c: {  	_ =	shalt  }
0x5d: {  	_ =	shalt  }
0x5e: {  	_ =	shalt  }
0x5f: {  	_ =	shalt  }
0x60: {  	_ =	shalt  }
0x61: {  	_ =	shalt  }
0x62: {  	_ =	shalt  }
0x63: {  	_ =	shalt  }
0x64: {  	_ =	shalt  }
0x65: {  	_ =	shalt  }
0x66: {  	_ =	shalt  }
0x67: {  	_ =	shalt  }
0x68: {  	_ =	shalt  }
0x69: {  	_ =	shalt  }
0x6a: {  	_ =	shalt  }
0x6b: {  	_ =	shalt  }
0x6c: {  	_ =	shalt  }
0x6d: {  	_ =	shalt  }
0x6e: {  	_ =	shalt  }
0x6f: {  	_ =	shalt  }
0x70: {  	_ =	shalt  }
0x71: {  	_ =	shalt  }
0x72: {  	_ =	shalt  }
0x73: {  	_ =	shalt  }
0x74: {  	_ =	shalt  }
0x75: {  	_ =	shalt  }
0x76: {  	_ =	shalt  }
0x77: {  	_ =	shalt  }
0x78: {  	_ =	shalt  }
0x79: {  	_ =	shalt  }
0x7a: {  	_ =	shalt  }
0x7b: {  	_ =	shalt  }
0x7c: {  	_ =	shalt  }
0x7d: {  	_ =	shalt  }
0x7e: {  	_ =	shalt  }
0x7f: {  	_ =	shalt  }
0x80: {  	_ =	shalt  }
0x81: {  	_ =	shalt  }
0x82: {  	_ =	shalt  }
0x83: {  	_ =	shalt  }
0x84: {  	_ =	shalt  }
0x85: {  	_ =	shalt  }
0x86: {  	_ =	shalt  }
0x87: {  	_ =	shalt  }
.Lfunc_end0:
.L_simem_size_0:
called_computation.2_lowered:
.L_overlay_start_0:
0x88: {  	s2 =	sld [smem:$0x3FD9]  }
0x89: {  	s3 =	sld [smem:$0x3FFE];
	_ =	sdelay $0x1  }
0x8a: {  	s1 =	srdreg.scid  }
0x8b: {  	s0 =	sand.u32 $0x1, s1  }
0x8c: {  	s17 =	sshll.u32 s0, $0xA;
	s2 =	sadd.s32 s3, s2  }
0x8d: {  	s2 =	sadd.s32 s2, s17  }
0x8e: {  	[smem:$0x3FC6] =	sst s2  }
0x8f: {  	_ = 	snop  }
0x90: {  	s2 =	sld [smem:$0x3FD0];
	(tm) =	ssettm $0x1  }
0x91: {  	s18 =	sld [smem:$0x3FFB];
	_ =	sdelay $0x3  }
0x92: {  	_ =	strace s18  }
0x93: {  	s3 =	sld [smem:$0x3FFC];
	_ =	sdelay $0x3  }
0x94: {  	_ =	strace s3  }
0x95: {  	s3 =	sld [smem:$0x3FFD];
	_ =	sdelay $0x3  }
0x96: {  	_ =	strace s3  }
0x97: {  	_ =	strace $0x8FFFFFFF  }
0x98: {  	s19 =	sld [smem:$0x3FDB];
	_ =	sdelay $0x1  }
0x99: {  	s4 =	simm.s32 $_scs_section_size  }
0x9a: {  	s5 =	simm.s32 $_size__tile_overlayer_lowered;
	s6 =	simm.s32 $_tile_overlayer_lowered  }
0x9b: {  	s22 =	simm.s32 $0x1BFF;
	s21 =	sshll.u32 s6, $0x1;
	s3 =	sadd.s32 s4, s19  }
0x9c: {  	s7 =	simm.s32 $0x0;
	s20 =	sshll.u32 s5, $0x1;
	s5 =	sadd.s32 s21, s3  }
0x9d: {  	[timem:s7], [sflag:s22] =	dma.local [hbm:s5], s20  }
0x9e: {  	_ =	swait.ge [sflag:s22], s20  }
0x9f: {  	s4 =	ssub.s32 $0x0, s20;
	[sflag:s22] =	ssyncset.done $0x0  }
0xa0: {  	[sflag:s22] =	ssyncadd.s32 s4;
	_ =	sdelay $0x1  }
0xa1: {  	s23 =	simm.s32 $0x1B8B  }
0xa2: {  	_ =	swait.ge [sflag:s23], $0x1  }
0xa3: {  	[sflag:s23] =	ssyncset.done $0x0  }
0xa4: {  	s25 =	simm.s32 $0x1B8E;
	s24 =	sld [smem:$0x3FFE];
	[sflag:s23] =	ssyncadd.s32 $0xFFFFFFFF  }
0xa5: {  	s26 =	simm.s32 $execute0_lowered;
	[smem:$0x3FD2] =	sst s25  }
0xa6: {  	s5 =	sshll.u32 s26, $0x1;
	_ =	strace $0x8000004C;
	[dreg:$0x1] =	wrdreg $0xFFFFFFFF  }
0xa7: {  	s28 =	simm.s32 $_size_execute0_lowered;
	s3 =	sadd.s32 s3, s5;
	[dreg:$0x0] =	wrdreg $0x0  }
0xa8: {  	s5 =	sshll.u32 s28, $0x1;
	[dreg:$0x2] =	wrdreg s3  }
0xa9: {  	[dreg:$0x3] =	wrdreg s5  }
0xaa: {  	[dreg:$0x4] =	wrdreg $0xC0  }
0xab: {  	_ =	task [dreg:s7], $0x5FFFF  }
0xac: {  	[dreg:$0x1] =	wrdreg $0xFFFFFFFF  }
0xad: {  	[dreg:$0x0] =	wrdreg $0x60  }
0xae: {  	[dreg:$0x2] =	wrdreg s2  }
0xaf: {  	[dreg:$0x3] =	wrdreg s24  }
0xb0: {  	[dreg:$0x4] =	wrdreg $0x9  }
0xb1: {  	_ =	task.clear_ibuf [dreg:s7], $0x5FFFF;
	_ =	strace $0x9000004C  }
0xb2: {  	s29 =	simm.s32 $0x9;
	_ =	strace $0x8000004E  }
0xb3: {  	_ =	swait.ge [sflag:s29], $0x1  }
0xb4: {  	[sflag:s29] =	ssyncadd.s32 $0xFFFFFFFF  }
0xb5: {  	_ =	strace $0x9000004E  }
0xb6: {  	_ =	sfence  }
0xb7: {  	s30 =	sld [smem:$0x0];
	_ =	sdelay $0x2  }
0xb8: {  	s31 =	sshll.u32 s1, $0xD;
	s1 =	sshrl.u32 s1, $0x2  }
0xb9: {  	s3 =	sand.u32 $0x4000, s31;
	s1 =	sadd.s32 s1, s30  }
0xba: {  	s0 =	sor.u32 s3, s0;
	s1 =	sshll.u32 s1, $0x11  }
0xbb: {  	s0 =	sor.u32 s1, s0  }
0xbc: {  	s0 =	sadd.s32 $0x8F2B, s0  }
0xbd: {  	[sflag:s0] =	ssyncadd.remote.s32 $0x1  }
0xbe: {  	_ =	sfence.sel $0xFFFF  }
0xbf: {  	[dreg:$0x0] =	wrdreg $0xFFFFFFFF;
	(pc) =	sbr.abs _section_cstart, $3  }
0xc0: {  	[dreg:$0x1] =	wrdreg $0xFFFFFFFF  }
0xc1: {  	_ =	task.clear_ibuf [dreg:s7], $0x2FFFF;
	_ =	strace $0x9FFFFFFF  }
0xc2: {  	(tm) =	ssettm $0x7FFFFFFF  }
0xc3: {  	_ =	shalt  }
tec
execute0_lowered:
.L_overlay_start_1:
0x0: {  	(tag) =	ssettag $0x1  }
0x1: {  	s3 =	srdreg.scid  }
0x2: {  	s11 =	rddreg [dreg:$0x0];
	s5 =	stileid.u32;
	s3 =	sand.u32 $0x1, s3  }
0x3: {  	s5 =	sshll.u32 s5, $0xF;
	s4 =	ssub.s32 $0x2, s3;
	s3 =	sshll.u32 s3, $0xE  }
0x4: {  	s2 =	rddreg [dreg:$0x1];
	s8 =	sor.u32 s3, s5  }
0x5: {  	s1 =	simm.s32 $0x0;
	s0 =	sadd.s32 $0xC00, s2;
	s9 =	sor.u32 $0x800, s8  }
0x6: {  	[smem:$0x7FF] =	sst s1;
	s3 =	sor.u32 $0x80000, s8;
	s10 =	sadd.s32 s0, s9  }
0x7: {  	s15 =	sor.u32 $0x100000, s8;
	s12 =	sadd.s32 s11, s3;
	[dreg:$0x3] =	wrdreg s10  }
0x8: {  	s13 =	sadd.s32 $0x100C00, s2;
	s16 =	sadd.s32 s11, s15;
	[dreg:$0x4] =	wrdreg s12  }
0x9: {  	s17 =	sor.u32 $0x180000, s8;
	s3 =	sadd.s32 s13, s3;
	[dreg:$0x5] =	wrdreg s16  }
0xa: {  	s7 =	sshrl.u32 s4, $0x1;
	s18 =	sadd.s32 s11, s17;
	[dreg:$0x6] =	wrdreg s3  }
0xb: {  	s14 =	ssub.s32 s4, s7;
	s4 =	sadd.s32 s13, s15;
	[dreg:$0x7] =	wrdreg s18  }
0xc: {  	s20 =	sor.u32 $0x1000, s8;
	s19 =	sadd.s32 s11, s9;
	[dreg:$0x8] =	wrdreg s4  }
0xd: {  	s21 =	sor.u32 $0x80800, s8;
	s22 =	sadd.s32 s0, s20;
	[dreg:$0x9] =	wrdreg s19  }
0xe: {  	s23 =	sadd.s32 s11, s21;
	[dreg:$0xb] =	wrdreg s22  }
0xf: {  	s24 =	sor.u32 $0x100800, s8;
	s2 =	sadd.s32 s13, s9;
	[dreg:$0xc] =	wrdreg s23  }
0x10: {  	s26 =	sor.u32 $0x180800, s8;
	s25 =	sadd.s32 s11, s24;
	[dreg:$0xd] =	wrdreg s2  }
0x11: {  	s6 =	sadd.s32 s11, s26;
	[dreg:$0xe] =	wrdreg s25  }
0x12: {  	s7 =	sadd.s32 s13, s24;
	[dreg:$0x10] =	wrdreg s6  }
0x13: {  	s9 =	sadd.s32 s11, s20;
	[dreg:$0x11] =	wrdreg s7  }
0x14: {  	s3 =	sadd.s32 s13, s17;
	[dreg:$0x12] =	wrdreg s9  }
0x15: {  	s4 =	sadd.s32 s13, s21;
	[dreg:$0xa] =	wrdreg s3  }
0x16: {  	s15 =	sor.u32 $0x101000, s8;
	s2 =	sadd.s32 s13, s26;
	[dreg:$0xf] =	wrdreg s4  }
0x17: {  	s24 =	sor.u32 $0x101800, s8;
	s16 =	sadd.s32 s11, s15;
	[dreg:$0x13] =	wrdreg s2  }
0x18: {  	s5 =	sor.u32 $0x2000, s8;
	s26 =	sadd.s32 s11, s24;
	[dreg:$0x17] =	wrdreg s16  }
0x19: {  	s9 =	sadd.s32 s0, s5;
	[smem:$0x7DC] =	sst s26  }
0x1a: {  	s10 =	sor.u32 $0x81000, s8;
	s3 =	sadd.s32 s13, s20;
	[smem:$0x7E0] =	sst s9  }
0x1b: {  	s12 =	sadd.s32 s11, s10;
	[dreg:$0x14] =	wrdreg s3  }
0x1c: {  	s17 =	sor.u32 $0x181000, s8;
	s2 =	sadd.s32 s13, s10;
	[dreg:$0x15] =	wrdreg s12  }
0x1d: {  	s18 =	sor.u32 $0x1800, s8;
	s19 =	sadd.s32 s11, s17;
	[dreg:$0x16] =	wrdreg s2  }
0x1e: {  	s20 =	sadd.s32 s0, s18;
	[dreg:$0x19] =	wrdreg s19  }
0x1f: {  	s21 =	sadd.s32 s11, s18;
	[dreg:$0x1b] =	wrdreg s20  }
0x20: {  	s23 =	sor.u32 $0x81800, s8;
	s22 =	sadd.s32 s13, s18;
	[dreg:$0x1c] =	wrdreg s21  }
0x21: {  	s25 =	sadd.s32 s11, s23;
	[dreg:$0x1d] =	wrdreg s22  }
0x22: {  	s6 =	sor.u32 $0x181800, s8;
	s4 =	sadd.s32 s13, s24;
	[dreg:$0x1e] =	wrdreg s25  }
0x23: {  	s7 =	sadd.s32 s11, s6;
	[smem:$0x7DD] =	sst s4  }
0x24: {  	s10 =	sadd.s32 s11, s5;
	[smem:$0x7DE] =	sst s7  }
0x25: {  	s3 =	sadd.s32 s13, s15;
	[smem:$0x7E1] =	sst s10  }
0x26: {  	s16 =	sor.u32 $0x102000, s8;
	s2 =	sadd.s32 s13, s17;
	[dreg:$0x18] =	wrdreg s3  }
0x27: {  	s18 =	sor.u32 $0x182000, s8;
	s17 =	sadd.s32 s11, s16;
	[dreg:$0x1a] =	wrdreg s2  }
0x28: {  	s28 =	simm.s32 $0x2;
	s19 =	sadd.s32 s11, s18;
	[smem:$0x7E5] =	sst s17  }
0x29: {  	s29 =	simm.s32 $0x9;
	s7 =	sadd.s32 s0, s8;
	[smem:$0x7E7] =	sst s19  }
0x2a: {  	s30 =	simm.s32 $0xA;
	s2 =	sadd.s32 s13, s23;
	[smem:$0x7F2] =	sst s7  }
0x2b: {  	s12 =	sor.u32 $0x82000, s8;
	s3 =	sadd.s32 s13, s6;
	[dreg:$0x1f] =	wrdreg s2  }
0x2c: {  	s20 =	sor.u32 $0x2800, s8;
	s15 =	sadd.s32 s11, s12;
	[smem:$0x7DF] =	sst s3  }
0x2d: {  	s31 =	simm.s32 $0x0;
	s21 =	sadd.s32 s0, s20;
	[smem:$0x7E3] =	sst s15  }
0x2e: {  	s25 =	sor.u32 $0x102800, s8;
	s22 =	sadd.s32 s11, s20;
	[smem:$0x7E9] =	sst s21  }
0x2f: {  	s4 =	sor.u32 $0x182800, s8;
	s26 =	sadd.s32 s11, s25;
	[smem:$0x7EA] =	sst s22  }
0x30: {  	s14 =	smax.u32 s14, $0x1;
	s6 =	sadd.s32 s13, s4;
	[smem:$0x7EE] =	sst s26  }
0x31: {  	s23 =	sor.u32 $0x82800, s8;
	s2 =	sadd.s32 s13, s5;
	[smem:$0x7F1] =	sst s6  }
0x32: {  	s9 =	sor.u32 $0x3000, s8;
	s24 =	sadd.s32 s11, s23;
	[smem:$0x7E2] =	sst s2  }
0x33: {  	s10 =	sor.u32 $0x3800, s8;
	s3 =	sadd.s32 s13, s23;
	[smem:$0x7EC] =	sst s24  }
0x34: {  	s19 =	sor.u32 $0x183000, s8;
	s5 =	sadd.s32 s11, s4;
	[smem:$0x7ED] =	sst s3  }
0x35: {  	s7 =	sadd.s32 s13, s8;
	s21 =	sadd.s32 s11, s19;
	[smem:$0x7F0] =	sst s5  }
0x36: {  	s15 =	sor.u32 $0x83000, s8;
	s22 =	sadd.s32 s13, s19;
	[smem:$0x7FB] =	sst s21  }
0x37: {  	s23 =	sadd.s32 s11, s10;
	s6 =	sadd.s32 s11, s8;
	[smem:$0x7FC] =	sst s22  }
0x38: {  	s26 =	sor.u32 $0x183800, s8;
	s2 =	sadd.s32 s13, s12;
	[smem:$0x7FD] =	sst s23  }
0x39: {  	s19 =	simm.s32 $0x3;
	s12 =	sadd.s32 s0, s9;
	[smem:$0x7E4] =	sst s2  }
0x3a: {  	s0 =	sadd.s32 s0, s10;
	s17 =	sadd.s32 s11, s15;
	[smem:$0x7F3] =	sst s12  }
0x3b: {  	s5 =	sadd.s32 s13, s10;
	s24 =	sor.u32 $0x83800, s8;
	[smem:$0x7F4] =	sst s0  }
0x3c: {  	s21 =	simm.s32 $0x4;
	s2 =	sadd.s32 s13, s16;
	[smem:$0x7F7] =	sst s17  }
0x3d: {  	s22 =	simm.s32 $0x14000;
	s16 =	sadd.s32 s11, s9;
	[smem:$0x7E6] =	sst s2  }
0x3e: {  	s23 =	simm.s32 $0x5;
	s0 =	sadd.s32 s13, s15;
	[smem:$0x7F5] =	sst s16  }
0x3f: {  	s15 =	simm.s32 $0x4000;
	s2 =	sadd.s32 s13, s18;
	[smem:$0x7F8] =	sst s0  }
0x40: {  	s18 =	sor.u32 $0x103000, s8;
	[smem:$0x7E8] =	sst s2;
	s2 =	sadd.s32 s13, s20  }
0x41: {  	s17 =	simm.s32 $0xC000;
	s20 =	sadd.s32 s11, s18;
	[smem:$0x7EB] =	sst s2  }
0x42: {  	s16 =	simm.s32 $0x8000;
	s0 =	sadd.s32 s13, s18;
	[smem:$0x7F9] =	sst s20  }
0x43: {  	s18 =	simm.s32 $0x1;
	s2 =	sadd.s32 s13, s25;
	[smem:$0x7FA] =	sst s0  }
0x44: {  	s25 =	sor.u32 $0x103800, s8;
	s8 =	sadd.s32 s11, s24;
	s20 =	simm.s32 $0x10000  }
0x45: {  	[smem:$0x7EF] =	sst s2;
	s2 =	sadd.s32 s13, s9;
	s9 =	sadd.s32 s13, s24  }
0x46: {  	s10 =	sadd.s32 s11, s25;
	s11 =	sadd.s32 s11, s26;
	s12 =	sadd.s32 s13, s25  }
0x47: {  	s13 =	sadd.s32 s13, s26;
	s24 =	simm.s32 $0x7;
	[smem:$0x7F6] =	sst s2  }
0x48: {  	s25 =	simm.s32 $0x6;
	s26 =	simm.s32 $0x8;
	_ =	strace $0x8000004D  }
.LBB2_1:
0x49: {  	s0 =	sld [smem:$0x7F2];
	_ =	sdelay $0x2  }
0x4a: {  	[tilespmem:s1], [sflag:$0x1] =	stream.linear.gather [hbm4b:s0+s1], $0x4000, $0x38;
	[tilespmem:$0x18000] =	vst v63  }
0x4b: {  	s3 =	rddreg [dreg:$0x3]  }
0x4c: {  	[tilespmem:s15], [sflag:$0x2] =	stream.linear.gather [hbm4b:s3+s1], $0x4000, $0x38;
	[tilespmem:$0x18000] =	vst v63  }
0x4d: {  	_ = 	snop  }
0x4e: {  	[tilespmem:s16], [sflag:$0x3] =	stream.linear.gather [hbm4b:s6+s1], $0x4000, $0x38;
	[tilespmem:$0x18000] =	vst v63  }
0x4f: {  	s4 =	rddreg [dreg:$0x4]  }
0x50: {  	[tilespmem:s17], [sflag:$0x4] =	stream.linear.gather [hbm4b:s4+s1], $0x4000, $0x38;
	[tilespmem:$0x18000] =	vst v63  }
0x51: {  	_ =	swait.ge [sflag:s18], $0x4000  }
0x52: {  	[sflag:s18] =	ssyncset.done $0x0  }
0x53: {  	[sflag:s18] =	ssyncadd.s32 $0xFFFFC000  }
0x54: {  	_ =	swait.ge [sflag:s19], $0x4000  }
0x55: {  	[sflag:s19] =	ssyncset.done $0x0  }
0x56: {  	s0 =	simm.s32 $0x8040;
	[sflag:s19] =	ssyncadd.s32 $0xFFFFC000  }
0x57: {  	s2 =	simm.s32 $0x40;
	v1 =	vld [tilespmem:s0+$0x30]  }
0x58: {  	v2 =	vld [tilespmem:s2+$0x30]  }
0x59: {  	v0 =	vld [tilespmem:s2+$0xFFFFFFC0]  }
0x5a: {  	v3 =	vld [tilespmem:s0+$0xFFFFFFD0]  }
0x5b: {  	v4 =	vld [tilespmem:s2+$0xFFFFFFD0]  }
0x5c: {  	v5 =	vld [tilespmem:s0+$0xFFFFFFE0]  }
0x5d: {  	v6 =	vld [tilespmem:s2+$0xFFFFFFE0]  }
0x5e: {  	v7 =	vld [tilespmem:s0+$0xFFFFFFF0]  }
0x5f: {  	v8 =	vld [tilespmem:s2+$0xFFFFFFF0]  }
0x60: {  	v9 =	vld [tilespmem:s0+$0x0]  }
0x61: {  	v10 =	vld [tilespmem:s2+$0x0];
	v2 =	vadd.f32 v2, v1  }
0x62: {  	v4 =	vadd.f32 v4, v3;
	v1 =	vld [tilespmem:s0+$0x10]  }
0x63: {  	v5 =	vadd.f32 v6, v5;
	v3 =	vld [tilespmem:s2+$0x10];
	[tilespmem:s0+$0x30] =	vst v2  }
0x64: {  	v6 =	vadd.f32 v8, v7;
	[tilespmem:s0+$0xFFFFFFD0] =	vst v4;
	v2 =	vld [tilespmem:s0+$0x20]  }
0x65: {  	[tilespmem:s0+$0xFFFFFFE0] =	vst v5;
	v5 =	vld [tilespmem:s2+$0x20]  }
0x66: {  	s3 =	simm.s32 $0x0;
	s4 =	simm.s32 $0x80C0;
	v4 =	vld [tilespmem:s0+$0xFFFFFFC0];
	[tilespmem:s0+$0xFFFFFFF0] =	vst v6;
	v6 =	vadd.f32 v10, v9  }
.LBB2_2:
0x67: {  	v7 =	vld [tilespmem:s4+$0x30];
	s2 =	sadd.s32 $0x80, s2  }
0x68: {  	s3 =	sadd.s32 $0x80, s3;
	v8 =	vld [tilespmem:s2+$0x30];
	[tilespmem:s0+$0x0] =	vst v6;
	v1 =	vadd.f32 v3, v1  }
0x69: {  	p0 =	slt.u32 s3, $0x3F80;
	v3 =	vld [tilespmem:s2+$0xFFFFFFC0]  }
0x6a: {  	v6 =	vld [tilespmem:s4+$0xFFFFFFD0];
	[tilespmem:s0+$0x10] =	vst v1;
	v1 =	vadd.f32 v5, v2  }
0x6b: {  	v2 =	vld [tilespmem:s2+$0xFFFFFFD0];
	v9 =	vadd.f32 v0, v4  }
0x6c: {  	v4 =	vld [tilespmem:s4+$0xFFFFFFE0];
	[tilespmem:s0+$0x20] =	vst v1  }
0x6d: {  	v1 =	vld [tilespmem:s2+$0xFFFFFFE0];
	v5 =	vadd.f32 v8, v7;
	[tilespmem:s0+$0xFFFFFFC0] =	vst v9;
	s0 =	smov.u32 s4  }
0x6e: {  	v7 =	vld [tilespmem:s4+$0xFFFFFFF0];
	v0 =	vmov v3  }
0x6f: {  	v8 =	vld [tilespmem:s2+$0xFFFFFFF0];
	[tilespmem:s4+$0x30] =	vst v5  }
0x70: {  	v2 =	vadd.f32 v2, v6;
	v6 =	vld [tilespmem:s4+$0x0]  }
0x71: {  	v9 =	vld [tilespmem:s2+$0x0]  }
.Ltmp0:
0x72: {  	[tilespmem:s4+$0xFFFFFFD0] =	vst v2;
	v2 =	vadd.f32 v1, v4;
	v1 =	vld [tilespmem:s4+$0x10];
	(pc) =	sbr.rel @p0 .LBB2_2-.Ltmp0, $4  }
0x73: {  	v3 =	vld [tilespmem:s2+$0x10]  }
0x74: {  	[tilespmem:s4+$0xFFFFFFE0] =	vst v2;
	v7 =	vadd.f32 v8, v7;
	v2 =	vld [tilespmem:s4+$0x20]  }
0x75: {  	v5 =	vld [tilespmem:s2+$0x20]  }
0x76: {  	s4 =	sadd.s32 $0x80, s4;
	v4 =	vld [tilespmem:s0+$0xFFFFFFC0];
	[tilespmem:s0+$0xFFFFFFF0] =	vst v7;
	v6 =	vadd.f32 v9, v6  }
0x77: {  	_ =	sdelay $0x1  }
0x78: {  	v1 =	vadd.f32 v3, v1  }
0x79: {  	[tilespmem:s0+$0x0] =	vst v6;
	v2 =	vadd.f32 v5, v2  }
0x7a: {  	[tilespmem:s0+$0x10] =	vst v1;
	v0 =	vadd.f32 v0, v4  }
0x7b: {  	[tilespmem:s0+$0x20] =	vst v2  }
0x7c: {  	[tilespmem:s0+$0xFFFFFFC0] =	vst v0  }
0x7d: {  	[hbm4b:s7+s1] =	stream.linear.scatter [tilespmem:s16], [sflag:$0x7], $0x4000, $0x38;
	[tilespmem:$0x18000] =	vst v63  }
0x7e: {  	s0 =	rddreg [dreg:$0x5]  }
0x7f: {  	[tilespmem:s20], [sflag:$0x5] =	stream.linear.gather [hbm4b:s0+s1], $0x4000, $0x38;
	[tilespmem:$0x18000] =	vst v63  }
0x80: {  	_ =	swait.ge [sflag:s21], $0x4000  }
0x81: {  	[sflag:s21] =	ssyncset.done $0x0  }
0x82: {  	s0 =	simm.s32 $0xC040;
	[sflag:s21] =	ssyncadd.s32 $0xFFFFC000  }
0x83: {  	s2 =	simm.s32 $0x40;
	v1 =	vld [tilespmem:s0+$0x30]  }
0x84: {  	v2 =	vld [tilespmem:s2+$0x30]  }
0x85: {  	v0 =	vld [tilespmem:s2+$0xFFFFFFC0]  }
0x86: {  	v3 =	vld [tilespmem:s0+$0xFFFFFFD0]  }
0x87: {  	v4 =	vld [tilespmem:s2+$0xFFFFFFD0]  }
0x88: {  	v5 =	vld [tilespmem:s0+$0xFFFFFFE0]  }
0x89: {  	v6 =	vld [tilespmem:s2+$0xFFFFFFE0]  }
0x8a: {  	v7 =	vld [tilespmem:s0+$0xFFFFFFF0]  }
0x8b: {  	v8 =	vld [tilespmem:s2+$0xFFFFFFF0]  }
0x8c: {  	v9 =	vld [tilespmem:s0+$0x0]  }
0x8d: {  	v10 =	vld [tilespmem:s2+$0x0];
	v2 =	vadd.f32 v2, v1  }
0x8e: {  	v4 =	vadd.f32 v4, v3;
	v1 =	vld [tilespmem:s0+$0x10]  }
0x8f: {  	v5 =	vadd.f32 v6, v5;
	v3 =	vld [tilespmem:s2+$0x10];
	[tilespmem:s0+$0x30] =	vst v2  }
0x90: {  	v6 =	vadd.f32 v8, v7;
	[tilespmem:s0+$0xFFFFFFD0] =	vst v4;
	v2 =	vld [tilespmem:s0+$0x20]  }
0x91: {  	[tilespmem:s0+$0xFFFFFFE0] =	vst v5;
	v5 =	vld [tilespmem:s2+$0x20]  }
0x92: {  	s3 =	simm.s32 $0x0;
	s4 =	simm.s32 $0xC0C0;
	v4 =	vld [tilespmem:s0+$0xFFFFFFC0];
	[tilespmem:s0+$0xFFFFFFF0] =	vst v6;
	v6 =	vadd.f32 v10, v9  }
.LBB2_4:
0x93: {  	v7 =	vld [tilespmem:s4+$0x30];
	s2 =	sadd.s32 $0x80, s2  }
0x94: {  	s3 =	sadd.s32 $0x80, s3;
	v8 =	vld [tilespmem:s2+$0x30];
	[tilespmem:s0+$0x0] =	vst v6;
	v1 =	vadd.f32 v3, v1  }
0x95: {  	p0 =	slt.u32 s3, $0x3F80;
	v3 =	vld [tilespmem:s2+$0xFFFFFFC0]  }
0x96: {  	v6 =	vld [tilespmem:s4+$0xFFFFFFD0];
	[tilespmem:s0+$0x10] =	vst v1;
	v1 =	vadd.f32 v5, v2  }
0x97: {  	v2 =	vld [tilespmem:s2+$0xFFFFFFD0];
	v9 =	vadd.f32 v0, v4  }
0x98: {  	v4 =	vld [tilespmem:s4+$0xFFFFFFE0];
	[tilespmem:s0+$0x20] =	vst v1  }
0x99: {  	v1 =	vld [tilespmem:s2+$0xFFFFFFE0];
	v5 =	vadd.f32 v8, v7;
	[tilespmem:s0+$0xFFFFFFC0] =	vst v9;
	s0 =	smov.u32 s4  }
0x9a: {  	v7 =	vld [tilespmem:s4+$0xFFFFFFF0];
	v0 =	vmov v3  }
0x9b: {  	v8 =	vld [tilespmem:s2+$0xFFFFFFF0];
	[tilespmem:s4+$0x30] =	vst v5  }
0x9c: {  	v2 =	vadd.f32 v2, v6;
	v6 =	vld [tilespmem:s4+$0x0]  }
0x9d: {  	v9 =	vld [tilespmem:s2+$0x0]  }
.Ltmp1:
0x9e: {  	[tilespmem:s4+$0xFFFFFFD0] =	vst v2;
	v2 =	vadd.f32 v1, v4;
	v1 =	vld [tilespmem:s4+$0x10];
	(pc) =	sbr.rel @p0 .LBB2_4-.Ltmp1, $4  }
0x9f: {  	v3 =	vld [tilespmem:s2+$0x10]  }
0xa0: {  	[tilespmem:s4+$0xFFFFFFE0] =	vst v2;
	v7 =	vadd.f32 v8, v7;
	v2 =	vld [tilespmem:s4+$0x20]  }
0xa1: {  	v5 =	vld [tilespmem:s2+$0x20]  }
0xa2: {  	s4 =	sadd.s32 $0x80, s4;
	v4 =	vld [tilespmem:s0+$0xFFFFFFC0];
	[tilespmem:s0+$0xFFFFFFF0] =	vst v7;
	v6 =	vadd.f32 v9, v6  }
0xa3: {  	_ =	sdelay $0x1  }
0xa4: {  	v1 =	vadd.f32 v3, v1  }
0xa5: {  	[tilespmem:s0+$0x0] =	vst v6;
	v2 =	vadd.f32 v5, v2  }
0xa6: {  	[tilespmem:s0+$0x10] =	vst v1;
	v0 =	vadd.f32 v0, v4  }
0xa7: {  	[tilespmem:s0+$0x20] =	vst v2  }
0xa8: {  	[tilespmem:s0+$0xFFFFFFC0] =	vst v0  }
0xa9: {  	s0 =	rddreg [dreg:$0x6]  }
0xaa: {  	[hbm4b:s0+s1] =	stream.linear.scatter [tilespmem:s17], [sflag:$0x8], $0x4000, $0x38;
	[tilespmem:$0x18000] =	vst v63  }
0xab: {  	s4 =	rddreg [dreg:$0x7]  }
0xac: {  	[tilespmem:s22], [sflag:$0x6] =	stream.linear.gather [hbm4b:s4+s1], $0x4000, $0x38;
	[tilespmem:$0x18000] =	vst v63  }
0xad: {  	_ =	swait.ge [sflag:s23], $0x4000  }
0xae: {  	[sflag:s23] =	ssyncset.done $0x0  }
0xaf: {  	s0 =	simm.s32 $0x10040;
	[sflag:s23] =	ssyncadd.s32 $0xFFFFC000  }
0xb0: {  	s2 =	simm.s32 $0x40;
	v1 =	vld [tilespmem:s0+$0x30]  }
0xb1: {  	v2 =	vld [tilespmem:s2+$0x30]  }
0xb2: {  	v0 =	vld [tilespmem:s2+$0xFFFFFFC0]  }
0xb3: {  	v3 =	vld [tilespmem:s0+$0xFFFFFFD0]  }
0xb4: {  	v4 =	vld [tilespmem:s2+$0xFFFFFFD0]  }
0xb5: {  	v5 =	vld [tilespmem:s0+$0xFFFFFFE0]  }
0xb6: {  	v6 =	vld [tilespmem:s2+$0xFFFFFFE0]  }
0xb7: {  	v7 =	vld [tilespmem:s0+$0xFFFFFFF0]  }
0xb8: {  	v8 =	vld [tilespmem:s2+$0xFFFFFFF0]  }
0xb9: {  	v9 =	vld [tilespmem:s0+$0x0]  }
0xba: {  	v10 =	vld [tilespmem:s2+$0x0];
	v2 =	vadd.f32 v2, v1  }
0xbb: {  	v4 =	vadd.f32 v4, v3;
	v1 =	vld [tilespmem:s0+$0x10]  }
0xbc: {  	v5 =	vadd.f32 v6, v5;
	v3 =	vld [tilespmem:s2+$0x10];
	[tilespmem:s0+$0x30] =	vst v2  }
0xbd: {  	v6 =	vadd.f32 v8, v7;
	[tilespmem:s0+$0xFFFFFFD0] =	vst v4;
	v2 =	vld [tilespmem:s0+$0x20]  }
0xbe: {  	[tilespmem:s0+$0xFFFFFFE0] =	vst v5;
	v5 =	vld [tilespmem:s2+$0x20]  }
0xbf: {  	s3 =	simm.s32 $0x0;
	s4 =	simm.s32 $0x100C0;
	v4 =	vld [tilespmem:s0+$0xFFFFFFC0];
	[tilespmem:s0+$0xFFFFFFF0] =	vst v6;
	v6 =	vadd.f32 v10, v9  }
.LBB2_6:
0xc0: {  	v7 =	vld [tilespmem:s4+$0x30];
	s2 =	sadd.s32 $0x80, s2  }
0xc1: {  	s3 =	sadd.s32 $0x80, s3;
	v8 =	vld [tilespmem:s2+$0x30];
	[tilespmem:s0+$0x0] =	vst v6;
	v1 =	vadd.f32 v3, v1  }
0xc2: {  	p0 =	slt.u32 s3, $0x3F80;
	v3 =	vld [tilespmem:s2+$0xFFFFFFC0]  }
0xc3: {  	v6 =	vld [tilespmem:s4+$0xFFFFFFD0];
	[tilespmem:s0+$0x10] =	vst v1;
	v1 =	vadd.f32 v5, v2  }
0xc4: {  	v2 =	vld [tilespmem:s2+$0xFFFFFFD0];
	v9 =	vadd.f32 v0, v4  }
0xc5: {  	v4 =	vld [tilespmem:s4+$0xFFFFFFE0];
	[tilespmem:s0+$0x20] =	vst v1  }
0xc6: {  	v1 =	vld [tilespmem:s2+$0xFFFFFFE0];
	v5 =	vadd.f32 v8, v7;
	[tilespmem:s0+$0xFFFFFFC0] =	vst v9;
	s0 =	smov.u32 s4  }
0xc7: {  	v7 =	vld [tilespmem:s4+$0xFFFFFFF0];
	v0 =	vmov v3  }
0xc8: {  	v8 =	vld [tilespmem:s2+$0xFFFFFFF0];
	[tilespmem:s4+$0x30] =	vst v5  }
0xc9: {  	v2 =	vadd.f32 v2, v6;
	v6 =	vld [tilespmem:s4+$0x0]  }
0xca: {  	v9 =	vld [tilespmem:s2+$0x0]  }
.Ltmp2:
0xcb: {  	[tilespmem:s4+$0xFFFFFFD0] =	vst v2;
	v2 =	vadd.f32 v1, v4;
	v1 =	vld [tilespmem:s4+$0x10];
	(pc) =	sbr.rel @p0 .LBB2_6-.Ltmp2, $4  }
0xcc: {  	v3 =	vld [tilespmem:s2+$0x10]  }
0xcd: {  	[tilespmem:s4+$0xFFFFFFE0] =	vst v2;
	v7 =	vadd.f32 v8, v7;
	v2 =	vld [tilespmem:s4+$0x20]  }
0xce: {  	v5 =	vld [tilespmem:s2+$0x20]  }
0xcf: {  	s4 =	sadd.s32 $0x80, s4;
	v4 =	vld [tilespmem:s0+$0xFFFFFFC0];
	[tilespmem:s0+$0xFFFFFFF0] =	vst v7;
	v6 =	vadd.f32 v9, v6  }
0xd0: {  	_ =	sdelay $0x1  }
0xd1: {  	v1 =	vadd.f32 v3, v1  }
0xd2: {  	[tilespmem:s0+$0x0] =	vst v6;
	v2 =	vadd.f32 v5, v2  }
0xd3: {  	[tilespmem:s0+$0x10] =	vst v1;
	v0 =	vadd.f32 v0, v4  }
0xd4: {  	[tilespmem:s0+$0x20] =	vst v2  }
0xd5: {  	[tilespmem:s0+$0xFFFFFFC0] =	vst v0  }
0xd6: {  	s0 =	rddreg [dreg:$0x8]  }
0xd7: {  	[hbm4b:s0+s1] =	stream.linear.scatter [tilespmem:s20], [sflag:$0x9], $0x4000, $0x38;
	[tilespmem:$0x18000] =	vst v63  }
0xd8: {  	_ =	swait.ge [sflag:s24], $0x4000  }
0xd9: {  	[sflag:s24] =	ssyncset.done $0x0  }
0xda: {  	s4 =	rddreg [dreg:$0x9];
	[sflag:s24] =	ssyncadd.s32 $0xFFFFC000  }
0xdb: {  	[tilespmem:s16], [sflag:$0x3] =	stream.linear.gather [hbm4b:s4+s1], $0x4000, $0x38;
	[tilespmem:$0x18000] =	vst v63  }
0xdc: {  	_ =	swait.ge [sflag:s25], $0x4000  }
0xdd: {  	[sflag:s25] =	ssyncset.done $0x0  }
0xde: {  	s0 =	simm.s32 $0x14040;
	[sflag:s25] =	ssyncadd.s32 $0xFFFFC000  }
0xdf: {  	s2 =	simm.s32 $0x40;
	v1 =	vld [tilespmem:s0+$0x30]  }
0xe0: {  	v2 =	vld [tilespmem:s2+$0x30]  }
0xe1: {  	v0 =	vld [tilespmem:s2+$0xFFFFFFC0]  }
0xe2: {  	v3 =	vld [tilespmem:s0+$0xFFFFFFD0]  }
0xe3: {  	v4 =	vld [tilespmem:s2+$0xFFFFFFD0]  }
0xe4: {  	v5 =	vld [tilespmem:s0+$0xFFFFFFE0]  }
0xe5: {  	v6 =	vld [tilespmem:s2+$0xFFFFFFE0]  }
0xe6: {  	v7 =	vld [tilespmem:s0+$0xFFFFFFF0]  }
0xe7: {  	v8 =	vld [tilespmem:s2+$0xFFFFFFF0]  }
0xe8: {  	v9 =	vld [tilespmem:s0+$0x0]  }
0xe9: {  	v10 =	vld [tilespmem:s2+$0x0];
	v2 =	vadd.f32 v2, v1  }
0xea: {  	v4 =	vadd.f32 v4, v3;
	v1 =	vld [tilespmem:s0+$0x10]  }
0xeb: {  	v5 =	vadd.f32 v6, v5;
	v3 =	vld [tilespmem:s2+$0x10];
	[tilespmem:s0+$0x30] =	vst v2  }
0xec: {  	v6 =	vadd.f32 v8, v7;
	[tilespmem:s0+$0xFFFFFFD0] =	vst v4;
	v2 =	vld [tilespmem:s0+$0x20]  }
0xed: {  	[tilespmem:s0+$0xFFFFFFE0] =	vst v5;
	v5 =	vld [tilespmem:s2+$0x20]  }
0xee: {  	s3 =	simm.s32 $0x0;
	s4 =	simm.s32 $0x140C0;
	v4 =	vld [tilespmem:s0+$0xFFFFFFC0];
	[tilespmem:s0+$0xFFFFFFF0] =	vst v6;
	v6 =	vadd.f32 v10, v9  }
.LBB2_8:
0xef: {  	v7 =	vld [tilespmem:s4+$0x30];
	s2 =	sadd.s32 $0x80, s2  }
0xf0: {  	s3 =	sadd.s32 $0x80, s3;
	v8 =	vld [tilespmem:s2+$0x30];
	[tilespmem:s0+$0x0] =	vst v6;
	v1 =	vadd.f32 v3, v1  }
0xf1: {  	p0 =	slt.u32 s3, $0x3F80;
	v3 =	vld [tilespmem:s2+$0xFFFFFFC0]  }
0xf2: {  	v6 =	vld [tilespmem:s4+$0xFFFFFFD0];
	[tilespmem:s0+$0x10] =	vst v1;
	v1 =	vadd.f32 v5, v2  }
0xf3: {  	v2 =	vld [tilespmem:s2+$0xFFFFFFD0];
	v9 =	vadd.f32 v0, v4  }
0xf4: {  	v4 =	vld [tilespmem:s4+$0xFFFFFFE0];
	[tilespmem:s0+$0x20] =	vst v1  }
0xf5: {  	v1 =	vld [tilespmem:s2+$0xFFFFFFE0];
	v5 =	vadd.f32 v8, v7;
	[tilespmem:s0+$0xFFFFFFC0] =	vst v9;
	s0 =	smov.u32 s4  }
0xf6: {  	v7 =	vld [tilespmem:s4+$0xFFFFFFF0];
	v0 =	vmov v3  }
0xf7: {  	v8 =	vld [tilespmem:s2+$0xFFFFFFF0];
	[tilespmem:s4+$0x30] =	vst v5  }
0xf8: {  	v2 =	vadd.f32 v2, v6;
	v6 =	vld [tilespmem:s4+$0x0]  }
0xf9: {  	v9 =	vld [tilespmem:s2+$0x0]  }
.Ltmp3:
0xfa: {  	[tilespmem:s4+$0xFFFFFFD0] =	vst v2;
	v2 =	vadd.f32 v1, v4;
	v1 =	vld [tilespmem:s4+$0x10];
	(pc) =	sbr.rel @p0 .LBB2_8-.Ltmp3, $4  }
0xfb: {  	v3 =	vld [tilespmem:s2+$0x10]  }
0xfc: {  	[tilespmem:s4+$0xFFFFFFE0] =	vst v2;
	v7 =	vadd.f32 v8, v7;
	v2 =	vld [tilespmem:s4+$0x20]  }
0xfd: {  	v5 =	vld [tilespmem:s2+$0x20]  }
0xfe: {  	s4 =	sadd.s32 $0x80, s4;
	v4 =	vld [tilespmem:s0+$0xFFFFFFC0];
	[tilespmem:s0+$0xFFFFFFF0] =	vst v7;
	v6 =	vadd.f32 v9, v6  }
0xff: {  	_ =	sdelay $0x1  }
0x100: {  	v1 =	vadd.f32 v3, v1  }
0x101: {  	[tilespmem:s0+$0x0] =	vst v6;
	v2 =	vadd.f32 v5, v2  }
0x102: {  	[tilespmem:s0+$0x10] =	vst v1;
	v0 =	vadd.f32 v0, v4  }
0x103: {  	[tilespmem:s0+$0x20] =	vst v2  }
0x104: {  	[tilespmem:s0+$0xFFFFFFC0] =	vst v0  }
0x105: {  	s0 =	rddreg [dreg:$0xa]  }
0x106: {  	[hbm4b:s0+s1] =	stream.linear.scatter [tilespmem:s22], [sflag:$0xA], $0x4000, $0x38;
	[tilespmem:$0x18000] =	vst v63  }
0x107: {  	s3 =	rddreg [dreg:$0xb]  }
0x108: {  	[tilespmem:s1], [sflag:$0x1] =	stream.linear.gather [hbm4b:s3+s1], $0x4000, $0x38;
	[tilespmem:$0x18000] =	vst v63  }
0x109: {  	_ =	swait.ge [sflag:s26], $0x4000  }
0x10a: {  	[sflag:s26] =	ssyncset.done $0x0  }
0x10b: {  	s4 =	rddreg [dreg:$0xc];
	[sflag:s26] =	ssyncadd.s32 $0xFFFFC000  }
0x10c: {  	[tilespmem:s17], [sflag:$0x4] =	stream.linear.gather [hbm4b:s4+s1], $0x4000, $0x38;
	[tilespmem:$0x18000] =	vst v63  }
0x10d: {  	_ =	swait.ge [sflag:s28], $0x4000  }
0x10e: {  	[sflag:s28] =	ssyncset.done $0x0  }
0x10f: {  	[sflag:s28] =	ssyncadd.s32 $0xFFFFC000  }
0x110: {  	_ =	swait.ge [sflag:s19], $0x4000  }
0x111: {  	[sflag:s19] =	ssyncset.done $0x0  }
0x112: {  	s0 =	simm.s32 $0x8040;
	[sflag:s19] =	ssyncadd.s32 $0xFFFFC000  }
0x113: {  	s2 =	simm.s32 $0x4040;
	v1 =	vld [tilespmem:s0+$0x30]  }
0x114: {  	v2 =	vld [tilespmem:s2+$0x30]  }
0x115: {  	v0 =	vld [tilespmem:s2+$0xFFFFFFC0]  }
0x116: {  	v3 =	vld [tilespmem:s0+$0xFFFFFFD0]  }
0x117: {  	v4 =	vld [tilespmem:s2+$0xFFFFFFD0]  }
0x118: {  	v5 =	vld [tilespmem:s0+$0xFFFFFFE0]  }
0x119: {  	v6 =	vld [tilespmem:s2+$0xFFFFFFE0]  }
0x11a: {  	v7 =	vld [tilespmem:s0+$0xFFFFFFF0]  }
0x11b: {  	v8 =	vld [tilespmem:s2+$0xFFFFFFF0]  }
0x11c: {  	v9 =	vld [tilespmem:s0+$0x0]  }
0x11d: {  	v10 =	vld [tilespmem:s2+$0x0];
	v2 =	vadd.f32 v2, v1  }
0x11e: {  	v4 =	vadd.f32 v4, v3;
	v1 =	vld [tilespmem:s0+$0x10]  }
0x11f: {  	v5 =	vadd.f32 v6, v5;
	v3 =	vld [tilespmem:s2+$0x10];
	[tilespmem:s0+$0x30] =	vst v2  }
0x120: {  	v6 =	vadd.f32 v8, v7;
	[tilespmem:s0+$0xFFFFFFD0] =	vst v4;
	v2 =	vld [tilespmem:s0+$0x20]  }
0x121: {  	[tilespmem:s0+$0xFFFFFFE0] =	vst v5;
	v5 =	vld [tilespmem:s2+$0x20]  }
0x122: {  	s3 =	simm.s32 $0x0;
	s4 =	simm.s32 $0x80C0;
	v4 =	vld [tilespmem:s0+$0xFFFFFFC0];
	[tilespmem:s0+$0xFFFFFFF0] =	vst v6;
	v6 =	vadd.f32 v10, v9  }
.LBB2_10:
0x123: {  	v7 =	vld [tilespmem:s4+$0x30];
	s2 =	sadd.s32 $0x80, s2  }
0x124: {  	s3 =	sadd.s32 $0x80, s3;
	v8 =	vld [tilespmem:s2+$0x30];
	[tilespmem:s0+$0x0] =	vst v6;
	v1 =	vadd.f32 v3, v1  }
0x125: {  	p0 =	slt.u32 s3, $0x3F80;
	v3 =	vld [tilespmem:s2+$0xFFFFFFC0]  }
0x126: {  	v6 =	vld [tilespmem:s4+$0xFFFFFFD0];
	[tilespmem:s0+$0x10] =	vst v1;
	v1 =	vadd.f32 v5, v2  }
0x127: {  	v2 =	vld [tilespmem:s2+$0xFFFFFFD0];
	v9 =	vadd.f32 v0, v4  }
0x128: {  	v4 =	vld [tilespmem:s4+$0xFFFFFFE0];
	[tilespmem:s0+$0x20] =	vst v1  }
0x129: {  	v1 =	vld [tilespmem:s2+$0xFFFFFFE0];
	v5 =	vadd.f32 v8, v7;
	[tilespmem:s0+$0xFFFFFFC0] =	vst v9;
	s0 =	smov.u32 s4  }
0x12a: {  	v7 =	vld [tilespmem:s4+$0xFFFFFFF0];
	v0 =	vmov v3  }
0x12b: {  	v8 =	vld [tilespmem:s2+$0xFFFFFFF0];
	[tilespmem:s4+$0x30] =	vst v5  }
0x12c: {  	v2 =	vadd.f32 v2, v6;
	v6 =	vld [tilespmem:s4+$0x0]  }
0x12d: {  	v9 =	vld [tilespmem:s2+$0x0]  }
.Ltmp4:
0x12e: {  	[tilespmem:s4+$0xFFFFFFD0] =	vst v2;
	v2 =	vadd.f32 v1, v4;
	v1 =	vld [tilespmem:s4+$0x10];
	(pc) =	sbr.rel @p0 .LBB2_10-.Ltmp4, $4  }
0x12f: {  	v3 =	vld [tilespmem:s2+$0x10]  }
0x130: {  	[tilespmem:s4+$0xFFFFFFE0] =	vst v2;
	v7 =	vadd.f32 v8, v7;
	v2 =	vld [tilespmem:s4+$0x20]  }
0x131: {  	v5 =	vld [tilespmem:s2+$0x20]  }
0x132: {  	s4 =	sadd.s32 $0x80, s4;
	v4 =	vld [tilespmem:s0+$0xFFFFFFC0];
	[tilespmem:s0+$0xFFFFFFF0] =	vst v7;
	v6 =	vadd.f32 v9, v6  }
0x133: {  	_ =	sdelay $0x1  }
0x134: {  	v1 =	vadd.f32 v3, v1  }
0x135: {  	[tilespmem:s0+$0x0] =	vst v6;
	v2 =	vadd.f32 v5, v2  }
0x136: {  	[tilespmem:s0+$0x10] =	vst v1;
	v0 =	vadd.f32 v0, v4  }
0x137: {  	[tilespmem:s0+$0x20] =	vst v2  }
0x138: {  	[tilespmem:s0+$0xFFFFFFC0] =	vst v0  }
0x139: {  	s0 =	rddreg [dreg:$0xd]  }
0x13a: {  	[hbm4b:s0+s1] =	stream.linear.scatter [tilespmem:s16], [sflag:$0x7], $0x4000, $0x38;
	[tilespmem:$0x18000] =	vst v63  }
0x13b: {  	_ =	swait.ge [sflag:s29], $0x4000  }
0x13c: {  	[sflag:s29] =	ssyncset.done $0x0  }
0x13d: {  	s4 =	rddreg [dreg:$0xe];
	[sflag:s29] =	ssyncadd.s32 $0xFFFFC000  }
0x13e: {  	[tilespmem:s20], [sflag:$0x5] =	stream.linear.gather [hbm4b:s4+s1], $0x4000, $0x38;
	[tilespmem:$0x18000] =	vst v63  }
0x13f: {  	_ =	swait.ge [sflag:s21], $0x4000  }
0x140: {  	[sflag:s21] =	ssyncset.done $0x0  }
0x141: {  	s0 =	simm.s32 $0xC040;
	[sflag:s21] =	ssyncadd.s32 $0xFFFFC000  }
0x142: {  	s2 =	simm.s32 $0x4040;
	v1 =	vld [tilespmem:s0+$0x30]  }
0x143: {  	v2 =	vld [tilespmem:s2+$0x30]  }
0x144: {  	v0 =	vld [tilespmem:s2+$0xFFFFFFC0]  }
0x145: {  	v3 =	vld [tilespmem:s0+$0xFFFFFFD0]  }
0x146: {  	v4 =	vld [tilespmem:s2+$0xFFFFFFD0]  }
0x147: {  	v5 =	vld [tilespmem:s0+$0xFFFFFFE0]  }
0x148: {  	v6 =	vld [tilespmem:s2+$0xFFFFFFE0]  }
0x149: {  	v7 =	vld [tilespmem:s0+$0xFFFFFFF0]  }
0x14a: {  	v8 =	vld [tilespmem:s2+$0xFFFFFFF0]  }
0x14b: {  	v9 =	vld [tilespmem:s0+$0x0]  }
0x14c: {  	v10 =	vld [tilespmem:s2+$0x0];
	v2 =	vadd.f32 v2, v1  }
0x14d: {  	v4 =	vadd.f32 v4, v3;
	v1 =	vld [tilespmem:s0+$0x10]  }
0x14e: {  	v5 =	vadd.f32 v6, v5;
	v3 =	vld [tilespmem:s2+$0x10];
	[tilespmem:s0+$0x30] =	vst v2  }
0x14f: {  	v6 =	vadd.f32 v8, v7;
	[tilespmem:s0+$0xFFFFFFD0] =	vst v4;
	v2 =	vld [tilespmem:s0+$0x20]  }
0x150: {  	[tilespmem:s0+$0xFFFFFFE0] =	vst v5;
	v5 =	vld [tilespmem:s2+$0x20]  }
0x151: {  	s3 =	simm.s32 $0x0;
	s4 =	simm.s32 $0xC0C0;
	v4 =	vld [tilespmem:s0+$0xFFFFFFC0];
	[tilespmem:s0+$0xFFFFFFF0] =	vst v6;
	v6 =	vadd.f32 v10, v9  }
.LBB2_12:
0x152: {  	v7 =	vld [tilespmem:s4+$0x30];
	s2 =	sadd.s32 $0x80, s2  }
0x153: {  	s3 =	sadd.s32 $0x80, s3;
	v8 =	vld [tilespmem:s2+$0x30];
	[tilespmem:s0+$0x0] =	vst v6;
	v1 =	vadd.f32 v3, v1  }
0x154: {  	p0 =	slt.u32 s3, $0x3F80;
	v3 =	vld [tilespmem:s2+$0xFFFFFFC0]  }
0x155: {  	v6 =	vld [tilespmem:s4+$0xFFFFFFD0];
	[tilespmem:s0+$0x10] =	vst v1;
	v1 =	vadd.f32 v5, v2  }
0x156: {  	v2 =	vld [tilespmem:s2+$0xFFFFFFD0];
	v9 =	vadd.f32 v0, v4  }
0x157: {  	v4 =	vld [tilespmem:s4+$0xFFFFFFE0];
	[tilespmem:s0+$0x20] =	vst v1  }
0x158: {  	v1 =	vld [tilespmem:s2+$0xFFFFFFE0];
	v5 =	vadd.f32 v8, v7;
	[tilespmem:s0+$0xFFFFFFC0] =	vst v9;
	s0 =	smov.u32 s4  }
0x159: {  	v7 =	vld [tilespmem:s4+$0xFFFFFFF0];
	v0 =	vmov v3  }
0x15a: {  	v8 =	vld [tilespmem:s2+$0xFFFFFFF0];
	[tilespmem:s4+$0x30] =	vst v5  }
0x15b: {  	v2 =	vadd.f32 v2, v6;
	v6 =	vld [tilespmem:s4+$0x0]  }
0x15c: {  	v9 =	vld [tilespmem:s2+$0x0]  }
.Ltmp5:
0x15d: {  	[tilespmem:s4+$0xFFFFFFD0] =	vst v2;
	v2 =	vadd.f32 v1, v4;
	v1 =	vld [tilespmem:s4+$0x10];
	(pc) =	sbr.rel @p0 .LBB2_12-.Ltmp5, $4  }
0x15e: {  	v3 =	vld [tilespmem:s2+$0x10]  }
0x15f: {  	[tilespmem:s4+$0xFFFFFFE0] =	vst v2;
	v7 =	vadd.f32 v8, v7;
	v2 =	vld [tilespmem:s4+$0x20]  }
0x160: {  	v5 =	vld [tilespmem:s2+$0x20]  }
0x161: {  	s4 =	sadd.s32 $0x80, s4;
	v4 =	vld [tilespmem:s0+$0xFFFFFFC0];
	[tilespmem:s0+$0xFFFFFFF0] =	vst v7;
	v6 =	vadd.f32 v9, v6  }
0x162: {  	_ =	sdelay $0x1  }
0x163: {  	v1 =	vadd.f32 v3, v1  }
0x164: {  	[tilespmem:s0+$0x0] =	vst v6;
	v2 =	vadd.f32 v5, v2  }
0x165: {  	[tilespmem:s0+$0x10] =	vst v1;
	v0 =	vadd.f32 v0, v4  }
0x166: {  	[tilespmem:s0+$0x20] =	vst v2  }
0x167: {  	[tilespmem:s0+$0xFFFFFFC0] =	vst v0  }
0x168: {  	s0 =	rddreg [dreg:$0xf]  }
0x169: {  	[hbm4b:s0+s1] =	stream.linear.scatter [tilespmem:s17], [sflag:$0x8], $0x4000, $0x38;
	[tilespmem:$0x18000] =	vst v63  }
0x16a: {  	_ =	swait.ge [sflag:s30], $0x4000  }
0x16b: {  	[sflag:s30] =	ssyncset.done $0x0  }
0x16c: {  	s4 =	rddreg [dreg:$0x10];
	[sflag:s30] =	ssyncadd.s32 $0xFFFFC000  }
0x16d: {  	[tilespmem:s22], [sflag:$0x6] =	stream.linear.gather [hbm4b:s4+s1], $0x4000, $0x38;
	[tilespmem:$0x18000] =	vst v63  }
0x16e: {  	_ =	swait.ge [sflag:s23], $0x4000  }
0x16f: {  	[sflag:s23] =	ssyncset.done $0x0  }
0x170: {  	s0 =	simm.s32 $0x10040;
	[sflag:s23] =	ssyncadd.s32 $0xFFFFC000  }
0x171: {  	s2 =	simm.s32 $0x4040;
	v1 =	vld [tilespmem:s0+$0x30]  }
0x172: {  	v2 =	vld [tilespmem:s2+$0x30]  }
0x173: {  	v0 =	vld [tilespmem:s2+$0xFFFFFFC0]  }
0x174: {  	v3 =	vld [tilespmem:s0+$0xFFFFFFD0]  }
0x175: {  	v4 =	vld [tilespmem:s2+$0xFFFFFFD0]  }
0x176: {  	v5 =	vld [tilespmem:s0+$0xFFFFFFE0]  }
0x177: {  	v6 =	vld [tilespmem:s2+$0xFFFFFFE0]  }
0x178: {  	v7 =	vld [tilespmem:s0+$0xFFFFFFF0]  }
0x179: {  	v8 =	vld [tilespmem:s2+$0xFFFFFFF0]  }
0x17a: {  	v9 =	vld [tilespmem:s0+$0x0]  }
0x17b: {  	v10 =	vld [tilespmem:s2+$0x0];
	v2 =	vadd.f32 v2, v1  }
0x17c: {  	v4 =	vadd.f32 v4, v3;
	v1 =	vld [tilespmem:s0+$0x10]  }
0x17d: {  	v5 =	vadd.f32 v6, v5;
	v3 =	vld [tilespmem:s2+$0x10];
	[tilespmem:s0+$0x30] =	vst v2  }
0x17e: {  	v6 =	vadd.f32 v8, v7;
	[tilespmem:s0+$0xFFFFFFD0] =	vst v4;
	v2 =	vld [tilespmem:s0+$0x20]  }
0x17f: {  	[tilespmem:s0+$0xFFFFFFE0] =	vst v5;
	v5 =	vld [tilespmem:s2+$0x20]  }
0x180: {  	s3 =	simm.s32 $0x0;
	s4 =	simm.s32 $0x100C0;
	v4 =	vld [tilespmem:s0+$0xFFFFFFC0];
	[tilespmem:s0+$0xFFFFFFF0] =	vst v6;
	v6 =	vadd.f32 v10, v9  }
.LBB2_14:
0x181: {  	v7 =	vld [tilespmem:s4+$0x30];
	s2 =	sadd.s32 $0x80, s2  }
0x182: {  	s3 =	sadd.s32 $0x80, s3;
	v8 =	vld [tilespmem:s2+$0x30];
	[tilespmem:s0+$0x0] =	vst v6;
	v1 =	vadd.f32 v3, v1  }
0x183: {  	p0 =	slt.u32 s3, $0x3F80;
	v3 =	vld [tilespmem:s2+$0xFFFFFFC0]  }
0x184: {  	v6 =	vld [tilespmem:s4+$0xFFFFFFD0];
	[tilespmem:s0+$0x10] =	vst v1;
	v1 =	vadd.f32 v5, v2  }
0x185: {  	v2 =	vld [tilespmem:s2+$0xFFFFFFD0];
	v9 =	vadd.f32 v0, v4  }
0x186: {  	v4 =	vld [tilespmem:s4+$0xFFFFFFE0];
	[tilespmem:s0+$0x20] =	vst v1  }
0x187: {  	v1 =	vld [tilespmem:s2+$0xFFFFFFE0];
	v5 =	vadd.f32 v8, v7;
	[tilespmem:s0+$0xFFFFFFC0] =	vst v9;
	s0 =	smov.u32 s4  }
0x188: {  	v7 =	vld [tilespmem:s4+$0xFFFFFFF0];
	v0 =	vmov v3  }
0x189: {  	v8 =	vld [tilespmem:s2+$0xFFFFFFF0];
	[tilespmem:s4+$0x30] =	vst v5  }
0x18a: {  	v2 =	vadd.f32 v2, v6;
	v6 =	vld [tilespmem:s4+$0x0]  }
0x18b: {  	v9 =	vld [tilespmem:s2+$0x0]  }
.Ltmp6:
0x18c: {  	[tilespmem:s4+$0xFFFFFFD0] =	vst v2;
	v2 =	vadd.f32 v1, v4;
	v1 =	vld [tilespmem:s4+$0x10];
	(pc) =	sbr.rel @p0 .LBB2_14-.Ltmp6, $4  }
0x18d: {  	v3 =	vld [tilespmem:s2+$0x10]  }
0x18e: {  	[tilespmem:s4+$0xFFFFFFE0] =	vst v2;
	v7 =	vadd.f32 v8, v7;
	v2 =	vld [tilespmem:s4+$0x20]  }
0x18f: {  	v5 =	vld [tilespmem:s2+$0x20]  }
0x190: {  	s4 =	sadd.s32 $0x80, s4;
	v4 =	vld [tilespmem:s0+$0xFFFFFFC0];
	[tilespmem:s0+$0xFFFFFFF0] =	vst v7;
	v6 =	vadd.f32 v9, v6  }
0x191: {  	_ =	sdelay $0x1  }
0x192: {  	v1 =	vadd.f32 v3, v1  }
0x193: {  	[tilespmem:s0+$0x0] =	vst v6;
	v2 =	vadd.f32 v5, v2  }
0x194: {  	[tilespmem:s0+$0x10] =	vst v1;
	v0 =	vadd.f32 v0, v4  }
0x195: {  	[tilespmem:s0+$0x20] =	vst v2  }
0x196: {  	[tilespmem:s0+$0xFFFFFFC0] =	vst v0  }
0x197: {  	s0 =	rddreg [dreg:$0x11]  }
0x198: {  	[hbm4b:s0+s1] =	stream.linear.scatter [tilespmem:s20], [sflag:$0x9], $0x4000, $0x38;
	[tilespmem:$0x18000] =	vst v63  }
0x199: {  	_ =	swait.ge [sflag:s24], $0x4000  }
0x19a: {  	[sflag:s24] =	ssyncset.done $0x0  }
0x19b: {  	s4 =	rddreg [dreg:$0x12];
	[sflag:s24] =	ssyncadd.s32 $0xFFFFC000  }
0x19c: {  	[tilespmem:s16], [sflag:$0x3] =	stream.linear.gather [hbm4b:s4+s1], $0x4000, $0x38;
	[tilespmem:$0x18000] =	vst v63  }
0x19d: {  	_ =	swait.ge [sflag:s25], $0x4000  }
0x19e: {  	[sflag:s25] =	ssyncset.done $0x0  }
0x19f: {  	s0 =	simm.s32 $0x14040;
	[sflag:s25] =	ssyncadd.s32 $0xFFFFC000  }
0x1a0: {  	s2 =	simm.s32 $0x4040;
	v1 =	vld [tilespmem:s0+$0x30]  }
0x1a1: {  	v2 =	vld [tilespmem:s2+$0x30]  }
0x1a2: {  	v0 =	vld [tilespmem:s2+$0xFFFFFFC0]  }
0x1a3: {  	v3 =	vld [tilespmem:s0+$0xFFFFFFD0]  }
0x1a4: {  	v4 =	vld [tilespmem:s2+$0xFFFFFFD0]  }
0x1a5: {  	v5 =	vld [tilespmem:s0+$0xFFFFFFE0]  }
0x1a6: {  	v6 =	vld [tilespmem:s2+$0xFFFFFFE0]  }
0x1a7: {  	v7 =	vld [tilespmem:s0+$0xFFFFFFF0]  }
0x1a8: {  	v8 =	vld [tilespmem:s2+$0xFFFFFFF0]  }
0x1a9: {  	v9 =	vld [tilespmem:s0+$0x0]  }
0x1aa: {  	v10 =	vld [tilespmem:s2+$0x0];
	v2 =	vadd.f32 v2, v1  }
0x1ab: {  	v4 =	vadd.f32 v4, v3;
	v1 =	vld [tilespmem:s0+$0x10]  }
0x1ac: {  	v5 =	vadd.f32 v6, v5;
	v3 =	vld [tilespmem:s2+$0x10];
	[tilespmem:s0+$0x30] =	vst v2  }
0x1ad: {  	v6 =	vadd.f32 v8, v7;
	[tilespmem:s0+$0xFFFFFFD0] =	vst v4;
	v2 =	vld [tilespmem:s0+$0x20]  }
0x1ae: {  	[tilespmem:s0+$0xFFFFFFE0] =	vst v5;
	v5 =	vld [tilespmem:s2+$0x20]  }
0x1af: {  	s3 =	simm.s32 $0x0;
	s4 =	simm.s32 $0x140C0;
	v4 =	vld [tilespmem:s0+$0xFFFFFFC0];
	[tilespmem:s0+$0xFFFFFFF0] =	vst v6;
	v6 =	vadd.f32 v10, v9  }
.LBB2_16:
0x1b0: {  	v7 =	vld [tilespmem:s4+$0x30];
	s2 =	sadd.s32 $0x80, s2  }
0x1b1: {  	s3 =	sadd.s32 $0x80, s3;
	v8 =	vld [tilespmem:s2+$0x30];
	[tilespmem:s0+$0x0] =	vst v6;
	v1 =	vadd.f32 v3, v1  }
0x1b2: {  	p0 =	slt.u32 s3, $0x3F80;
	v3 =	vld [tilespmem:s2+$0xFFFFFFC0]  }
0x1b3: {  	v6 =	vld [tilespmem:s4+$0xFFFFFFD0];
	[tilespmem:s0+$0x10] =	vst v1;
	v1 =	vadd.f32 v5, v2  }
0x1b4: {  	v2 =	vld [tilespmem:s2+$0xFFFFFFD0];
	v9 =	vadd.f32 v0, v4  }
0x1b5: {  	v4 =	vld [tilespmem:s4+$0xFFFFFFE0];
	[tilespmem:s0+$0x20] =	vst v1  }
0x1b6: {  	v1 =	vld [tilespmem:s2+$0xFFFFFFE0];
	v5 =	vadd.f32 v8, v7;
	[tilespmem:s0+$0xFFFFFFC0] =	vst v9;
	s0 =	smov.u32 s4  }
0x1b7: {  	v7 =	vld [tilespmem:s4+$0xFFFFFFF0];
	v0 =	vmov v3  }
0x1b8: {  	v8 =	vld [tilespmem:s2+$0xFFFFFFF0];
	[tilespmem:s4+$0x30] =	vst v5  }
0x1b9: {  	v2 =	vadd.f32 v2, v6;
	v6 =	vld [tilespmem:s4+$0x0]  }
0x1ba: {  	v9 =	vld [tilespmem:s2+$0x0]  }
.Ltmp7:
0x1bb: {  	[tilespmem:s4+$0xFFFFFFD0] =	vst v2;
	v2 =	vadd.f32 v1, v4;
	v1 =	vld [tilespmem:s4+$0x10];
	(pc) =	sbr.rel @p0 .LBB2_16-.Ltmp7, $4  }
0x1bc: {  	v3 =	vld [tilespmem:s2+$0x10]  }
0x1bd: {  	[tilespmem:s4+$0xFFFFFFE0] =	vst v2;
	v7 =	vadd.f32 v8, v7;
	v2 =	vld [tilespmem:s4+$0x20]  }
0x1be: {  	v5 =	vld [tilespmem:s2+$0x20]  }
0x1bf: {  	s4 =	sadd.s32 $0x80, s4;
	v4 =	vld [tilespmem:s0+$0xFFFFFFC0];
	[tilespmem:s0+$0xFFFFFFF0] =	vst v7;
	v6 =	vadd.f32 v9, v6  }
0x1c0: {  	_ =	sdelay $0x1  }
0x1c1: {  	v1 =	vadd.f32 v3, v1  }
0x1c2: {  	[tilespmem:s0+$0x0] =	vst v6;
	v2 =	vadd.f32 v5, v2  }
0x1c3: {  	[tilespmem:s0+$0x10] =	vst v1;
	v0 =	vadd.f32 v0, v4  }
0x1c4: {  	[tilespmem:s0+$0x20] =	vst v2  }
0x1c5: {  	[tilespmem:s0+$0xFFFFFFC0] =	vst v0  }
0x1c6: {  	s0 =	rddreg [dreg:$0x13]  }
0x1c7: {  	[hbm4b:s0+s1] =	stream.linear.scatter [tilespmem:s22], [sflag:$0xA], $0x4000, $0x38;
	[tilespmem:$0x18000] =	vst v63  }
0x1c8: {  	s3 =	rddreg [dreg:$0x1b]  }
0x1c9: {  	[tilespmem:s15], [sflag:$0x2] =	stream.linear.gather [hbm4b:s3+s1], $0x4000, $0x38;
	[tilespmem:$0x18000] =	vst v63  }
0x1ca: {  	_ =	swait.ge [sflag:s26], $0x4000  }
0x1cb: {  	[sflag:s26] =	ssyncset.done $0x0  }
0x1cc: {  	s4 =	rddreg [dreg:$0x15];
	[sflag:s26] =	ssyncadd.s32 $0xFFFFC000  }
0x1cd: {  	[tilespmem:s17], [sflag:$0x4] =	stream.linear.gather [hbm4b:s4+s1], $0x4000, $0x38;
	[tilespmem:$0x18000] =	vst v63  }
0x1ce: {  	_ =	swait.ge [sflag:s18], $0x4000  }
0x1cf: {  	[sflag:s18] =	ssyncset.done $0x0  }
0x1d0: {  	[sflag:s18] =	ssyncadd.s32 $0xFFFFC000  }
0x1d1: {  	_ =	swait.ge [sflag:s19], $0x4000  }
0x1d2: {  	[sflag:s19] =	ssyncset.done $0x0  }
0x1d3: {  	s0 =	simm.s32 $0x8040;
	[sflag:s19] =	ssyncadd.s32 $0xFFFFC000  }
0x1d4: {  	s2 =	simm.s32 $0x40;
	v1 =	vld [tilespmem:s0+$0x30]  }
0x1d5: {  	v2 =	vld [tilespmem:s2+$0x30]  }
0x1d6: {  	v0 =	vld [tilespmem:s2+$0xFFFFFFC0]  }
0x1d7: {  	v3 =	vld [tilespmem:s0+$0xFFFFFFD0]  }
0x1d8: {  	v4 =	vld [tilespmem:s2+$0xFFFFFFD0]  }
0x1d9: {  	v5 =	vld [tilespmem:s0+$0xFFFFFFE0]  }
0x1da: {  	v6 =	vld [tilespmem:s2+$0xFFFFFFE0]  }
0x1db: {  	v7 =	vld [tilespmem:s0+$0xFFFFFFF0]  }
0x1dc: {  	v8 =	vld [tilespmem:s2+$0xFFFFFFF0]  }
0x1dd: {  	v9 =	vld [tilespmem:s0+$0x0]  }
0x1de: {  	v10 =	vld [tilespmem:s2+$0x0];
	v2 =	vadd.f32 v2, v1  }
0x1df: {  	v4 =	vadd.f32 v4, v3;
	v1 =	vld [tilespmem:s0+$0x10]  }
0x1e0: {  	v5 =	vadd.f32 v6, v5;
	v3 =	vld [tilespmem:s2+$0x10];
	[tilespmem:s0+$0x30] =	vst v2  }
0x1e1: {  	v6 =	vadd.f32 v8, v7;
	[tilespmem:s0+$0xFFFFFFD0] =	vst v4;
	v2 =	vld [tilespmem:s0+$0x20]  }
0x1e2: {  	[tilespmem:s0+$0xFFFFFFE0] =	vst v5;
	v5 =	vld [tilespmem:s2+$0x20]  }
0x1e3: {  	s3 =	simm.s32 $0x0;
	s4 =	simm.s32 $0x80C0;
	v4 =	vld [tilespmem:s0+$0xFFFFFFC0];
	[tilespmem:s0+$0xFFFFFFF0] =	vst v6;
	v6 =	vadd.f32 v10, v9  }
.LBB2_18:
0x1e4: {  	v7 =	vld [tilespmem:s4+$0x30];
	s2 =	sadd.s32 $0x80, s2  }
0x1e5: {  	s3 =	sadd.s32 $0x80, s3;
	v8 =	vld [tilespmem:s2+$0x30];
	[tilespmem:s0+$0x0] =	vst v6;
	v1 =	vadd.f32 v3, v1  }
0x1e6: {  	p0 =	slt.u32 s3, $0x3F80;
	v3 =	vld [tilespmem:s2+$0xFFFFFFC0]  }
0x1e7: {  	v6 =	vld [tilespmem:s4+$0xFFFFFFD0];
	[tilespmem:s0+$0x10] =	vst v1;
	v1 =	vadd.f32 v5, v2  }
0x1e8: {  	v2 =	vld [tilespmem:s2+$0xFFFFFFD0];
	v9 =	vadd.f32 v0, v4  }
0x1e9: {  	v4 =	vld [tilespmem:s4+$0xFFFFFFE0];
	[tilespmem:s0+$0x20] =	vst v1  }
0x1ea: {  	v1 =	vld [tilespmem:s2+$0xFFFFFFE0];
	v5 =	vadd.f32 v8, v7;
	[tilespmem:s0+$0xFFFFFFC0] =	vst v9;
	s0 =	smov.u32 s4  }
0x1eb: {  	v7 =	vld [tilespmem:s4+$0xFFFFFFF0];
	v0 =	vmov v3  }
0x1ec: {  	v8 =	vld [tilespmem:s2+$0xFFFFFFF0];
	[tilespmem:s4+$0x30] =	vst v5  }
0x1ed: {  	v2 =	vadd.f32 v2, v6;
	v6 =	vld [tilespmem:s4+$0x0]  }
0x1ee: {  	v9 =	vld [tilespmem:s2+$0x0]  }
.Ltmp8:
0x1ef: {  	[tilespmem:s4+$0xFFFFFFD0] =	vst v2;
	v2 =	vadd.f32 v1, v4;
	v1 =	vld [tilespmem:s4+$0x10];
	(pc) =	sbr.rel @p0 .LBB2_18-.Ltmp8, $4  }
0x1f0: {  	v3 =	vld [tilespmem:s2+$0x10]  }
0x1f1: {  	[tilespmem:s4+$0xFFFFFFE0] =	vst v2;
	v7 =	vadd.f32 v8, v7;
	v2 =	vld [tilespmem:s4+$0x20]  }
0x1f2: {  	v5 =	vld [tilespmem:s2+$0x20]  }
0x1f3: {  	s4 =	sadd.s32 $0x80, s4;
	v4 =	vld [tilespmem:s0+$0xFFFFFFC0];
	[tilespmem:s0+$0xFFFFFFF0] =	vst v7;
	v6 =	vadd.f32 v9, v6  }
0x1f4: {  	_ =	sdelay $0x1  }
0x1f5: {  	v1 =	vadd.f32 v3, v1  }
0x1f6: {  	[tilespmem:s0+$0x0] =	vst v6;
	v2 =	vadd.f32 v5, v2  }
0x1f7: {  	[tilespmem:s0+$0x10] =	vst v1;
	v0 =	vadd.f32 v0, v4  }
0x1f8: {  	[tilespmem:s0+$0x20] =	vst v2  }
0x1f9: {  	[tilespmem:s0+$0xFFFFFFC0] =	vst v0  }
0x1fa: {  	s0 =	rddreg [dreg:$0x14]  }
0x1fb: {  	[hbm4b:s0+s1] =	stream.linear.scatter [tilespmem:s16], [sflag:$0x7], $0x4000, $0x38;
	[tilespmem:$0x18000] =	vst v63  }
0x1fc: {  	_ =	swait.ge [sflag:s29], $0x4000  }
0x1fd: {  	[sflag:s29] =	ssyncset.done $0x0  }
0x1fe: {  	s4 =	rddreg [dreg:$0x17];
	[sflag:s29] =	ssyncadd.s32 $0xFFFFC000  }
0x1ff: {  	[tilespmem:s20], [sflag:$0x5] =	stream.linear.gather [hbm4b:s4+s1], $0x4000, $0x38;
	[tilespmem:$0x18000] =	vst v63  }
0x200: {  	_ =	swait.ge [sflag:s21], $0x4000  }
0x201: {  	[sflag:s21] =	ssyncset.done $0x0  }
0x202: {  	s0 =	simm.s32 $0xC040;
	[sflag:s21] =	ssyncadd.s32 $0xFFFFC000  }
0x203: {  	s2 =	simm.s32 $0x40;
	v1 =	vld [tilespmem:s0+$0x30]  }
0x204: {  	v2 =	vld [tilespmem:s2+$0x30]  }
0x205: {  	v0 =	vld [tilespmem:s2+$0xFFFFFFC0]  }
0x206: {  	v3 =	vld [tilespmem:s0+$0xFFFFFFD0]  }
0x207: {  	v4 =	vld [tilespmem:s2+$0xFFFFFFD0]  }
0x208: {  	v5 =	vld [tilespmem:s0+$0xFFFFFFE0]  }
0x209: {  	v6 =	vld [tilespmem:s2+$0xFFFFFFE0]  }
0x20a: {  	v7 =	vld [tilespmem:s0+$0xFFFFFFF0]  }
0x20b: {  	v8 =	vld [tilespmem:s2+$0xFFFFFFF0]  }
0x20c: {  	v9 =	vld [tilespmem:s0+$0x0]  }
0x20d: {  	v10 =	vld [tilespmem:s2+$0x0];
	v2 =	vadd.f32 v2, v1  }
0x20e: {  	v4 =	vadd.f32 v4, v3;
	v1 =	vld [tilespmem:s0+$0x10]  }
0x20f: {  	v5 =	vadd.f32 v6, v5;
	v3 =	vld [tilespmem:s2+$0x10];
	[tilespmem:s0+$0x30] =	vst v2  }
0x210: {  	v6 =	vadd.f32 v8, v7;
	[tilespmem:s0+$0xFFFFFFD0] =	vst v4;
	v2 =	vld [tilespmem:s0+$0x20]  }
0x211: {  	[tilespmem:s0+$0xFFFFFFE0] =	vst v5;
	v5 =	vld [tilespmem:s2+$0x20]  }
0x212: {  	s3 =	simm.s32 $0x0;
	s4 =	simm.s32 $0xC0C0;
	v4 =	vld [tilespmem:s0+$0xFFFFFFC0];
	[tilespmem:s0+$0xFFFFFFF0] =	vst v6;
	v6 =	vadd.f32 v10, v9  }
.LBB2_20:
0x213: {  	v7 =	vld [tilespmem:s4+$0x30];
	s2 =	sadd.s32 $0x80, s2  }
0x214: {  	s3 =	sadd.s32 $0x80, s3;
	v8 =	vld [tilespmem:s2+$0x30];
	[tilespmem:s0+$0x0] =	vst v6;
	v1 =	vadd.f32 v3, v1  }
0x215: {  	p0 =	slt.u32 s3, $0x3F80;
	v3 =	vld [tilespmem:s2+$0xFFFFFFC0]  }
0x216: {  	v6 =	vld [tilespmem:s4+$0xFFFFFFD0];
	[tilespmem:s0+$0x10] =	vst v1;
	v1 =	vadd.f32 v5, v2  }
0x217: {  	v2 =	vld [tilespmem:s2+$0xFFFFFFD0];
	v9 =	vadd.f32 v0, v4  }
0x218: {  	v4 =	vld [tilespmem:s4+$0xFFFFFFE0];
	[tilespmem:s0+$0x20] =	vst v1  }
0x219: {  	v1 =	vld [tilespmem:s2+$0xFFFFFFE0];
	v5 =	vadd.f32 v8, v7;
	[tilespmem:s0+$0xFFFFFFC0] =	vst v9;
	s0 =	smov.u32 s4  }
0x21a: {  	v7 =	vld [tilespmem:s4+$0xFFFFFFF0];
	v0 =	vmov v3  }
0x21b: {  	v8 =	vld [tilespmem:s2+$0xFFFFFFF0];
	[tilespmem:s4+$0x30] =	vst v5  }
0x21c: {  	v2 =	vadd.f32 v2, v6;
	v6 =	vld [tilespmem:s4+$0x0]  }
0x21d: {  	v9 =	vld [tilespmem:s2+$0x0]  }
.Ltmp9:
0x21e: {  	[tilespmem:s4+$0xFFFFFFD0] =	vst v2;
	v2 =	vadd.f32 v1, v4;
	v1 =	vld [tilespmem:s4+$0x10];
	(pc) =	sbr.rel @p0 .LBB2_20-.Ltmp9, $4  }
0x21f: {  	v3 =	vld [tilespmem:s2+$0x10]  }
0x220: {  	[tilespmem:s4+$0xFFFFFFE0] =	vst v2;
	v7 =	vadd.f32 v8, v7;
	v2 =	vld [tilespmem:s4+$0x20]  }
0x221: {  	v5 =	vld [tilespmem:s2+$0x20]  }
0x222: {  	s4 =	sadd.s32 $0x80, s4;
	v4 =	vld [tilespmem:s0+$0xFFFFFFC0];
	[tilespmem:s0+$0xFFFFFFF0] =	vst v7;
	v6 =	vadd.f32 v9, v6  }
0x223: {  	_ =	sdelay $0x1  }
0x224: {  	v1 =	vadd.f32 v3, v1  }
0x225: {  	[tilespmem:s0+$0x0] =	vst v6;
	v2 =	vadd.f32 v5, v2  }
0x226: {  	[tilespmem:s0+$0x10] =	vst v1;
	v0 =	vadd.f32 v0, v4  }
0x227: {  	[tilespmem:s0+$0x20] =	vst v2  }
0x228: {  	[tilespmem:s0+$0xFFFFFFC0] =	vst v0  }
0x229: {  	s0 =	rddreg [dreg:$0x16]  }
0x22a: {  	[hbm4b:s0+s1] =	stream.linear.scatter [tilespmem:s17], [sflag:$0x8], $0x4000, $0x38;
	[tilespmem:$0x18000] =	vst v63  }
0x22b: {  	_ =	swait.ge [sflag:s30], $0x4000  }
0x22c: {  	[sflag:s30] =	ssyncset.done $0x0  }
0x22d: {  	s4 =	rddreg [dreg:$0x19];
	[sflag:s30] =	ssyncadd.s32 $0xFFFFC000  }
0x22e: {  	[tilespmem:s22], [sflag:$0x6] =	stream.linear.gather [hbm4b:s4+s1], $0x4000, $0x38;
	[tilespmem:$0x18000] =	vst v63  }
0x22f: {  	_ =	swait.ge [sflag:s23], $0x4000  }
0x230: {  	[sflag:s23] =	ssyncset.done $0x0  }
0x231: {  	s0 =	simm.s32 $0x10040;
	[sflag:s23] =	ssyncadd.s32 $0xFFFFC000  }
0x232: {  	s2 =	simm.s32 $0x40;
	v1 =	vld [tilespmem:s0+$0x30]  }
0x233: {  	v2 =	vld [tilespmem:s2+$0x30]  }
0x234: {  	v0 =	vld [tilespmem:s2+$0xFFFFFFC0]  }
0x235: {  	v3 =	vld [tilespmem:s0+$0xFFFFFFD0]  }
0x236: {  	v4 =	vld [tilespmem:s2+$0xFFFFFFD0]  }
0x237: {  	v5 =	vld [tilespmem:s0+$0xFFFFFFE0]  }
0x238: {  	v6 =	vld [tilespmem:s2+$0xFFFFFFE0]  }
0x239: {  	v7 =	vld [tilespmem:s0+$0xFFFFFFF0]  }
0x23a: {  	v8 =	vld [tilespmem:s2+$0xFFFFFFF0]  }
0x23b: {  	v9 =	vld [tilespmem:s0+$0x0]  }
0x23c: {  	v10 =	vld [tilespmem:s2+$0x0];
	v2 =	vadd.f32 v2, v1  }
0x23d: {  	v4 =	vadd.f32 v4, v3;
	v1 =	vld [tilespmem:s0+$0x10]  }
0x23e: {  	v5 =	vadd.f32 v6, v5;
	v3 =	vld [tilespmem:s2+$0x10];
	[tilespmem:s0+$0x30] =	vst v2  }
0x23f: {  	v6 =	vadd.f32 v8, v7;
	[tilespmem:s0+$0xFFFFFFD0] =	vst v4;
	v2 =	vld [tilespmem:s0+$0x20]  }
0x240: {  	[tilespmem:s0+$0xFFFFFFE0] =	vst v5;
	v5 =	vld [tilespmem:s2+$0x20]  }
0x241: {  	s3 =	simm.s32 $0x0;
	s4 =	simm.s32 $0x100C0;
	v4 =	vld [tilespmem:s0+$0xFFFFFFC0];
	[tilespmem:s0+$0xFFFFFFF0] =	vst v6;
	v6 =	vadd.f32 v10, v9  }
.LBB2_22:
0x242: {  	v7 =	vld [tilespmem:s4+$0x30];
	s2 =	sadd.s32 $0x80, s2  }
0x243: {  	s3 =	sadd.s32 $0x80, s3;
	v8 =	vld [tilespmem:s2+$0x30];
	[tilespmem:s0+$0x0] =	vst v6;
	v1 =	vadd.f32 v3, v1  }
0x244: {  	p0 =	slt.u32 s3, $0x3F80;
	v3 =	vld [tilespmem:s2+$0xFFFFFFC0]  }
0x245: {  	v6 =	vld [tilespmem:s4+$0xFFFFFFD0];
	[tilespmem:s0+$0x10] =	vst v1;
	v1 =	vadd.f32 v5, v2  }
0x246: {  	v2 =	vld [tilespmem:s2+$0xFFFFFFD0];
	v9 =	vadd.f32 v0, v4  }
0x247: {  	v4 =	vld [tilespmem:s4+$0xFFFFFFE0];
	[tilespmem:s0+$0x20] =	vst v1  }
0x248: {  	v1 =	vld [tilespmem:s2+$0xFFFFFFE0];
	v5 =	vadd.f32 v8, v7;
	[tilespmem:s0+$0xFFFFFFC0] =	vst v9;
	s0 =	smov.u32 s4  }
0x249: {  	v7 =	vld [tilespmem:s4+$0xFFFFFFF0];
	v0 =	vmov v3  }
0x24a: {  	v8 =	vld [tilespmem:s2+$0xFFFFFFF0];
	[tilespmem:s4+$0x30] =	vst v5  }
0x24b: {  	v2 =	vadd.f32 v2, v6;
	v6 =	vld [tilespmem:s4+$0x0]  }
0x24c: {  	v9 =	vld [tilespmem:s2+$0x0]  }
.Ltmp10:
0x24d: {  	[tilespmem:s4+$0xFFFFFFD0] =	vst v2;
	v2 =	vadd.f32 v1, v4;
	v1 =	vld [tilespmem:s4+$0x10];
	(pc) =	sbr.rel @p0 .LBB2_22-.Ltmp10, $4  }
0x24e: {  	v3 =	vld [tilespmem:s2+$0x10]  }
0x24f: {  	[tilespmem:s4+$0xFFFFFFE0] =	vst v2;
	v7 =	vadd.f32 v8, v7;
	v2 =	vld [tilespmem:s4+$0x20]  }
0x250: {  	v5 =	vld [tilespmem:s2+$0x20]  }
0x251: {  	s4 =	sadd.s32 $0x80, s4;
	v4 =	vld [tilespmem:s0+$0xFFFFFFC0];
	[tilespmem:s0+$0xFFFFFFF0] =	vst v7;
	v6 =	vadd.f32 v9, v6  }
0x252: {  	_ =	sdelay $0x1  }
0x253: {  	v1 =	vadd.f32 v3, v1  }
0x254: {  	[tilespmem:s0+$0x0] =	vst v6;
	v2 =	vadd.f32 v5, v2  }
0x255: {  	[tilespmem:s0+$0x10] =	vst v1;
	v0 =	vadd.f32 v0, v4  }
0x256: {  	[tilespmem:s0+$0x20] =	vst v2  }
0x257: {  	[tilespmem:s0+$0xFFFFFFC0] =	vst v0  }
0x258: {  	s0 =	rddreg [dreg:$0x18]  }
0x259: {  	[hbm4b:s0+s1] =	stream.linear.scatter [tilespmem:s20], [sflag:$0x9], $0x4000, $0x38;
	[tilespmem:$0x18000] =	vst v63  }
0x25a: {  	_ =	swait.ge [sflag:s24], $0x4000  }
0x25b: {  	[sflag:s24] =	ssyncset.done $0x0  }
0x25c: {  	s4 =	rddreg [dreg:$0x1c];
	[sflag:s24] =	ssyncadd.s32 $0xFFFFC000  }
0x25d: {  	[tilespmem:s16], [sflag:$0x3] =	stream.linear.gather [hbm4b:s4+s1], $0x4000, $0x38;
	[tilespmem:$0x18000] =	vst v63  }
0x25e: {  	_ =	swait.ge [sflag:s25], $0x4000  }
0x25f: {  	[sflag:s25] =	ssyncset.done $0x0  }
0x260: {  	s0 =	simm.s32 $0x14040;
	[sflag:s25] =	ssyncadd.s32 $0xFFFFC000  }
0x261: {  	s2 =	simm.s32 $0x40;
	v1 =	vld [tilespmem:s0+$0x30]  }
0x262: {  	v2 =	vld [tilespmem:s2+$0x30]  }
0x263: {  	v0 =	vld [tilespmem:s2+$0xFFFFFFC0]  }
0x264: {  	v3 =	vld [tilespmem:s0+$0xFFFFFFD0]  }
0x265: {  	v4 =	vld [tilespmem:s2+$0xFFFFFFD0]  }
0x266: {  	v5 =	vld [tilespmem:s0+$0xFFFFFFE0]  }
0x267: {  	v6 =	vld [tilespmem:s2+$0xFFFFFFE0]  }
0x268: {  	v7 =	vld [tilespmem:s0+$0xFFFFFFF0]  }
0x269: {  	v8 =	vld [tilespmem:s2+$0xFFFFFFF0]  }
0x26a: {  	v9 =	vld [tilespmem:s0+$0x0]  }
0x26b: {  	v10 =	vld [tilespmem:s2+$0x0];
	v2 =	vadd.f32 v2, v1  }
0x26c: {  	v4 =	vadd.f32 v4, v3;
	v1 =	vld [tilespmem:s0+$0x10]  }
0x26d: {  	v5 =	vadd.f32 v6, v5;
	v3 =	vld [tilespmem:s2+$0x10];
	[tilespmem:s0+$0x30] =	vst v2  }
0x26e: {  	v6 =	vadd.f32 v8, v7;
	[tilespmem:s0+$0xFFFFFFD0] =	vst v4;
	v2 =	vld [tilespmem:s0+$0x20]  }
0x26f: {  	[tilespmem:s0+$0xFFFFFFE0] =	vst v5;
	v5 =	vld [tilespmem:s2+$0x20]  }
0x270: {  	s3 =	simm.s32 $0x0;
	s4 =	simm.s32 $0x140C0;
	v4 =	vld [tilespmem:s0+$0xFFFFFFC0];
	[tilespmem:s0+$0xFFFFFFF0] =	vst v6;
	v6 =	vadd.f32 v10, v9  }
.LBB2_24:
0x271: {  	v7 =	vld [tilespmem:s4+$0x30];
	s2 =	sadd.s32 $0x80, s2  }
0x272: {  	s3 =	sadd.s32 $0x80, s3;
	v8 =	vld [tilespmem:s2+$0x30];
	[tilespmem:s0+$0x0] =	vst v6;
	v1 =	vadd.f32 v3, v1  }
0x273: {  	p0 =	slt.u32 s3, $0x3F80;
	v3 =	vld [tilespmem:s2+$0xFFFFFFC0]  }
0x274: {  	v6 =	vld [tilespmem:s4+$0xFFFFFFD0];
	[tilespmem:s0+$0x10] =	vst v1;
	v1 =	vadd.f32 v5, v2  }
0x275: {  	v2 =	vld [tilespmem:s2+$0xFFFFFFD0];
	v9 =	vadd.f32 v0, v4  }
0x276: {  	v4 =	vld [tilespmem:s4+$0xFFFFFFE0];
	[tilespmem:s0+$0x20] =	vst v1  }
0x277: {  	v1 =	vld [tilespmem:s2+$0xFFFFFFE0];
	v5 =	vadd.f32 v8, v7;
	[tilespmem:s0+$0xFFFFFFC0] =	vst v9;
	s0 =	smov.u32 s4  }
0x278: {  	v7 =	vld [tilespmem:s4+$0xFFFFFFF0];
	v0 =	vmov v3  }
0x279: {  	v8 =	vld [tilespmem:s2+$0xFFFFFFF0];
	[tilespmem:s4+$0x30] =	vst v5  }
0x27a: {  	v2 =	vadd.f32 v2, v6;
	v6 =	vld [tilespmem:s4+$0x0]  }
0x27b: {  	v9 =	vld [tilespmem:s2+$0x0]  }
.Ltmp11:
0x27c: {  	[tilespmem:s4+$0xFFFFFFD0] =	vst v2;
	v2 =	vadd.f32 v1, v4;
	v1 =	vld [tilespmem:s4+$0x10];
	(pc) =	sbr.rel @p0 .LBB2_24-.Ltmp11, $4  }
0x27d: {  	v3 =	vld [tilespmem:s2+$0x10]  }
0x27e: {  	[tilespmem:s4+$0xFFFFFFE0] =	vst v2;
	v7 =	vadd.f32 v8, v7;
	v2 =	vld [tilespmem:s4+$0x20]  }
0x27f: {  	v5 =	vld [tilespmem:s2+$0x20]  }
0x280: {  	s4 =	sadd.s32 $0x80, s4;
	v4 =	vld [tilespmem:s0+$0xFFFFFFC0];
	[tilespmem:s0+$0xFFFFFFF0] =	vst v7;
	v6 =	vadd.f32 v9, v6  }
0x281: {  	_ =	sdelay $0x1  }
0x282: {  	v1 =	vadd.f32 v3, v1  }
0x283: {  	[tilespmem:s0+$0x0] =	vst v6;
	v2 =	vadd.f32 v5, v2  }
0x284: {  	[tilespmem:s0+$0x10] =	vst v1;
	v0 =	vadd.f32 v0, v4  }
0x285: {  	[tilespmem:s0+$0x20] =	vst v2  }
0x286: {  	[tilespmem:s0+$0xFFFFFFC0] =	vst v0  }
0x287: {  	s0 =	rddreg [dreg:$0x1a]  }
0x288: {  	s3 =	sld [smem:$0x7E0]  }
0x289: {  	[hbm4b:s0+s1] =	stream.linear.scatter [tilespmem:s22], [sflag:$0xA], $0x4000, $0x38;
	[tilespmem:$0x18000] =	vst v63  }
0x28a: {  	_ = 	snop  }
0x28b: {  	[tilespmem:s1], [sflag:$0x1] =	stream.linear.gather [hbm4b:s3+s1], $0x4000, $0x38;
	[tilespmem:$0x18000] =	vst v63  }
0x28c: {  	_ =	swait.ge [sflag:s26], $0x4000  }
0x28d: {  	[sflag:s26] =	ssyncset.done $0x0  }
0x28e: {  	s4 =	rddreg [dreg:$0x1e];
	[sflag:s26] =	ssyncadd.s32 $0xFFFFC000  }
0x28f: {  	[tilespmem:s17], [sflag:$0x4] =	stream.linear.gather [hbm4b:s4+s1], $0x4000, $0x38;
	[tilespmem:$0x18000] =	vst v63  }
0x290: {  	_ =	swait.ge [sflag:s28], $0x4000  }
0x291: {  	[sflag:s28] =	ssyncset.done $0x0  }
0x292: {  	[sflag:s28] =	ssyncadd.s32 $0xFFFFC000  }
0x293: {  	_ =	swait.ge [sflag:s19], $0x4000  }
0x294: {  	[sflag:s19] =	ssyncset.done $0x0  }
0x295: {  	s0 =	simm.s32 $0x8040;
	[sflag:s19] =	ssyncadd.s32 $0xFFFFC000  }
0x296: {  	s2 =	simm.s32 $0x4040;
	v1 =	vld [tilespmem:s0+$0x30]  }
0x297: {  	v2 =	vld [tilespmem:s2+$0x30]  }
0x298: {  	v0 =	vld [tilespmem:s2+$0xFFFFFFC0]  }
0x299: {  	v3 =	vld [tilespmem:s0+$0xFFFFFFD0]  }
0x29a: {  	v4 =	vld [tilespmem:s2+$0xFFFFFFD0]  }
0x29b: {  	v5 =	vld [tilespmem:s0+$0xFFFFFFE0]  }
0x29c: {  	v6 =	vld [tilespmem:s2+$0xFFFFFFE0]  }
0x29d: {  	v7 =	vld [tilespmem:s0+$0xFFFFFFF0]  }
0x29e: {  	v8 =	vld [tilespmem:s2+$0xFFFFFFF0]  }
0x29f: {  	v9 =	vld [tilespmem:s0+$0x0]  }
0x2a0: {  	v10 =	vld [tilespmem:s2+$0x0];
	v2 =	vadd.f32 v2, v1  }
0x2a1: {  	v4 =	vadd.f32 v4, v3;
	v1 =	vld [tilespmem:s0+$0x10]  }
0x2a2: {  	v5 =	vadd.f32 v6, v5;
	v3 =	vld [tilespmem:s2+$0x10];
	[tilespmem:s0+$0x30] =	vst v2  }
0x2a3: {  	v6 =	vadd.f32 v8, v7;
	[tilespmem:s0+$0xFFFFFFD0] =	vst v4;
	v2 =	vld [tilespmem:s0+$0x20]  }
0x2a4: {  	[tilespmem:s0+$0xFFFFFFE0] =	vst v5;
	v5 =	vld [tilespmem:s2+$0x20]  }
0x2a5: {  	s3 =	simm.s32 $0x0;
	s4 =	simm.s32 $0x80C0;
	v4 =	vld [tilespmem:s0+$0xFFFFFFC0];
	[tilespmem:s0+$0xFFFFFFF0] =	vst v6;
	v6 =	vadd.f32 v10, v9  }
.LBB2_26:
0x2a6: {  	v7 =	vld [tilespmem:s4+$0x30];
	s2 =	sadd.s32 $0x80, s2  }
0x2a7: {  	s3 =	sadd.s32 $0x80, s3;
	v8 =	vld [tilespmem:s2+$0x30];
	[tilespmem:s0+$0x0] =	vst v6;
	v1 =	vadd.f32 v3, v1  }
0x2a8: {  	p0 =	slt.u32 s3, $0x3F80;
	v3 =	vld [tilespmem:s2+$0xFFFFFFC0]  }
0x2a9: {  	v6 =	vld [tilespmem:s4+$0xFFFFFFD0];
	[tilespmem:s0+$0x10] =	vst v1;
	v1 =	vadd.f32 v5, v2  }
0x2aa: {  	v2 =	vld [tilespmem:s2+$0xFFFFFFD0];
	v9 =	vadd.f32 v0, v4  }
0x2ab: {  	v4 =	vld [tilespmem:s4+$0xFFFFFFE0];
	[tilespmem:s0+$0x20] =	vst v1  }
0x2ac: {  	v1 =	vld [tilespmem:s2+$0xFFFFFFE0];
	v5 =	vadd.f32 v8, v7;
	[tilespmem:s0+$0xFFFFFFC0] =	vst v9;
	s0 =	smov.u32 s4  }
0x2ad: {  	v7 =	vld [tilespmem:s4+$0xFFFFFFF0];
	v0 =	vmov v3  }
0x2ae: {  	v8 =	vld [tilespmem:s2+$0xFFFFFFF0];
	[tilespmem:s4+$0x30] =	vst v5  }
0x2af: {  	v2 =	vadd.f32 v2, v6;
	v6 =	vld [tilespmem:s4+$0x0]  }
0x2b0: {  	v9 =	vld [tilespmem:s2+$0x0]  }
.Ltmp12:
0x2b1: {  	[tilespmem:s4+$0xFFFFFFD0] =	vst v2;
	v2 =	vadd.f32 v1, v4;
	v1 =	vld [tilespmem:s4+$0x10];
	(pc) =	sbr.rel @p0 .LBB2_26-.Ltmp12, $4  }
0x2b2: {  	v3 =	vld [tilespmem:s2+$0x10]  }
0x2b3: {  	[tilespmem:s4+$0xFFFFFFE0] =	vst v2;
	v7 =	vadd.f32 v8, v7;
	v2 =	vld [tilespmem:s4+$0x20]  }
0x2b4: {  	v5 =	vld [tilespmem:s2+$0x20]  }
0x2b5: {  	s4 =	sadd.s32 $0x80, s4;
	v4 =	vld [tilespmem:s0+$0xFFFFFFC0];
	[tilespmem:s0+$0xFFFFFFF0] =	vst v7;
	v6 =	vadd.f32 v9, v6  }
0x2b6: {  	_ =	sdelay $0x1  }
0x2b7: {  	v1 =	vadd.f32 v3, v1  }
0x2b8: {  	[tilespmem:s0+$0x0] =	vst v6;
	v2 =	vadd.f32 v5, v2  }
0x2b9: {  	[tilespmem:s0+$0x10] =	vst v1;
	v0 =	vadd.f32 v0, v4  }
0x2ba: {  	[tilespmem:s0+$0x20] =	vst v2  }
0x2bb: {  	[tilespmem:s0+$0xFFFFFFC0] =	vst v0  }
0x2bc: {  	s0 =	rddreg [dreg:$0x1d]  }
0x2bd: {  	[hbm4b:s0+s1] =	stream.linear.scatter [tilespmem:s16], [sflag:$0x7], $0x4000, $0x38;
	[tilespmem:$0x18000] =	vst v63  }
0x2be: {  	_ =	swait.ge [sflag:s29], $0x4000  }
0x2bf: {  	s4 =	sld [smem:$0x7DC]  }
0x2c0: {  	[sflag:s29] =	ssyncset.done $0x0  }
0x2c1: {  	[sflag:s29] =	ssyncadd.s32 $0xFFFFC000  }
0x2c2: {  	[tilespmem:s20], [sflag:$0x5] =	stream.linear.gather [hbm4b:s4+s1], $0x4000, $0x38;
	[tilespmem:$0x18000] =	vst v63  }
0x2c3: {  	_ =	swait.ge [sflag:s21], $0x4000  }
0x2c4: {  	[sflag:s21] =	ssyncset.done $0x0  }
0x2c5: {  	s0 =	simm.s32 $0xC040;
	[sflag:s21] =	ssyncadd.s32 $0xFFFFC000  }
0x2c6: {  	s2 =	simm.s32 $0x4040;
	v1 =	vld [tilespmem:s0+$0x30]  }
0x2c7: {  	v2 =	vld [tilespmem:s2+$0x30]  }
0x2c8: {  	v0 =	vld [tilespmem:s2+$0xFFFFFFC0]  }
0x2c9: {  	v3 =	vld [tilespmem:s0+$0xFFFFFFD0]  }
0x2ca: {  	v4 =	vld [tilespmem:s2+$0xFFFFFFD0]  }
0x2cb: {  	v5 =	vld [tilespmem:s0+$0xFFFFFFE0]  }
0x2cc: {  	v6 =	vld [tilespmem:s2+$0xFFFFFFE0]  }
0x2cd: {  	v7 =	vld [tilespmem:s0+$0xFFFFFFF0]  }
0x2ce: {  	v8 =	vld [tilespmem:s2+$0xFFFFFFF0]  }
0x2cf: {  	v9 =	vld [tilespmem:s0+$0x0]  }
0x2d0: {  	v10 =	vld [tilespmem:s2+$0x0];
	v2 =	vadd.f32 v2, v1  }
0x2d1: {  	v4 =	vadd.f32 v4, v3;
	v1 =	vld [tilespmem:s0+$0x10]  }
0x2d2: {  	v5 =	vadd.f32 v6, v5;
	v3 =	vld [tilespmem:s2+$0x10];
	[tilespmem:s0+$0x30] =	vst v2  }
0x2d3: {  	v6 =	vadd.f32 v8, v7;
	[tilespmem:s0+$0xFFFFFFD0] =	vst v4;
	v2 =	vld [tilespmem:s0+$0x20]  }
0x2d4: {  	[tilespmem:s0+$0xFFFFFFE0] =	vst v5;
	v5 =	vld [tilespmem:s2+$0x20]  }
0x2d5: {  	s3 =	simm.s32 $0x0;
	s4 =	simm.s32 $0xC0C0;
	v4 =	vld [tilespmem:s0+$0xFFFFFFC0];
	[tilespmem:s0+$0xFFFFFFF0] =	vst v6;
	v6 =	vadd.f32 v10, v9  }
.LBB2_28:
0x2d6: {  	v7 =	vld [tilespmem:s4+$0x30];
	s2 =	sadd.s32 $0x80, s2  }
0x2d7: {  	s3 =	sadd.s32 $0x80, s3;
	v8 =	vld [tilespmem:s2+$0x30];
	[tilespmem:s0+$0x0] =	vst v6;
	v1 =	vadd.f32 v3, v1  }
0x2d8: {  	p0 =	slt.u32 s3, $0x3F80;
	v3 =	vld [tilespmem:s2+$0xFFFFFFC0]  }
0x2d9: {  	v6 =	vld [tilespmem:s4+$0xFFFFFFD0];
	[tilespmem:s0+$0x10] =	vst v1;
	v1 =	vadd.f32 v5, v2  }
0x2da: {  	v2 =	vld [tilespmem:s2+$0xFFFFFFD0];
	v9 =	vadd.f32 v0, v4  }
0x2db: {  	v4 =	vld [tilespmem:s4+$0xFFFFFFE0];
	[tilespmem:s0+$0x20] =	vst v1  }
0x2dc: {  	v1 =	vld [tilespmem:s2+$0xFFFFFFE0];
	v5 =	vadd.f32 v8, v7;
	[tilespmem:s0+$0xFFFFFFC0] =	vst v9;
	s0 =	smov.u32 s4  }
0x2dd: {  	v7 =	vld [tilespmem:s4+$0xFFFFFFF0];
	v0 =	vmov v3  }
0x2de: {  	v8 =	vld [tilespmem:s2+$0xFFFFFFF0];
	[tilespmem:s4+$0x30] =	vst v5  }
0x2df: {  	v2 =	vadd.f32 v2, v6;
	v6 =	vld [tilespmem:s4+$0x0]  }
0x2e0: {  	v9 =	vld [tilespmem:s2+$0x0]  }
.Ltmp13:
0x2e1: {  	[tilespmem:s4+$0xFFFFFFD0] =	vst v2;
	v2 =	vadd.f32 v1, v4;
	v1 =	vld [tilespmem:s4+$0x10];
	(pc) =	sbr.rel @p0 .LBB2_28-.Ltmp13, $4  }
0x2e2: {  	v3 =	vld [tilespmem:s2+$0x10]  }
0x2e3: {  	[tilespmem:s4+$0xFFFFFFE0] =	vst v2;
	v7 =	vadd.f32 v8, v7;
	v2 =	vld [tilespmem:s4+$0x20]  }
0x2e4: {  	v5 =	vld [tilespmem:s2+$0x20]  }
0x2e5: {  	s4 =	sadd.s32 $0x80, s4;
	v4 =	vld [tilespmem:s0+$0xFFFFFFC0];
	[tilespmem:s0+$0xFFFFFFF0] =	vst v7;
	v6 =	vadd.f32 v9, v6  }
0x2e6: {  	_ =	sdelay $0x1  }
0x2e7: {  	v1 =	vadd.f32 v3, v1  }
0x2e8: {  	[tilespmem:s0+$0x0] =	vst v6;
	v2 =	vadd.f32 v5, v2  }
0x2e9: {  	[tilespmem:s0+$0x10] =	vst v1;
	v0 =	vadd.f32 v0, v4  }
0x2ea: {  	[tilespmem:s0+$0x20] =	vst v2  }
0x2eb: {  	[tilespmem:s0+$0xFFFFFFC0] =	vst v0  }
0x2ec: {  	s0 =	rddreg [dreg:$0x1f]  }
0x2ed: {  	[hbm4b:s0+s1] =	stream.linear.scatter [tilespmem:s17], [sflag:$0x8], $0x4000, $0x38;
	[tilespmem:$0x18000] =	vst v63  }
0x2ee: {  	_ =	swait.ge [sflag:s30], $0x4000  }
0x2ef: {  	s4 =	sld [smem:$0x7DE]  }
0x2f0: {  	[sflag:s30] =	ssyncset.done $0x0  }
0x2f1: {  	[sflag:s30] =	ssyncadd.s32 $0xFFFFC000  }
0x2f2: {  	[tilespmem:s22], [sflag:$0x6] =	stream.linear.gather [hbm4b:s4+s1], $0x4000, $0x38;
	[tilespmem:$0x18000] =	vst v63  }
0x2f3: {  	_ =	swait.ge [sflag:s23], $0x4000  }
0x2f4: {  	[sflag:s23] =	ssyncset.done $0x0  }
0x2f5: {  	s0 =	simm.s32 $0x10040;
	[sflag:s23] =	ssyncadd.s32 $0xFFFFC000  }
0x2f6: {  	s2 =	simm.s32 $0x4040;
	v1 =	vld [tilespmem:s0+$0x30]  }
0x2f7: {  	v2 =	vld [tilespmem:s2+$0x30]  }
0x2f8: {  	v0 =	vld [tilespmem:s2+$0xFFFFFFC0]  }
0x2f9: {  	v3 =	vld [tilespmem:s0+$0xFFFFFFD0]  }
0x2fa: {  	v4 =	vld [tilespmem:s2+$0xFFFFFFD0]  }
0x2fb: {  	v5 =	vld [tilespmem:s0+$0xFFFFFFE0]  }
0x2fc: {  	v6 =	vld [tilespmem:s2+$0xFFFFFFE0]  }
0x2fd: {  	v7 =	vld [tilespmem:s0+$0xFFFFFFF0]  }
0x2fe: {  	v8 =	vld [tilespmem:s2+$0xFFFFFFF0]  }
0x2ff: {  	v9 =	vld [tilespmem:s0+$0x0]  }
0x300: {  	v10 =	vld [tilespmem:s2+$0x0];
	v2 =	vadd.f32 v2, v1  }
0x301: {  	v4 =	vadd.f32 v4, v3;
	v1 =	vld [tilespmem:s0+$0x10]  }
0x302: {  	v5 =	vadd.f32 v6, v5;
	v3 =	vld [tilespmem:s2+$0x10];
	[tilespmem:s0+$0x30] =	vst v2  }
0x303: {  	v6 =	vadd.f32 v8, v7;
	[tilespmem:s0+$0xFFFFFFD0] =	vst v4;
	v2 =	vld [tilespmem:s0+$0x20]  }
0x304: {  	[tilespmem:s0+$0xFFFFFFE0] =	vst v5;
	v5 =	vld [tilespmem:s2+$0x20]  }
0x305: {  	s3 =	simm.s32 $0x0;
	s4 =	simm.s32 $0x100C0;
	v4 =	vld [tilespmem:s0+$0xFFFFFFC0];
	[tilespmem:s0+$0xFFFFFFF0] =	vst v6;
	v6 =	vadd.f32 v10, v9  }
.LBB2_30:
0x306: {  	v7 =	vld [tilespmem:s4+$0x30];
	s2 =	sadd.s32 $0x80, s2  }
0x307: {  	s3 =	sadd.s32 $0x80, s3;
	v8 =	vld [tilespmem:s2+$0x30];
	[tilespmem:s0+$0x0] =	vst v6;
	v1 =	vadd.f32 v3, v1  }
0x308: {  	p0 =	slt.u32 s3, $0x3F80;
	v3 =	vld [tilespmem:s2+$0xFFFFFFC0]  }
0x309: {  	v6 =	vld [tilespmem:s4+$0xFFFFFFD0];
	[tilespmem:s0+$0x10] =	vst v1;
	v1 =	vadd.f32 v5, v2  }
0x30a: {  	v2 =	vld [tilespmem:s2+$0xFFFFFFD0];
	v9 =	vadd.f32 v0, v4  }
0x30b: {  	v4 =	vld [tilespmem:s4+$0xFFFFFFE0];
	[tilespmem:s0+$0x20] =	vst v1  }
0x30c: {  	v1 =	vld [tilespmem:s2+$0xFFFFFFE0];
	v5 =	vadd.f32 v8, v7;
	[tilespmem:s0+$0xFFFFFFC0] =	vst v9;
	s0 =	smov.u32 s4  }
0x30d: {  	v7 =	vld [tilespmem:s4+$0xFFFFFFF0];
	v0 =	vmov v3  }
0x30e: {  	v8 =	vld [tilespmem:s2+$0xFFFFFFF0];
	[tilespmem:s4+$0x30] =	vst v5  }
0x30f: {  	v2 =	vadd.f32 v2, v6;
	v6 =	vld [tilespmem:s4+$0x0]  }
0x310: {  	v9 =	vld [tilespmem:s2+$0x0]  }
.Ltmp14:
0x311: {  	[tilespmem:s4+$0xFFFFFFD0] =	vst v2;
	v2 =	vadd.f32 v1, v4;
	v1 =	vld [tilespmem:s4+$0x10];
	(pc) =	sbr.rel @p0 .LBB2_30-.Ltmp14, $4  }
0x312: {  	v3 =	vld [tilespmem:s2+$0x10]  }
0x313: {  	[tilespmem:s4+$0xFFFFFFE0] =	vst v2;
	v7 =	vadd.f32 v8, v7;
	v2 =	vld [tilespmem:s4+$0x20]  }
0x314: {  	v5 =	vld [tilespmem:s2+$0x20]  }
0x315: {  	s4 =	sadd.s32 $0x80, s4;
	v4 =	vld [tilespmem:s0+$0xFFFFFFC0];
	[tilespmem:s0+$0xFFFFFFF0] =	vst v7;
	v6 =	vadd.f32 v9, v6  }
0x316: {  	_ =	sdelay $0x1  }
0x317: {  	v1 =	vadd.f32 v3, v1  }
0x318: {  	[tilespmem:s0+$0x0] =	vst v6;
	v2 =	vadd.f32 v5, v2  }
0x319: {  	[tilespmem:s0+$0x10] =	vst v1;
	v0 =	vadd.f32 v0, v4  }
0x31a: {  	[tilespmem:s0+$0x20] =	vst v2  }
0x31b: {  	[tilespmem:s0+$0xFFFFFFC0] =	vst v0  }
0x31c: {  	s0 =	sld [smem:$0x7DD];
	_ =	sdelay $0x2  }
0x31d: {  	[hbm4b:s0+s1] =	stream.linear.scatter [tilespmem:s20], [sflag:$0x9], $0x4000, $0x38;
	[tilespmem:$0x18000] =	vst v63  }
0x31e: {  	_ =	swait.ge [sflag:s24], $0x4000  }
0x31f: {  	s4 =	sld [smem:$0x7E1]  }
0x320: {  	[sflag:s24] =	ssyncset.done $0x0  }
0x321: {  	[sflag:s24] =	ssyncadd.s32 $0xFFFFC000  }
0x322: {  	[tilespmem:s16], [sflag:$0x3] =	stream.linear.gather [hbm4b:s4+s1], $0x4000, $0x38;
	[tilespmem:$0x18000] =	vst v63  }
0x323: {  	_ =	swait.ge [sflag:s25], $0x4000  }
0x324: {  	[sflag:s25] =	ssyncset.done $0x0  }
0x325: {  	s0 =	simm.s32 $0x14040;
	[sflag:s25] =	ssyncadd.s32 $0xFFFFC000  }
0x326: {  	s2 =	simm.s32 $0x4040;
	v1 =	vld [tilespmem:s0+$0x30]  }
0x327: {  	v2 =	vld [tilespmem:s2+$0x30]  }
0x328: {  	v0 =	vld [tilespmem:s2+$0xFFFFFFC0]  }
0x329: {  	v3 =	vld [tilespmem:s0+$0xFFFFFFD0]  }
0x32a: {  	v4 =	vld [tilespmem:s2+$0xFFFFFFD0]  }
0x32b: {  	v5 =	vld [tilespmem:s0+$0xFFFFFFE0]  }
0x32c: {  	v6 =	vld [tilespmem:s2+$0xFFFFFFE0]  }
0x32d: {  	v7 =	vld [tilespmem:s0+$0xFFFFFFF0]  }
0x32e: {  	v8 =	vld [tilespmem:s2+$0xFFFFFFF0]  }
0x32f: {  	v9 =	vld [tilespmem:s0+$0x0]  }
0x330: {  	v10 =	vld [tilespmem:s2+$0x0];
	v2 =	vadd.f32 v2, v1  }
0x331: {  	v4 =	vadd.f32 v4, v3;
	v1 =	vld [tilespmem:s0+$0x10]  }
0x332: {  	v5 =	vadd.f32 v6, v5;
	v3 =	vld [tilespmem:s2+$0x10];
	[tilespmem:s0+$0x30] =	vst v2  }
0x333: {  	v6 =	vadd.f32 v8, v7;
	[tilespmem:s0+$0xFFFFFFD0] =	vst v4;
	v2 =	vld [tilespmem:s0+$0x20]  }
0x334: {  	[tilespmem:s0+$0xFFFFFFE0] =	vst v5;
	v5 =	vld [tilespmem:s2+$0x20]  }
0x335: {  	s3 =	simm.s32 $0x0;
	s4 =	simm.s32 $0x140C0;
	v4 =	vld [tilespmem:s0+$0xFFFFFFC0];
	[tilespmem:s0+$0xFFFFFFF0] =	vst v6;
	v6 =	vadd.f32 v10, v9  }
.LBB2_32:
0x336: {  	v7 =	vld [tilespmem:s4+$0x30];
	s2 =	sadd.s32 $0x80, s2  }
0x337: {  	s3 =	sadd.s32 $0x80, s3;
	v8 =	vld [tilespmem:s2+$0x30];
	[tilespmem:s0+$0x0] =	vst v6;
	v1 =	vadd.f32 v3, v1  }
0x338: {  	p0 =	slt.u32 s3, $0x3F80;
	v3 =	vld [tilespmem:s2+$0xFFFFFFC0]  }
0x339: {  	v6 =	vld [tilespmem:s4+$0xFFFFFFD0];
	[tilespmem:s0+$0x10] =	vst v1;
	v1 =	vadd.f32 v5, v2  }
0x33a: {  	v2 =	vld [tilespmem:s2+$0xFFFFFFD0];
	v9 =	vadd.f32 v0, v4  }
0x33b: {  	v4 =	vld [tilespmem:s4+$0xFFFFFFE0];
	[tilespmem:s0+$0x20] =	vst v1  }
0x33c: {  	v1 =	vld [tilespmem:s2+$0xFFFFFFE0];
	v5 =	vadd.f32 v8, v7;
	[tilespmem:s0+$0xFFFFFFC0] =	vst v9;
	s0 =	smov.u32 s4  }
0x33d: {  	v7 =	vld [tilespmem:s4+$0xFFFFFFF0];
	v0 =	vmov v3  }
0x33e: {  	v8 =	vld [tilespmem:s2+$0xFFFFFFF0];
	[tilespmem:s4+$0x30] =	vst v5  }
0x33f: {  	v2 =	vadd.f32 v2, v6;
	v6 =	vld [tilespmem:s4+$0x0]  }
0x340: {  	v9 =	vld [tilespmem:s2+$0x0]  }
.Ltmp15:
0x341: {  	[tilespmem:s4+$0xFFFFFFD0] =	vst v2;
	v2 =	vadd.f32 v1, v4;
	v1 =	vld [tilespmem:s4+$0x10];
	(pc) =	sbr.rel @p0 .LBB2_32-.Ltmp15, $4  }
0x342: {  	v3 =	vld [tilespmem:s2+$0x10]  }
0x343: {  	[tilespmem:s4+$0xFFFFFFE0] =	vst v2;
	v7 =	vadd.f32 v8, v7;
	v2 =	vld [tilespmem:s4+$0x20]  }
0x344: {  	v5 =	vld [tilespmem:s2+$0x20]  }
0x345: {  	s4 =	sadd.s32 $0x80, s4;
	v4 =	vld [tilespmem:s0+$0xFFFFFFC0];
	[tilespmem:s0+$0xFFFFFFF0] =	vst v7;
	v6 =	vadd.f32 v9, v6  }
0x346: {  	_ =	sdelay $0x1  }
0x347: {  	v1 =	vadd.f32 v3, v1  }
0x348: {  	[tilespmem:s0+$0x0] =	vst v6;
	v2 =	vadd.f32 v5, v2  }
0x349: {  	[tilespmem:s0+$0x10] =	vst v1;
	v0 =	vadd.f32 v0, v4  }
0x34a: {  	[tilespmem:s0+$0x20] =	vst v2  }
0x34b: {  	[tilespmem:s0+$0xFFFFFFC0] =	vst v0  }
0x34c: {  	s0 =	sld [smem:$0x7DF];
	_ =	sdelay $0x1  }
0x34d: {  	s3 =	sld [smem:$0x7E9]  }
0x34e: {  	[hbm4b:s0+s1] =	stream.linear.scatter [tilespmem:s22], [sflag:$0xA], $0x4000, $0x38;
	[tilespmem:$0x18000] =	vst v63  }
0x34f: {  	_ = 	snop  }
0x350: {  	[tilespmem:s15], [sflag:$0x2] =	stream.linear.gather [hbm4b:s3+s1], $0x4000, $0x38;
	[tilespmem:$0x18000] =	vst v63  }
0x351: {  	_ =	swait.ge [sflag:s26], $0x4000  }
0x352: {  	s4 =	sld [smem:$0x7E3]  }
0x353: {  	[sflag:s26] =	ssyncset.done $0x0  }
0x354: {  	[sflag:s26] =	ssyncadd.s32 $0xFFFFC000  }
0x355: {  	[tilespmem:s17], [sflag:$0x4] =	stream.linear.gather [hbm4b:s4+s1], $0x4000, $0x38;
	[tilespmem:$0x18000] =	vst v63  }
0x356: {  	_ =	swait.ge [sflag:s18], $0x4000  }
0x357: {  	[sflag:s18] =	ssyncset.done $0x0  }
0x358: {  	[sflag:s18] =	ssyncadd.s32 $0xFFFFC000  }
0x359: {  	_ =	swait.ge [sflag:s19], $0x4000  }
0x35a: {  	[sflag:s19] =	ssyncset.done $0x0  }
0x35b: {  	s0 =	simm.s32 $0x8040;
	[sflag:s19] =	ssyncadd.s32 $0xFFFFC000  }
0x35c: {  	s2 =	simm.s32 $0x40;
	v1 =	vld [tilespmem:s0+$0x30]  }
0x35d: {  	v2 =	vld [tilespmem:s2+$0x30]  }
0x35e: {  	v0 =	vld [tilespmem:s2+$0xFFFFFFC0]  }
0x35f: {  	v3 =	vld [tilespmem:s0+$0xFFFFFFD0]  }
0x360: {  	v4 =	vld [tilespmem:s2+$0xFFFFFFD0]  }
0x361: {  	v5 =	vld [tilespmem:s0+$0xFFFFFFE0]  }
0x362: {  	v6 =	vld [tilespmem:s2+$0xFFFFFFE0]  }
0x363: {  	v7 =	vld [tilespmem:s0+$0xFFFFFFF0]  }
0x364: {  	v8 =	vld [tilespmem:s2+$0xFFFFFFF0]  }
0x365: {  	v9 =	vld [tilespmem:s0+$0x0]  }
0x366: {  	v10 =	vld [tilespmem:s2+$0x0];
	v2 =	vadd.f32 v2, v1  }
0x367: {  	v4 =	vadd.f32 v4, v3;
	v1 =	vld [tilespmem:s0+$0x10]  }
0x368: {  	v5 =	vadd.f32 v6, v5;
	v3 =	vld [tilespmem:s2+$0x10];
	[tilespmem:s0+$0x30] =	vst v2  }
0x369: {  	v6 =	vadd.f32 v8, v7;
	[tilespmem:s0+$0xFFFFFFD0] =	vst v4;
	v2 =	vld [tilespmem:s0+$0x20]  }
0x36a: {  	[tilespmem:s0+$0xFFFFFFE0] =	vst v5;
	v5 =	vld [tilespmem:s2+$0x20]  }
0x36b: {  	s3 =	simm.s32 $0x0;
	s4 =	simm.s32 $0x80C0;
	v4 =	vld [tilespmem:s0+$0xFFFFFFC0];
	[tilespmem:s0+$0xFFFFFFF0] =	vst v6;
	v6 =	vadd.f32 v10, v9  }
.LBB2_34:
0x36c: {  	v7 =	vld [tilespmem:s4+$0x30];
	s2 =	sadd.s32 $0x80, s2  }
0x36d: {  	s3 =	sadd.s32 $0x80, s3;
	v8 =	vld [tilespmem:s2+$0x30];
	[tilespmem:s0+$0x0] =	vst v6;
	v1 =	vadd.f32 v3, v1  }
0x36e: {  	p0 =	slt.u32 s3, $0x3F80;
	v3 =	vld [tilespmem:s2+$0xFFFFFFC0]  }
0x36f: {  	v6 =	vld [tilespmem:s4+$0xFFFFFFD0];
	[tilespmem:s0+$0x10] =	vst v1;
	v1 =	vadd.f32 v5, v2  }
0x370: {  	v2 =	vld [tilespmem:s2+$0xFFFFFFD0];
	v9 =	vadd.f32 v0, v4  }
0x371: {  	v4 =	vld [tilespmem:s4+$0xFFFFFFE0];
	[tilespmem:s0+$0x20] =	vst v1  }
0x372: {  	v1 =	vld [tilespmem:s2+$0xFFFFFFE0];
	v5 =	vadd.f32 v8, v7;
	[tilespmem:s0+$0xFFFFFFC0] =	vst v9;
	s0 =	smov.u32 s4  }
0x373: {  	v7 =	vld [tilespmem:s4+$0xFFFFFFF0];
	v0 =	vmov v3  }
0x374: {  	v8 =	vld [tilespmem:s2+$0xFFFFFFF0];
	[tilespmem:s4+$0x30] =	vst v5  }
0x375: {  	v2 =	vadd.f32 v2, v6;
	v6 =	vld [tilespmem:s4+$0x0]  }
0x376: {  	v9 =	vld [tilespmem:s2+$0x0]  }
.Ltmp16:
0x377: {  	[tilespmem:s4+$0xFFFFFFD0] =	vst v2;
	v2 =	vadd.f32 v1, v4;
	v1 =	vld [tilespmem:s4+$0x10];
	(pc) =	sbr.rel @p0 .LBB2_34-.Ltmp16, $4  }
0x378: {  	v3 =	vld [tilespmem:s2+$0x10]  }
0x379: {  	[tilespmem:s4+$0xFFFFFFE0] =	vst v2;
	v7 =	vadd.f32 v8, v7;
	v2 =	vld [tilespmem:s4+$0x20]  }
0x37a: {  	v5 =	vld [tilespmem:s2+$0x20]  }
0x37b: {  	s4 =	sadd.s32 $0x80, s4;
	v4 =	vld [tilespmem:s0+$0xFFFFFFC0];
	[tilespmem:s0+$0xFFFFFFF0] =	vst v7;
	v6 =	vadd.f32 v9, v6  }
0x37c: {  	_ =	sdelay $0x1  }
0x37d: {  	v1 =	vadd.f32 v3, v1  }
0x37e: {  	[tilespmem:s0+$0x0] =	vst v6;
	v2 =	vadd.f32 v5, v2  }
0x37f: {  	[tilespmem:s0+$0x10] =	vst v1;
	v0 =	vadd.f32 v0, v4  }
0x380: {  	[tilespmem:s0+$0x20] =	vst v2  }
0x381: {  	[tilespmem:s0+$0xFFFFFFC0] =	vst v0  }
0x382: {  	s0 =	sld [smem:$0x7E2];
	_ =	sdelay $0x2  }
0x383: {  	[hbm4b:s0+s1] =	stream.linear.scatter [tilespmem:s16], [sflag:$0x7], $0x4000, $0x38;
	[tilespmem:$0x18000] =	vst v63  }
0x384: {  	_ =	swait.ge [sflag:s29], $0x4000  }
0x385: {  	s4 =	sld [smem:$0x7E5]  }
0x386: {  	[sflag:s29] =	ssyncset.done $0x0  }
0x387: {  	[sflag:s29] =	ssyncadd.s32 $0xFFFFC000  }
0x388: {  	[tilespmem:s20], [sflag:$0x5] =	stream.linear.gather [hbm4b:s4+s1], $0x4000, $0x38;
	[tilespmem:$0x18000] =	vst v63  }
0x389: {  	_ =	swait.ge [sflag:s21], $0x4000  }
0x38a: {  	[sflag:s21] =	ssyncset.done $0x0  }
0x38b: {  	s0 =	simm.s32 $0xC040;
	[sflag:s21] =	ssyncadd.s32 $0xFFFFC000  }
0x38c: {  	s2 =	simm.s32 $0x40;
	v1 =	vld [tilespmem:s0+$0x30]  }
0x38d: {  	v2 =	vld [tilespmem:s2+$0x30]  }
0x38e: {  	v0 =	vld [tilespmem:s2+$0xFFFFFFC0]  }
0x38f: {  	v3 =	vld [tilespmem:s0+$0xFFFFFFD0]  }
0x390: {  	v4 =	vld [tilespmem:s2+$0xFFFFFFD0]  }
0x391: {  	v5 =	vld [tilespmem:s0+$0xFFFFFFE0]  }
0x392: {  	v6 =	vld [tilespmem:s2+$0xFFFFFFE0]  }
0x393: {  	v7 =	vld [tilespmem:s0+$0xFFFFFFF0]  }
0x394: {  	v8 =	vld [tilespmem:s2+$0xFFFFFFF0]  }
0x395: {  	v9 =	vld [tilespmem:s0+$0x0]  }
0x396: {  	v10 =	vld [tilespmem:s2+$0x0];
	v2 =	vadd.f32 v2, v1  }
0x397: {  	v4 =	vadd.f32 v4, v3;
	v1 =	vld [tilespmem:s0+$0x10]  }
0x398: {  	v5 =	vadd.f32 v6, v5;
	v3 =	vld [tilespmem:s2+$0x10];
	[tilespmem:s0+$0x30] =	vst v2  }
0x399: {  	v6 =	vadd.f32 v8, v7;
	[tilespmem:s0+$0xFFFFFFD0] =	vst v4;
	v2 =	vld [tilespmem:s0+$0x20]  }
0x39a: {  	[tilespmem:s0+$0xFFFFFFE0] =	vst v5;
	v5 =	vld [tilespmem:s2+$0x20]  }
0x39b: {  	s3 =	simm.s32 $0x0;
	s4 =	simm.s32 $0xC0C0;
	v4 =	vld [tilespmem:s0+$0xFFFFFFC0];
	[tilespmem:s0+$0xFFFFFFF0] =	vst v6;
	v6 =	vadd.f32 v10, v9  }
.LBB2_36:
0x39c: {  	v7 =	vld [tilespmem:s4+$0x30];
	s2 =	sadd.s32 $0x80, s2  }
0x39d: {  	s3 =	sadd.s32 $0x80, s3;
	v8 =	vld [tilespmem:s2+$0x30];
	[tilespmem:s0+$0x0] =	vst v6;
	v1 =	vadd.f32 v3, v1  }
0x39e: {  	p0 =	slt.u32 s3, $0x3F80;
	v3 =	vld [tilespmem:s2+$0xFFFFFFC0]  }
0x39f: {  	v6 =	vld [tilespmem:s4+$0xFFFFFFD0];
	[tilespmem:s0+$0x10] =	vst v1;
	v1 =	vadd.f32 v5, v2  }
0x3a0: {  	v2 =	vld [tilespmem:s2+$0xFFFFFFD0];
	v9 =	vadd.f32 v0, v4  }
0x3a1: {  	v4 =	vld [tilespmem:s4+$0xFFFFFFE0];
	[tilespmem:s0+$0x20] =	vst v1  }
0x3a2: {  	v1 =	vld [tilespmem:s2+$0xFFFFFFE0];
	v5 =	vadd.f32 v8, v7;
	[tilespmem:s0+$0xFFFFFFC0] =	vst v9;
	s0 =	smov.u32 s4  }
0x3a3: {  	v7 =	vld [tilespmem:s4+$0xFFFFFFF0];
	v0 =	vmov v3  }
0x3a4: {  	v8 =	vld [tilespmem:s2+$0xFFFFFFF0];
	[tilespmem:s4+$0x30] =	vst v5  }
0x3a5: {  	v2 =	vadd.f32 v2, v6;
	v6 =	vld [tilespmem:s4+$0x0]  }
0x3a6: {  	v9 =	vld [tilespmem:s2+$0x0]  }
.Ltmp17:
0x3a7: {  	[tilespmem:s4+$0xFFFFFFD0] =	vst v2;
	v2 =	vadd.f32 v1, v4;
	v1 =	vld [tilespmem:s4+$0x10];
	(pc) =	sbr.rel @p0 .LBB2_36-.Ltmp17, $4  }
0x3a8: {  	v3 =	vld [tilespmem:s2+$0x10]  }
0x3a9: {  	[tilespmem:s4+$0xFFFFFFE0] =	vst v2;
	v7 =	vadd.f32 v8, v7;
	v2 =	vld [tilespmem:s4+$0x20]  }
0x3aa: {  	v5 =	vld [tilespmem:s2+$0x20]  }
0x3ab: {  	s4 =	sadd.s32 $0x80, s4;
	v4 =	vld [tilespmem:s0+$0xFFFFFFC0];
	[tilespmem:s0+$0xFFFFFFF0] =	vst v7;
	v6 =	vadd.f32 v9, v6  }
0x3ac: {  	_ =	sdelay $0x1  }
0x3ad: {  	v1 =	vadd.f32 v3, v1  }
0x3ae: {  	[tilespmem:s0+$0x0] =	vst v6;
	v2 =	vadd.f32 v5, v2  }
0x3af: {  	[tilespmem:s0+$0x10] =	vst v1;
	v0 =	vadd.f32 v0, v4  }
0x3b0: {  	[tilespmem:s0+$0x20] =	vst v2  }
0x3b1: {  	[tilespmem:s0+$0xFFFFFFC0] =	vst v0  }
0x3b2: {  	s0 =	sld [smem:$0x7E4];
	_ =	sdelay $0x2  }
0x3b3: {  	[hbm4b:s0+s1] =	stream.linear.scatter [tilespmem:s17], [sflag:$0x8], $0x4000, $0x38;
	[tilespmem:$0x18000] =	vst v63  }
0x3b4: {  	_ =	swait.ge [sflag:s30], $0x4000  }
0x3b5: {  	s4 =	sld [smem:$0x7E7]  }
0x3b6: {  	[sflag:s30] =	ssyncset.done $0x0  }
0x3b7: {  	[sflag:s30] =	ssyncadd.s32 $0xFFFFC000  }
0x3b8: {  	[tilespmem:s22], [sflag:$0x6] =	stream.linear.gather [hbm4b:s4+s1], $0x4000, $0x38;
	[tilespmem:$0x18000] =	vst v63  }
0x3b9: {  	_ =	swait.ge [sflag:s23], $0x4000  }
0x3ba: {  	[sflag:s23] =	ssyncset.done $0x0  }
0x3bb: {  	s0 =	simm.s32 $0x10040;
	[sflag:s23] =	ssyncadd.s32 $0xFFFFC000  }
0x3bc: {  	s2 =	simm.s32 $0x40;
	v1 =	vld [tilespmem:s0+$0x30]  }
0x3bd: {  	v2 =	vld [tilespmem:s2+$0x30]  }
0x3be: {  	v0 =	vld [tilespmem:s2+$0xFFFFFFC0]  }
0x3bf: {  	v3 =	vld [tilespmem:s0+$0xFFFFFFD0]  }
0x3c0: {  	v4 =	vld [tilespmem:s2+$0xFFFFFFD0]  }
0x3c1: {  	v5 =	vld [tilespmem:s0+$0xFFFFFFE0]  }
0x3c2: {  	v6 =	vld [tilespmem:s2+$0xFFFFFFE0]  }
0x3c3: {  	v7 =	vld [tilespmem:s0+$0xFFFFFFF0]  }
0x3c4: {  	v8 =	vld [tilespmem:s2+$0xFFFFFFF0]  }
0x3c5: {  	v9 =	vld [tilespmem:s0+$0x0]  }
0x3c6: {  	v10 =	vld [tilespmem:s2+$0x0];
	v2 =	vadd.f32 v2, v1  }
0x3c7: {  	v4 =	vadd.f32 v4, v3;
	v1 =	vld [tilespmem:s0+$0x10]  }
0x3c8: {  	v5 =	vadd.f32 v6, v5;
	v3 =	vld [tilespmem:s2+$0x10];
	[tilespmem:s0+$0x30] =	vst v2  }
0x3c9: {  	v6 =	vadd.f32 v8, v7;
	[tilespmem:s0+$0xFFFFFFD0] =	vst v4;
	v2 =	vld [tilespmem:s0+$0x20]  }
0x3ca: {  	[tilespmem:s0+$0xFFFFFFE0] =	vst v5;
	v5 =	vld [tilespmem:s2+$0x20]  }
0x3cb: {  	s3 =	simm.s32 $0x0;
	s4 =	simm.s32 $0x100C0;
	v4 =	vld [tilespmem:s0+$0xFFFFFFC0];
	[tilespmem:s0+$0xFFFFFFF0] =	vst v6;
	v6 =	vadd.f32 v10, v9  }
.LBB2_38:
0x3cc: {  	v7 =	vld [tilespmem:s4+$0x30];
	s2 =	sadd.s32 $0x80, s2  }
0x3cd: {  	s3 =	sadd.s32 $0x80, s3;
	v8 =	vld [tilespmem:s2+$0x30];
	[tilespmem:s0+$0x0] =	vst v6;
	v1 =	vadd.f32 v3, v1  }
0x3ce: {  	p0 =	slt.u32 s3, $0x3F80;
	v3 =	vld [tilespmem:s2+$0xFFFFFFC0]  }
0x3cf: {  	v6 =	vld [tilespmem:s4+$0xFFFFFFD0];
	[tilespmem:s0+$0x10] =	vst v1;
	v1 =	vadd.f32 v5, v2  }
0x3d0: {  	v2 =	vld [tilespmem:s2+$0xFFFFFFD0];
	v9 =	vadd.f32 v0, v4  }
0x3d1: {  	v4 =	vld [tilespmem:s4+$0xFFFFFFE0];
	[tilespmem:s0+$0x20] =	vst v1  }
0x3d2: {  	v1 =	vld [tilespmem:s2+$0xFFFFFFE0];
	v5 =	vadd.f32 v8, v7;
	[tilespmem:s0+$0xFFFFFFC0] =	vst v9;
	s0 =	smov.u32 s4  }
0x3d3: {  	v7 =	vld [tilespmem:s4+$0xFFFFFFF0];
	v0 =	vmov v3  }
0x3d4: {  	v8 =	vld [tilespmem:s2+$0xFFFFFFF0];
	[tilespmem:s4+$0x30] =	vst v5  }
0x3d5: {  	v2 =	vadd.f32 v2, v6;
	v6 =	vld [tilespmem:s4+$0x0]  }
0x3d6: {  	v9 =	vld [tilespmem:s2+$0x0]  }
.Ltmp18:
0x3d7: {  	[tilespmem:s4+$0xFFFFFFD0] =	vst v2;
	v2 =	vadd.f32 v1, v4;
	v1 =	vld [tilespmem:s4+$0x10];
	(pc) =	sbr.rel @p0 .LBB2_38-.Ltmp18, $4  }
0x3d8: {  	v3 =	vld [tilespmem:s2+$0x10]  }
0x3d9: {  	[tilespmem:s4+$0xFFFFFFE0] =	vst v2;
	v7 =	vadd.f32 v8, v7;
	v2 =	vld [tilespmem:s4+$0x20]  }
0x3da: {  	v5 =	vld [tilespmem:s2+$0x20]  }
0x3db: {  	s4 =	sadd.s32 $0x80, s4;
	v4 =	vld [tilespmem:s0+$0xFFFFFFC0];
	[tilespmem:s0+$0xFFFFFFF0] =	vst v7;
	v6 =	vadd.f32 v9, v6  }
0x3dc: {  	_ =	sdelay $0x1  }
0x3dd: {  	v1 =	vadd.f32 v3, v1  }
0x3de: {  	[tilespmem:s0+$0x0] =	vst v6;
	v2 =	vadd.f32 v5, v2  }
0x3df: {  	[tilespmem:s0+$0x10] =	vst v1;
	v0 =	vadd.f32 v0, v4  }
0x3e0: {  	[tilespmem:s0+$0x20] =	vst v2  }
0x3e1: {  	[tilespmem:s0+$0xFFFFFFC0] =	vst v0  }
0x3e2: {  	s0 =	sld [smem:$0x7E6];
	_ =	sdelay $0x2  }
0x3e3: {  	[hbm4b:s0+s1] =	stream.linear.scatter [tilespmem:s20], [sflag:$0x9], $0x4000, $0x38;
	[tilespmem:$0x18000] =	vst v63  }
0x3e4: {  	_ =	swait.ge [sflag:s24], $0x4000  }
0x3e5: {  	s4 =	sld [smem:$0x7EA]  }
0x3e6: {  	[sflag:s24] =	ssyncset.done $0x0  }
0x3e7: {  	[sflag:s24] =	ssyncadd.s32 $0xFFFFC000  }
0x3e8: {  	[tilespmem:s16], [sflag:$0x3] =	stream.linear.gather [hbm4b:s4+s1], $0x4000, $0x38;
	[tilespmem:$0x18000] =	vst v63  }
0x3e9: {  	_ =	swait.ge [sflag:s25], $0x4000  }
0x3ea: {  	[sflag:s25] =	ssyncset.done $0x0  }
0x3eb: {  	s0 =	simm.s32 $0x14040;
	[sflag:s25] =	ssyncadd.s32 $0xFFFFC000  }
0x3ec: {  	s2 =	simm.s32 $0x40;
	v1 =	vld [tilespmem:s0+$0x30]  }
0x3ed: {  	v2 =	vld [tilespmem:s2+$0x30]  }
0x3ee: {  	v0 =	vld [tilespmem:s2+$0xFFFFFFC0]  }
0x3ef: {  	v3 =	vld [tilespmem:s0+$0xFFFFFFD0]  }
0x3f0: {  	v4 =	vld [tilespmem:s2+$0xFFFFFFD0]  }
0x3f1: {  	v5 =	vld [tilespmem:s0+$0xFFFFFFE0]  }
0x3f2: {  	v6 =	vld [tilespmem:s2+$0xFFFFFFE0]  }
0x3f3: {  	v7 =	vld [tilespmem:s0+$0xFFFFFFF0]  }
0x3f4: {  	v8 =	vld [tilespmem:s2+$0xFFFFFFF0]  }
0x3f5: {  	v9 =	vld [tilespmem:s0+$0x0]  }
0x3f6: {  	v10 =	vld [tilespmem:s2+$0x0];
	v2 =	vadd.f32 v2, v1  }
0x3f7: {  	v4 =	vadd.f32 v4, v3;
	v1 =	vld [tilespmem:s0+$0x10]  }
0x3f8: {  	v5 =	vadd.f32 v6, v5;
	v3 =	vld [tilespmem:s2+$0x10];
	[tilespmem:s0+$0x30] =	vst v2  }
0x3f9: {  	v6 =	vadd.f32 v8, v7;
	[tilespmem:s0+$0xFFFFFFD0] =	vst v4;
	v2 =	vld [tilespmem:s0+$0x20]  }
0x3fa: {  	[tilespmem:s0+$0xFFFFFFE0] =	vst v5;
	v5 =	vld [tilespmem:s2+$0x20]  }
0x3fb: {  	s3 =	simm.s32 $0x0;
	s4 =	simm.s32 $0x140C0;
	v4 =	vld [tilespmem:s0+$0xFFFFFFC0];
	[tilespmem:s0+$0xFFFFFFF0] =	vst v6;
	v6 =	vadd.f32 v10, v9  }
.LBB2_40:
0x3fc: {  	v7 =	vld [tilespmem:s4+$0x30];
	s2 =	sadd.s32 $0x80, s2  }
0x3fd: {  	s3 =	sadd.s32 $0x80, s3;
	v8 =	vld [tilespmem:s2+$0x30];
	[tilespmem:s0+$0x0] =	vst v6;
	v1 =	vadd.f32 v3, v1  }
0x3fe: {  	p0 =	slt.u32 s3, $0x3F80;
	v3 =	vld [tilespmem:s2+$0xFFFFFFC0]  }
0x3ff: {  	v6 =	vld [tilespmem:s4+$0xFFFFFFD0];
	[tilespmem:s0+$0x10] =	vst v1;
	v1 =	vadd.f32 v5, v2  }
0x400: {  	v2 =	vld [tilespmem:s2+$0xFFFFFFD0];
	v9 =	vadd.f32 v0, v4  }
0x401: {  	v4 =	vld [tilespmem:s4+$0xFFFFFFE0];
	[tilespmem:s0+$0x20] =	vst v1  }
0x402: {  	v1 =	vld [tilespmem:s2+$0xFFFFFFE0];
	v5 =	vadd.f32 v8, v7;
	[tilespmem:s0+$0xFFFFFFC0] =	vst v9;
	s0 =	smov.u32 s4  }
0x403: {  	v7 =	vld [tilespmem:s4+$0xFFFFFFF0];
	v0 =	vmov v3  }
0x404: {  	v8 =	vld [tilespmem:s2+$0xFFFFFFF0];
	[tilespmem:s4+$0x30] =	vst v5  }
0x405: {  	v2 =	vadd.f32 v2, v6;
	v6 =	vld [tilespmem:s4+$0x0]  }
0x406: {  	v9 =	vld [tilespmem:s2+$0x0]  }
.Ltmp19:
0x407: {  	[tilespmem:s4+$0xFFFFFFD0] =	vst v2;
	v2 =	vadd.f32 v1, v4;
	v1 =	vld [tilespmem:s4+$0x10];
	(pc) =	sbr.rel @p0 .LBB2_40-.Ltmp19, $4  }
0x408: {  	v3 =	vld [tilespmem:s2+$0x10]  }
0x409: {  	[tilespmem:s4+$0xFFFFFFE0] =	vst v2;
	v7 =	vadd.f32 v8, v7;
	v2 =	vld [tilespmem:s4+$0x20]  }
0x40a: {  	v5 =	vld [tilespmem:s2+$0x20]  }
0x40b: {  	s4 =	sadd.s32 $0x80, s4;
	v4 =	vld [tilespmem:s0+$0xFFFFFFC0];
	[tilespmem:s0+$0xFFFFFFF0] =	vst v7;
	v6 =	vadd.f32 v9, v6  }
0x40c: {  	_ =	sdelay $0x1  }
0x40d: {  	v1 =	vadd.f32 v3, v1  }
0x40e: {  	[tilespmem:s0+$0x0] =	vst v6;
	v2 =	vadd.f32 v5, v2  }
0x40f: {  	[tilespmem:s0+$0x10] =	vst v1;
	v0 =	vadd.f32 v0, v4  }
0x410: {  	[tilespmem:s0+$0x20] =	vst v2  }
0x411: {  	[tilespmem:s0+$0xFFFFFFC0] =	vst v0  }
0x412: {  	s0 =	sld [smem:$0x7E8];
	_ =	sdelay $0x1  }
0x413: {  	s3 =	sld [smem:$0x7F3]  }
0x414: {  	[hbm4b:s0+s1] =	stream.linear.scatter [tilespmem:s22], [sflag:$0xA], $0x4000, $0x38;
	[tilespmem:$0x18000] =	vst v63  }
0x415: {  	_ = 	snop  }
0x416: {  	[tilespmem:s1], [sflag:$0x1] =	stream.linear.gather [hbm4b:s3+s1], $0x4000, $0x38;
	[tilespmem:$0x18000] =	vst v63  }
0x417: {  	_ =	swait.ge [sflag:s26], $0x4000  }
0x418: {  	s4 =	sld [smem:$0x7EC]  }
0x419: {  	[sflag:s26] =	ssyncset.done $0x0  }
0x41a: {  	[sflag:s26] =	ssyncadd.s32 $0xFFFFC000  }
0x41b: {  	[tilespmem:s17], [sflag:$0x4] =	stream.linear.gather [hbm4b:s4+s1], $0x4000, $0x38;
	[tilespmem:$0x18000] =	vst v63  }
0x41c: {  	_ =	swait.ge [sflag:s28], $0x4000  }
0x41d: {  	[sflag:s28] =	ssyncset.done $0x0  }
0x41e: {  	[sflag:s28] =	ssyncadd.s32 $0xFFFFC000  }
0x41f: {  	_ =	swait.ge [sflag:s19], $0x4000  }
0x420: {  	[sflag:s19] =	ssyncset.done $0x0  }
0x421: {  	s0 =	simm.s32 $0x8040;
	[sflag:s19] =	ssyncadd.s32 $0xFFFFC000  }
0x422: {  	s2 =	simm.s32 $0x4040;
	v1 =	vld [tilespmem:s0+$0x30]  }
0x423: {  	v2 =	vld [tilespmem:s2+$0x30]  }
0x424: {  	v0 =	vld [tilespmem:s2+$0xFFFFFFC0]  }
0x425: {  	v3 =	vld [tilespmem:s0+$0xFFFFFFD0]  }
0x426: {  	v4 =	vld [tilespmem:s2+$0xFFFFFFD0]  }
0x427: {  	v5 =	vld [tilespmem:s0+$0xFFFFFFE0]  }
0x428: {  	v6 =	vld [tilespmem:s2+$0xFFFFFFE0]  }
0x429: {  	v7 =	vld [tilespmem:s0+$0xFFFFFFF0]  }
0x42a: {  	v8 =	vld [tilespmem:s2+$0xFFFFFFF0]  }
0x42b: {  	v9 =	vld [tilespmem:s0+$0x0]  }
0x42c: {  	v10 =	vld [tilespmem:s2+$0x0];
	v2 =	vadd.f32 v2, v1  }
0x42d: {  	v4 =	vadd.f32 v4, v3;
	v1 =	vld [tilespmem:s0+$0x10]  }
0x42e: {  	v5 =	vadd.f32 v6, v5;
	v3 =	vld [tilespmem:s2+$0x10];
	[tilespmem:s0+$0x30] =	vst v2  }
0x42f: {  	v6 =	vadd.f32 v8, v7;
	[tilespmem:s0+$0xFFFFFFD0] =	vst v4;
	v2 =	vld [tilespmem:s0+$0x20]  }
0x430: {  	[tilespmem:s0+$0xFFFFFFE0] =	vst v5;
	v5 =	vld [tilespmem:s2+$0x20]  }
0x431: {  	s3 =	simm.s32 $0x0;
	s4 =	simm.s32 $0x80C0;
	v4 =	vld [tilespmem:s0+$0xFFFFFFC0];
	[tilespmem:s0+$0xFFFFFFF0] =	vst v6;
	v6 =	vadd.f32 v10, v9  }
.LBB2_42:
0x432: {  	v7 =	vld [tilespmem:s4+$0x30];
	s2 =	sadd.s32 $0x80, s2  }
0x433: {  	s3 =	sadd.s32 $0x80, s3;
	v8 =	vld [tilespmem:s2+$0x30];
	[tilespmem:s0+$0x0] =	vst v6;
	v1 =	vadd.f32 v3, v1  }
0x434: {  	p0 =	slt.u32 s3, $0x3F80;
	v3 =	vld [tilespmem:s2+$0xFFFFFFC0]  }
0x435: {  	v6 =	vld [tilespmem:s4+$0xFFFFFFD0];
	[tilespmem:s0+$0x10] =	vst v1;
	v1 =	vadd.f32 v5, v2  }
0x436: {  	v2 =	vld [tilespmem:s2+$0xFFFFFFD0];
	v9 =	vadd.f32 v0, v4  }
0x437: {  	v4 =	vld [tilespmem:s4+$0xFFFFFFE0];
	[tilespmem:s0+$0x20] =	vst v1  }
0x438: {  	v1 =	vld [tilespmem:s2+$0xFFFFFFE0];
	v5 =	vadd.f32 v8, v7;
	[tilespmem:s0+$0xFFFFFFC0] =	vst v9;
	s0 =	smov.u32 s4  }
0x439: {  	v7 =	vld [tilespmem:s4+$0xFFFFFFF0];
	v0 =	vmov v3  }
0x43a: {  	v8 =	vld [tilespmem:s2+$0xFFFFFFF0];
	[tilespmem:s4+$0x30] =	vst v5  }
0x43b: {  	v2 =	vadd.f32 v2, v6;
	v6 =	vld [tilespmem:s4+$0x0]  }
0x43c: {  	v9 =	vld [tilespmem:s2+$0x0]  }
.Ltmp20:
0x43d: {  	[tilespmem:s4+$0xFFFFFFD0] =	vst v2;
	v2 =	vadd.f32 v1, v4;
	v1 =	vld [tilespmem:s4+$0x10];
	(pc) =	sbr.rel @p0 .LBB2_42-.Ltmp20, $4  }
0x43e: {  	v3 =	vld [tilespmem:s2+$0x10]  }
0x43f: {  	[tilespmem:s4+$0xFFFFFFE0] =	vst v2;
	v7 =	vadd.f32 v8, v7;
	v2 =	vld [tilespmem:s4+$0x20]  }
0x440: {  	v5 =	vld [tilespmem:s2+$0x20]  }
0x441: {  	s4 =	sadd.s32 $0x80, s4;
	v4 =	vld [tilespmem:s0+$0xFFFFFFC0];
	[tilespmem:s0+$0xFFFFFFF0] =	vst v7;
	v6 =	vadd.f32 v9, v6  }
0x442: {  	_ =	sdelay $0x1  }
0x443: {  	v1 =	vadd.f32 v3, v1  }
0x444: {  	[tilespmem:s0+$0x0] =	vst v6;
	v2 =	vadd.f32 v5, v2  }
0x445: {  	[tilespmem:s0+$0x10] =	vst v1;
	v0 =	vadd.f32 v0, v4  }
0x446: {  	[tilespmem:s0+$0x20] =	vst v2  }
0x447: {  	[tilespmem:s0+$0xFFFFFFC0] =	vst v0  }
0x448: {  	s0 =	sld [smem:$0x7EB];
	_ =	sdelay $0x2  }
0x449: {  	[hbm4b:s0+s1] =	stream.linear.scatter [tilespmem:s16], [sflag:$0x7], $0x4000, $0x38;
	[tilespmem:$0x18000] =	vst v63  }
0x44a: {  	_ =	swait.ge [sflag:s29], $0x4000  }
0x44b: {  	s4 =	sld [smem:$0x7EE]  }
0x44c: {  	[sflag:s29] =	ssyncset.done $0x0  }
0x44d: {  	[sflag:s29] =	ssyncadd.s32 $0xFFFFC000  }
0x44e: {  	[tilespmem:s20], [sflag:$0x5] =	stream.linear.gather [hbm4b:s4+s1], $0x4000, $0x38;
	[tilespmem:$0x18000] =	vst v63  }
0x44f: {  	_ =	swait.ge [sflag:s21], $0x4000  }
0x450: {  	[sflag:s21] =	ssyncset.done $0x0  }
0x451: {  	s0 =	simm.s32 $0xC040;
	[sflag:s21] =	ssyncadd.s32 $0xFFFFC000  }
0x452: {  	s2 =	simm.s32 $0x4040;
	v1 =	vld [tilespmem:s0+$0x30]  }
0x453: {  	v2 =	vld [tilespmem:s2+$0x30]  }
0x454: {  	v0 =	vld [tilespmem:s2+$0xFFFFFFC0]  }
0x455: {  	v3 =	vld [tilespmem:s0+$0xFFFFFFD0]  }
0x456: {  	v4 =	vld [tilespmem:s2+$0xFFFFFFD0]  }
0x457: {  	v5 =	vld [tilespmem:s0+$0xFFFFFFE0]  }
0x458: {  	v6 =	vld [tilespmem:s2+$0xFFFFFFE0]  }
0x459: {  	v7 =	vld [tilespmem:s0+$0xFFFFFFF0]  }
0x45a: {  	v8 =	vld [tilespmem:s2+$0xFFFFFFF0]  }
0x45b: {  	v9 =	vld [tilespmem:s0+$0x0]  }
0x45c: {  	v10 =	vld [tilespmem:s2+$0x0];
	v2 =	vadd.f32 v2, v1  }
0x45d: {  	v4 =	vadd.f32 v4, v3;
	v1 =	vld [tilespmem:s0+$0x10]  }
0x45e: {  	v5 =	vadd.f32 v6, v5;
	v3 =	vld [tilespmem:s2+$0x10];
	[tilespmem:s0+$0x30] =	vst v2  }
0x45f: {  	v6 =	vadd.f32 v8, v7;
	[tilespmem:s0+$0xFFFFFFD0] =	vst v4;
	v2 =	vld [tilespmem:s0+$0x20]  }
0x460: {  	[tilespmem:s0+$0xFFFFFFE0] =	vst v5;
	v5 =	vld [tilespmem:s2+$0x20]  }
0x461: {  	s3 =	simm.s32 $0x0;
	s4 =	simm.s32 $0xC0C0;
	v4 =	vld [tilespmem:s0+$0xFFFFFFC0];
	[tilespmem:s0+$0xFFFFFFF0] =	vst v6;
	v6 =	vadd.f32 v10, v9  }
.LBB2_44:
0x462: {  	v7 =	vld [tilespmem:s4+$0x30];
	s2 =	sadd.s32 $0x80, s2  }
0x463: {  	s3 =	sadd.s32 $0x80, s3;
	v8 =	vld [tilespmem:s2+$0x30];
	[tilespmem:s0+$0x0] =	vst v6;
	v1 =	vadd.f32 v3, v1  }
0x464: {  	p0 =	slt.u32 s3, $0x3F80;
	v3 =	vld [tilespmem:s2+$0xFFFFFFC0]  }
0x465: {  	v6 =	vld [tilespmem:s4+$0xFFFFFFD0];
	[tilespmem:s0+$0x10] =	vst v1;
	v1 =	vadd.f32 v5, v2  }
0x466: {  	v2 =	vld [tilespmem:s2+$0xFFFFFFD0];
	v9 =	vadd.f32 v0, v4  }
0x467: {  	v4 =	vld [tilespmem:s4+$0xFFFFFFE0];
	[tilespmem:s0+$0x20] =	vst v1  }
0x468: {  	v1 =	vld [tilespmem:s2+$0xFFFFFFE0];
	v5 =	vadd.f32 v8, v7;
	[tilespmem:s0+$0xFFFFFFC0] =	vst v9;
	s0 =	smov.u32 s4  }
0x469: {  	v7 =	vld [tilespmem:s4+$0xFFFFFFF0];
	v0 =	vmov v3  }
0x46a: {  	v8 =	vld [tilespmem:s2+$0xFFFFFFF0];
	[tilespmem:s4+$0x30] =	vst v5  }
0x46b: {  	v2 =	vadd.f32 v2, v6;
	v6 =	vld [tilespmem:s4+$0x0]  }
0x46c: {  	v9 =	vld [tilespmem:s2+$0x0]  }
.Ltmp21:
0x46d: {  	[tilespmem:s4+$0xFFFFFFD0] =	vst v2;
	v2 =	vadd.f32 v1, v4;
	v1 =	vld [tilespmem:s4+$0x10];
	(pc) =	sbr.rel @p0 .LBB2_44-.Ltmp21, $4  }
0x46e: {  	v3 =	vld [tilespmem:s2+$0x10]  }
0x46f: {  	[tilespmem:s4+$0xFFFFFFE0] =	vst v2;
	v7 =	vadd.f32 v8, v7;
	v2 =	vld [tilespmem:s4+$0x20]  }
0x470: {  	v5 =	vld [tilespmem:s2+$0x20]  }
0x471: {  	s4 =	sadd.s32 $0x80, s4;
	v4 =	vld [tilespmem:s0+$0xFFFFFFC0];
	[tilespmem:s0+$0xFFFFFFF0] =	vst v7;
	v6 =	vadd.f32 v9, v6  }
0x472: {  	_ =	sdelay $0x1  }
0x473: {  	v1 =	vadd.f32 v3, v1  }
0x474: {  	[tilespmem:s0+$0x0] =	vst v6;
	v2 =	vadd.f32 v5, v2  }
0x475: {  	[tilespmem:s0+$0x10] =	vst v1;
	v0 =	vadd.f32 v0, v4  }
0x476: {  	[tilespmem:s0+$0x20] =	vst v2  }
0x477: {  	[tilespmem:s0+$0xFFFFFFC0] =	vst v0  }
0x478: {  	s0 =	sld [smem:$0x7ED];
	_ =	sdelay $0x2  }
0x479: {  	[hbm4b:s0+s1] =	stream.linear.scatter [tilespmem:s17], [sflag:$0x8], $0x4000, $0x38;
	[tilespmem:$0x18000] =	vst v63  }
0x47a: {  	_ =	swait.ge [sflag:s30], $0x4000  }
0x47b: {  	s4 =	sld [smem:$0x7F0]  }
0x47c: {  	[sflag:s30] =	ssyncset.done $0x0  }
0x47d: {  	[sflag:s30] =	ssyncadd.s32 $0xFFFFC000  }
0x47e: {  	[tilespmem:s22], [sflag:$0x6] =	stream.linear.gather [hbm4b:s4+s1], $0x4000, $0x38;
	[tilespmem:$0x18000] =	vst v63  }
0x47f: {  	_ =	swait.ge [sflag:s23], $0x4000  }
0x480: {  	[sflag:s23] =	ssyncset.done $0x0  }
0x481: {  	s0 =	simm.s32 $0x10040;
	[sflag:s23] =	ssyncadd.s32 $0xFFFFC000  }
0x482: {  	s2 =	simm.s32 $0x4040;
	v1 =	vld [tilespmem:s0+$0x30]  }
0x483: {  	v2 =	vld [tilespmem:s2+$0x30]  }
0x484: {  	v0 =	vld [tilespmem:s2+$0xFFFFFFC0]  }
0x485: {  	v3 =	vld [tilespmem:s0+$0xFFFFFFD0]  }
0x486: {  	v4 =	vld [tilespmem:s2+$0xFFFFFFD0]  }
0x487: {  	v5 =	vld [tilespmem:s0+$0xFFFFFFE0]  }
0x488: {  	v6 =	vld [tilespmem:s2+$0xFFFFFFE0]  }
0x489: {  	v7 =	vld [tilespmem:s0+$0xFFFFFFF0]  }
0x48a: {  	v8 =	vld [tilespmem:s2+$0xFFFFFFF0]  }
0x48b: {  	v9 =	vld [tilespmem:s0+$0x0]  }
0x48c: {  	v10 =	vld [tilespmem:s2+$0x0];
	v2 =	vadd.f32 v2, v1  }
0x48d: {  	v4 =	vadd.f32 v4, v3;
	v1 =	vld [tilespmem:s0+$0x10]  }
0x48e: {  	v5 =	vadd.f32 v6, v5;
	v3 =	vld [tilespmem:s2+$0x10];
	[tilespmem:s0+$0x30] =	vst v2  }
0x48f: {  	v6 =	vadd.f32 v8, v7;
	[tilespmem:s0+$0xFFFFFFD0] =	vst v4;
	v2 =	vld [tilespmem:s0+$0x20]  }
0x490: {  	[tilespmem:s0+$0xFFFFFFE0] =	vst v5;
	v5 =	vld [tilespmem:s2+$0x20]  }
0x491: {  	s3 =	simm.s32 $0x0;
	s4 =	simm.s32 $0x100C0;
	v4 =	vld [tilespmem:s0+$0xFFFFFFC0];
	[tilespmem:s0+$0xFFFFFFF0] =	vst v6;
	v6 =	vadd.f32 v10, v9  }
.LBB2_46:
0x492: {  	v7 =	vld [tilespmem:s4+$0x30];
	s2 =	sadd.s32 $0x80, s2  }
0x493: {  	s3 =	sadd.s32 $0x80, s3;
	v8 =	vld [tilespmem:s2+$0x30];
	[tilespmem:s0+$0x0] =	vst v6;
	v1 =	vadd.f32 v3, v1  }
0x494: {  	p0 =	slt.u32 s3, $0x3F80;
	v3 =	vld [tilespmem:s2+$0xFFFFFFC0]  }
0x495: {  	v6 =	vld [tilespmem:s4+$0xFFFFFFD0];
	[tilespmem:s0+$0x10] =	vst v1;
	v1 =	vadd.f32 v5, v2  }
0x496: {  	v2 =	vld [tilespmem:s2+$0xFFFFFFD0];
	v9 =	vadd.f32 v0, v4  }
0x497: {  	v4 =	vld [tilespmem:s4+$0xFFFFFFE0];
	[tilespmem:s0+$0x20] =	vst v1  }
0x498: {  	v1 =	vld [tilespmem:s2+$0xFFFFFFE0];
	v5 =	vadd.f32 v8, v7;
	[tilespmem:s0+$0xFFFFFFC0] =	vst v9;
	s0 =	smov.u32 s4  }
0x499: {  	v7 =	vld [tilespmem:s4+$0xFFFFFFF0];
	v0 =	vmov v3  }
0x49a: {  	v8 =	vld [tilespmem:s2+$0xFFFFFFF0];
	[tilespmem:s4+$0x30] =	vst v5  }
0x49b: {  	v2 =	vadd.f32 v2, v6;
	v6 =	vld [tilespmem:s4+$0x0]  }
0x49c: {  	v9 =	vld [tilespmem:s2+$0x0]  }
.Ltmp22:
0x49d: {  	[tilespmem:s4+$0xFFFFFFD0] =	vst v2;
	v2 =	vadd.f32 v1, v4;
	v1 =	vld [tilespmem:s4+$0x10];
	(pc) =	sbr.rel @p0 .LBB2_46-.Ltmp22, $4  }
0x49e: {  	v3 =	vld [tilespmem:s2+$0x10]  }
0x49f: {  	[tilespmem:s4+$0xFFFFFFE0] =	vst v2;
	v7 =	vadd.f32 v8, v7;
	v2 =	vld [tilespmem:s4+$0x20]  }
0x4a0: {  	v5 =	vld [tilespmem:s2+$0x20]  }
0x4a1: {  	s4 =	sadd.s32 $0x80, s4;
	v4 =	vld [tilespmem:s0+$0xFFFFFFC0];
	[tilespmem:s0+$0xFFFFFFF0] =	vst v7;
	v6 =	vadd.f32 v9, v6  }
0x4a2: {  	_ =	sdelay $0x1  }
0x4a3: {  	v1 =	vadd.f32 v3, v1  }
0x4a4: {  	[tilespmem:s0+$0x0] =	vst v6;
	v2 =	vadd.f32 v5, v2  }
0x4a5: {  	[tilespmem:s0+$0x10] =	vst v1;
	v0 =	vadd.f32 v0, v4  }
0x4a6: {  	[tilespmem:s0+$0x20] =	vst v2  }
0x4a7: {  	[tilespmem:s0+$0xFFFFFFC0] =	vst v0  }
0x4a8: {  	s0 =	sld [smem:$0x7EF];
	_ =	sdelay $0x2  }
0x4a9: {  	[hbm4b:s0+s1] =	stream.linear.scatter [tilespmem:s20], [sflag:$0x9], $0x4000, $0x38;
	[tilespmem:$0x18000] =	vst v63  }
0x4aa: {  	_ =	swait.ge [sflag:s24], $0x4000  }
0x4ab: {  	s4 =	sld [smem:$0x7F5]  }
0x4ac: {  	[sflag:s24] =	ssyncset.done $0x0  }
0x4ad: {  	[sflag:s24] =	ssyncadd.s32 $0xFFFFC000  }
0x4ae: {  	[tilespmem:s16], [sflag:$0x3] =	stream.linear.gather [hbm4b:s4+s1], $0x4000, $0x38;
	[tilespmem:$0x18000] =	vst v63  }
0x4af: {  	_ =	swait.ge [sflag:s25], $0x4000  }
0x4b0: {  	[sflag:s25] =	ssyncset.done $0x0  }
0x4b1: {  	s0 =	simm.s32 $0x14040;
	[sflag:s25] =	ssyncadd.s32 $0xFFFFC000  }
0x4b2: {  	s2 =	simm.s32 $0x4040;
	v1 =	vld [tilespmem:s0+$0x30]  }
0x4b3: {  	v2 =	vld [tilespmem:s2+$0x30]  }
0x4b4: {  	v0 =	vld [tilespmem:s2+$0xFFFFFFC0]  }
0x4b5: {  	v3 =	vld [tilespmem:s0+$0xFFFFFFD0]  }
0x4b6: {  	v4 =	vld [tilespmem:s2+$0xFFFFFFD0]  }
0x4b7: {  	v5 =	vld [tilespmem:s0+$0xFFFFFFE0]  }
0x4b8: {  	v6 =	vld [tilespmem:s2+$0xFFFFFFE0]  }
0x4b9: {  	v7 =	vld [tilespmem:s0+$0xFFFFFFF0]  }
0x4ba: {  	v8 =	vld [tilespmem:s2+$0xFFFFFFF0]  }
0x4bb: {  	v9 =	vld [tilespmem:s0+$0x0]  }
0x4bc: {  	v10 =	vld [tilespmem:s2+$0x0];
	v2 =	vadd.f32 v2, v1  }
0x4bd: {  	v4 =	vadd.f32 v4, v3;
	v1 =	vld [tilespmem:s0+$0x10]  }
0x4be: {  	v5 =	vadd.f32 v6, v5;
	v3 =	vld [tilespmem:s2+$0x10];
	[tilespmem:s0+$0x30] =	vst v2  }
0x4bf: {  	v6 =	vadd.f32 v8, v7;
	[tilespmem:s0+$0xFFFFFFD0] =	vst v4;
	v2 =	vld [tilespmem:s0+$0x20]  }
0x4c0: {  	[tilespmem:s0+$0xFFFFFFE0] =	vst v5;
	v5 =	vld [tilespmem:s2+$0x20]  }
0x4c1: {  	s3 =	simm.s32 $0x0;
	s4 =	simm.s32 $0x140C0;
	v4 =	vld [tilespmem:s0+$0xFFFFFFC0];
	[tilespmem:s0+$0xFFFFFFF0] =	vst v6;
	v6 =	vadd.f32 v10, v9  }
.LBB2_48:
0x4c2: {  	v7 =	vld [tilespmem:s4+$0x30];
	s2 =	sadd.s32 $0x80, s2  }
0x4c3: {  	s3 =	sadd.s32 $0x80, s3;
	v8 =	vld [tilespmem:s2+$0x30];
	[tilespmem:s0+$0x0] =	vst v6;
	v1 =	vadd.f32 v3, v1  }
0x4c4: {  	p0 =	slt.u32 s3, $0x3F80;
	v3 =	vld [tilespmem:s2+$0xFFFFFFC0]  }
0x4c5: {  	v6 =	vld [tilespmem:s4+$0xFFFFFFD0];
	[tilespmem:s0+$0x10] =	vst v1;
	v1 =	vadd.f32 v5, v2  }
0x4c6: {  	v2 =	vld [tilespmem:s2+$0xFFFFFFD0];
	v9 =	vadd.f32 v0, v4  }
0x4c7: {  	v4 =	vld [tilespmem:s4+$0xFFFFFFE0];
	[tilespmem:s0+$0x20] =	vst v1  }
0x4c8: {  	v1 =	vld [tilespmem:s2+$0xFFFFFFE0];
	v5 =	vadd.f32 v8, v7;
	[tilespmem:s0+$0xFFFFFFC0] =	vst v9;
	s0 =	smov.u32 s4  }
0x4c9: {  	v7 =	vld [tilespmem:s4+$0xFFFFFFF0];
	v0 =	vmov v3  }
0x4ca: {  	v8 =	vld [tilespmem:s2+$0xFFFFFFF0];
	[tilespmem:s4+$0x30] =	vst v5  }
0x4cb: {  	v2 =	vadd.f32 v2, v6;
	v6 =	vld [tilespmem:s4+$0x0]  }
0x4cc: {  	v9 =	vld [tilespmem:s2+$0x0]  }
.Ltmp23:
0x4cd: {  	[tilespmem:s4+$0xFFFFFFD0] =	vst v2;
	v2 =	vadd.f32 v1, v4;
	v1 =	vld [tilespmem:s4+$0x10];
	(pc) =	sbr.rel @p0 .LBB2_48-.Ltmp23, $4  }
0x4ce: {  	v3 =	vld [tilespmem:s2+$0x10]  }
0x4cf: {  	[tilespmem:s4+$0xFFFFFFE0] =	vst v2;
	v7 =	vadd.f32 v8, v7;
	v2 =	vld [tilespmem:s4+$0x20]  }
0x4d0: {  	v5 =	vld [tilespmem:s2+$0x20]  }
0x4d1: {  	s4 =	sadd.s32 $0x80, s4;
	v4 =	vld [tilespmem:s0+$0xFFFFFFC0];
	[tilespmem:s0+$0xFFFFFFF0] =	vst v7;
	v6 =	vadd.f32 v9, v6  }
0x4d2: {  	_ =	sdelay $0x1  }
0x4d3: {  	v1 =	vadd.f32 v3, v1  }
0x4d4: {  	[tilespmem:s0+$0x0] =	vst v6;
	v2 =	vadd.f32 v5, v2  }
0x4d5: {  	[tilespmem:s0+$0x10] =	vst v1;
	v0 =	vadd.f32 v0, v4  }
0x4d6: {  	[tilespmem:s0+$0x20] =	vst v2  }
0x4d7: {  	[tilespmem:s0+$0xFFFFFFC0] =	vst v0  }
0x4d8: {  	s0 =	sld [smem:$0x7F1];
	_ =	sdelay $0x1  }
0x4d9: {  	s3 =	sld [smem:$0x7F4]  }
0x4da: {  	[hbm4b:s0+s1] =	stream.linear.scatter [tilespmem:s22], [sflag:$0xA], $0x4000, $0x38;
	[tilespmem:$0x18000] =	vst v63  }
0x4db: {  	_ = 	snop  }
0x4dc: {  	[tilespmem:s15], [sflag:$0x2] =	stream.linear.gather [hbm4b:s3+s1], $0x4000, $0x38;
	[tilespmem:$0x18000] =	vst v63  }
0x4dd: {  	_ =	swait.ge [sflag:s26], $0x4000  }
0x4de: {  	s4 =	sld [smem:$0x7F7]  }
0x4df: {  	[sflag:s26] =	ssyncset.done $0x0  }
0x4e0: {  	[sflag:s26] =	ssyncadd.s32 $0xFFFFC000  }
0x4e1: {  	[tilespmem:s17], [sflag:$0x4] =	stream.linear.gather [hbm4b:s4+s1], $0x4000, $0x38;
	[tilespmem:$0x18000] =	vst v63  }
0x4e2: {  	_ =	swait.ge [sflag:s18], $0x4000  }
0x4e3: {  	[sflag:s18] =	ssyncset.done $0x0  }
0x4e4: {  	[sflag:s18] =	ssyncadd.s32 $0xFFFFC000  }
0x4e5: {  	_ =	swait.ge [sflag:s19], $0x4000  }
0x4e6: {  	[sflag:s19] =	ssyncset.done $0x0  }
0x4e7: {  	s0 =	simm.s32 $0x8040;
	[sflag:s19] =	ssyncadd.s32 $0xFFFFC000  }
0x4e8: {  	s2 =	simm.s32 $0x40;
	v1 =	vld [tilespmem:s0+$0x30]  }
0x4e9: {  	v2 =	vld [tilespmem:s2+$0x30]  }
0x4ea: {  	v0 =	vld [tilespmem:s2+$0xFFFFFFC0]  }
0x4eb: {  	v3 =	vld [tilespmem:s0+$0xFFFFFFD0]  }
0x4ec: {  	v4 =	vld [tilespmem:s2+$0xFFFFFFD0]  }
0x4ed: {  	v5 =	vld [tilespmem:s0+$0xFFFFFFE0]  }
0x4ee: {  	v6 =	vld [tilespmem:s2+$0xFFFFFFE0]  }
0x4ef: {  	v7 =	vld [tilespmem:s0+$0xFFFFFFF0]  }
0x4f0: {  	v8 =	vld [tilespmem:s2+$0xFFFFFFF0]  }
0x4f1: {  	v9 =	vld [tilespmem:s0+$0x0]  }
0x4f2: {  	v10 =	vld [tilespmem:s2+$0x0];
	v2 =	vadd.f32 v2, v1  }
0x4f3: {  	v4 =	vadd.f32 v4, v3;
	v1 =	vld [tilespmem:s0+$0x10]  }
0x4f4: {  	v5 =	vadd.f32 v6, v5;
	v3 =	vld [tilespmem:s2+$0x10];
	[tilespmem:s0+$0x30] =	vst v2  }
0x4f5: {  	v6 =	vadd.f32 v8, v7;
	[tilespmem:s0+$0xFFFFFFD0] =	vst v4;
	v2 =	vld [tilespmem:s0+$0x20]  }
0x4f6: {  	[tilespmem:s0+$0xFFFFFFE0] =	vst v5;
	v5 =	vld [tilespmem:s2+$0x20]  }
0x4f7: {  	s3 =	simm.s32 $0x0;
	s4 =	simm.s32 $0x80C0;
	v4 =	vld [tilespmem:s0+$0xFFFFFFC0];
	[tilespmem:s0+$0xFFFFFFF0] =	vst v6;
	v6 =	vadd.f32 v10, v9  }
.LBB2_50:
0x4f8: {  	v7 =	vld [tilespmem:s4+$0x30];
	s2 =	sadd.s32 $0x80, s2  }
0x4f9: {  	s3 =	sadd.s32 $0x80, s3;
	v8 =	vld [tilespmem:s2+$0x30];
	[tilespmem:s0+$0x0] =	vst v6;
	v1 =	vadd.f32 v3, v1  }
0x4fa: {  	p0 =	slt.u32 s3, $0x3F80;
	v3 =	vld [tilespmem:s2+$0xFFFFFFC0]  }
0x4fb: {  	v6 =	vld [tilespmem:s4+$0xFFFFFFD0];
	[tilespmem:s0+$0x10] =	vst v1;
	v1 =	vadd.f32 v5, v2  }
0x4fc: {  	v2 =	vld [tilespmem:s2+$0xFFFFFFD0];
	v9 =	vadd.f32 v0, v4  }
0x4fd: {  	v4 =	vld [tilespmem:s4+$0xFFFFFFE0];
	[tilespmem:s0+$0x20] =	vst v1  }
0x4fe: {  	v1 =	vld [tilespmem:s2+$0xFFFFFFE0];
	v5 =	vadd.f32 v8, v7;
	[tilespmem:s0+$0xFFFFFFC0] =	vst v9;
	s0 =	smov.u32 s4  }
0x4ff: {  	v7 =	vld [tilespmem:s4+$0xFFFFFFF0];
	v0 =	vmov v3  }
0x500: {  	v8 =	vld [tilespmem:s2+$0xFFFFFFF0];
	[tilespmem:s4+$0x30] =	vst v5  }
0x501: {  	v2 =	vadd.f32 v2, v6;
	v6 =	vld [tilespmem:s4+$0x0]  }
0x502: {  	v9 =	vld [tilespmem:s2+$0x0]  }
.Ltmp24:
0x503: {  	[tilespmem:s4+$0xFFFFFFD0] =	vst v2;
	v2 =	vadd.f32 v1, v4;
	v1 =	vld [tilespmem:s4+$0x10];
	(pc) =	sbr.rel @p0 .LBB2_50-.Ltmp24, $4  }
0x504: {  	v3 =	vld [tilespmem:s2+$0x10]  }
0x505: {  	[tilespmem:s4+$0xFFFFFFE0] =	vst v2;
	v7 =	vadd.f32 v8, v7;
	v2 =	vld [tilespmem:s4+$0x20]  }
0x506: {  	v5 =	vld [tilespmem:s2+$0x20]  }
0x507: {  	s4 =	sadd.s32 $0x80, s4;
	v4 =	vld [tilespmem:s0+$0xFFFFFFC0];
	[tilespmem:s0+$0xFFFFFFF0] =	vst v7;
	v6 =	vadd.f32 v9, v6  }
0x508: {  	_ =	sdelay $0x1  }
0x509: {  	v1 =	vadd.f32 v3, v1  }
0x50a: {  	[tilespmem:s0+$0x0] =	vst v6;
	v2 =	vadd.f32 v5, v2  }
0x50b: {  	[tilespmem:s0+$0x10] =	vst v1;
	v0 =	vadd.f32 v0, v4  }
0x50c: {  	[tilespmem:s0+$0x20] =	vst v2  }
0x50d: {  	[tilespmem:s0+$0xFFFFFFC0] =	vst v0  }
0x50e: {  	s0 =	sld [smem:$0x7F6];
	_ =	sdelay $0x2  }
0x50f: {  	[hbm4b:s0+s1] =	stream.linear.scatter [tilespmem:s16], [sflag:$0x7], $0x4000, $0x38;
	[tilespmem:$0x18000] =	vst v63  }
0x510: {  	_ =	swait.ge [sflag:s29], $0x4000  }
0x511: {  	s4 =	sld [smem:$0x7F9]  }
0x512: {  	[sflag:s29] =	ssyncset.done $0x0  }
0x513: {  	[sflag:s29] =	ssyncadd.s32 $0xFFFFC000  }
0x514: {  	[tilespmem:s20], [sflag:$0x5] =	stream.linear.gather [hbm4b:s4+s1], $0x4000, $0x38;
	[tilespmem:$0x18000] =	vst v63  }
0x515: {  	_ =	swait.ge [sflag:s21], $0x4000  }
0x516: {  	[sflag:s21] =	ssyncset.done $0x0  }
0x517: {  	s0 =	simm.s32 $0xC040;
	[sflag:s21] =	ssyncadd.s32 $0xFFFFC000  }
0x518: {  	s2 =	simm.s32 $0x40;
	v1 =	vld [tilespmem:s0+$0x30]  }
0x519: {  	v2 =	vld [tilespmem:s2+$0x30]  }
0x51a: {  	v0 =	vld [tilespmem:s2+$0xFFFFFFC0]  }
0x51b: {  	v3 =	vld [tilespmem:s0+$0xFFFFFFD0]  }
0x51c: {  	v4 =	vld [tilespmem:s2+$0xFFFFFFD0]  }
0x51d: {  	v5 =	vld [tilespmem:s0+$0xFFFFFFE0]  }
0x51e: {  	v6 =	vld [tilespmem:s2+$0xFFFFFFE0]  }
0x51f: {  	v7 =	vld [tilespmem:s0+$0xFFFFFFF0]  }
0x520: {  	v8 =	vld [tilespmem:s2+$0xFFFFFFF0]  }
0x521: {  	v9 =	vld [tilespmem:s0+$0x0]  }
0x522: {  	v10 =	vld [tilespmem:s2+$0x0];
	v2 =	vadd.f32 v2, v1  }
0x523: {  	v4 =	vadd.f32 v4, v3;
	v1 =	vld [tilespmem:s0+$0x10]  }
0x524: {  	v5 =	vadd.f32 v6, v5;
	v3 =	vld [tilespmem:s2+$0x10];
	[tilespmem:s0+$0x30] =	vst v2  }
0x525: {  	v6 =	vadd.f32 v8, v7;
	[tilespmem:s0+$0xFFFFFFD0] =	vst v4;
	v2 =	vld [tilespmem:s0+$0x20]  }
0x526: {  	[tilespmem:s0+$0xFFFFFFE0] =	vst v5;
	v5 =	vld [tilespmem:s2+$0x20]  }
0x527: {  	s3 =	simm.s32 $0x0;
	s4 =	simm.s32 $0xC0C0;
	v4 =	vld [tilespmem:s0+$0xFFFFFFC0];
	[tilespmem:s0+$0xFFFFFFF0] =	vst v6;
	v6 =	vadd.f32 v10, v9  }
.LBB2_52:
0x528: {  	v7 =	vld [tilespmem:s4+$0x30];
	s2 =	sadd.s32 $0x80, s2  }
0x529: {  	s3 =	sadd.s32 $0x80, s3;
	v8 =	vld [tilespmem:s2+$0x30];
	[tilespmem:s0+$0x0] =	vst v6;
	v1 =	vadd.f32 v3, v1  }
0x52a: {  	p0 =	slt.u32 s3, $0x3F80;
	v3 =	vld [tilespmem:s2+$0xFFFFFFC0]  }
0x52b: {  	v6 =	vld [tilespmem:s4+$0xFFFFFFD0];
	[tilespmem:s0+$0x10] =	vst v1;
	v1 =	vadd.f32 v5, v2  }
0x52c: {  	v2 =	vld [tilespmem:s2+$0xFFFFFFD0];
	v9 =	vadd.f32 v0, v4  }
0x52d: {  	v4 =	vld [tilespmem:s4+$0xFFFFFFE0];
	[tilespmem:s0+$0x20] =	vst v1  }
0x52e: {  	v1 =	vld [tilespmem:s2+$0xFFFFFFE0];
	v5 =	vadd.f32 v8, v7;
	[tilespmem:s0+$0xFFFFFFC0] =	vst v9;
	s0 =	smov.u32 s4  }
0x52f: {  	v7 =	vld [tilespmem:s4+$0xFFFFFFF0];
	v0 =	vmov v3  }
0x530: {  	v8 =	vld [tilespmem:s2+$0xFFFFFFF0];
	[tilespmem:s4+$0x30] =	vst v5  }
0x531: {  	v2 =	vadd.f32 v2, v6;
	v6 =	vld [tilespmem:s4+$0x0]  }
0x532: {  	v9 =	vld [tilespmem:s2+$0x0]  }
.Ltmp25:
0x533: {  	[tilespmem:s4+$0xFFFFFFD0] =	vst v2;
	v2 =	vadd.f32 v1, v4;
	v1 =	vld [tilespmem:s4+$0x10];
	(pc) =	sbr.rel @p0 .LBB2_52-.Ltmp25, $4  }
0x534: {  	v3 =	vld [tilespmem:s2+$0x10]  }
0x535: {  	[tilespmem:s4+$0xFFFFFFE0] =	vst v2;
	v7 =	vadd.f32 v8, v7;
	v2 =	vld [tilespmem:s4+$0x20]  }
0x536: {  	v5 =	vld [tilespmem:s2+$0x20]  }
0x537: {  	s4 =	sadd.s32 $0x80, s4;
	v4 =	vld [tilespmem:s0+$0xFFFFFFC0];
	[tilespmem:s0+$0xFFFFFFF0] =	vst v7;
	v6 =	vadd.f32 v9, v6  }
0x538: {  	_ =	sdelay $0x1  }
0x539: {  	v1 =	vadd.f32 v3, v1  }
0x53a: {  	[tilespmem:s0+$0x0] =	vst v6;
	v2 =	vadd.f32 v5, v2  }
0x53b: {  	[tilespmem:s0+$0x10] =	vst v1;
	v0 =	vadd.f32 v0, v4  }
0x53c: {  	[tilespmem:s0+$0x20] =	vst v2  }
0x53d: {  	[tilespmem:s0+$0xFFFFFFC0] =	vst v0  }
0x53e: {  	s0 =	sld [smem:$0x7F8];
	_ =	sdelay $0x2  }
0x53f: {  	[hbm4b:s0+s1] =	stream.linear.scatter [tilespmem:s17], [sflag:$0x8], $0x4000, $0x38;
	[tilespmem:$0x18000] =	vst v63  }
0x540: {  	_ =	swait.ge [sflag:s30], $0x4000  }
0x541: {  	s4 =	sld [smem:$0x7FB]  }
0x542: {  	[sflag:s30] =	ssyncset.done $0x0  }
0x543: {  	[sflag:s30] =	ssyncadd.s32 $0xFFFFC000  }
0x544: {  	[tilespmem:s22], [sflag:$0x6] =	stream.linear.gather [hbm4b:s4+s1], $0x4000, $0x38;
	[tilespmem:$0x18000] =	vst v63  }
0x545: {  	_ =	swait.ge [sflag:s23], $0x4000  }
0x546: {  	[sflag:s23] =	ssyncset.done $0x0  }
0x547: {  	s0 =	simm.s32 $0x10040;
	[sflag:s23] =	ssyncadd.s32 $0xFFFFC000  }
0x548: {  	s2 =	simm.s32 $0x40;
	v1 =	vld [tilespmem:s0+$0x30]  }
0x549: {  	v2 =	vld [tilespmem:s2+$0x30]  }
0x54a: {  	v0 =	vld [tilespmem:s2+$0xFFFFFFC0]  }
0x54b: {  	v3 =	vld [tilespmem:s0+$0xFFFFFFD0]  }
0x54c: {  	v4 =	vld [tilespmem:s2+$0xFFFFFFD0]  }
0x54d: {  	v5 =	vld [tilespmem:s0+$0xFFFFFFE0]  }
0x54e: {  	v6 =	vld [tilespmem:s2+$0xFFFFFFE0]  }
0x54f: {  	v7 =	vld [tilespmem:s0+$0xFFFFFFF0]  }
0x550: {  	v8 =	vld [tilespmem:s2+$0xFFFFFFF0]  }
0x551: {  	v9 =	vld [tilespmem:s0+$0x0]  }
0x552: {  	v10 =	vld [tilespmem:s2+$0x0];
	v2 =	vadd.f32 v2, v1  }
0x553: {  	v4 =	vadd.f32 v4, v3;
	v1 =	vld [tilespmem:s0+$0x10]  }
0x554: {  	v5 =	vadd.f32 v6, v5;
	v3 =	vld [tilespmem:s2+$0x10];
	[tilespmem:s0+$0x30] =	vst v2  }
0x555: {  	v6 =	vadd.f32 v8, v7;
	[tilespmem:s0+$0xFFFFFFD0] =	vst v4;
	v2 =	vld [tilespmem:s0+$0x20]  }
0x556: {  	[tilespmem:s0+$0xFFFFFFE0] =	vst v5;
	v5 =	vld [tilespmem:s2+$0x20]  }
0x557: {  	s3 =	simm.s32 $0x0;
	s4 =	simm.s32 $0x100C0;
	v4 =	vld [tilespmem:s0+$0xFFFFFFC0];
	[tilespmem:s0+$0xFFFFFFF0] =	vst v6;
	v6 =	vadd.f32 v10, v9  }
.LBB2_54:
0x558: {  	v7 =	vld [tilespmem:s4+$0x30];
	s2 =	sadd.s32 $0x80, s2  }
0x559: {  	s3 =	sadd.s32 $0x80, s3;
	v8 =	vld [tilespmem:s2+$0x30];
	[tilespmem:s0+$0x0] =	vst v6;
	v1 =	vadd.f32 v3, v1  }
0x55a: {  	p0 =	slt.u32 s3, $0x3F80;
	v3 =	vld [tilespmem:s2+$0xFFFFFFC0]  }
0x55b: {  	v6 =	vld [tilespmem:s4+$0xFFFFFFD0];
	[tilespmem:s0+$0x10] =	vst v1;
	v1 =	vadd.f32 v5, v2  }
0x55c: {  	v2 =	vld [tilespmem:s2+$0xFFFFFFD0];
	v9 =	vadd.f32 v0, v4  }
0x55d: {  	v4 =	vld [tilespmem:s4+$0xFFFFFFE0];
	[tilespmem:s0+$0x20] =	vst v1  }
0x55e: {  	v1 =	vld [tilespmem:s2+$0xFFFFFFE0];
	v5 =	vadd.f32 v8, v7;
	[tilespmem:s0+$0xFFFFFFC0] =	vst v9;
	s0 =	smov.u32 s4  }
0x55f: {  	v7 =	vld [tilespmem:s4+$0xFFFFFFF0];
	v0 =	vmov v3  }
0x560: {  	v8 =	vld [tilespmem:s2+$0xFFFFFFF0];
	[tilespmem:s4+$0x30] =	vst v5  }
0x561: {  	v2 =	vadd.f32 v2, v6;
	v6 =	vld [tilespmem:s4+$0x0]  }
0x562: {  	v9 =	vld [tilespmem:s2+$0x0]  }
.Ltmp26:
0x563: {  	[tilespmem:s4+$0xFFFFFFD0] =	vst v2;
	v2 =	vadd.f32 v1, v4;
	v1 =	vld [tilespmem:s4+$0x10];
	(pc) =	sbr.rel @p0 .LBB2_54-.Ltmp26, $4  }
0x564: {  	v3 =	vld [tilespmem:s2+$0x10]  }
0x565: {  	[tilespmem:s4+$0xFFFFFFE0] =	vst v2;
	v7 =	vadd.f32 v8, v7;
	v2 =	vld [tilespmem:s4+$0x20]  }
0x566: {  	v5 =	vld [tilespmem:s2+$0x20]  }
0x567: {  	s4 =	sadd.s32 $0x80, s4;
	v4 =	vld [tilespmem:s0+$0xFFFFFFC0];
	[tilespmem:s0+$0xFFFFFFF0] =	vst v7;
	v6 =	vadd.f32 v9, v6  }
0x568: {  	_ =	sdelay $0x1  }
0x569: {  	v1 =	vadd.f32 v3, v1  }
0x56a: {  	[tilespmem:s0+$0x0] =	vst v6;
	v2 =	vadd.f32 v5, v2  }
0x56b: {  	[tilespmem:s0+$0x10] =	vst v1;
	v0 =	vadd.f32 v0, v4  }
0x56c: {  	[tilespmem:s0+$0x20] =	vst v2  }
0x56d: {  	[tilespmem:s0+$0xFFFFFFC0] =	vst v0  }
0x56e: {  	s0 =	sld [smem:$0x7FA];
	_ =	sdelay $0x2  }
0x56f: {  	[hbm4b:s0+s1] =	stream.linear.scatter [tilespmem:s20], [sflag:$0x9], $0x4000, $0x38;
	[tilespmem:$0x18000] =	vst v63  }
0x570: {  	_ =	swait.ge [sflag:s24], $0x4000  }
0x571: {  	s4 =	sld [smem:$0x7FD]  }
0x572: {  	[sflag:s24] =	ssyncset.done $0x0  }
0x573: {  	[sflag:s24] =	ssyncadd.s32 $0xFFFFC000  }
0x574: {  	[tilespmem:s16], [sflag:$0x3] =	stream.linear.gather [hbm4b:s4+s1], $0x4000, $0x38;
	[tilespmem:$0x18000] =	vst v63  }
0x575: {  	_ =	swait.ge [sflag:s25], $0x4000  }
0x576: {  	[sflag:s25] =	ssyncset.done $0x0  }
0x577: {  	s0 =	simm.s32 $0x14040;
	[sflag:s25] =	ssyncadd.s32 $0xFFFFC000  }
0x578: {  	s2 =	simm.s32 $0x40;
	v1 =	vld [tilespmem:s0+$0x30]  }
0x579: {  	v2 =	vld [tilespmem:s2+$0x30]  }
0x57a: {  	v0 =	vld [tilespmem:s2+$0xFFFFFFC0]  }
0x57b: {  	v3 =	vld [tilespmem:s0+$0xFFFFFFD0]  }
0x57c: {  	v4 =	vld [tilespmem:s2+$0xFFFFFFD0]  }
0x57d: {  	v5 =	vld [tilespmem:s0+$0xFFFFFFE0]  }
0x57e: {  	v6 =	vld [tilespmem:s2+$0xFFFFFFE0]  }
0x57f: {  	v7 =	vld [tilespmem:s0+$0xFFFFFFF0]  }
0x580: {  	v8 =	vld [tilespmem:s2+$0xFFFFFFF0]  }
0x581: {  	v9 =	vld [tilespmem:s0+$0x0]  }
0x582: {  	v10 =	vld [tilespmem:s2+$0x0];
	v2 =	vadd.f32 v2, v1  }
0x583: {  	v4 =	vadd.f32 v4, v3;
	v1 =	vld [tilespmem:s0+$0x10]  }
0x584: {  	v5 =	vadd.f32 v6, v5;
	v3 =	vld [tilespmem:s2+$0x10];
	[tilespmem:s0+$0x30] =	vst v2  }
0x585: {  	v6 =	vadd.f32 v8, v7;
	[tilespmem:s0+$0xFFFFFFD0] =	vst v4;
	v2 =	vld [tilespmem:s0+$0x20]  }
0x586: {  	[tilespmem:s0+$0xFFFFFFE0] =	vst v5;
	v5 =	vld [tilespmem:s2+$0x20]  }
0x587: {  	s3 =	simm.s32 $0x0;
	s4 =	simm.s32 $0x140C0;
	v4 =	vld [tilespmem:s0+$0xFFFFFFC0];
	[tilespmem:s0+$0xFFFFFFF0] =	vst v6;
	v6 =	vadd.f32 v10, v9  }
.LBB2_56:
0x588: {  	v7 =	vld [tilespmem:s4+$0x30];
	s2 =	sadd.s32 $0x80, s2  }
0x589: {  	s3 =	sadd.s32 $0x80, s3;
	v8 =	vld [tilespmem:s2+$0x30];
	[tilespmem:s0+$0x0] =	vst v6;
	v1 =	vadd.f32 v3, v1  }
0x58a: {  	p0 =	slt.u32 s3, $0x3F80;
	v3 =	vld [tilespmem:s2+$0xFFFFFFC0]  }
0x58b: {  	v6 =	vld [tilespmem:s4+$0xFFFFFFD0];
	[tilespmem:s0+$0x10] =	vst v1;
	v1 =	vadd.f32 v5, v2  }
0x58c: {  	v2 =	vld [tilespmem:s2+$0xFFFFFFD0];
	v9 =	vadd.f32 v0, v4  }
0x58d: {  	v4 =	vld [tilespmem:s4+$0xFFFFFFE0];
	[tilespmem:s0+$0x20] =	vst v1  }
0x58e: {  	v1 =	vld [tilespmem:s2+$0xFFFFFFE0];
	v5 =	vadd.f32 v8, v7;
	[tilespmem:s0+$0xFFFFFFC0] =	vst v9;
	s0 =	smov.u32 s4  }
0x58f: {  	v7 =	vld [tilespmem:s4+$0xFFFFFFF0];
	v0 =	vmov v3  }
0x590: {  	v8 =	vld [tilespmem:s2+$0xFFFFFFF0];
	[tilespmem:s4+$0x30] =	vst v5  }
0x591: {  	v2 =	vadd.f32 v2, v6;
	v6 =	vld [tilespmem:s4+$0x0]  }
0x592: {  	v9 =	vld [tilespmem:s2+$0x0]  }
.Ltmp27:
0x593: {  	[tilespmem:s4+$0xFFFFFFD0] =	vst v2;
	v2 =	vadd.f32 v1, v4;
	v1 =	vld [tilespmem:s4+$0x10];
	(pc) =	sbr.rel @p0 .LBB2_56-.Ltmp27, $4  }
0x594: {  	v3 =	vld [tilespmem:s2+$0x10]  }
0x595: {  	[tilespmem:s4+$0xFFFFFFE0] =	vst v2;
	v7 =	vadd.f32 v8, v7;
	v2 =	vld [tilespmem:s4+$0x20]  }
0x596: {  	v5 =	vld [tilespmem:s2+$0x20]  }
0x597: {  	s4 =	sadd.s32 $0x80, s4;
	v4 =	vld [tilespmem:s0+$0xFFFFFFC0];
	[tilespmem:s0+$0xFFFFFFF0] =	vst v7;
	v6 =	vadd.f32 v9, v6  }
0x598: {  	_ =	sdelay $0x1  }
0x599: {  	v1 =	vadd.f32 v3, v1  }
0x59a: {  	[tilespmem:s0+$0x0] =	vst v6;
	v2 =	vadd.f32 v5, v2  }
0x59b: {  	[tilespmem:s0+$0x10] =	vst v1;
	v0 =	vadd.f32 v0, v4  }
0x59c: {  	[tilespmem:s0+$0x20] =	vst v2  }
0x59d: {  	[tilespmem:s0+$0xFFFFFFC0] =	vst v0  }
0x59e: {  	s0 =	sld [smem:$0x7FC];
	_ =	sdelay $0x2  }
0x59f: {  	[hbm4b:s0+s1] =	stream.linear.scatter [tilespmem:s22], [sflag:$0xA], $0x4000, $0x38;
	[tilespmem:$0x18000] =	vst v63  }
0x5a0: {  	_ =	swait.ge [sflag:s26], $0x4000  }
0x5a1: {  	[sflag:s26] =	ssyncset.done $0x0  }
0x5a2: {  	[sflag:s26] =	ssyncadd.s32 $0xFFFFC000  }
0x5a3: {  	[tilespmem:s17], [sflag:$0x4] =	stream.linear.gather [hbm4b:s8+s1], $0x4000, $0x38;
	[tilespmem:$0x18000] =	vst v63  }
0x5a4: {  	_ =	swait.ge [sflag:s28], $0x4000  }
0x5a5: {  	[sflag:s28] =	ssyncset.done $0x0  }
0x5a6: {  	[sflag:s28] =	ssyncadd.s32 $0xFFFFC000  }
0x5a7: {  	_ =	swait.ge [sflag:s19], $0x4000  }
0x5a8: {  	[sflag:s19] =	ssyncset.done $0x0  }
0x5a9: {  	s0 =	simm.s32 $0x8040;
	[sflag:s19] =	ssyncadd.s32 $0xFFFFC000  }
0x5aa: {  	s2 =	simm.s32 $0x4040;
	v1 =	vld [tilespmem:s0+$0x30]  }
0x5ab: {  	v2 =	vld [tilespmem:s2+$0x30]  }
0x5ac: {  	v0 =	vld [tilespmem:s2+$0xFFFFFFC0]  }
0x5ad: {  	v3 =	vld [tilespmem:s0+$0xFFFFFFD0]  }
0x5ae: {  	v4 =	vld [tilespmem:s2+$0xFFFFFFD0]  }
0x5af: {  	v5 =	vld [tilespmem:s0+$0xFFFFFFE0]  }
0x5b0: {  	v6 =	vld [tilespmem:s2+$0xFFFFFFE0]  }
0x5b1: {  	v7 =	vld [tilespmem:s0+$0xFFFFFFF0]  }
0x5b2: {  	v8 =	vld [tilespmem:s2+$0xFFFFFFF0]  }
0x5b3: {  	v9 =	vld [tilespmem:s0+$0x0]  }
0x5b4: {  	v10 =	vld [tilespmem:s2+$0x0];
	v2 =	vadd.f32 v2, v1  }
0x5b5: {  	v4 =	vadd.f32 v4, v3;
	v1 =	vld [tilespmem:s0+$0x10]  }
0x5b6: {  	v5 =	vadd.f32 v6, v5;
	v3 =	vld [tilespmem:s2+$0x10];
	[tilespmem:s0+$0x30] =	vst v2  }
0x5b7: {  	v6 =	vadd.f32 v8, v7;
	[tilespmem:s0+$0xFFFFFFD0] =	vst v4;
	v2 =	vld [tilespmem:s0+$0x20]  }
0x5b8: {  	[tilespmem:s0+$0xFFFFFFE0] =	vst v5;
	v5 =	vld [tilespmem:s2+$0x20]  }
0x5b9: {  	s3 =	simm.s32 $0x0;
	s4 =	simm.s32 $0x80C0;
	v4 =	vld [tilespmem:s0+$0xFFFFFFC0];
	[tilespmem:s0+$0xFFFFFFF0] =	vst v6;
	v6 =	vadd.f32 v10, v9  }
.LBB2_58:
0x5ba: {  	v7 =	vld [tilespmem:s4+$0x30];
	s2 =	sadd.s32 $0x80, s2  }
0x5bb: {  	s3 =	sadd.s32 $0x80, s3;
	v8 =	vld [tilespmem:s2+$0x30];
	[tilespmem:s0+$0x0] =	vst v6;
	v1 =	vadd.f32 v3, v1  }
0x5bc: {  	p0 =	slt.u32 s3, $0x3F80;
	v3 =	vld [tilespmem:s2+$0xFFFFFFC0]  }
0x5bd: {  	v6 =	vld [tilespmem:s4+$0xFFFFFFD0];
	[tilespmem:s0+$0x10] =	vst v1;
	v1 =	vadd.f32 v5, v2  }
0x5be: {  	v2 =	vld [tilespmem:s2+$0xFFFFFFD0];
	v9 =	vadd.f32 v0, v4  }
0x5bf: {  	v4 =	vld [tilespmem:s4+$0xFFFFFFE0];
	[tilespmem:s0+$0x20] =	vst v1  }
0x5c0: {  	v1 =	vld [tilespmem:s2+$0xFFFFFFE0];
	v5 =	vadd.f32 v8, v7;
	[tilespmem:s0+$0xFFFFFFC0] =	vst v9;
	s0 =	smov.u32 s4  }
0x5c1: {  	v7 =	vld [tilespmem:s4+$0xFFFFFFF0];
	v0 =	vmov v3  }
0x5c2: {  	v8 =	vld [tilespmem:s2+$0xFFFFFFF0];
	[tilespmem:s4+$0x30] =	vst v5  }
0x5c3: {  	v2 =	vadd.f32 v2, v6;
	v6 =	vld [tilespmem:s4+$0x0]  }
0x5c4: {  	v9 =	vld [tilespmem:s2+$0x0]  }
.Ltmp28:
0x5c5: {  	[tilespmem:s4+$0xFFFFFFD0] =	vst v2;
	v2 =	vadd.f32 v1, v4;
	v1 =	vld [tilespmem:s4+$0x10];
	(pc) =	sbr.rel @p0 .LBB2_58-.Ltmp28, $4  }
0x5c6: {  	v3 =	vld [tilespmem:s2+$0x10]  }
0x5c7: {  	[tilespmem:s4+$0xFFFFFFE0] =	vst v2;
	v7 =	vadd.f32 v8, v7;
	v2 =	vld [tilespmem:s4+$0x20]  }
0x5c8: {  	v5 =	vld [tilespmem:s2+$0x20]  }
0x5c9: {  	s4 =	sadd.s32 $0x80, s4;
	v4 =	vld [tilespmem:s0+$0xFFFFFFC0];
	[tilespmem:s0+$0xFFFFFFF0] =	vst v7;
	v6 =	vadd.f32 v9, v6  }
0x5ca: {  	_ =	sdelay $0x1  }
0x5cb: {  	v1 =	vadd.f32 v3, v1  }
0x5cc: {  	[tilespmem:s0+$0x0] =	vst v6;
	v2 =	vadd.f32 v5, v2  }
0x5cd: {  	[tilespmem:s0+$0x10] =	vst v1;
	v0 =	vadd.f32 v0, v4  }
0x5ce: {  	[tilespmem:s0+$0x20] =	vst v2  }
0x5cf: {  	[tilespmem:s0+$0xFFFFFFC0] =	vst v0  }
0x5d0: {  	[hbm4b:s5+s1] =	stream.linear.scatter [tilespmem:s16], [sflag:$0x7], $0x4000, $0x38;
	[tilespmem:$0x18000] =	vst v63  }
0x5d1: {  	_ =	swait.ge [sflag:s29], $0x4000  }
0x5d2: {  	[sflag:s29] =	ssyncset.done $0x0  }
0x5d3: {  	[sflag:s29] =	ssyncadd.s32 $0xFFFFC000  }
0x5d4: {  	[tilespmem:s20], [sflag:$0x5] =	stream.linear.gather [hbm4b:s10+s1], $0x4000, $0x38;
	[tilespmem:$0x18000] =	vst v63  }
0x5d5: {  	_ =	swait.ge [sflag:s21], $0x4000  }
0x5d6: {  	[sflag:s21] =	ssyncset.done $0x0  }
0x5d7: {  	s0 =	simm.s32 $0xC040;
	[sflag:s21] =	ssyncadd.s32 $0xFFFFC000  }
0x5d8: {  	s2 =	simm.s32 $0x4040;
	v1 =	vld [tilespmem:s0+$0x30]  }
0x5d9: {  	v2 =	vld [tilespmem:s2+$0x30]  }
0x5da: {  	v0 =	vld [tilespmem:s2+$0xFFFFFFC0]  }
0x5db: {  	v3 =	vld [tilespmem:s0+$0xFFFFFFD0]  }
0x5dc: {  	v4 =	vld [tilespmem:s2+$0xFFFFFFD0]  }
0x5dd: {  	v5 =	vld [tilespmem:s0+$0xFFFFFFE0]  }
0x5de: {  	v6 =	vld [tilespmem:s2+$0xFFFFFFE0]  }
0x5df: {  	v7 =	vld [tilespmem:s0+$0xFFFFFFF0]  }
0x5e0: {  	v8 =	vld [tilespmem:s2+$0xFFFFFFF0]  }
0x5e1: {  	v9 =	vld [tilespmem:s0+$0x0]  }
0x5e2: {  	v10 =	vld [tilespmem:s2+$0x0];
	v2 =	vadd.f32 v2, v1  }
0x5e3: {  	v4 =	vadd.f32 v4, v3;
	v1 =	vld [tilespmem:s0+$0x10]  }
0x5e4: {  	v5 =	vadd.f32 v6, v5;
	v3 =	vld [tilespmem:s2+$0x10];
	[tilespmem:s0+$0x30] =	vst v2  }
0x5e5: {  	v6 =	vadd.f32 v8, v7;
	[tilespmem:s0+$0xFFFFFFD0] =	vst v4;
	v2 =	vld [tilespmem:s0+$0x20]  }
0x5e6: {  	[tilespmem:s0+$0xFFFFFFE0] =	vst v5;
	v5 =	vld [tilespmem:s2+$0x20]  }
0x5e7: {  	s3 =	simm.s32 $0x0;
	s4 =	simm.s32 $0xC0C0;
	v4 =	vld [tilespmem:s0+$0xFFFFFFC0];
	[tilespmem:s0+$0xFFFFFFF0] =	vst v6;
	v6 =	vadd.f32 v10, v9  }
.LBB2_60:
0x5e8: {  	v7 =	vld [tilespmem:s4+$0x30];
	s2 =	sadd.s32 $0x80, s2  }
0x5e9: {  	s3 =	sadd.s32 $0x80, s3;
	v8 =	vld [tilespmem:s2+$0x30];
	[tilespmem:s0+$0x0] =	vst v6;
	v1 =	vadd.f32 v3, v1  }
0x5ea: {  	p0 =	slt.u32 s3, $0x3F80;
	v3 =	vld [tilespmem:s2+$0xFFFFFFC0]  }
0x5eb: {  	v6 =	vld [tilespmem:s4+$0xFFFFFFD0];
	[tilespmem:s0+$0x10] =	vst v1;
	v1 =	vadd.f32 v5, v2  }
0x5ec: {  	v2 =	vld [tilespmem:s2+$0xFFFFFFD0];
	v9 =	vadd.f32 v0, v4  }
0x5ed: {  	v4 =	vld [tilespmem:s4+$0xFFFFFFE0];
	[tilespmem:s0+$0x20] =	vst v1  }
0x5ee: {  	v1 =	vld [tilespmem:s2+$0xFFFFFFE0];
	v5 =	vadd.f32 v8, v7;
	[tilespmem:s0+$0xFFFFFFC0] =	vst v9;
	s0 =	smov.u32 s4  }
0x5ef: {  	v7 =	vld [tilespmem:s4+$0xFFFFFFF0];
	v0 =	vmov v3  }
0x5f0: {  	v8 =	vld [tilespmem:s2+$0xFFFFFFF0];
	[tilespmem:s4+$0x30] =	vst v5  }
0x5f1: {  	v2 =	vadd.f32 v2, v6;
	v6 =	vld [tilespmem:s4+$0x0]  }
0x5f2: {  	v9 =	vld [tilespmem:s2+$0x0]  }
.Ltmp29:
0x5f3: {  	[tilespmem:s4+$0xFFFFFFD0] =	vst v2;
	v2 =	vadd.f32 v1, v4;
	v1 =	vld [tilespmem:s4+$0x10];
	(pc) =	sbr.rel @p0 .LBB2_60-.Ltmp29, $4  }
0x5f4: {  	v3 =	vld [tilespmem:s2+$0x10]  }
0x5f5: {  	[tilespmem:s4+$0xFFFFFFE0] =	vst v2;
	v7 =	vadd.f32 v8, v7;
	v2 =	vld [tilespmem:s4+$0x20]  }
0x5f6: {  	v5 =	vld [tilespmem:s2+$0x20]  }
0x5f7: {  	s4 =	sadd.s32 $0x80, s4;
	v4 =	vld [tilespmem:s0+$0xFFFFFFC0];
	[tilespmem:s0+$0xFFFFFFF0] =	vst v7;
	v6 =	vadd.f32 v9, v6  }
0x5f8: {  	_ =	sdelay $0x1  }
0x5f9: {  	v1 =	vadd.f32 v3, v1  }
0x5fa: {  	[tilespmem:s0+$0x0] =	vst v6;
	v2 =	vadd.f32 v5, v2  }
0x5fb: {  	[tilespmem:s0+$0x10] =	vst v1;
	v0 =	vadd.f32 v0, v4  }
0x5fc: {  	[tilespmem:s0+$0x20] =	vst v2  }
0x5fd: {  	[tilespmem:s0+$0xFFFFFFC0] =	vst v0  }
0x5fe: {  	[hbm4b:s9+s1] =	stream.linear.scatter [tilespmem:s17], [sflag:$0x8], $0x4000, $0x38;
	[tilespmem:$0x18000] =	vst v63  }
0x5ff: {  	_ =	swait.ge [sflag:s30], $0x4000  }
0x600: {  	[sflag:s30] =	ssyncset.done $0x0  }
0x601: {  	[sflag:s30] =	ssyncadd.s32 $0xFFFFC000  }
0x602: {  	[tilespmem:s22], [sflag:$0x6] =	stream.linear.gather [hbm4b:s11+s1], $0x4000, $0x38;
	[tilespmem:$0x18000] =	vst v63  }
0x603: {  	_ =	swait.ge [sflag:s23], $0x4000  }
0x604: {  	[sflag:s23] =	ssyncset.done $0x0  }
0x605: {  	s0 =	simm.s32 $0x10040;
	[sflag:s23] =	ssyncadd.s32 $0xFFFFC000  }
0x606: {  	s2 =	simm.s32 $0x4040;
	v1 =	vld [tilespmem:s0+$0x30]  }
0x607: {  	v2 =	vld [tilespmem:s2+$0x30]  }
0x608: {  	v0 =	vld [tilespmem:s2+$0xFFFFFFC0]  }
0x609: {  	v3 =	vld [tilespmem:s0+$0xFFFFFFD0]  }
0x60a: {  	v4 =	vld [tilespmem:s2+$0xFFFFFFD0]  }
0x60b: {  	v5 =	vld [tilespmem:s0+$0xFFFFFFE0]  }
0x60c: {  	v6 =	vld [tilespmem:s2+$0xFFFFFFE0]  }
0x60d: {  	v7 =	vld [tilespmem:s0+$0xFFFFFFF0]  }
0x60e: {  	v8 =	vld [tilespmem:s2+$0xFFFFFFF0]  }
0x60f: {  	v9 =	vld [tilespmem:s0+$0x0]  }
0x610: {  	v10 =	vld [tilespmem:s2+$0x0];
	v2 =	vadd.f32 v2, v1  }
0x611: {  	v4 =	vadd.f32 v4, v3;
	v1 =	vld [tilespmem:s0+$0x10]  }
0x612: {  	v5 =	vadd.f32 v6, v5;
	v3 =	vld [tilespmem:s2+$0x10];
	[tilespmem:s0+$0x30] =	vst v2  }
0x613: {  	v6 =	vadd.f32 v8, v7;
	[tilespmem:s0+$0xFFFFFFD0] =	vst v4;
	v2 =	vld [tilespmem:s0+$0x20]  }
0x614: {  	[tilespmem:s0+$0xFFFFFFE0] =	vst v5;
	v5 =	vld [tilespmem:s2+$0x20]  }
0x615: {  	s3 =	simm.s32 $0x0;
	s4 =	simm.s32 $0x100C0;
	v4 =	vld [tilespmem:s0+$0xFFFFFFC0];
	[tilespmem:s0+$0xFFFFFFF0] =	vst v6;
	v6 =	vadd.f32 v10, v9  }
.LBB2_62:
0x616: {  	v7 =	vld [tilespmem:s4+$0x30];
	s2 =	sadd.s32 $0x80, s2  }
0x617: {  	s3 =	sadd.s32 $0x80, s3;
	v8 =	vld [tilespmem:s2+$0x30];
	[tilespmem:s0+$0x0] =	vst v6;
	v1 =	vadd.f32 v3, v1  }
0x618: {  	p0 =	slt.u32 s3, $0x3F80;
	v3 =	vld [tilespmem:s2+$0xFFFFFFC0]  }
0x619: {  	v6 =	vld [tilespmem:s4+$0xFFFFFFD0];
	[tilespmem:s0+$0x10] =	vst v1;
	v1 =	vadd.f32 v5, v2  }
0x61a: {  	v2 =	vld [tilespmem:s2+$0xFFFFFFD0];
	v9 =	vadd.f32 v0, v4  }
0x61b: {  	v4 =	vld [tilespmem:s4+$0xFFFFFFE0];
	[tilespmem:s0+$0x20] =	vst v1  }
0x61c: {  	v1 =	vld [tilespmem:s2+$0xFFFFFFE0];
	v5 =	vadd.f32 v8, v7;
	[tilespmem:s0+$0xFFFFFFC0] =	vst v9;
	s0 =	smov.u32 s4  }
0x61d: {  	v7 =	vld [tilespmem:s4+$0xFFFFFFF0];
	v0 =	vmov v3  }
0x61e: {  	v8 =	vld [tilespmem:s2+$0xFFFFFFF0];
	[tilespmem:s4+$0x30] =	vst v5  }
0x61f: {  	v2 =	vadd.f32 v2, v6;
	v6 =	vld [tilespmem:s4+$0x0]  }
0x620: {  	v9 =	vld [tilespmem:s2+$0x0]  }
.Ltmp30:
0x621: {  	[tilespmem:s4+$0xFFFFFFD0] =	vst v2;
	v2 =	vadd.f32 v1, v4;
	v1 =	vld [tilespmem:s4+$0x10];
	(pc) =	sbr.rel @p0 .LBB2_62-.Ltmp30, $4  }
0x622: {  	v3 =	vld [tilespmem:s2+$0x10]  }
0x623: {  	[tilespmem:s4+$0xFFFFFFE0] =	vst v2;
	v7 =	vadd.f32 v8, v7;
	v2 =	vld [tilespmem:s4+$0x20]  }
0x624: {  	v5 =	vld [tilespmem:s2+$0x20]  }
0x625: {  	s4 =	sadd.s32 $0x80, s4;
	v4 =	vld [tilespmem:s0+$0xFFFFFFC0];
	[tilespmem:s0+$0xFFFFFFF0] =	vst v7;
	v6 =	vadd.f32 v9, v6  }
0x626: {  	_ =	sdelay $0x1  }
0x627: {  	v1 =	vadd.f32 v3, v1  }
0x628: {  	[tilespmem:s0+$0x0] =	vst v6;
	v2 =	vadd.f32 v5, v2  }
0x629: {  	[tilespmem:s0+$0x10] =	vst v1;
	v0 =	vadd.f32 v0, v4  }
0x62a: {  	[tilespmem:s0+$0x20] =	vst v2  }
0x62b: {  	[tilespmem:s0+$0xFFFFFFC0] =	vst v0  }
0x62c: {  	[hbm4b:s12+s1] =	stream.linear.scatter [tilespmem:s20], [sflag:$0x9], $0x4000, $0x38;
	[tilespmem:$0x18000] =	vst v63  }
0x62d: {  	_ =	swait.ge [sflag:s25], $0x4000  }
0x62e: {  	[sflag:s25] =	ssyncset.done $0x0  }
0x62f: {  	s0 =	simm.s32 $0x14040;
	[sflag:s25] =	ssyncadd.s32 $0xFFFFC000  }
0x630: {  	s2 =	simm.s32 $0x4040;
	v1 =	vld [tilespmem:s0+$0x30]  }
0x631: {  	v2 =	vld [tilespmem:s2+$0x30]  }
0x632: {  	v0 =	vld [tilespmem:s2+$0xFFFFFFC0]  }
0x633: {  	v3 =	vld [tilespmem:s0+$0xFFFFFFD0]  }
0x634: {  	v4 =	vld [tilespmem:s2+$0xFFFFFFD0]  }
0x635: {  	v5 =	vld [tilespmem:s0+$0xFFFFFFE0]  }
0x636: {  	v6 =	vld [tilespmem:s2+$0xFFFFFFE0]  }
0x637: {  	v7 =	vld [tilespmem:s0+$0xFFFFFFF0]  }
0x638: {  	v8 =	vld [tilespmem:s2+$0xFFFFFFF0]  }
0x639: {  	v9 =	vld [tilespmem:s0+$0x0]  }
0x63a: {  	v10 =	vld [tilespmem:s2+$0x0];
	v2 =	vadd.f32 v2, v1  }
0x63b: {  	v4 =	vadd.f32 v4, v3;
	v1 =	vld [tilespmem:s0+$0x10]  }
0x63c: {  	v5 =	vadd.f32 v6, v5;
	v3 =	vld [tilespmem:s2+$0x10];
	[tilespmem:s0+$0x30] =	vst v2  }
0x63d: {  	v6 =	vadd.f32 v8, v7;
	[tilespmem:s0+$0xFFFFFFD0] =	vst v4;
	v2 =	vld [tilespmem:s0+$0x20]  }
0x63e: {  	[tilespmem:s0+$0xFFFFFFE0] =	vst v5;
	v5 =	vld [tilespmem:s2+$0x20]  }
0x63f: {  	s3 =	simm.s32 $0x0;
	s4 =	simm.s32 $0x140C0;
	v4 =	vld [tilespmem:s0+$0xFFFFFFC0];
	[tilespmem:s0+$0xFFFFFFF0] =	vst v6;
	v6 =	vadd.f32 v10, v9  }
.LBB2_64:
0x640: {  	v7 =	vld [tilespmem:s4+$0x30];
	s2 =	sadd.s32 $0x80, s2  }
0x641: {  	s3 =	sadd.s32 $0x80, s3;
	v8 =	vld [tilespmem:s2+$0x30];
	[tilespmem:s0+$0x0] =	vst v6;
	v1 =	vadd.f32 v3, v1  }
0x642: {  	p0 =	slt.u32 s3, $0x3F80;
	v3 =	vld [tilespmem:s2+$0xFFFFFFC0]  }
0x643: {  	v6 =	vld [tilespmem:s4+$0xFFFFFFD0];
	[tilespmem:s0+$0x10] =	vst v1;
	v1 =	vadd.f32 v5, v2  }
0x644: {  	v2 =	vld [tilespmem:s2+$0xFFFFFFD0];
	v9 =	vadd.f32 v0, v4  }
0x645: {  	v4 =	vld [tilespmem:s4+$0xFFFFFFE0];
	[tilespmem:s0+$0x20] =	vst v1  }
0x646: {  	v1 =	vld [tilespmem:s2+$0xFFFFFFE0];
	v5 =	vadd.f32 v8, v7;
	[tilespmem:s0+$0xFFFFFFC0] =	vst v9;
	s0 =	smov.u32 s4  }
0x647: {  	v7 =	vld [tilespmem:s4+$0xFFFFFFF0];
	v0 =	vmov v3  }
0x648: {  	v8 =	vld [tilespmem:s2+$0xFFFFFFF0];
	[tilespmem:s4+$0x30] =	vst v5  }
0x649: {  	v2 =	vadd.f32 v2, v6;
	v6 =	vld [tilespmem:s4+$0x0]  }
0x64a: {  	v9 =	vld [tilespmem:s2+$0x0]  }
.Ltmp31:
0x64b: {  	[tilespmem:s4+$0xFFFFFFD0] =	vst v2;
	v2 =	vadd.f32 v1, v4;
	v1 =	vld [tilespmem:s4+$0x10];
	(pc) =	sbr.rel @p0 .LBB2_64-.Ltmp31, $4  }
0x64c: {  	v3 =	vld [tilespmem:s2+$0x10]  }
0x64d: {  	[tilespmem:s4+$0xFFFFFFE0] =	vst v2;
	v7 =	vadd.f32 v8, v7;
	v2 =	vld [tilespmem:s4+$0x20]  }
0x64e: {  	v5 =	vld [tilespmem:s2+$0x20]  }
0x64f: {  	s4 =	sadd.s32 $0x80, s4;
	v4 =	vld [tilespmem:s0+$0xFFFFFFC0];
	[tilespmem:s0+$0xFFFFFFF0] =	vst v7;
	v6 =	vadd.f32 v9, v6  }
0x650: {  	_ =	sdelay $0x1  }
0x651: {  	v1 =	vadd.f32 v3, v1  }
0x652: {  	[tilespmem:s0+$0x0] =	vst v6;
	v2 =	vadd.f32 v5, v2  }
0x653: {  	[tilespmem:s0+$0x10] =	vst v1;
	v0 =	vadd.f32 v0, v4  }
0x654: {  	[tilespmem:s0+$0x20] =	vst v2  }
0x655: {  	s31 =	sadd.s32 $0x1, s31;
	[tilespmem:s0+$0xFFFFFFC0] =	vst v0  }
0x656: {  	[hbm4b:s13+s1] =	stream.linear.scatter [tilespmem:s22], [sflag:$0xA], $0x4000, $0x38;
	[tilespmem:$0x18000] =	vst v63  }
0x657: {  	p0 =	sne.s32 s31, s14;
	_ =	swait.ge [sflag:s29], $0x4000  }
.Ltmp32:
0x658: {  	[sflag:s29] =	ssyncset.done $0x0;
	(pc) =	sbr.rel @p0 .LBB2_1-.Ltmp32, $4  }
0x659: {  	[sflag:s29] =	ssyncadd.s32 $0xFFFFC000  }
0x65a: {  	_ =	swait.ge [sflag:s30], $0x4000  }
0x65b: {  	[sflag:s30] =	ssyncset.done $0x0  }
0x65c: {  	[sflag:s30] =	ssyncadd.s32 $0xFFFFC000  }
0x65d: {  	_ =	sfence.sel $0x180000  }
0x65e: {  	[bflag:$0x0] =	sbarrier.arrive $0xFFFF  }
0x65f: {  	_ =	strace $0x9000004D  }
0x660: {  	s0 =	stileid.u32;
	[bflag:$0x2] =	sbarrier.arrive $0xFFFF  }
0x661: {  	p0 =	sne.s32 s0, $0x0;
	s0 =	rddreg [dreg:$0x2]  }
0x662: {  	s0 =	sadd.s32 @!p0 $0x100000, s0  }
0x663: {  	[sflag:s0] =	ssyncadd.tile.s32 @!p0 $0x1;
	_ =	shalt  }
.Lfunc_end2:
_tile_overlayer_lowered:
.L_overlay_start_2:
0x664: {  	(tag) =	ssettag $0x2  }
0x665: {  	s0 =	rddreg [dreg:$0x0];
	s2 =	stileid.u32  }
0x666: {  	s1 =	rddreg [dreg:$0x1];
	p0 =	sne.s32 s2, $0x0  }
0x667: {  	s3 =	rddreg [dreg:$0x2];
	[bflag:$0x3] =	sbarrier.arrive $0xFFFF;
	s2 =	simm.s32 @!p0 $0x1C0B  }
0x668: {  	[timem:s3], [sflag:s2] =	dma.local @!p0 [hbm:s0], s1  }
0x669: {  	s0 =	simm.s32 @!p0 $0xB  }
0x66a: {  	_ =	swait.ge @!p0 [sflag:s0], s1  }
0x66b: {  	s1 =	ssub.s32 @!p0 $0x0, s1;
	[sflag:s0] =	ssyncset.done @!p0 $0x0  }
0x66c: {  	[sflag:s0] =	ssyncadd.s32 @!p0 s1  }
0x66d: {  	[bflag:$0x3] =	sbarrier.arrive $0xFFFF  }
0x66e: {  	_ =	shalt  }

// kernel: sparse-core-data-format-call.1.cloned.1.call-start
scs
called_computation.1_lowered:
.L_overlay_start_0:
0x0: {  	s2 =	sld [smem:$0x3FD9]  }
0x1: {  	s3 =	sld [smem:$0x3FFE];
	_ =	sdelay $0x1  }
0x2: {  	s1 =	srdreg.scid  }
0x3: {  	s0 =	sand.u32 $0x1, s1  }
0x4: {  	s19 =	sshll.u32 s0, $0xA;
	s2 =	sadd.s32 s3, s2  }
0x5: {  	s2 =	sadd.s32 s2, s19  }
0x6: {  	[smem:$0x3FC6] =	sst s2  }
0x7: {  	_ = 	snop  }
0x8: {  	s20 =	sld [smem:$0x3FC9]  }
0x9: {  	s4 =	sld [smem:$0x3FD0];
	(tm) =	ssettm $0x1  }
0xa: {  	s21 =	sld [smem:$0x3FFB];
	_ =	sdelay $0x3  }
0xb: {  	_ =	strace s21  }
0xc: {  	s2 =	sld [smem:$0x3FFC];
	_ =	sdelay $0x3  }
0xd: {  	_ =	strace s2  }
0xe: {  	s2 =	sld [smem:$0x3FFD];
	_ =	sdelay $0x3  }
0xf: {  	_ =	strace s2  }
0x10: {  	_ =	strace $0x8FFFFFFF  }
0x11: {  	s22 =	sld [smem:$0x3FDB];
	_ =	sdelay $0x1  }
0x12: {  	s5 =	simm.s32 $_scs_section_size  }
0x13: {  	s6 =	simm.s32 $_size__tile_overlayer_lowered;
	s7 =	simm.s32 $_tile_overlayer_lowered  }
0x14: {  	s8 =	simm.s32 $0x1BFF;
	s23 =	sshll.u32 s7, $0x1;
	s5 =	sadd.s32 s5, s22  }
0x15: {  	s24 =	simm.s32 $0x0;
	s6 =	sshll.u32 s6, $0x1;
	s7 =	sadd.s32 s23, s5  }
0x16: {  	[timem:s24], [sflag:s8] =	dma.local [hbm:s7], s6  }
0x17: {  	_ =	swait.ge [sflag:s8], s6  }
0x18: {  	s6 =	ssub.s32 $0x0, s6;
	[sflag:s8] =	ssyncset.done $0x0  }
0x19: {  	[sflag:s8] =	ssyncadd.s32 s6;
	_ =	sdelay $0x1  }
0x1a: {  	s25 =	simm.s32 $0x1B8B  }
0x1b: {  	_ =	swait.ge [sflag:s25], $0x1  }
0x1c: {  	[sflag:s25] =	ssyncset.done $0x0  }
0x1d: {  	[sflag:s25] =	ssyncadd.s32 $0xFFFFFFFF  }
0x1e: {  	s6 =	sld [smem:$0x0]  }
0x1f: {  	s7 =	sand.u32 $0xFFFFFFFE, s1  }
0x20: {  	p0 =	sne.s32 s1, s7  }
0x21: {  	s7 =	sshll.u32 @p0 s7, $0xE  }
0x22: {  	s7 =	sadd.s32 @p0 $0x11B8D, s7;
	s8 =	sshll.u32 @p0 s6, $0x11  }
0x23: {  	s7 =	sor.u32 @p0 s8, s7  }
0x24: {  	[sflag:s7] =	ssyncadd.remote.s32 @p0 $0x1;
	_ =	sdelay $0x1  }
0x25: {  	s7 =	simm.s32 @p0 $0x1B8D  }
0x26: {  	_ =	swait.eq @p0 [sflag:s7], $0x1  }
0x27: {  	[sflag:s7] =	ssyncadd.s32 @p0 $0xFFFFFFFF  }
0x28: {  	s8 =	sshll.u32 @!p0 s1, $0xE  }
0x29: {  	s8 =	sor.u32 @!p0 $0x4000, s8;
	s7 =	simm.s32 @!p0 $0x1B8D  }
0x2a: {  	s6 =	sshll.u32 @!p0 s6, $0x11;
	s8 =	sadd.s32 @!p0 $0x11B8D, s8;
	_ =	swait.eq @!p0 [sflag:s7], $0x1  }
0x2b: {  	s6 =	sor.u32 @!p0 s6, s8;
	[sflag:s7] =	ssyncadd.s32 @!p0 $0xFFFFFFFF  }
0x2c: {  	s26 =	simm.s32 $0x1B8E;
	[sflag:s6] =	ssyncadd.remote.s32 @!p0 $0x1  }
0x2d: {  	s27 =	simm.s32 $execute0_lowered;
	[smem:$0x3FD2] =	sst s26  }
0x2e: {  	s6 =	sshll.u32 s27, $0x1;
	_ =	strace $0x80000049;
	[dreg:$0x1] =	wrdreg $0xFFFFFFFF  }
0x2f: {  	s28 =	simm.s32 $_size_execute0_lowered;
	s5 =	sadd.s32 s5, s6;
	[dreg:$0x0] =	wrdreg $0x0  }
0x30: {  	s6 =	sshll.u32 s28, $0x1;
	[dreg:$0x2] =	wrdreg s5  }
0x31: {  	[dreg:$0x3] =	wrdreg s6  }
0x32: {  	[dreg:$0x4] =	wrdreg $0xC0  }
0x33: {  	_ =	task [dreg:s24], $0x5FFFF  }
0x34: {  	[dreg:$0x1] =	wrdreg $0xFFFFFFFF  }
0x35: {  	[dreg:$0x0] =	wrdreg $0x60  }
0x36: {  	[dreg:$0x2] =	wrdreg s20  }
0x37: {  	[dreg:$0x3] =	wrdreg s4  }
0x38: {  	[dreg:$0x4] =	wrdreg $0xA  }
0x39: {  	_ =	task.clear_ibuf [dreg:s24], $0x5FFFF;
	_ =	strace $0x90000049  }
0x3a: {  	s29 =	simm.s32 $0xA;
	_ =	strace $0x8000004B  }
0x3b: {  	_ =	swait.ge [sflag:s29], $0x1  }
0x3c: {  	[sflag:s29] =	ssyncadd.s32 $0xFFFFFFFF  }
0x3d: {  	_ =	strace $0x9000004B  }
0x3e: {  	_ =	sfence  }
0x3f: {  	s30 =	sld [smem:$0x0];
	_ =	sdelay $0x2  }
0x40: {  	s31 =	sshll.u32 s1, $0xD;
	s1 =	sshrl.u32 s1, $0x2  }
0x41: {  	s4 =	sand.u32 $0x4000, s31;
	s1 =	sadd.s32 s1, s30  }
0x42: {  	s0 =	sor.u32 s4, s0;
	s1 =	sshll.u32 s1, $0x11  }
0x43: {  	s0 =	sor.u32 s1, s0  }
0x44: {  	s0 =	sadd.s32 $0x8F2B, s0  }
0x45: {  	[sflag:s0] =	ssyncadd.remote.s32 $0x1  }
0x46: {  	_ =	sfence.sel $0xFFFF  }
0x47: {  	[dreg:$0x0] =	wrdreg $0xFFFFFFFF;
	(pc) =	sbr.abs _section_cstart, $3  }
0x48: {  	[dreg:$0x1] =	wrdreg $0xFFFFFFFF  }
0x49: {  	_ =	task.clear_ibuf [dreg:s24], $0x2FFFF;
	_ =	strace $0x9FFFFFFF  }
0x4a: {  	(tm) =	ssettm $0x7FFFFFFF  }
0x4b: {  	_ =	shalt  }
tec
execute0_lowered:
.L_overlay_start_1:
0x0: {  	(tag) =	ssettag $0x1  }
0x1: {  	s0 =	srdreg.scid  }
0x2: {  	s1 =	sshll.u32 s0, $0x4  }
0x3: {  	s2 =	rddreg [dreg:$0x0];
	s0 =	stileid.u32;
	s1 =	sand.u32 $0x10, s1  }
0x4: {  	s4 =	rddreg [dreg:$0x1];
	s1 =	sor.u32 s0, s1  }
0x5: {  	s7 =	simm.s32 $0x1;
	s8 =	simm.s32 $0x2;
	s3 =	sshll.u32 s1, $0x1  }
0x6: {  	s9 =	simm.s32 $0x0;
	s12 =	simm.s32 $0x0;
	s6 =	ssub.s32 $0x800, s3  }
.Ltmp0:
0x7: {  	s11 =	simm.s32 $0x0;
	s5 =	sand.u32 $0x3E, s6;
	(pc) =	sbr.rel .LBB1_1-.Ltmp0, $4  }
0x8: {  	s1 =	rddreg [dreg:$0x2];
	_ =	strace $0x8000004A;
	p0 =	sne.s32 s5, $0x0  }
0x9: {  	s6 =	sshrl.u32 s6, $0x6;
	s5 =	simm.s32 $0x1;
	s7 =	simm.s32 @!p0 $0x0  }
0xa: {  	s10 =	smov.u32 s3;
	[sflag:s5] =	ssyncpa.u1 $0x0;
	s6 =	sadd.s32 s7, s6  }
0xb: {  	[sflag:s8] =	ssyncpa.u1 $0x0;
	s8 =	simm.s32 $0x0;
	s7 =	sadd.s32 $0x1, s6  }
.LBB1_9:
0xc: {  	s14 =	sadd.s32 $0x40, s10  }
0xd: {  	p1 =	sgt.s32 s14, $0x7FF  }
0xe: {  	s14 =	smov.u32 @p1 s3;
	p1 =	sne.s32 s11, s7  }
.Ltmp1:
0xf: {  	p0 =	slt.u32 s11, $0x2;
	(pc) =	sbr.rel @!p1 .LBB1_10-.Ltmp1, $4  }
0x10: {  	s13 =	simm.s32 @!p0 $0x2  }
0x11: {  	s15 =	sadd.s32 $0x1, s11;
	_ =	swait.ge @!p0 [sflag:s13], $0x4000  }
0x12: {  	s12 =	smov.u32 s10;
	s9 =	sadd.s32 $0x4000, s9;
	[sflag:s13] =	ssyncset.done @!p0 $0x0  }
0x13: {  	s11 =	smov.u32 s15;
	s10 =	smov.u32 s14;
	[sflag:s13] =	ssyncadd.s32 @!p0 $0xFFFFC000  }
.LBB1_1:
0x14: {  	p0 =	sge.u32 s11, s6  }
0x15: {  	s13 =	sxor.u32 @!p0 $0xFFFFFFFF, s11  }
0x16: {  	s31 =	sadd.s32 $0xFFFFFFFF, s11;
	s14 =	sshll.u32 @!p0 s10, $0xA;
	s13 =	sshll.u32 @!p0 s13, $0xE  }
0x17: {  	s15 =	simm.s32 @!p0 $0x0;
	s14 =	sadd.s32 @!p0 s2, s14;
	s13 =	sand.u32 @!p0 $0x4000, s13  }
0x18: {  	[tilespmem:s13], [sflag:$0x1] =	stream.linear.gather @!p0 [hbm4b:s14+s15], $0x4000, $0x38;
	[tilespmem:$0x10000] =	vst v63  }
0x19: {  	p0 =	sge.u32 s31, s6  }
.Ltmp2:
0x1a: {  	_ = 	snop;
	(pc) =	sbr.rel @p0 .LBB1_9-.Ltmp2, $1  }
0x1b: {  	_ =	sdelay $0x3  }
0x1c: {  	s13 =	sshll.u32 s9, $0x2  }
0x1d: {  	_ =	swait.ge [sflag:s5], $0x4000;
	s14 =	sshll.u32 s11, $0xE;
	s16 =	simm.s32 $0x0  }
0x1e: {  	p1 =	por $0x1, $0x1;
	s13 =	sand.u32 $0x10000, s13;
	[sflag:s5] =	ssyncset.done $0x0  }
0x1f: {  	s14 =	sand.u32 $0x4000, s14;
	s15 =	sshrl.u32 s13, $0x2;
	[sflag:s5] =	ssyncadd.s32 $0xFFFFC000  }
0x20: {  	s13 =	sor.u32 $0x8000, s14;
	s14 =	sadd.s32 $0x8040, s15;
	s15 =	sadd.s32 $0x40, s15  }
.LBB1_3:
0x21: {  	s16 =	sshll.u32 s16, $0x2  }
0x22: {  	p0 =	por p1, p1;
	s17 =	sshra.s32 s16, $0x2  }
0x23: {  	s18 =	simm.s32 $0x0;
	s16 =	sadd.s32 s17, s14;
	s17 =	sadd.s32 s17, s15  }
.LBB1_4:
0x24: {  	v0 =	vmov s17;
	_ =	sdelay $0x3  }
0x25: {  	s20 =	simm.s32 $0x0  }
0x26: {  	v6 =	vld.idx.msk [tilespmem:v0+s20+$0x30 ss:$0x1], $0xffff  }
0x27: {  	v7 =	vld.idx.msk [tilespmem:v0+s20+$0xFFFFFFC0 ss:$0x1], $0xffff  }
0x28: {  	v5 =	vld.idx.msk [tilespmem:v0+s20+$0xFFFFFFD0 ss:$0x1], $0xffff  }
0x29: {  	v4 =	vld.idx.msk [tilespmem:v0+s20+$0xFFFFFFE0 ss:$0x1], $0xffff  }
0x2a: {  	v3 =	vld.idx.msk [tilespmem:v0+s20+$0xFFFFFFF0 ss:$0x1], $0xffff  }
0x2b: {  	v1 =	vld.idx.msk [tilespmem:v0+s20+$0x0 ss:$0x1], $0xffff  }
0x2c: {  	v2 =	vld.idx.msk [tilespmem:v0+s20+$0x10 ss:$0x1], $0xffff;
	[tilespmem:s16+$0x30] =	vst v6  }
0x2d: {  	s19 =	simm.s32 $0x80;
	s21 =	simm.s32 $0x400;
	[tilespmem:s16+$0xFFFFFFC0] =	vst v7;
	v6 =	vld.idx.msk [tilespmem:v0+s20+$0x20 ss:$0x1], $0xffff;
	s20 =	smov.u32 s16  }
.LBB1_5:
0x2e: {  	p1 =	sne.s32 s21, $0xE00;
	v7 =	vld.idx.msk [tilespmem:v0+s19+$0x30 ss:$0x1], $0xffff;
	[tilespmem:s20+$0xFFFFFFD0] =	vst v5  }
0x2f: {  	v8 =	vld.idx.msk [tilespmem:v0+s19+$0xFFFFFFC0 ss:$0x1], $0xffff;
	[tilespmem:s20+$0xFFFFFFE0] =	vst v4  }
0x30: {  	v5 =	vld.idx.msk [tilespmem:v0+s19+$0xFFFFFFD0 ss:$0x1], $0xffff;
	[tilespmem:s20+$0xFFFFFFF0] =	vst v3  }
.Ltmp3:
0x31: {  	v4 =	vld.idx.msk [tilespmem:v0+s19+$0xFFFFFFE0 ss:$0x1], $0xffff;
	[tilespmem:s20+$0x0] =	vst v1;
	(pc) =	sbr.rel @p1 .LBB1_5-.Ltmp3, $4  }
0x32: {  	v3 =	vld.idx.msk [tilespmem:v0+s19+$0xFFFFFFF0 ss:$0x1], $0xffff;
	[tilespmem:s20+$0x10] =	vst v2  }
0x33: {  	v1 =	vld.idx.msk [tilespmem:v0+s19+$0x0 ss:$0x1], $0xffff;
	[tilespmem:s20+$0x20] =	vst v6;
	s20 =	sadd.s32 $0x400, s20  }
0x34: {  	v2 =	vld.idx.msk [tilespmem:v0+s19+$0x10 ss:$0x1], $0xffff;
	[tilespmem:s20+$0x30] =	vst v7  }
0x35: {  	[tilespmem:s20+$0xFFFFFFC0] =	vst v8;
	v6 =	vld.idx.msk [tilespmem:v0+s19+$0x20 ss:$0x1], $0xffff;
	s19 =	sshra.s32 s21, $0x2;
	s21 =	sadd.s32 $0x200, s21  }
0x36: {  	_ =	sdelay $0x2  }
0x37: {  	[tilespmem:s20+$0xFFFFFFD0] =	vst v5  }
0x38: {  	v56 =	vld.idx.msk [tilespmem:v0+s19+$0x30 ss:$0x1], $0xffff;
	[tilespmem:s20+$0xFFFFFFE0] =	vst v4  }
0x39: {  	v57 =	vld.idx.msk [tilespmem:v0+s19+$0xFFFFFFC0 ss:$0x1], $0xffff;
	[tilespmem:s20+$0xFFFFFFF0] =	vst v3  }
0x3a: {  	v58 =	vld.idx.msk [tilespmem:v0+s19+$0xFFFFFFD0 ss:$0x1], $0xffff;
	[tilespmem:s20+$0x0] =	vst v1  }
0x3b: {  	v59 =	vld.idx.msk [tilespmem:v0+s19+$0xFFFFFFE0 ss:$0x1], $0xffff;
	[tilespmem:s20+$0x10] =	vst v2  }
0x3c: {  	v60 =	vld.idx.msk [tilespmem:v0+s19+$0xFFFFFFF0 ss:$0x1], $0xffff;
	s31 =	sadd.s32 $0x400, s20;
	[tilespmem:s20+$0x20] =	vst v6  }
0x3d: {  	v61 =	vld.idx.msk [tilespmem:v0+s19+$0x0 ss:$0x1], $0xffff;
	[tilespmem:s31+$0x30] =	vst v56  }
0x3e: {  	v62 =	vld.idx.msk [tilespmem:v0+s19+$0x10 ss:$0x1], $0xffff;
	s18 =	sadd.s32 $0x1, s18;
	[tilespmem:s31+$0xFFFFFFC0] =	vst v57  }
0x3f: {  	v63 =	vld.idx.msk [tilespmem:v0+s19+$0x20 ss:$0x1], $0xffff;
	p1 =	sne.s32 s18, $0x8;
	[tilespmem:s31+$0xFFFFFFD0] =	vst v58  }
.Ltmp4:
0x40: {  	[tilespmem:s31+$0xFFFFFFE0] =	vst v59;
	(pc) =	sbr.rel @p1 .LBB1_4-.Ltmp4, $4  }
0x41: {  	[tilespmem:s31+$0xFFFFFFF0] =	vst v60  }
0x42: {  	[tilespmem:s31+$0x0] =	vst v61  }
0x43: {  	[tilespmem:s31+$0x10] =	vst v62  }
0x44: {  	s16 =	sadd.s32 $0x80, s16;
	s17 =	sadd.s32 $0x400, s17;
	[tilespmem:s31+$0x20] =	vst v63  }
.Ltmp5:
0x45: {  	(pc) =	sbr.rel @p0 .LBB1_3-.Ltmp5, $2  }
0x46: {  	_ =	sdelay $0x2  }
0x47: {  	s16 =	simm.s32 $0x2000;
	p1 =	por $0x0, $0x0  }
.Ltmp6:
0x48: {  	(pc) =	sbr.rel .LBB1_9-.Ltmp6, $4  }
0x49: {  	_ = 	snop  }
0x4a: {  	s12 =	sshll.u32 s12, $0xA  }
0x4b: {  	s12 =	sadd.s32 s4, s12  }
0x4c: {  	[hbm4b:s12+s8] =	stream.linear.scatter [tilespmem:s13], [sflag:$0x2], $0x4000, $0x38;
	[tilespmem:$0x10000] =	vst v63  }
.LBB1_10:
0x4d: {  	_ =	sfence.sel $0x180000  }
0x4e: {  	s2 =	simm.s32 $0x1;
	[bflag:$0x0] =	sbarrier.arrive $0xFFFF  }
0x4f: {  	s31 =	simm.s32 $0x2;
	[sflag:s2] =	ssyncpa.u1 $0x1  }
0x50: {  	[sflag:s31] =	ssyncpa.u1 $0x1  }
0x51: {  	p0 =	sne.s32 s0, $0x0;
	_ =	strace $0x9000004A  }
0x52: {  	s0 =	sadd.s32 @!p0 $0x100000, s1;
	[bflag:$0x2] =	sbarrier.arrive $0xFFFF  }
0x53: {  	[sflag:s0] =	ssyncadd.tile.s32 @!p0 $0x1;
	_ =	shalt  }
.Lfunc_end1:
_tile_overlayer_lowered:
.L_overlay_start_2:
0x54: {  	(tag) =	ssettag $0x2  }
0x55: {  	s0 =	rddreg [dreg:$0x0];
	s2 =	stileid.u32  }
0x56: {  	s1 =	rddreg [dreg:$0x1];
	p0 =	sne.s32 s2, $0x0  }
0x57: {  	s3 =	rddreg [dreg:$0x2];
	[bflag:$0x3] =	sbarrier.arrive $0xFFFF;
	s2 =	simm.s32 @!p0 $0x1C01  }
0x58: {  	[timem:s3], [sflag:s2] =	dma.local @!p0 [hbm:s0], s1  }
0x59: {  	s0 =	simm.s32 @!p0 $0x1  }
0x5a: {  	_ =	swait.ge @!p0 [sflag:s0], s1  }
0x5b: {  	s1 =	ssub.s32 @!p0 $0x0, s1;
	[sflag:s0] =	ssyncset.done @!p0 $0x0  }
0x5c: {  	[sflag:s0] =	ssyncadd.s32 @!p0 s1  }
0x5d: {  	[bflag:$0x3] =	sbarrier.arrive $0xFFFF  }
0x5e: {  	_ =	shalt  }

// kernel: sparse-core-data-format-call.cloned.1.call-start
scs
called_computation_lowered:
.L_overlay_start_0:
0x0: {  	s2 =	sld [smem:$0x3FD9]  }
0x1: {  	s3 =	sld [smem:$0x3FFE];
	_ =	sdelay $0x1  }
0x2: {  	s1 =	srdreg.scid  }
0x3: {  	s0 =	sand.u32 $0x1, s1  }
0x4: {  	s18 =	sshll.u32 s0, $0xA;
	s2 =	sadd.s32 s3, s2  }
0x5: {  	s2 =	sadd.s32 s2, s18  }
0x6: {  	[smem:$0x3FC6] =	sst s2  }
0x7: {  	_ = 	snop  }
0x8: {  	s2 =	sld [smem:$0x3FC8];
	(tm) =	ssettm $0x1  }
0x9: {  	s19 =	sld [smem:$0x3FFB];
	_ =	sdelay $0x3  }
0xa: {  	_ =	strace s19  }
0xb: {  	s3 =	sld [smem:$0x3FFC];
	_ =	sdelay $0x3  }
0xc: {  	_ =	strace s3  }
0xd: {  	s3 =	sld [smem:$0x3FFD];
	_ =	sdelay $0x3  }
0xe: {  	_ =	strace s3  }
0xf: {  	_ =	strace $0x8FFFFFFF  }
0x10: {  	s20 =	sld [smem:$0x3FDB];
	_ =	sdelay $0x1  }
0x11: {  	s4 =	simm.s32 $_scs_section_size  }
0x12: {  	s5 =	simm.s32 $_size__tile_overlayer_lowered;
	s6 =	simm.s32 $_tile_overlayer_lowered  }
0x13: {  	s23 =	simm.s32 $0x1BFF;
	s22 =	sshll.u32 s6, $0x1;
	s3 =	sadd.s32 s4, s20  }
0x14: {  	s7 =	simm.s32 $0x0;
	s21 =	sshll.u32 s5, $0x1;
	s5 =	sadd.s32 s22, s3  }
0x15: {  	[timem:s7], [sflag:s23] =	dma.local [hbm:s5], s21  }
0x16: {  	_ =	swait.ge [sflag:s23], s21  }
0x17: {  	s4 =	ssub.s32 $0x0, s21;
	[sflag:s23] =	ssyncset.done $0x0  }
0x18: {  	[sflag:s23] =	ssyncadd.s32 s4;
	_ =	sdelay $0x1  }
0x19: {  	s24 =	simm.s32 $0x1B8B  }
0x1a: {  	_ =	swait.ge [sflag:s24], $0x1  }
0x1b: {  	[sflag:s24] =	ssyncset.done $0x0  }
0x1c: {  	s26 =	simm.s32 $0x1B8E;
	s25 =	sld [smem:$0x3FFE];
	[sflag:s24] =	ssyncadd.s32 $0xFFFFFFFF  }
0x1d: {  	s27 =	simm.s32 $execute0_lowered;
	[smem:$0x3FD2] =	sst s26  }
0x1e: {  	s5 =	sshll.u32 s27, $0x1;
	_ =	strace $0x80000046;
	[dreg:$0x1] =	wrdreg $0xFFFFFFFF  }
0x1f: {  	s28 =	simm.s32 $_size_execute0_lowered;
	s3 =	sadd.s32 s3, s5;
	[dreg:$0x0] =	wrdreg $0x0  }
0x20: {  	s5 =	sshll.u32 s28, $0x1;
	[dreg:$0x2] =	wrdreg s3  }
0x21: {  	[dreg:$0x3] =	wrdreg s5  }
0x22: {  	[dreg:$0x4] =	wrdreg $0xC0  }
0x23: {  	_ =	task [dreg:s7], $0x5FFFF  }
0x24: {  	[dreg:$0x1] =	wrdreg $0xFFFFFFFF  }
0x25: {  	[dreg:$0x0] =	wrdreg $0x60  }
0x26: {  	[dreg:$0x2] =	wrdreg s2  }
0x27: {  	[dreg:$0x3] =	wrdreg s25  }
0x28: {  	[dreg:$0x4] =	wrdreg $0x9  }
0x29: {  	_ =	task.clear_ibuf [dreg:s7], $0x5FFFF;
	_ =	strace $0x90000046  }
0x2a: {  	s29 =	simm.s32 $0x9;
	_ =	strace $0x80000048  }
0x2b: {  	_ =	swait.ge [sflag:s29], $0x1  }
0x2c: {  	[sflag:s29] =	ssyncadd.s32 $0xFFFFFFFF  }
0x2d: {  	_ =	strace $0x90000048  }
0x2e: {  	_ =	sfence  }
0x2f: {  	s30 =	sld [smem:$0x0];
	_ =	sdelay $0x2  }
0x30: {  	s31 =	sshll.u32 s1, $0xD;
	s1 =	sshrl.u32 s1, $0x2  }
0x31: {  	s3 =	sand.u32 $0x4000, s31;
	s1 =	sadd.s32 s1, s30  }
0x32: {  	s0 =	sor.u32 s3, s0;
	s1 =	sshll.u32 s1, $0x11  }
0x33: {  	s0 =	sor.u32 s1, s0  }
0x34: {  	s0 =	sadd.s32 $0x8F2B, s0  }
0x35: {  	[sflag:s0] =	ssyncadd.remote.s32 $0x1  }
0x36: {  	_ =	sfence.sel $0xFFFF  }
0x37: {  	[dreg:$0x0] =	wrdreg $0xFFFFFFFF;
	(pc) =	sbr.abs _section_cstart, $3  }
0x38: {  	[dreg:$0x1] =	wrdreg $0xFFFFFFFF  }
0x39: {  	_ =	task.clear_ibuf [dreg:s7], $0x2FFFF;
	_ =	strace $0x9FFFFFFF  }
0x3a: {  	(tm) =	ssettm $0x7FFFFFFF  }
0x3b: {  	_ =	shalt  }
tec
execute0_lowered:
.L_overlay_start_1:
0x0: {  	(tag) =	ssettag $0x1  }
0x1: {  	s0 =	srdreg.scid  }
0x2: {  	s1 =	sshll.u32 s0, $0x4  }
0x3: {  	s2 =	rddreg [dreg:$0x0];
	s0 =	stileid.u32;
	s1 =	sand.u32 $0x10, s1  }
0x4: {  	s4 =	rddreg [dreg:$0x1];
	s7 =	simm.s32 $0x1;
	s1 =	sor.u32 s0, s1  }
0x5: {  	s8 =	simm.s32 $0x2;
	s9 =	simm.s32 $0x0;
	s3 =	sshll.u32 s1, $0x1  }
0x6: {  	s12 =	simm.s32 $0x0;
	s11 =	simm.s32 $0x0;
	s6 =	ssub.s32 $0x400, s3  }
.Ltmp0:
0x7: {  	s4 =	sadd.s32 $0xC00, s4;
	s5 =	sand.u32 $0x3E, s6;
	(pc) =	sbr.rel .LBB1_1-.Ltmp0, $4  }
0x8: {  	s1 =	rddreg [dreg:$0x2];
	_ =	strace $0x80000047;
	p0 =	sne.s32 s5, $0x0  }
0x9: {  	s6 =	sshrl.u32 s6, $0x6;
	s5 =	simm.s32 $0x1;
	s7 =	simm.s32 @!p0 $0x0  }
0xa: {  	s10 =	smov.u32 s3;
	[sflag:s5] =	ssyncpa.u1 $0x0;
	s6 =	sadd.s32 s7, s6  }
0xb: {  	[sflag:s8] =	ssyncpa.u1 $0x0;
	s8 =	simm.s32 $0x0;
	s7 =	sadd.s32 $0x1, s6  }
.LBB1_9:
0xc: {  	s14 =	sadd.s32 $0x40, s10  }
0xd: {  	p1 =	sgt.s32 s14, $0x3FF  }
0xe: {  	s14 =	smov.u32 @p1 s3;
	p1 =	sne.s32 s11, s7  }
.Ltmp1:
0xf: {  	p0 =	slt.u32 s11, $0x2;
	(pc) =	sbr.rel @!p1 .LBB1_10-.Ltmp1, $4  }
0x10: {  	s13 =	simm.s32 @!p0 $0x2  }
0x11: {  	s15 =	sadd.s32 $0x1, s11;
	_ =	swait.ge @!p0 [sflag:s13], $0x4000  }
0x12: {  	s12 =	smov.u32 s10;
	s9 =	sadd.s32 $0x4000, s9;
	[sflag:s13] =	ssyncset.done @!p0 $0x0  }
0x13: {  	s11 =	smov.u32 s15;
	s10 =	smov.u32 s14;
	[sflag:s13] =	ssyncadd.s32 @!p0 $0xFFFFC000  }
.LBB1_1:
0x14: {  	p0 =	sge.u32 s11, s6  }
0x15: {  	s13 =	sxor.u32 @!p0 $0xFFFFFFFF, s11  }
0x16: {  	s31 =	sadd.s32 $0xFFFFFFFF, s11;
	s14 =	sshll.u32 @!p0 s10, $0xA;
	s13 =	sshll.u32 @!p0 s13, $0xE  }
0x17: {  	s15 =	simm.s32 @!p0 $0x0;
	s14 =	sadd.s32 @!p0 s2, s14;
	s13 =	sand.u32 @!p0 $0x4000, s13  }
0x18: {  	[tilespmem:s13], [sflag:$0x1] =	stream.linear.gather @!p0 [hbm4b:s14+s15], $0x4000, $0x38;
	[tilespmem:$0x10000] =	vst v63  }
0x19: {  	p0 =	sge.u32 s31, s6  }
.Ltmp2:
0x1a: {  	_ = 	snop;
	(pc) =	sbr.rel @p0 .LBB1_9-.Ltmp2, $1  }
0x1b: {  	_ =	sdelay $0x3  }
0x1c: {  	s13 =	sshll.u32 s9, $0x2  }
0x1d: {  	_ =	swait.ge [sflag:s5], $0x4000;
	s14 =	sshll.u32 s11, $0xE;
	s16 =	simm.s32 $0x0  }
0x1e: {  	p1 =	por $0x1, $0x1;
	s13 =	sand.u32 $0x10000, s13;
	[sflag:s5] =	ssyncset.done $0x0  }
0x1f: {  	s14 =	sand.u32 $0x4000, s14;
	s15 =	sshrl.u32 s13, $0x2;
	[sflag:s5] =	ssyncadd.s32 $0xFFFFC000  }
0x20: {  	s13 =	sor.u32 $0x8000, s14;
	s14 =	sadd.s32 $0x8040, s15;
	s15 =	sadd.s32 $0x40, s15  }
.LBB1_3:
0x21: {  	s16 =	sshll.u32 s16, $0x2  }
0x22: {  	p0 =	por p1, p1;
	s17 =	sshra.s32 s16, $0x2  }
0x23: {  	s18 =	simm.s32 $0x0;
	s16 =	sadd.s32 s17, s14;
	s17 =	sadd.s32 s17, s15  }
.LBB1_4:
0x24: {  	v0 =	vmov s17;
	_ =	sdelay $0x3  }
0x25: {  	s20 =	simm.s32 $0x0  }
0x26: {  	v6 =	vld.idx.msk [tilespmem:v0+s20+$0x30 ss:$0x1], $0xffff  }
0x27: {  	v7 =	vld.idx.msk [tilespmem:v0+s20+$0xFFFFFFC0 ss:$0x1], $0xffff  }
0x28: {  	v5 =	vld.idx.msk [tilespmem:v0+s20+$0xFFFFFFD0 ss:$0x1], $0xffff  }
0x29: {  	v4 =	vld.idx.msk [tilespmem:v0+s20+$0xFFFFFFE0 ss:$0x1], $0xffff  }
0x2a: {  	v3 =	vld.idx.msk [tilespmem:v0+s20+$0xFFFFFFF0 ss:$0x1], $0xffff  }
0x2b: {  	v1 =	vld.idx.msk [tilespmem:v0+s20+$0x0 ss:$0x1], $0xffff  }
0x2c: {  	v2 =	vld.idx.msk [tilespmem:v0+s20+$0x10 ss:$0x1], $0xffff;
	[tilespmem:s16+$0x30] =	vst v6  }
0x2d: {  	s19 =	simm.s32 $0x80;
	s21 =	simm.s32 $0x400;
	[tilespmem:s16+$0xFFFFFFC0] =	vst v7;
	v6 =	vld.idx.msk [tilespmem:v0+s20+$0x20 ss:$0x1], $0xffff;
	s20 =	smov.u32 s16  }
.LBB1_5:
0x2e: {  	p1 =	sne.s32 s21, $0xE00;
	v7 =	vld.idx.msk [tilespmem:v0+s19+$0x30 ss:$0x1], $0xffff;
	[tilespmem:s20+$0xFFFFFFD0] =	vst v5  }
0x2f: {  	v8 =	vld.idx.msk [tilespmem:v0+s19+$0xFFFFFFC0 ss:$0x1], $0xffff;
	[tilespmem:s20+$0xFFFFFFE0] =	vst v4  }
0x30: {  	v5 =	vld.idx.msk [tilespmem:v0+s19+$0xFFFFFFD0 ss:$0x1], $0xffff;
	[tilespmem:s20+$0xFFFFFFF0] =	vst v3  }
.Ltmp3:
0x31: {  	v4 =	vld.idx.msk [tilespmem:v0+s19+$0xFFFFFFE0 ss:$0x1], $0xffff;
	[tilespmem:s20+$0x0] =	vst v1;
	(pc) =	sbr.rel @p1 .LBB1_5-.Ltmp3, $4  }
0x32: {  	v3 =	vld.idx.msk [tilespmem:v0+s19+$0xFFFFFFF0 ss:$0x1], $0xffff;
	[tilespmem:s20+$0x10] =	vst v2  }
0x33: {  	v1 =	vld.idx.msk [tilespmem:v0+s19+$0x0 ss:$0x1], $0xffff;
	[tilespmem:s20+$0x20] =	vst v6;
	s20 =	sadd.s32 $0x400, s20  }
0x34: {  	v2 =	vld.idx.msk [tilespmem:v0+s19+$0x10 ss:$0x1], $0xffff;
	[tilespmem:s20+$0x30] =	vst v7  }
0x35: {  	[tilespmem:s20+$0xFFFFFFC0] =	vst v8;
	v6 =	vld.idx.msk [tilespmem:v0+s19+$0x20 ss:$0x1], $0xffff;
	s19 =	sshra.s32 s21, $0x2;
	s21 =	sadd.s32 $0x200, s21  }
0x36: {  	_ =	sdelay $0x2  }
0x37: {  	[tilespmem:s20+$0xFFFFFFD0] =	vst v5  }
0x38: {  	v56 =	vld.idx.msk [tilespmem:v0+s19+$0x30 ss:$0x1], $0xffff;
	[tilespmem:s20+$0xFFFFFFE0] =	vst v4  }
0x39: {  	v57 =	vld.idx.msk [tilespmem:v0+s19+$0xFFFFFFC0 ss:$0x1], $0xffff;
	[tilespmem:s20+$0xFFFFFFF0] =	vst v3  }
0x3a: {  	v58 =	vld.idx.msk [tilespmem:v0+s19+$0xFFFFFFD0 ss:$0x1], $0xffff;
	[tilespmem:s20+$0x0] =	vst v1  }
0x3b: {  	v59 =	vld.idx.msk [tilespmem:v0+s19+$0xFFFFFFE0 ss:$0x1], $0xffff;
	[tilespmem:s20+$0x10] =	vst v2  }
0x3c: {  	v60 =	vld.idx.msk [tilespmem:v0+s19+$0xFFFFFFF0 ss:$0x1], $0xffff;
	s31 =	sadd.s32 $0x400, s20;
	[tilespmem:s20+$0x20] =	vst v6  }
0x3d: {  	v61 =	vld.idx.msk [tilespmem:v0+s19+$0x0 ss:$0x1], $0xffff;
	[tilespmem:s31+$0x30] =	vst v56  }
0x3e: {  	v62 =	vld.idx.msk [tilespmem:v0+s19+$0x10 ss:$0x1], $0xffff;
	s18 =	sadd.s32 $0x1, s18;
	[tilespmem:s31+$0xFFFFFFC0] =	vst v57  }
0x3f: {  	v63 =	vld.idx.msk [tilespmem:v0+s19+$0x20 ss:$0x1], $0xffff;
	p1 =	sne.s32 s18, $0x8;
	[tilespmem:s31+$0xFFFFFFD0] =	vst v58  }
.Ltmp4:
0x40: {  	[tilespmem:s31+$0xFFFFFFE0] =	vst v59;
	(pc) =	sbr.rel @p1 .LBB1_4-.Ltmp4, $4  }
0x41: {  	[tilespmem:s31+$0xFFFFFFF0] =	vst v60  }
0x42: {  	[tilespmem:s31+$0x0] =	vst v61  }
0x43: {  	[tilespmem:s31+$0x10] =	vst v62  }
0x44: {  	s16 =	sadd.s32 $0x80, s16;
	s17 =	sadd.s32 $0x400, s17;
	[tilespmem:s31+$0x20] =	vst v63  }
.Ltmp5:
0x45: {  	(pc) =	sbr.rel @p0 .LBB1_3-.Ltmp5, $2  }
0x46: {  	_ =	sdelay $0x2  }
0x47: {  	s16 =	simm.s32 $0x2000;
	p1 =	por $0x0, $0x0  }
.Ltmp6:
0x48: {  	(pc) =	sbr.rel .LBB1_9-.Ltmp6, $4  }
0x49: {  	_ = 	snop  }
0x4a: {  	s12 =	sshll.u32 s12, $0xA  }
0x4b: {  	s12 =	sadd.s32 s4, s12  }
0x4c: {  	[hbm4b:s12+s8] =	stream.linear.scatter [tilespmem:s13], [sflag:$0x2], $0x4000, $0x38;
	[tilespmem:$0x10000] =	vst v63  }
.LBB1_10:
0x4d: {  	_ =	sfence.sel $0x180000  }
0x4e: {  	s2 =	simm.s32 $0x1;
	[bflag:$0x0] =	sbarrier.arrive $0xFFFF  }
0x4f: {  	s31 =	simm.s32 $0x2;
	[sflag:s2] =	ssyncpa.u1 $0x1  }
0x50: {  	[sflag:s31] =	ssyncpa.u1 $0x1  }
0x51: {  	p0 =	sne.s32 s0, $0x0;
	_ =	strace $0x90000047  }
0x52: {  	s0 =	sadd.s32 @!p0 $0x100000, s1;
	[bflag:$0x2] =	sbarrier.arrive $0xFFFF  }
0x53: {  	[sflag:s0] =	ssyncadd.tile.s32 @!p0 $0x1;
	_ =	shalt  }
.Lfunc_end1:
_tile_overlayer_lowered:
.L_overlay_start_2:
0x54: {  	(tag) =	ssettag $0x2  }
0x55: {  	s0 =	rddreg [dreg:$0x0];
	s2 =	stileid.u32  }
0x56: {  	s1 =	rddreg [dreg:$0x1];
	p0 =	sne.s32 s2, $0x0  }
0x57: {  	s3 =	rddreg [dreg:$0x2];
	[bflag:$0x3] =	sbarrier.arrive $0xFFFF;
	s2 =	simm.s32 @!p0 $0x1C01  }
0x58: {  	[timem:s3], [sflag:s2] =	dma.local @!p0 [hbm:s0], s1  }
0x59: {  	s0 =	simm.s32 @!p0 $0x1  }
0x5a: {  	_ =	swait.ge @!p0 [sflag:s0], s1  }
0x5b: {  	s1 =	ssub.s32 @!p0 $0x0, s1;
	[sflag:s0] =	ssyncset.done @!p0 $0x0  }
0x5c: {  	[sflag:s0] =	ssyncadd.s32 @!p0 s1  }
0x5d: {  	[bflag:$0x3] =	sbarrier.arrive $0xFFFF  }
0x5e: {  	_ =	shalt  }

</sc_bundles>
